<compile_context>
chip_gen: v7x
topology: tpu7x:2x2x1
jax: 0.10.2.dev20260603
libtpu: 0.0.44.dev20260713+nightly
codegen_flags: <defaults>
</compile_context>

<pallas_src>
import functools

import jax
import jax.numpy as jnp
from jax import lax
from jax.experimental import pallas as pl
from jax.experimental.pallas import tpu as pltpu
from jax.experimental.pallas import tpu_sc as plsc

_B = 8192
_D = 2048
_NC = 2
_NS = 16
_NW = _NC * _NS
_ROWS_PER_W = 256
_CH = 16
_NCHUNK = _ROWS_PER_W // _CH
_NBUF = 3
_NSTAGE = 4
_STAGE_BASE = (_NW - _NSTAGE * _NC) * _ROWS_PER_W


def _pos_gather_body(lim_hbm, table_hbm, out_hbm, lim_v,
                     idx0, idx1, idx2, rows0, rows1, rows2, shared,
                     gsem0, gsem1, gsem2, ssem0, ssem1, ssem2):
    cid = lax.axis_index("c")
    sid = lax.axis_index("s")
    wid = sid * _NC + cid
    base = wid * _ROWS_PER_W

    pltpu.sync_copy(lim_hbm, lim_v)
    lim_vec = lim_v[...]
    limit = lim_vec[0]
    lanes = lax.iota(jnp.int32, _CH)

    idx_refs = (idx0, idx1, idx2)
    row_refs = (rows0, rows1, rows2)
    gsems = (gsem0, gsem1, gsem2)
    ssems = (ssem0, ssem1, ssem2)

    def run_ring(ring_base):
        def fire_gather(g):
            slot = g % _NBUF
            row0 = ring_base + g * _CH
            idx_refs[slot][...] = jnp.minimum(row0 + lanes, lim_vec)
            return pltpu.async_copy(table_hbm.at[idx_refs[slot]],
                                    row_refs[slot], gsems[slot])

        gathers = [None] * _NBUF
        stores = [None] * _NBUF
        for b in range(_NBUF):
            gathers[b] = fire_gather(b)
        for g in range(_NCHUNK):
            slot = g % _NBUF
            gathers[slot].wait()
            stores[slot] = pltpu.async_copy(
                row_refs[slot],
                out_hbm.at[pl.ds(ring_base + g * _CH, _CH)], ssems[slot])
            nxt = g + _NBUF
            if nxt < _NCHUNK:
                stores[slot].wait()
                gathers[slot] = fire_gather(nxt)
            elif g >= _NCHUNK - _NBUF:
                stores[slot].wait()

    all_identity = limit >= _B - 1
    is_stager = sid % (_NS // _NSTAGE) == 0

    @pl.when(jnp.logical_and(all_identity, is_stager))
    def _fast_stage():
        k = sid // (_NS // _NSTAGE)
        stager_id = k * _NC + cid
        start = _STAGE_BASE + stager_id * _ROWS_PER_W
        gathers = [None] * _NBUF
        stores = [None] * _NBUF

        def fire_load(g):
            slot = g % _NBUF
            return pltpu.async_copy(
                table_hbm.at[pl.ds(start + g * _CH, _CH)],
                shared.at[k, slot], gsems[slot])

        for b in range(_NBUF):
            gathers[b] = fire_load(b)
        for g in range(_NCHUNK):
            slot = g % _NBUF
            gathers[slot].wait()
            stores[slot] = pltpu.async_copy(
                shared.at[k, slot],
                out_hbm.at[pl.ds(start + g * _CH, _CH)], ssems[slot])
            nxt = g + _NBUF
            if nxt < _NCHUNK:
                stores[slot].wait()
                gathers[slot] = fire_load(nxt)
            elif g >= _NCHUNK - _NBUF:
                stores[slot].wait()

    @pl.when(jnp.logical_and(all_identity, jnp.logical_not(is_stager)))
    def _fast_stream():
        nsid = sid - sid // (_NS // _NSTAGE) - 1
        run_ring((nsid * _NC + cid) * _ROWS_PER_W)

    @pl.when(jnp.logical_not(all_identity))
    def _general():
        run_ring(base)


_pos_gather = functools.partial(
    pl.kernel,
    out_type=jax.ShapeDtypeStruct((_B, _D), jnp.float32),
    mesh=plsc.VectorSubcoreMesh(core_axis_name="c", subcore_axis_name="s"),
    scratch_types=[
        pltpu.VMEM((_CH,), jnp.int32),
        pltpu.VMEM((_CH,), jnp.int32),
        pltpu.VMEM((_CH,), jnp.int32),
        pltpu.VMEM((_CH,), jnp.int32),
        pltpu.VMEM((_CH, _D), jnp.float32),
        pltpu.VMEM((_CH, _D), jnp.float32),
        pltpu.VMEM((_CH, _D), jnp.float32),
        pltpu.VMEM_SHARED((_NSTAGE, _NBUF, _CH, _D), jnp.float32),
        pltpu.SemaphoreType.DMA,
        pltpu.SemaphoreType.DMA,
        pltpu.SemaphoreType.DMA,
        pltpu.SemaphoreType.DMA,
        pltpu.SemaphoreType.DMA,
        pltpu.SemaphoreType.DMA,
    ],
)(_pos_gather_body)


def kernel(seq_len, table):
    lim = jnp.full((_CH,), jnp.asarray(seq_len, jnp.int32) - 1, jnp.int32)
    out = _pos_gather(lim, table)
    return out[None]

# --- scband reference (transcript-rebuilt; emitter-appended) ---
"""Pipeline reference for scband-positional-embedding-57037165691273 (READ-ONLY COPY).

The authoritative reference and input builder live on the scoring server;
editing this copy changes nothing except your own understanding.
"""

import jax, jax.numpy as jnp
import numpy as np

MAX_SEQ_LEN = 8192
D_MODEL = 2048

def setup_inputs(seed: int = 0) -> dict:
    key = jax.random.key(seed)
    table = jax.random.normal(key, (MAX_SEQ_LEN, D_MODEL), dtype=jnp.float32) * 0.02
    return {"seq_len": 8192, "table": table}

def reference(seq_len, table):
    positions = jnp.arange(table.shape[0])
    positions = jnp.minimum(positions, seq_len - 1)
    pos_embeddings = jnp.take(table, positions, axis=0)
    pos_embeddings = pos_embeddings[None, :, :]
    return pos_embeddings

if __name__ == "__main__":
    import jax
    _d = setup_inputs()
    print(jax.jit(kernel)(*tuple(_d.values())))

</pallas_src>

<mosaic_0001>
#map = affine_map<(d0, d1) -> (0)>
#map1 = affine_map<(d0, d1) -> (0, 0)>
module attributes {stable_mosaic.version = 14 : i64} {
  func.func @_pos_gather_body(%arg0: i32, %arg1: i32, %arg2: memref<16xi32, #tpu.memory_space<hbm>>, %arg3: memref<8192x2048xf32, #tpu.memory_space<hbm>>, %arg4: memref<8192x2048xf32, #tpu.memory_space<hbm>>, %arg5: memref<16xi32, #tpu.memory_space<vmem>>, %arg6: memref<16xi32, #tpu.memory_space<vmem>>, %arg7: memref<16xi32, #tpu.memory_space<vmem>>, %arg8: memref<16xi32, #tpu.memory_space<vmem>>, %arg9: memref<16x2048xf32, #tpu.memory_space<vmem>>, %arg10: memref<16x2048xf32, #tpu.memory_space<vmem>>, %arg11: memref<16x2048xf32, #tpu.memory_space<vmem>>, %arg12: memref<4x3x16x2048xf32, #tpu.memory_space<vmem_shared>>, %arg13: memref<!tpu.dma_semaphore, #tpu.memory_space<semaphore_mem>>, %arg14: memref<!tpu.dma_semaphore, #tpu.memory_space<semaphore_mem>>, %arg15: memref<!tpu.dma_semaphore, #tpu.memory_space<semaphore_mem>>, %arg16: memref<!tpu.dma_semaphore, #tpu.memory_space<semaphore_mem>>, %arg17: memref<!tpu.dma_semaphore, #tpu.memory_space<semaphore_mem>>, %arg18: memref<!tpu.dma_semaphore, #tpu.memory_space<semaphore_mem>>) attributes {dimension_semantics = [#tpu.dimension_semantics<core_parallel>, #tpu.dimension_semantics<subcore_parallel>], iteration_bounds = array<i64: 2, 16>, scalar_prefetch = 0 : i64, scratch_operands = 14 : i64, tpu.core_type = #tpu.core_type<sc_vector_subcore>, window_params = [{transform_indices = #map}, {transform_indices = #map1}, {transform_indices = #map1}]} {
    %mul3A = arith.constant 2 : i32
    %mul3A_0 = arith.muli %arg1, %mul3A : i32
    %add3A = arith.addi %mul3A_0, %arg0 : i32
    %mul3A_1 = arith.constant 256 : i32
    %mul3A_2 = arith.muli %add3A, %mul3A_1 : i32
    "tpu.region"() ({
      %run_scoped3A = tpu.sem_alloc : memref<!tpu.dma_semaphore, #tpu.memory_space<semaphore_mem>>
      tpu.enqueue_dma source(%arg2 : memref<16xi32, #tpu.memory_space<hbm>>) target(%arg5 : memref<16xi32, #tpu.memory_space<vmem>>) target_semaphore(%run_scoped3A : memref<!tpu.dma_semaphore, #tpu.memory_space<semaphore_mem>>)
      tpu.wait_dma2 semaphore(%run_scoped3A : memref<!tpu.dma_semaphore, #tpu.memory_space<semaphore_mem>>) src(%arg2 : memref<16xi32, #tpu.memory_space<hbm>>) dst(%arg5 : memref<16xi32, #tpu.memory_space<vmem>>)
      tpu.yield
    }) : () -> ()
    %get3A = arith.constant 0 : index
    %get3A_3 = tpu.vector_load %arg5[%get3A] {strides = array<i32>} : memref<16xi32, #tpu.memory_space<vmem>>, vector<16xi32>,
    %get3A_4 = vector.shape_cast %get3A_3 : vector<16xi32> to vector<16xi32>
    %slice3A = vector.extract_strided_slice %get3A_4 {offsets = [0], sizes = [1], strides = [1]} : vector<16xi32> to vector<1xi32>
    %squeeze3A = vector.extract %slice3A[0] : i32 from vector<1xi32>
    %iota3A = tpu.iota {dimensions = array<i32: 0>} : vector<16xi32>
    %ge3A = arith.constant 8191 : i32
    %ge3A_5 = arith.cmpi sge, %squeeze3A, %ge3A : i32
    %jit3A = arith.constant 4 : i32
    %eq3A = arith.constant 0 : i32
    %eq3A_6 = arith.cmpi eq, %jit3A, %eq3A : i32
    %jit3A_7 = arith.constant 1 : i32
    %select_n3A = arith.select %eq3A_6, %jit3A_7, %jit3A : i32
    %rem3A = arith.remsi %arg1, %select_n3A : i32
    %ne3A = arith.constant 0 : i32
    %ne3A_8 = arith.cmpi ne, %rem3A, %ne3A : i32
    %lt3A = arith.constant 0 : i32
    %lt3A_9 = arith.cmpi slt, %rem3A, %lt3A : i32
    %lt3A_10 = arith.constant 0 : i32
    %lt3A_11 = arith.cmpi slt, %select_n3A, %lt3A_10 : i32
    %ne3A_12 = arith.xori %lt3A_9, %lt3A_11 : i1
    %and3A = arith.andi %ne3A_12, %ne3A_8 : i1
    %add3A_13 = arith.addi %rem3A, %select_n3A : i32
    %select_n3A_14 = arith.select %and3A, %add3A_13, %rem3A : i32
    %eq3A_15 = arith.constant 0 : i32
    %eq3A_16 = arith.cmpi eq, %select_n3A_14, %eq3A_15 : i32
    %and3A_17 = arith.andi %ge3A_5, %eq3A_16 : i1
    %convert_element_type3A = arith.extui %and3A_17 : i1 to i32
    %cond3A = arith.constant 0 : i32
    %cond3A_18 = arith.cmpi ne, %convert_element_type3A, %cond3A : i32
    scf.if %cond3A_18 {
      %jit3A_29 = arith.constant 4 : i32
      %div3A = arith.divsi %arg1, %jit3A_29 : i32
      %sign3A = arith.constant 0 : i32
      %sign3A_30 = arith.cmpi sgt, %arg1, %sign3A : i32
      %sign3A_31 = arith.extui %sign3A_30 : i1 to i32
      %sign3A_32 = arith.constant 0 : i32
      %sign3A_33 = arith.cmpi slt, %arg1, %sign3A_32 : i32
      %sign3A_34 = arith.extui %sign3A_33 : i1 to i32
      %sign3A_35 = arith.subi %sign3A_31, %sign3A_34 : i32
      %sign3A_36 = arith.constant 0 : i32
      %sign3A_37 = arith.cmpi sgt, %jit3A_29, %sign3A_36 : i32
      %sign3A_38 = arith.extui %sign3A_37 : i1 to i32
      %sign3A_39 = arith.constant 0 : i32
      %sign3A_40 = arith.cmpi slt, %jit3A_29, %sign3A_39 : i32
      %sign3A_41 = arith.extui %sign3A_40 : i1 to i32
      %sign3A_42 = arith.subi %sign3A_38, %sign3A_41 : i32
      %ne3A_43 = arith.cmpi ne, %sign3A_35, %sign3A_42 : i32
      %rem3A_44 = arith.remsi %arg1, %jit3A_29 : i32
      %ne3A_45 = arith.constant 0 : i32
      %ne3A_46 = arith.cmpi ne, %rem3A_44, %ne3A_45 : i32
      %and3A_47 = arith.andi %ne3A_43, %ne3A_46 : i1
      %sub3A = arith.constant 1 : i32
      %sub3A_48 = arith.subi %div3A, %sub3A : i32
      %select_n3A_49 = arith.select %and3A_47, %sub3A_48, %div3A : i32
      %mul3A_50 = arith.constant 2 : i32
      %mul3A_51 = arith.muli %select_n3A_49, %mul3A_50 : i32
      %add3A_52 = arith.addi %mul3A_51, %arg0 : i32
      %mul3A_53 = arith.constant 256 : i32
      %mul3A_54 = arith.muli %add3A_52, %mul3A_53 : i32
      %add3A_55 = arith.constant 6144 : i32
      %add3A_56 = arith.addi %add3A_55, %mul3A_54 : i32
      %add3A_57 = arith.constant 0 : i32
      %add3A_58 = arith.addi %add3A_56, %add3A_57 : i32
      %dma_start3A = arith.constant 0 : i32
      %dma_start3A_59 = arith.constant 0 : i32
      %dma_start3A_60 = arith.constant 0 : i32
      %dma_start3A_61 = tpu.memref_slice %arg12[%select_n3A_49, %dma_start3A, %dma_start3A_59, %dma_start3A_60] : memref<4x3x16x2048xf32, #tpu.memory_space<vmem_shared>> -> memref<1x1x16x2048xf32, #tpu.memory_space<vmem_shared>>
      %dma_start3A_62 = tpu.memref_squeeze %dma_start3A_61 : memref<1x1x16x2048xf32, #tpu.memory_space<vmem_shared>> -> memref<16x2048xf32, #tpu.memory_space<vmem_shared>>
      %dma_start3A_63 = arith.constant 0 : i32
      %dma_start3A_64 = tpu.memref_slice %arg3[%add3A_58, %dma_start3A_63] : memref<8192x2048xf32, #tpu.memory_space<hbm>> -> memref<16x2048xf32, #tpu.memory_space<hbm>>
      tpu.enqueue_dma source(%dma_start3A_64 : memref<16x2048xf32, #tpu.memory_space<hbm>>) target(%dma_start3A_62 : memref<16x2048xf32, #tpu.memory_space<vmem_shared>>) target_semaphore(%arg13 : memref<!tpu.dma_semaphore, #tpu.memory_space<semaphore_mem>>)
      %add3A_65 = arith.constant 16 : i32
      %add3A_66 = arith.addi %add3A_56, %add3A_65 : i32
      %dma_start3A_67 = arith.constant 1 : i32
      %dma_start3A_68 = arith.constant 0 : i32
      %dma_start3A_69 = arith.constant 0 : i32
      %dma_start3A_70 = tpu.memref_slice %arg12[%select_n3A_49, %dma_start3A_67, %dma_start3A_68, %dma_start3A_69] : memref<4x3x16x2048xf32, #tpu.memory_space<vmem_shared>> -> memref<1x1x16x2048xf32, #tpu.memory_space<vmem_shared>>
      %dma_start3A_71 = tpu.memref_squeeze %dma_start3A_70 : memref<1x1x16x2048xf32, #tpu.memory_space<vmem_shared>> -> memref<16x2048xf32, #tpu.memory_space<vmem_shared>>
      %dma_start3A_72 = arith.constant 0 : i32
      %dma_start3A_73 = tpu.memref_slice %arg3[%add3A_66, %dma_start3A_72] : memref<8192x2048xf32, #tpu.memory_space<hbm>> -> memref<16x2048xf32, #tpu.memory_space<hbm>>
      tpu.enqueue_dma source(%dma_start3A_73 : memref<16x2048xf32, #tpu.memory_space<hbm>>) target(%dma_start3A_71 : memref<16x2048xf32, #tpu.memory_space<vmem_shared>>) target_semaphore(%arg14 : memref<!tpu.dma_semaphore, #tpu.memory_space<semaphore_mem>>)
      %add3A_74 = arith.constant 32 : i32
      %add3A_75 = arith.addi %add3A_56, %add3A_74 : i32
      %dma_start3A_76 = arith.constant 2 : i32
      %dma_start3A_77 = arith.constant 0 : i32
      %dma_start3A_78 = arith.constant 0 : i32
      %dma_start3A_79 = tpu.memref_slice %arg12[%select_n3A_49, %dma_start3A_76, %dma_start3A_77, %dma_start3A_78] : memref<4x3x16x2048xf32, #tpu.memory_space<vmem_shared>> -> memref<1x1x16x2048xf32, #tpu.memory_space<vmem_shared>>
      %dma_start3A_80 = tpu.memref_squeeze %dma_start3A_79 : memref<1x1x16x2048xf32, #tpu.memory_space<vmem_shared>> -> memref<16x2048xf32, #tpu.memory_space<vmem_shared>>
      %dma_start3A_81 = arith.constant 0 : i32
      %dma_start3A_82 = tpu.memref_slice %arg3[%add3A_75, %dma_start3A_81] : memref<8192x2048xf32, #tpu.memory_space<hbm>> -> memref<16x2048xf32, #tpu.memory_space<hbm>>
      tpu.enqueue_dma source(%dma_start3A_82 : memref<16x2048xf32, #tpu.memory_space<hbm>>) target(%dma_start3A_80 : memref<16x2048xf32, #tpu.memory_space<vmem_shared>>) target_semaphore(%arg15 : memref<!tpu.dma_semaphore, #tpu.memory_space<semaphore_mem>>)
      %dma_wait3A = arith.constant 0 : i32
      %dma_wait3A_83 = arith.constant 0 : i32
      %dma_wait3A_84 = arith.constant 0 : i32
      %dma_wait3A_85 = tpu.memref_slice %arg12[%select_n3A_49, %dma_wait3A, %dma_wait3A_83, %dma_wait3A_84] : memref<4x3x16x2048xf32, #tpu.memory_space<vmem_shared>> -> memref<1x1x16x2048xf32, #tpu.memory_space<vmem_shared>>
      %dma_wait3A_86 = tpu.memref_squeeze %dma_wait3A_85 : memref<1x1x16x2048xf32, #tpu.memory_space<vmem_shared>> -> memref<16x2048xf32, #tpu.memory_space<vmem_shared>>
      %dma_wait3A_87 = arith.constant 0 : i32
      %dma_wait3A_88 = tpu.memref_slice %arg3[%add3A_58, %dma_wait3A_87] : memref<8192x2048xf32, #tpu.memory_space<hbm>> -> memref<16x2048xf32, #tpu.memory_space<hbm>>
      tpu.wait_dma2 semaphore(%arg13 : memref<!tpu.dma_semaphore, #tpu.memory_space<semaphore_mem>>) src(%dma_wait3A_88 : memref<16x2048xf32, #tpu.memory_space<hbm>>) dst(%dma_wait3A_86 : memref<16x2048xf32, #tpu.memory_space<vmem_shared>>)
      %add3A_89 = arith.constant 0 : i32
      %add3A_90 = arith.addi %add3A_56, %add3A_89 : i32
      %dma_start3A_91 = arith.constant 0 : i32
      %dma_start3A_92 = arith.constant 0 : i32
      %dma_start3A_93 = tpu.memref_slice %arg4[%add3A_90, %dma_start3A_92] : memref<8192x2048xf32, #tpu.memory_space<hbm>> -> memref<16x2048xf32, #tpu.memory_space<hbm>>
      %dma_start3A_94 = arith.constant 0 : i32
      %dma_start3A_95 = arith.constant 0 : i32
      %dma_start3A_96 = tpu.memref_slice %arg12[%select_n3A_49, %dma_start3A_91, %dma_start3A_94, %dma_start3A_95] : memref<4x3x16x2048xf32, #tpu.memory_space<vmem_shared>> -> memref<1x1x16x2048xf32, #tpu.memory_space<vmem_shared>>
      %dma_start3A_97 = tpu.memref_squeeze %dma_start3A_96 : memref<1x1x16x2048xf32, #tpu.memory_space<vmem_shared>> -> memref<16x2048xf32, #tpu.memory_space<vmem_shared>>
      tpu.enqueue_dma source(%dma_start3A_97 : memref<16x2048xf32, #tpu.memory_space<vmem_shared>>) target(%dma_start3A_93 : memref<16x2048xf32, #tpu.memory_space<hbm>>) target_semaphore(%arg16 : memref<!tpu.dma_semaphore, #tpu.memory_space<semaphore_mem>>)
      %dma_wait3A_98 = arith.constant 0 : i32
      %dma_wait3A_99 = arith.constant 0 : i32
      %dma_wait3A_100 = tpu.memref_slice %arg4[%add3A_90, %dma_wait3A_99] : memref<8192x2048xf32, #tpu.memory_space<hbm>> -> memref<16x2048xf32, #tpu.memory_space<hbm>>
      %dma_wait3A_101 = arith.constant 0 : i32
      %dma_wait3A_102 = arith.constant 0 : i32
      %dma_wait3A_103 = tpu.memref_slice %arg12[%select_n3A_49, %dma_wait3A_98, %dma_wait3A_101, %dma_wait3A_102] : memref<4x3x16x2048xf32, #tpu.memory_space<vmem_shared>> -> memref<1x1x16x2048xf32, #tpu.memory_space<vmem_shared>>
      %dma_wait3A_104 = tpu.memref_squeeze %dma_wait3A_103 : memref<1x1x16x2048xf32, #tpu.memory_space<vmem_shared>> -> memref<16x2048xf32, #tpu.memory_space<vmem_shared>>
      tpu.wait_dma2 semaphore(%arg16 : memref<!tpu.dma_semaphore, #tpu.memory_space<semaphore_mem>>) src(%dma_wait3A_104 : memref<16x2048xf32, #tpu.memory_space<vmem_shared>>) dst(%dma_wait3A_100 : memref<16x2048xf32, #tpu.memory_space<hbm>>)
      %add3A_105 = arith.constant 48 : i32
      %add3A_106 = arith.addi %add3A_56, %add3A_105 : i32
      %dma_start3A_107 = arith.constant 0 : i32
      %dma_start3A_108 = arith.constant 0 : i32
      %dma_start3A_109 = arith.constant 0 : i32
      %dma_start3A_110 = tpu.memref_slice %arg12[%select_n3A_49, %dma_start3A_107, %dma_start3A_108, %dma_start3A_109] : memref<4x3x16x2048xf32, #tpu.memory_space<vmem_shared>> -> memref<1x1x16x2048xf32, #tpu.memory_space<vmem_shared>>
      %dma_start3A_111 = tpu.memref_squeeze %dma_start3A_110 : memref<1x1x16x2048xf32, #tpu.memory_space<vmem_shared>> -> memref<16x2048xf32, #tpu.memory_space<vmem_shared>>
      %dma_start3A_112 = arith.constant 0 : i32
      %dma_start3A_113 = tpu.memref_slice %arg3[%add3A_106, %dma_start3A_112] : memref<8192x2048xf32, #tpu.memory_space<hbm>> -> memref<16x2048xf32, #tpu.memory_space<hbm>>
      tpu.enqueue_dma source(%dma_start3A_113 : memref<16x2048xf32, #tpu.memory_space<hbm>>) target(%dma_start3A_111 : memref<16x2048xf32, #tpu.memory_space<vmem_shared>>) target_semaphore(%arg13 : memref<!tpu.dma_semaphore, #tpu.memory_space<semaphore_mem>>)
      %dma_wait3A_114 = arith.constant 1 : i32
      %dma_wait3A_115 = arith.constant 0 : i32
      %dma_wait3A_116 = arith.constant 0 : i32
      %dma_wait3A_117 = tpu.memref_slice %arg12[%select_n3A_49, %dma_wait3A_114, %dma_wait3A_115, %dma_wait3A_116] : memref<4x3x16x2048xf32, #tpu.memory_space<vmem_shared>> -> memref<1x1x16x2048xf32, #tpu.memory_space<vmem_shared>>
      %dma_wait3A_118 = tpu.memref_squeeze %dma_wait3A_117 : memref<1x1x16x2048xf32, #tpu.memory_space<vmem_shared>> -> memref<16x2048xf32, #tpu.memory_space<vmem_shared>>
      %dma_wait3A_119 = arith.constant 0 : i32
      %dma_wait3A_120 = tpu.memref_slice %arg3[%add3A_66, %dma_wait3A_119] : memref<8192x2048xf32, #tpu.memory_space<hbm>> -> memref<16x2048xf32, #tpu.memory_space<hbm>>
      tpu.wait_dma2 semaphore(%arg14 : memref<!tpu.dma_semaphore, #tpu.memory_space<semaphore_mem>>) src(%dma_wait3A_120 : memref<16x2048xf32, #tpu.memory_space<hbm>>) dst(%dma_wait3A_118 : memref<16x2048xf32, #tpu.memory_space<vmem_shared>>)
      %add3A_121 = arith.constant 16 : i32
      %add3A_122 = arith.addi %add3A_56, %add3A_121 : i32
      %dma_start3A_123 = arith.constant 1 : i32
      %dma_start3A_124 = arith.constant 0 : i32
      %dma_start3A_125 = tpu.memref_slice %arg4[%add3A_122, %dma_start3A_124] : memref<8192x2048xf32, #tpu.memory_space<hbm>> -> memref<16x2048xf32, #tpu.memory_space<hbm>>
      %dma_start3A_126 = arith.constant 0 : i32
      %dma_start3A_127 = arith.constant 0 : i32
      %dma_start3A_128 = tpu.memref_slice %arg12[%select_n3A_49, %dma_start3A_123, %dma_start3A_126, %dma_start3A_127] : memref<4x3x16x2048xf32, #tpu.memory_space<vmem_shared>> -> memref<1x1x16x2048xf32, #tpu.memory_space<vmem_shared>>
      %dma_start3A_129 = tpu.memref_squeeze %dma_start3A_128 : memref<1x1x16x2048xf32, #tpu.memory_space<vmem_shared>> -> memref<16x2048xf32, #tpu.memory_space<vmem_shared>>
      tpu.enqueue_dma source(%dma_start3A_129 : memref<16x2048xf32, #tpu.memory_space<vmem_shared>>) target(%dma_start3A_125 : memref<16x2048xf32, #tpu.memory_space<hbm>>) target_semaphore(%arg17 : memref<!tpu.dma_semaphore, #tpu.memory_space<semaphore_mem>>)
      %dma_wait3A_130 = arith.constant 1 : i32
      %dma_wait3A_131 = arith.constant 0 : i32
      %dma_wait3A_132 = tpu.memref_slice %arg4[%add3A_122, %dma_wait3A_131] : memref<8192x2048xf32, #tpu.memory_space<hbm>> -> memref<16x2048xf32, #tpu.memory_space<hbm>>
      %dma_wait3A_133 = arith.constant 0 : i32
      %dma_wait3A_134 = arith.constant 0 : i32
      %dma_wait3A_135 = tpu.memref_slice %arg12[%select_n3A_49, %dma_wait3A_130, %dma_wait3A_133, %dma_wait3A_134] : memref<4x3x16x2048xf32, #tpu.memory_space<vmem_shared>> -> memref<1x1x16x2048xf32, #tpu.memory_space<vmem_shared>>
      %dma_wait3A_136 = tpu.memref_squeeze %dma_wait3A_135 : memref<1x1x16x2048xf32, #tpu.memory_space<vmem_shared>> -> memref<16x2048xf32, #tpu.memory_space<vmem_shared>>
      tpu.wait_dma2 semaphore(%arg17 : memref<!tpu.dma_semaphore, #tpu.memory_space<semaphore_mem>>) src(%dma_wait3A_136 : memref<16x2048xf32, #tpu.memory_space<vmem_shared>>) dst(%dma_wait3A_132 : memref<16x2048xf32, #tpu.memory_space<hbm>>)
      %add3A_137 = arith.constant 64 : i32
      %add3A_138 = arith.addi %add3A_56, %add3A_137 : i32
      %dma_start3A_139 = arith.constant 1 : i32
      %dma_start3A_140 = arith.constant 0 : i32
      %dma_start3A_141 = arith.constant 0 : i32
      %dma_start3A_142 = tpu.memref_slice %arg12[%select_n3A_49, %dma_start3A_139, %dma_start3A_140, %dma_start3A_141] : memref<4x3x16x2048xf32, #tpu.memory_space<vmem_shared>> -> memref<1x1x16x2048xf32, #tpu.memory_space<vmem_shared>>
      %dma_start3A_143 = tpu.memref_squeeze %dma_start3A_142 : memref<1x1x16x2048xf32, #tpu.memory_space<vmem_shared>> -> memref<16x2048xf32, #tpu.memory_space<vmem_shared>>
      %dma_start3A_144 = arith.constant 0 : i32
      %dma_start3A_145 = tpu.memref_slice %arg3[%add3A_138, %dma_start3A_144] : memref<8192x2048xf32, #tpu.memory_space<hbm>> -> memref<16x2048xf32, #tpu.memory_space<hbm>>
      tpu.enqueue_dma source(%dma_start3A_145 : memref<16x2048xf32, #tpu.memory_space<hbm>>) target(%dma_start3A_143 : memref<16x2048xf32, #tpu.memory_space<vmem_shared>>) target_semaphore(%arg14 : memref<!tpu.dma_semaphore, #tpu.memory_space<semaphore_mem>>)
      %dma_wait3A_146 = arith.constant 2 : i32
      %dma_wait3A_147 = arith.constant 0 : i32
      %dma_wait3A_148 = arith.constant 0 : i32
      %dma_wait3A_149 = tpu.memref_slice %arg12[%select_n3A_49, %dma_wait3A_146, %dma_wait3A_147, %dma_wait3A_148] : memref<4x3x16x2048xf32, #tpu.memory_space<vmem_shared>> -> memref<1x1x16x2048xf32, #tpu.memory_space<vmem_shared>>
      %dma_wait3A_150 = tpu.memref_squeeze %dma_wait3A_149 : memref<1x1x16x2048xf32, #tpu.memory_space<vmem_shared>> -> memref<16x2048xf32, #tpu.memory_space<vmem_shared>>
      %dma_wait3A_151 = arith.constant 0 : i32
      %dma_wait3A_152 = tpu.memref_slice %arg3[%add3A_75, %dma_wait3A_151] : memref<8192x2048xf32, #tpu.memory_space<hbm>> -> memref<16x2048xf32, #tpu.memory_space<hbm>>
      tpu.wait_dma2 semaphore(%arg15 : memref<!tpu.dma_semaphore, #tpu.memory_space<semaphore_mem>>) src(%dma_wait3A_152 : memref<16x2048xf32, #tpu.memory_space<hbm>>) dst(%dma_wait3A_150 : memref<16x2048xf32, #tpu.memory_space<vmem_shared>>)
      %add3A_153 = arith.constant 32 : i32
      %add3A_154 = arith.addi %add3A_56, %add3A_153 : i32
      %dma_start3A_155 = arith.constant 2 : i32
      %dma_start3A_156 = arith.constant 0 : i32
      %dma_start3A_157 = tpu.memref_slice %arg4[%add3A_154, %dma_start3A_156] : memref<8192x2048xf32, #tpu.memory_space<hbm>> -> memref<16x2048xf32, #tpu.memory_space<hbm>>
      %dma_start3A_158 = arith.constant 0 : i32
      %dma_start3A_159 = arith.constant 0 : i32
      %dma_start3A_160 = tpu.memref_slice %arg12[%select_n3A_49, %dma_start3A_155, %dma_start3A_158, %dma_start3A_159] : memref<4x3x16x2048xf32, #tpu.memory_space<vmem_shared>> -> memref<1x1x16x2048xf32, #tpu.memory_space<vmem_shared>>
      %dma_start3A_161 = tpu.memref_squeeze %dma_start3A_160 : memref<1x1x16x2048xf32, #tpu.memory_space<vmem_shared>> -> memref<16x2048xf32, #tpu.memory_space<vmem_shared>>
      tpu.enqueue_dma source(%dma_start3A_161 : memref<16x2048xf32, #tpu.memory_space<vmem_shared>>) target(%dma_start3A_157 : memref<16x2048xf32, #tpu.memory_space<hbm>>) target_semaphore(%arg18 : memref<!tpu.dma_semaphore, #tpu.memory_space<semaphore_mem>>)
      %dma_wait3A_162 = arith.constant 2 : i32
      %dma_wait3A_163 = arith.constant 0 : i32
      %dma_wait3A_164 = tpu.memref_slice %arg4[%add3A_154, %dma_wait3A_163] : memref<8192x2048xf32, #tpu.memory_space<hbm>> -> memref<16x2048xf32, #tpu.memory_space<hbm>>
      %dma_wait3A_165 = arith.constant 0 : i32
      %dma_wait3A_166 = arith.constant 0 : i32
      %dma_wait3A_167 = tpu.memref_slice %arg12[%select_n3A_49, %dma_wait3A_162, %dma_wait3A_165, %dma_wait3A_166] : memref<4x3x16x2048xf32, #tpu.memory_space<vmem_shared>> -> memref<1x1x16x2048xf32, #tpu.memory_space<vmem_shared>>
      %dma_wait3A_168 = tpu.memref_squeeze %dma_wait3A_167 : memref<1x1x16x2048xf32, #tpu.memory_space<vmem_shared>> -> memref<16x2048xf32, #tpu.memory_space<vmem_shared>>
      tpu.wait_dma2 semaphore(%arg18 : memref<!tpu.dma_semaphore, #tpu.memory_space<semaphore_mem>>) src(%dma_wait3A_168 : memref<16x2048xf32, #tpu.memory_space<vmem_shared>>) dst(%dma_wait3A_164 : memref<16x2048xf32, #tpu.memory_space<hbm>>)
      %add3A_169 = arith.constant 80 : i32
      %add3A_170 = arith.addi %add3A_56, %add3A_169 : i32
      %dma_start3A_171 = arith.constant 2 : i32
      %dma_start3A_172 = arith.constant 0 : i32
      %dma_start3A_173 = arith.constant 0 : i32
      %dma_start3A_174 = tpu.memref_slice %arg12[%select_n3A_49, %dma_start3A_171, %dma_start3A_172, %dma_start3A_173] : memref<4x3x16x2048xf32, #tpu.memory_space<vmem_shared>> -> memref<1x1x16x2048xf32, #tpu.memory_space<vmem_shared>>
      %dma_start3A_175 = tpu.memref_squeeze %dma_start3A_174 : memref<1x1x16x2048xf32, #tpu.memory_space<vmem_shared>> -> memref<16x2048xf32, #tpu.memory_space<vmem_shared>>
      %dma_start3A_176 = arith.constant 0 : i32
      %dma_start3A_177 = tpu.memref_slice %arg3[%add3A_170, %dma_start3A_176] : memref<8192x2048xf32, #tpu.memory_space<hbm>> -> memref<16x2048xf32, #tpu.memory_space<hbm>>
      tpu.enqueue_dma source(%dma_start3A_177 : memref<16x2048xf32, #tpu.memory_space<hbm>>) target(%dma_start3A_175 : memref<16x2048xf32, #tpu.memory_space<vmem_shared>>) target_semaphore(%arg15 : memref<!tpu.dma_semaphore, #tpu.memory_space<semaphore_mem>>)
      %dma_wait3A_178 = arith.constant 0 : i32
      %dma_wait3A_179 = arith.constant 0 : i32
      %dma_wait3A_180 = arith.constant 0 : i32
      %dma_wait3A_181 = tpu.memref_slice %arg12[%select_n3A_49, %dma_wait3A_178, %dma_wait3A_179, %dma_wait3A_180] : memref<4x3x16x2048xf32, #tpu.memory_space<vmem_shared>> -> memref<1x1x16x2048xf32, #tpu.memory_space<vmem_shared>>
      %dma_wait3A_182 = tpu.memref_squeeze %dma_wait3A_181 : memref<1x1x16x2048xf32, #tpu.memory_space<vmem_shared>> -> memref<16x2048xf32, #tpu.memory_space<vmem_shared>>
      %dma_wait3A_183 = arith.constant 0 : i32
      %dma_wait3A_184 = tpu.memref_slice %arg3[%add3A_106, %dma_wait3A_183] : memref<8192x2048xf32, #tpu.memory_space<hbm>> -> memref<16x2048xf32, #tpu.memory_space<hbm>>
      tpu.wait_dma2 semaphore(%arg13 : memref<!tpu.dma_semaphore, #tpu.memory_space<semaphore_mem>>) src(%dma_wait3A_184 : memref<16x2048xf32, #tpu.memory_space<hbm>>) dst(%dma_wait3A_182 : memref<16x2048xf32, #tpu.memory_space<vmem_shared>>)
      %add3A_185 = arith.constant 48 : i32
      %add3A_186 = arith.addi %add3A_56, %add3A_185 : i32
      %dma_start3A_187 = arith.constant 0 : i32
      %dma_start3A_188 = arith.constant 0 : i32
      %dma_start3A_189 = tpu.memref_slice %arg4[%add3A_186, %dma_start3A_188] : memref<8192x2048xf32, #tpu.memory_space<hbm>> -> memref<16x2048xf32, #tpu.memory_space<hbm>>
      %dma_start3A_190 = arith.constant 0 : i32
      %dma_start3A_191 = arith.constant 0 : i32
      %dma_start3A_192 = tpu.memref_slice %arg12[%select_n3A_49, %dma_start3A_187, %dma_start3A_190, %dma_start3A_191] : memref<4x3x16x2048xf32, #tpu.memory_space<vmem_shared>> -> memref<1x1x16x2048xf32, #tpu.memory_space<vmem_shared>>
      %dma_start3A_193 = tpu.memref_squeeze %dma_start3A_192 : memref<1x1x16x2048xf32, #tpu.memory_space<vmem_shared>> -> memref<16x2048xf32, #tpu.memory_space<vmem_shared>>
      tpu.enqueue_dma source(%dma_start3A_193 : memref<16x2048xf32, #tpu.memory_space<vmem_shared>>) target(%dma_start3A_189 : memref<16x2048xf32, #tpu.memory_space<hbm>>) target_semaphore(%arg16 : memref<!tpu.dma_semaphore, #tpu.memory_space<semaphore_mem>>)
      %dma_wait3A_194 = arith.constant 0 : i32
      %dma_wait3A_195 = arith.constant 0 : i32
      %dma_wait3A_196 = tpu.memref_slice %arg4[%add3A_186, %dma_wait3A_195] : memref<8192x2048xf32, #tpu.memory_space<hbm>> -> memref<16x2048xf32, #tpu.memory_space<hbm>>
      %dma_wait3A_197 = arith.constant 0 : i32
      %dma_wait3A_198 = arith.constant 0 : i32
      %dma_wait3A_199 = tpu.memref_slice %arg12[%select_n3A_49, %dma_wait3A_194, %dma_wait3A_197, %dma_wait3A_198] : memref<4x3x16x2048xf32, #tpu.memory_space<vmem_shared>> -> memref<1x1x16x2048xf32, #tpu.memory_space<vmem_shared>>
      %dma_wait3A_200 = tpu.memref_squeeze %dma_wait3A_199 : memref<1x1x16x2048xf32, #tpu.memory_space<vmem_shared>> -> memref<16x2048xf32, #tpu.memory_space<vmem_shared>>
      tpu.wait_dma2 semaphore(%arg16 : memref<!tpu.dma_semaphore, #tpu.memory_space<semaphore_mem>>) src(%dma_wait3A_200 : memref<16x2048xf32, #tpu.memory_space<vmem_shared>>) dst(%dma_wait3A_196 : memref<16x2048xf32, #tpu.memory_space<hbm>>)
      %add3A_201 = arith.constant 96 : i32
      %add3A_202 = arith.addi %add3A_56, %add3A_201 : i32
      %dma_start3A_203 = arith.constant 0 : i32
      %dma_start3A_204 = arith.constant 0 : i32
      %dma_start3A_205 = arith.constant 0 : i32
      %dma_start3A_206 = tpu.memref_slice %arg12[%select_n3A_49, %dma_start3A_203, %dma_start3A_204, %dma_start3A_205] : memref<4x3x16x2048xf32, #tpu.memory_space<vmem_shared>> -> memref<1x1x16x2048xf32, #tpu.memory_space<vmem_shared>>
      %dma_start3A_207 = tpu.memref_squeeze %dma_start3A_206 : memref<1x1x16x2048xf32, #tpu.memory_space<vmem_shared>> -> memref<16x2048xf32, #tpu.memory_space<vmem_shared>>
      %dma_start3A_208 = arith.constant 0 : i32
      %dma_start3A_209 = tpu.memref_slice %arg3[%add3A_202, %dma_start3A_208] : memref<8192x2048xf32, #tpu.memory_space<hbm>> -> memref<16x2048xf32, #tpu.memory_space<hbm>>
      tpu.enqueue_dma source(%dma_start3A_209 : memref<16x2048xf32, #tpu.memory_space<hbm>>) target(%dma_start3A_207 : memref<16x2048xf32, #tpu.memory_space<vmem_shared>>) target_semaphore(%arg13 : memref<!tpu.dma_semaphore, #tpu.memory_space<semaphore_mem>>)
      %dma_wait3A_210 = arith.constant 1 : i32
      %dma_wait3A_211 = arith.constant 0 : i32
      %dma_wait3A_212 = arith.constant 0 : i32
      %dma_wait3A_213 = tpu.memref_slice %arg12[%select_n3A_49, %dma_wait3A_210, %dma_wait3A_211, %dma_wait3A_212] : memref<4x3x16x2048xf32, #tpu.memory_space<vmem_shared>> -> memref<1x1x16x2048xf32, #tpu.memory_space<vmem_shared>>
      %dma_wait3A_214 = tpu.memref_squeeze %dma_wait3A_213 : memref<1x1x16x2048xf32, #tpu.memory_space<vmem_shared>> -> memref<16x2048xf32, #tpu.memory_space<vmem_shared>>
      %dma_wait3A_215 = arith.constant 0 : i32
      %dma_wait3A_216 = tpu.memref_slice %arg3[%add3A_138, %dma_wait3A_215] : memref<8192x2048xf32, #tpu.memory_space<hbm>> -> memref<16x2048xf32, #tpu.memory_space<hbm>>
      tpu.wait_dma2 semaphore(%arg14 : memref<!tpu.dma_semaphore, #tpu.memory_space<semaphore_mem>>) src(%dma_wait3A_216 : memref<16x2048xf32, #tpu.memory_space<hbm>>) dst(%dma_wait3A_214 : memref<16x2048xf32, #tpu.memory_space<vmem_shared>>)
      %add3A_217 = arith.constant 64 : i32
      %add3A_218 = arith.addi %add3A_56, %add3A_217 : i32
      %dma_start3A_219 = arith.constant 1 : i32
      %dma_start3A_220 = arith.constant 0 : i32
      %dma_start3A_221 = tpu.memref_slice %arg4[%add3A_218, %dma_start3A_220] : memref<8192x2048xf32, #tpu.memory_space<hbm>> -> memref<16x2048xf32, #tpu.memory_space<hbm>>
      %dma_start3A_222 = arith.constant 0 : i32
      %dma_start3A_223 = arith.constant 0 : i32
      %dma_start3A_224 = tpu.memref_slice %arg12[%select_n3A_49, %dma_start3A_219, %dma_start3A_222, %dma_start3A_223] : memref<4x3x16x2048xf32, #tpu.memory_space<vmem_shared>> -> memref<1x1x16x2048xf32, #tpu.memory_space<vmem_shared>>
      %dma_start3A_225 = tpu.memref_squeeze %dma_start3A_224 : memref<1x1x16x2048xf32, #tpu.memory_space<vmem_shared>> -> memref<16x2048xf32, #tpu.memory_space<vmem_shared>>
      tpu.enqueue_dma source(%dma_start3A_225 : memref<16x2048xf32, #tpu.memory_space<vmem_shared>>) target(%dma_start3A_221 : memref<16x2048xf32, #tpu.memory_space<hbm>>) target_semaphore(%arg17 : memref<!tpu.dma_semaphore, #tpu.memory_space<semaphore_mem>>)
      %dma_wait3A_226 = arith.constant 1 : i32
      %dma_wait3A_227 = arith.constant 0 : i32
      %dma_wait3A_228 = tpu.memref_slice %arg4[%add3A_218, %dma_wait3A_227] : memref<8192x2048xf32, #tpu.memory_space<hbm>> -> memref<16x2048xf32, #tpu.memory_space<hbm>>
      %dma_wait3A_229 = arith.constant 0 : i32
      %dma_wait3A_230 = arith.constant 0 : i32
      %dma_wait3A_231 = tpu.memref_slice %arg12[%select_n3A_49, %dma_wait3A_226, %dma_wait3A_229, %dma_wait3A_230] : memref<4x3x16x2048xf32, #tpu.memory_space<vmem_shared>> -> memref<1x1x16x2048xf32, #tpu.memory_space<vmem_shared>>
      %dma_wait3A_232 = tpu.memref_squeeze %dma_wait3A_231 : memref<1x1x16x2048xf32, #tpu.memory_space<vmem_shared>> -> memref<16x2048xf32, #tpu.memory_space<vmem_shared>>
      tpu.wait_dma2 semaphore(%arg17 : memref<!tpu.dma_semaphore, #tpu.memory_space<semaphore_mem>>) src(%dma_wait3A_232 : memref<16x2048xf32, #tpu.memory_space<vmem_shared>>) dst(%dma_wait3A_228 : memref<16x2048xf32, #tpu.memory_space<hbm>>)
      %add3A_233 = arith.constant 112 : i32
      %add3A_234 = arith.addi %add3A_56, %add3A_233 : i32
      %dma_start3A_235 = arith.constant 1 : i32
      %dma_start3A_236 = arith.constant 0 : i32
      %dma_start3A_237 = arith.constant 0 : i32
      %dma_start3A_238 = tpu.memref_slice %arg12[%select_n3A_49, %dma_start3A_235, %dma_start3A_236, %dma_start3A_237] : memref<4x3x16x2048xf32, #tpu.memory_space<vmem_shared>> -> memref<1x1x16x2048xf32, #tpu.memory_space<vmem_shared>>
      %dma_start3A_239 = tpu.memref_squeeze %dma_start3A_238 : memref<1x1x16x2048xf32, #tpu.memory_space<vmem_shared>> -> memref<16x2048xf32, #tpu.memory_space<vmem_shared>>
      %dma_start3A_240 = arith.constant 0 : i32
      %dma_start3A_241 = tpu.memref_slice %arg3[%add3A_234, %dma_start3A_240] : memref<8192x2048xf32, #tpu.memory_space<hbm>> -> memref<16x2048xf32, #tpu.memory_space<hbm>>
      tpu.enqueue_dma source(%dma_start3A_241 : memref<16x2048xf32, #tpu.memory_space<hbm>>) target(%dma_start3A_239 : memref<16x2048xf32, #tpu.memory_space<vmem_shared>>) target_semaphore(%arg14 : memref<!tpu.dma_semaphore, #tpu.memory_space<semaphore_mem>>)
      %dma_wait3A_242 = arith.constant 2 : i32
      %dma_wait3A_243 = arith.constant 0 : i32
      %dma_wait3A_244 = arith.constant 0 : i32
      %dma_wait3A_245 = tpu.memref_slice %arg12[%select_n3A_49, %dma_wait3A_242, %dma_wait3A_243, %dma_wait3A_244] : memref<4x3x16x2048xf32, #tpu.memory_space<vmem_shared>> -> memref<1x1x16x2048xf32, #tpu.memory_space<vmem_shared>>
      %dma_wait3A_246 = tpu.memref_squeeze %dma_wait3A_245 : memref<1x1x16x2048xf32, #tpu.memory_space<vmem_shared>> -> memref<16x2048xf32, #tpu.memory_space<vmem_shared>>
      %dma_wait3A_247 = arith.constant 0 : i32
      %dma_wait3A_248 = tpu.memref_slice %arg3[%add3A_170, %dma_wait3A_247] : memref<8192x2048xf32, #tpu.memory_space<hbm>> -> memref<16x2048xf32, #tpu.memory_space<hbm>>
      tpu.wait_dma2 semaphore(%arg15 : memref<!tpu.dma_semaphore, #tpu.memory_space<semaphore_mem>>) src(%dma_wait3A_248 : memref<16x2048xf32, #tpu.memory_space<hbm>>) dst(%dma_wait3A_246 : memref<16x2048xf32, #tpu.memory_space<vmem_shared>>)
      %add3A_249 = arith.constant 80 : i32
      %add3A_250 = arith.addi %add3A_56, %add3A_249 : i32
      %dma_start3A_251 = arith.constant 2 : i32
      %dma_start3A_252 = arith.constant 0 : i32
      %dma_start3A_253 = tpu.memref_slice %arg4[%add3A_250, %dma_start3A_252] : memref<8192x2048xf32, #tpu.memory_space<hbm>> -> memref<16x2048xf32, #tpu.memory_space<hbm>>
      %dma_start3A_254 = arith.constant 0 : i32
      %dma_start3A_255 = arith.constant 0 : i32
      %dma_start3A_256 = tpu.memref_slice %arg12[%select_n3A_49, %dma_start3A_251, %dma_start3A_254, %dma_start3A_255] : memref<4x3x16x2048xf32, #tpu.memory_space<vmem_shared>> -> memref<1x1x16x2048xf32, #tpu.memory_space<vmem_shared>>
      %dma_start3A_257 = tpu.memref_squeeze %dma_start3A_256 : memref<1x1x16x2048xf32, #tpu.memory_space<vmem_shared>> -> memref<16x2048xf32, #tpu.memory_space<vmem_shared>>
      tpu.enqueue_dma source(%dma_start3A_257 : memref<16x2048xf32, #tpu.memory_space<vmem_shared>>) target(%dma_start3A_253 : memref<16x2048xf32, #tpu.memory_space<hbm>>) target_semaphore(%arg18 : memref<!tpu.dma_semaphore, #tpu.memory_space<semaphore_mem>>)
      %dma_wait3A_258 = arith.constant 2 : i32
      %dma_wait3A_259 = arith.constant 0 : i32
      %dma_wait3A_260 = tpu.memref_slice %arg4[%add3A_250, %dma_wait3A_259] : memref<8192x2048xf32, #tpu.memory_space<hbm>> -> memref<16x2048xf32, #tpu.memory_space<hbm>>
      %dma_wait3A_261 = arith.constant 0 : i32
      %dma_wait3A_262 = arith.constant 0 : i32
      %dma_wait3A_263 = tpu.memref_slice %arg12[%select_n3A_49, %dma_wait3A_258, %dma_wait3A_261, %dma_wait3A_262] : memref<4x3x16x2048xf32, #tpu.memory_space<vmem_shared>> -> memref<1x1x16x2048xf32, #tpu.memory_space<vmem_shared>>
      %dma_wait3A_264 = tpu.memref_squeeze %dma_wait3A_263 : memref<1x1x16x2048xf32, #tpu.memory_space<vmem_shared>> -> memref<16x2048xf32, #tpu.memory_space<vmem_shared>>
      tpu.wait_dma2 semaphore(%arg18 : memref<!tpu.dma_semaphore, #tpu.memory_space<semaphore_mem>>) src(%dma_wait3A_264 : memref<16x2048xf32, #tpu.memory_space<vmem_shared>>) dst(%dma_wait3A_260 : memref<16x2048xf32, #tpu.memory_space<hbm>>)
      %add3A_265 = arith.constant 128 : i32
      %add3A_266 = arith.addi %add3A_56, %add3A_265 : i32
      %dma_start3A_267 = arith.constant 2 : i32
      %dma_start3A_268 = arith.constant 0 : i32
      %dma_start3A_269 = arith.constant 0 : i32
      %dma_start3A_270 = tpu.memref_slice %arg12[%select_n3A_49, %dma_start3A_267, %dma_start3A_268, %dma_start3A_269] : memref<4x3x16x2048xf32, #tpu.memory_space<vmem_shared>> -> memref<1x1x16x2048xf32, #tpu.memory_space<vmem_shared>>
      %dma_start3A_271 = tpu.memref_squeeze %dma_start3A_270 : memref<1x1x16x2048xf32, #tpu.memory_space<vmem_shared>> -> memref<16x2048xf32, #tpu.memory_space<vmem_shared>>
      %dma_start3A_272 = arith.constant 0 : i32
      %dma_start3A_273 = tpu.memref_slice %arg3[%add3A_266, %dma_start3A_272] : memref<8192x2048xf32, #tpu.memory_space<hbm>> -> memref<16x2048xf32, #tpu.memory_space<hbm>>
      tpu.enqueue_dma source(%dma_start3A_273 : memref<16x2048xf32, #tpu.memory_space<hbm>>) target(%dma_start3A_271 : memref<16x2048xf32, #tpu.memory_space<vmem_shared>>) target_semaphore(%arg15 : memref<!tpu.dma_semaphore, #tpu.memory_space<semaphore_mem>>)
      %dma_wait3A_274 = arith.constant 0 : i32
      %dma_wait3A_275 = arith.constant 0 : i32
      %dma_wait3A_276 = arith.constant 0 : i32
      %dma_wait3A_277 = tpu.memref_slice %arg12[%select_n3A_49, %dma_wait3A_274, %dma_wait3A_275, %dma_wait3A_276] : memref<4x3x16x2048xf32, #tpu.memory_space<vmem_shared>> -> memref<1x1x16x2048xf32, #tpu.memory_space<vmem_shared>>
      %dma_wait3A_278 = tpu.memref_squeeze %dma_wait3A_277 : memref<1x1x16x2048xf32, #tpu.memory_space<vmem_shared>> -> memref<16x2048xf32, #tpu.memory_space<vmem_shared>>
      %dma_wait3A_279 = arith.constant 0 : i32
      %dma_wait3A_280 = tpu.memref_slice %arg3[%add3A_202, %dma_wait3A_279] : memref<8192x2048xf32, #tpu.memory_space<hbm>> -> memref<16x2048xf32, #tpu.memory_space<hbm>>
      tpu.wait_dma2 semaphore(%arg13 : memref<!tpu.dma_semaphore, #tpu.memory_space<semaphore_mem>>) src(%dma_wait3A_280 : memref<16x2048xf32, #tpu.memory_space<hbm>>) dst(%dma_wait3A_278 : memref<16x2048xf32, #tpu.memory_space<vmem_shared>>)
      %add3A_281 = arith.constant 96 : i32
      %add3A_282 = arith.addi %add3A_56, %add3A_281 : i32
      %dma_start3A_283 = arith.constant 0 : i32
      %dma_start3A_284 = arith.constant 0 : i32
      %dma_start3A_285 = tpu.memref_slice %arg4[%add3A_282, %dma_start3A_284] : memref<8192x2048xf32, #tpu.memory_space<hbm>> -> memref<16x2048xf32, #tpu.memory_space<hbm>>
      %dma_start3A_286 = arith.constant 0 : i32
      %dma_start3A_287 = arith.constant 0 : i32
      %dma_start3A_288 = tpu.memref_slice %arg12[%select_n3A_49, %dma_start3A_283, %dma_start3A_286, %dma_start3A_287] : memref<4x3x16x2048xf32, #tpu.memory_space<vmem_shared>> -> memref<1x1x16x2048xf32, #tpu.memory_space<vmem_shared>>
      %dma_start3A_289 = tpu.memref_squeeze %dma_start3A_288 : memref<1x1x16x2048xf32, #tpu.memory_space<vmem_shared>> -> memref<16x2048xf32, #tpu.memory_space<vmem_shared>>
      tpu.enqueue_dma source(%dma_start3A_289 : memref<16x2048xf32, #tpu.memory_space<vmem_shared>>) target(%dma_start3A_285 : memref<16x2048xf32, #tpu.memory_space<hbm>>) target_semaphore(%arg16 : memref<!tpu.dma_semaphore, #tpu.memory_space<semaphore_mem>>)
      %dma_wait3A_290 = arith.constant 0 : i32
      %dma_wait3A_291 = arith.constant 0 : i32
      %dma_wait3A_292 = tpu.memref_slice %arg4[%add3A_282, %dma_wait3A_291] : memref<8192x2048xf32, #tpu.memory_space<hbm>> -> memref<16x2048xf32, #tpu.memory_space<hbm>>
      %dma_wait3A_293 = arith.constant 0 : i32
      %dma_wait3A_294 = arith.constant 0 : i32
      %dma_wait3A_295 = tpu.memref_slice %arg12[%select_n3A_49, %dma_wait3A_290, %dma_wait3A_293, %dma_wait3A_294] : memref<4x3x16x2048xf32, #tpu.memory_space<vmem_shared>> -> memref<1x1x16x2048xf32, #tpu.memory_space<vmem_shared>>
      %dma_wait3A_296 = tpu.memref_squeeze %dma_wait3A_295 : memref<1x1x16x2048xf32, #tpu.memory_space<vmem_shared>> -> memref<16x2048xf32, #tpu.memory_space<vmem_shared>>
      tpu.wait_dma2 semaphore(%arg16 : memref<!tpu.dma_semaphore, #tpu.memory_space<semaphore_mem>>) src(%dma_wait3A_296 : memref<16x2048xf32, #tpu.memory_space<vmem_shared>>) dst(%dma_wait3A_292 : memref<16x2048xf32, #tpu.memory_space<hbm>>)
      %add3A_297 = arith.constant 144 : i32
      %add3A_298 = arith.addi %add3A_56, %add3A_297 : i32
      %dma_start3A_299 = arith.constant 0 : i32
      %dma_start3A_300 = arith.constant 0 : i32
      %dma_start3A_301 = arith.constant 0 : i32
      %dma_start3A_302 = tpu.memref_slice %arg12[%select_n3A_49, %dma_start3A_299, %dma_start3A_300, %dma_start3A_301] : memref<4x3x16x2048xf32, #tpu.memory_space<vmem_shared>> -> memref<1x1x16x2048xf32, #tpu.memory_space<vmem_shared>>
      %dma_start3A_303 = tpu.memref_squeeze %dma_start3A_302 : memref<1x1x16x2048xf32, #tpu.memory_space<vmem_shared>> -> memref<16x2048xf32, #tpu.memory_space<vmem_shared>>
      %dma_start3A_304 = arith.constant 0 : i32
      %dma_start3A_305 = tpu.memref_slice %arg3[%add3A_298, %dma_start3A_304] : memref<8192x2048xf32, #tpu.memory_space<hbm>> -> memref<16x2048xf32, #tpu.memory_space<hbm>>
      tpu.enqueue_dma source(%dma_start3A_305 : memref<16x2048xf32, #tpu.memory_space<hbm>>) target(%dma_start3A_303 : memref<16x2048xf32, #tpu.memory_space<vmem_shared>>) target_semaphore(%arg13 : memref<!tpu.dma_semaphore, #tpu.memory_space<semaphore_mem>>)
      %dma_wait3A_306 = arith.constant 1 : i32
      %dma_wait3A_307 = arith.constant 0 : i32
      %dma_wait3A_308 = arith.constant 0 : i32
      %dma_wait3A_309 = tpu.memref_slice %arg12[%select_n3A_49, %dma_wait3A_306, %dma_wait3A_307, %dma_wait3A_308] : memref<4x3x16x2048xf32, #tpu.memory_space<vmem_shared>> -> memref<1x1x16x2048xf32, #tpu.memory_space<vmem_shared>>
      %dma_wait3A_310 = tpu.memref_squeeze %dma_wait3A_309 : memref<1x1x16x2048xf32, #tpu.memory_space<vmem_shared>> -> memref<16x2048xf32, #tpu.memory_space<vmem_shared>>
      %dma_wait3A_311 = arith.constant 0 : i32
      %dma_wait3A_312 = tpu.memref_slice %arg3[%add3A_234, %dma_wait3A_311] : memref<8192x2048xf32, #tpu.memory_space<hbm>> -> memref<16x2048xf32, #tpu.memory_space<hbm>>
      tpu.wait_dma2 semaphore(%arg14 : memref<!tpu.dma_semaphore, #tpu.memory_space<semaphore_mem>>) src(%dma_wait3A_312 : memref<16x2048xf32, #tpu.memory_space<hbm>>) dst(%dma_wait3A_310 : memref<16x2048xf32, #tpu.memory_space<vmem_shared>>)
      %add3A_313 = arith.constant 112 : i32
      %add3A_314 = arith.addi %add3A_56, %add3A_313 : i32
      %dma_start3A_315 = arith.constant 1 : i32
      %dma_start3A_316 = arith.constant 0 : i32
      %dma_start3A_317 = tpu.memref_slice %arg4[%add3A_314, %dma_start3A_316] : memref<8192x2048xf32, #tpu.memory_space<hbm>> -> memref<16x2048xf32, #tpu.memory_space<hbm>>
      %dma_start3A_318 = arith.constant 0 : i32
      %dma_start3A_319 = arith.constant 0 : i32
      %dma_start3A_320 = tpu.memref_slice %arg12[%select_n3A_49, %dma_start3A_315, %dma_start3A_318, %dma_start3A_319] : memref<4x3x16x2048xf32, #tpu.memory_space<vmem_shared>> -> memref<1x1x16x2048xf32, #tpu.memory_space<vmem_shared>>
      %dma_start3A_321 = tpu.memref_squeeze %dma_start3A_320 : memref<1x1x16x2048xf32, #tpu.memory_space<vmem_shared>> -> memref<16x2048xf32, #tpu.memory_space<vmem_shared>>
      tpu.enqueue_dma source(%dma_start3A_321 : memref<16x2048xf32, #tpu.memory_space<vmem_shared>>) target(%dma_start3A_317 : memref<16x2048xf32, #tpu.memory_space<hbm>>) target_semaphore(%arg17 : memref<!tpu.dma_semaphore, #tpu.memory_space<semaphore_mem>>)
      %dma_wait3A_322 = arith.constant 1 : i32
      %dma_wait3A_323 = arith.constant 0 : i32
      %dma_wait3A_324 = tpu.memref_slice %arg4[%add3A_314, %dma_wait3A_323] : memref<8192x2048xf32, #tpu.memory_space<hbm>> -> memref<16x2048xf32, #tpu.memory_space<hbm>>
      %dma_wait3A_325 = arith.constant 0 : i32
      %dma_wait3A_326 = arith.constant 0 : i32
      %dma_wait3A_327 = tpu.memref_slice %arg12[%select_n3A_49, %dma_wait3A_322, %dma_wait3A_325, %dma_wait3A_326] : memref<4x3x16x2048xf32, #tpu.memory_space<vmem_shared>> -> memref<1x1x16x2048xf32, #tpu.memory_space<vmem_shared>>
      %dma_wait3A_328 = tpu.memref_squeeze %dma_wait3A_327 : memref<1x1x16x2048xf32, #tpu.memory_space<vmem_shared>> -> memref<16x2048xf32, #tpu.memory_space<vmem_shared>>
      tpu.wait_dma2 semaphore(%arg17 : memref<!tpu.dma_semaphore, #tpu.memory_space<semaphore_mem>>) src(%dma_wait3A_328 : memref<16x2048xf32, #tpu.memory_space<vmem_shared>>) dst(%dma_wait3A_324 : memref<16x2048xf32, #tpu.memory_space<hbm>>)
      %add3A_329 = arith.constant 160 : i32
      %add3A_330 = arith.addi %add3A_56, %add3A_329 : i32
      %dma_start3A_331 = arith.constant 1 : i32
      %dma_start3A_332 = arith.constant 0 : i32
      %dma_start3A_333 = arith.constant 0 : i32
      %dma_start3A_334 = tpu.memref_slice %arg12[%select_n3A_49, %dma_start3A_331, %dma_start3A_332, %dma_start3A_333] : memref<4x3x16x2048xf32, #tpu.memory_space<vmem_shared>> -> memref<1x1x16x2048xf32, #tpu.memory_space<vmem_shared>>
      %dma_start3A_335 = tpu.memref_squeeze %dma_start3A_334 : memref<1x1x16x2048xf32, #tpu.memory_space<vmem_shared>> -> memref<16x2048xf32, #tpu.memory_space<vmem_shared>>
      %dma_start3A_336 = arith.constant 0 : i32
      %dma_start3A_337 = tpu.memref_slice %arg3[%add3A_330, %dma_start3A_336] : memref<8192x2048xf32, #tpu.memory_space<hbm>> -> memref<16x2048xf32, #tpu.memory_space<hbm>>
      tpu.enqueue_dma source(%dma_start3A_337 : memref<16x2048xf32, #tpu.memory_space<hbm>>) target(%dma_start3A_335 : memref<16x2048xf32, #tpu.memory_space<vmem_shared>>) target_semaphore(%arg14 : memref<!tpu.dma_semaphore, #tpu.memory_space<semaphore_mem>>)
      %dma_wait3A_338 = arith.constant 2 : i32
      %dma_wait3A_339 = arith.constant 0 : i32
      %dma_wait3A_340 = arith.constant 0 : i32
      %dma_wait3A_341 = tpu.memref_slice %arg12[%select_n3A_49, %dma_wait3A_338, %dma_wait3A_339, %dma_wait3A_340] : memref<4x3x16x2048xf32, #tpu.memory_space<vmem_shared>> -> memref<1x1x16x2048xf32, #tpu.memory_space<vmem_shared>>
      %dma_wait3A_342 = tpu.memref_squeeze %dma_wait3A_341 : memref<1x1x16x2048xf32, #tpu.memory_space<vmem_shared>> -> memref<16x2048xf32, #tpu.memory_space<vmem_shared>>
      %dma_wait3A_343 = arith.constant 0 : i32
      %dma_wait3A_344 = tpu.memref_slice %arg3[%add3A_266, %dma_wait3A_343] : memref<8192x2048xf32, #tpu.memory_space<hbm>> -> memref<16x2048xf32, #tpu.memory_space<hbm>>
      tpu.wait_dma2 semaphore(%arg15 : memref<!tpu.dma_semaphore, #tpu.memory_space<semaphore_mem>>) src(%dma_wait3A_344 : memref<16x2048xf32, #tpu.memory_space<hbm>>) dst(%dma_wait3A_342 : memref<16x2048xf32, #tpu.memory_space<vmem_shared>>)
      %add3A_345 = arith.constant 128 : i32
      %add3A_346 = arith.addi %add3A_56, %add3A_345 : i32
      %dma_start3A_347 = arith.constant 2 : i32
      %dma_start3A_348 = arith.constant 0 : i32
      %dma_start3A_349 = tpu.memref_slice %arg4[%add3A_346, %dma_start3A_348] : memref<8192x2048xf32, #tpu.memory_space<hbm>> -> memref<16x2048xf32, #tpu.memory_space<hbm>>
      %dma_start3A_350 = arith.constant 0 : i32
      %dma_start3A_351 = arith.constant 0 : i32
      %dma_start3A_352 = tpu.memref_slice %arg12[%select_n3A_49, %dma_start3A_347, %dma_start3A_350, %dma_start3A_351] : memref<4x3x16x2048xf32, #tpu.memory_space<vmem_shared>> -> memref<1x1x16x2048xf32, #tpu.memory_space<vmem_shared>>
      %dma_start3A_353 = tpu.memref_squeeze %dma_start3A_352 : memref<1x1x16x2048xf32, #tpu.memory_space<vmem_shared>> -> memref<16x2048xf32, #tpu.memory_space<vmem_shared>>
      tpu.enqueue_dma source(%dma_start3A_353 : memref<16x2048xf32, #tpu.memory_space<vmem_shared>>) target(%dma_start3A_349 : memref<16x2048xf32, #tpu.memory_space<hbm>>) target_semaphore(%arg18 : memref<!tpu.dma_semaphore, #tpu.memory_space<semaphore_mem>>)
      %dma_wait3A_354 = arith.constant 2 : i32
      %dma_wait3A_355 = arith.constant 0 : i32
      %dma_wait3A_356 = tpu.memref_slice %arg4[%add3A_346, %dma_wait3A_355] : memref<8192x2048xf32, #tpu.memory_space<hbm>> -> memref<16x2048xf32, #tpu.memory_space<hbm>>
      %dma_wait3A_357 = arith.constant 0 : i32
      %dma_wait3A_358 = arith.constant 0 : i32
      %dma_wait3A_359 = tpu.memref_slice %arg12[%select_n3A_49, %dma_wait3A_354, %dma_wait3A_357, %dma_wait3A_358] : memref<4x3x16x2048xf32, #tpu.memory_space<vmem_shared>> -> memref<1x1x16x2048xf32, #tpu.memory_space<vmem_shared>>
      %dma_wait3A_360 = tpu.memref_squeeze %dma_wait3A_359 : memref<1x1x16x2048xf32, #tpu.memory_space<vmem_shared>> -> memref<16x2048xf32, #tpu.memory_space<vmem_shared>>
      tpu.wait_dma2 semaphore(%arg18 : memref<!tpu.dma_semaphore, #tpu.memory_space<semaphore_mem>>) src(%dma_wait3A_360 : memref<16x2048xf32, #tpu.memory_space<vmem_shared>>) dst(%dma_wait3A_356 : memref<16x2048xf32, #tpu.memory_space<hbm>>)
      %add3A_361 = arith.constant 176 : i32
      %add3A_362 = arith.addi %add3A_56, %add3A_361 : i32
      %dma_start3A_363 = arith.constant 2 : i32
      %dma_start3A_364 = arith.constant 0 : i32
      %dma_start3A_365 = arith.constant 0 : i32
      %dma_start3A_366 = tpu.memref_slice %arg12[%select_n3A_49, %dma_start3A_363, %dma_start3A_364, %dma_start3A_365] : memref<4x3x16x2048xf32, #tpu.memory_space<vmem_shared>> -> memref<1x1x16x2048xf32, #tpu.memory_space<vmem_shared>>
      %dma_start3A_367 = tpu.memref_squeeze %dma_start3A_366 : memref<1x1x16x2048xf32, #tpu.memory_space<vmem_shared>> -> memref<16x2048xf32, #tpu.memory_space<vmem_shared>>
      %dma_start3A_368 = arith.constant 0 : i32
      %dma_start3A_369 = tpu.memref_slice %arg3[%add3A_362, %dma_start3A_368] : memref<8192x2048xf32, #tpu.memory_space<hbm>> -> memref<16x2048xf32, #tpu.memory_space<hbm>>
      tpu.enqueue_dma source(%dma_start3A_369 : memref<16x2048xf32, #tpu.memory_space<hbm>>) target(%dma_start3A_367 : memref<16x2048xf32, #tpu.memory_space<vmem_shared>>) target_semaphore(%arg15 : memref<!tpu.dma_semaphore, #tpu.memory_space<semaphore_mem>>)
      %dma_wait3A_370 = arith.constant 0 : i32
      %dma_wait3A_371 = arith.constant 0 : i32
      %dma_wait3A_372 = arith.constant 0 : i32
      %dma_wait3A_373 = tpu.memref_slice %arg12[%select_n3A_49, %dma_wait3A_370, %dma_wait3A_371, %dma_wait3A_372] : memref<4x3x16x2048xf32, #tpu.memory_space<vmem_shared>> -> memref<1x1x16x2048xf32, #tpu.memory_space<vmem_shared>>
      %dma_wait3A_374 = tpu.memref_squeeze %dma_wait3A_373 : memref<1x1x16x2048xf32, #tpu.memory_space<vmem_shared>> -> memref<16x2048xf32, #tpu.memory_space<vmem_shared>>
      %dma_wait3A_375 = arith.constant 0 : i32
      %dma_wait3A_376 = tpu.memref_slice %arg3[%add3A_298, %dma_wait3A_375] : memref<8192x2048xf32, #tpu.memory_space<hbm>> -> memref<16x2048xf32, #tpu.memory_space<hbm>>
      tpu.wait_dma2 semaphore(%arg13 : memref<!tpu.dma_semaphore, #tpu.memory_space<semaphore_mem>>) src(%dma_wait3A_376 : memref<16x2048xf32, #tpu.memory_space<hbm>>) dst(%dma_wait3A_374 : memref<16x2048xf32, #tpu.memory_space<vmem_shared>>)
      %add3A_377 = arith.constant 144 : i32
      %add3A_378 = arith.addi %add3A_56, %add3A_377 : i32
      %dma_start3A_379 = arith.constant 0 : i32
      %dma_start3A_380 = arith.constant 0 : i32
      %dma_start3A_381 = tpu.memref_slice %arg4[%add3A_378, %dma_start3A_380] : memref<8192x2048xf32, #tpu.memory_space<hbm>> -> memref<16x2048xf32, #tpu.memory_space<hbm>>
      %dma_start3A_382 = arith.constant 0 : i32
      %dma_start3A_383 = arith.constant 0 : i32
      %dma_start3A_384 = tpu.memref_slice %arg12[%select_n3A_49, %dma_start3A_379, %dma_start3A_382, %dma_start3A_383] : memref<4x3x16x2048xf32, #tpu.memory_space<vmem_shared>> -> memref<1x1x16x2048xf32, #tpu.memory_space<vmem_shared>>
      %dma_start3A_385 = tpu.memref_squeeze %dma_start3A_384 : memref<1x1x16x2048xf32, #tpu.memory_space<vmem_shared>> -> memref<16x2048xf32, #tpu.memory_space<vmem_shared>>
      tpu.enqueue_dma source(%dma_start3A_385 : memref<16x2048xf32, #tpu.memory_space<vmem_shared>>) target(%dma_start3A_381 : memref<16x2048xf32, #tpu.memory_space<hbm>>) target_semaphore(%arg16 : memref<!tpu.dma_semaphore, #tpu.memory_space<semaphore_mem>>)
      %dma_wait3A_386 = arith.constant 0 : i32
      %dma_wait3A_387 = arith.constant 0 : i32
      %dma_wait3A_388 = tpu.memref_slice %arg4[%add3A_378, %dma_wait3A_387] : memref<8192x2048xf32, #tpu.memory_space<hbm>> -> memref<16x2048xf32, #tpu.memory_space<hbm>>
      %dma_wait3A_389 = arith.constant 0 : i32
      %dma_wait3A_390 = arith.constant 0 : i32
      %dma_wait3A_391 = tpu.memref_slice %arg12[%select_n3A_49, %dma_wait3A_386, %dma_wait3A_389, %dma_wait3A_390] : memref<4x3x16x2048xf32, #tpu.memory_space<vmem_shared>> -> memref<1x1x16x2048xf32, #tpu.memory_space<vmem_shared>>
      %dma_wait3A_392 = tpu.memref_squeeze %dma_wait3A_391 : memref<1x1x16x2048xf32, #tpu.memory_space<vmem_shared>> -> memref<16x2048xf32, #tpu.memory_space<vmem_shared>>
      tpu.wait_dma2 semaphore(%arg16 : memref<!tpu.dma_semaphore, #tpu.memory_space<semaphore_mem>>) src(%dma_wait3A_392 : memref<16x2048xf32, #tpu.memory_space<vmem_shared>>) dst(%dma_wait3A_388 : memref<16x2048xf32, #tpu.memory_space<hbm>>)
      %add3A_393 = arith.constant 192 : i32
      %add3A_394 = arith.addi %add3A_56, %add3A_393 : i32
      %dma_start3A_395 = arith.constant 0 : i32
      %dma_start3A_396 = arith.constant 0 : i32
      %dma_start3A_397 = arith.constant 0 : i32
      %dma_start3A_398 = tpu.memref_slice %arg12[%select_n3A_49, %dma_start3A_395, %dma_start3A_396, %dma_start3A_397] : memref<4x3x16x2048xf32, #tpu.memory_space<vmem_shared>> -> memref<1x1x16x2048xf32, #tpu.memory_space<vmem_shared>>
      %dma_start3A_399 = tpu.memref_squeeze %dma_start3A_398 : memref<1x1x16x2048xf32, #tpu.memory_space<vmem_shared>> -> memref<16x2048xf32, #tpu.memory_space<vmem_shared>>
      %dma_start3A_400 = arith.constant 0 : i32
      %dma_start3A_401 = tpu.memref_slice %arg3[%add3A_394, %dma_start3A_400] : memref<8192x2048xf32, #tpu.memory_space<hbm>> -> memref<16x2048xf32, #tpu.memory_space<hbm>>
      tpu.enqueue_dma source(%dma_start3A_401 : memref<16x2048xf32, #tpu.memory_space<hbm>>) target(%dma_start3A_399 : memref<16x2048xf32, #tpu.memory_space<vmem_shared>>) target_semaphore(%arg13 : memref<!tpu.dma_semaphore, #tpu.memory_space<semaphore_mem>>)
      %dma_wait3A_402 = arith.constant 1 : i32
      %dma_wait3A_403 = arith.constant 0 : i32
      %dma_wait3A_404 = arith.constant 0 : i32
      %dma_wait3A_405 = tpu.memref_slice %arg12[%select_n3A_49, %dma_wait3A_402, %dma_wait3A_403, %dma_wait3A_404] : memref<4x3x16x2048xf32, #tpu.memory_space<vmem_shared>> -> memref<1x1x16x2048xf32, #tpu.memory_space<vmem_shared>>
      %dma_wait3A_406 = tpu.memref_squeeze %dma_wait3A_405 : memref<1x1x16x2048xf32, #tpu.memory_space<vmem_shared>> -> memref<16x2048xf32, #tpu.memory_space<vmem_shared>>
      %dma_wait3A_407 = arith.constant 0 : i32
      %dma_wait3A_408 = tpu.memref_slice %arg3[%add3A_330, %dma_wait3A_407] : memref<8192x2048xf32, #tpu.memory_space<hbm>> -> memref<16x2048xf32, #tpu.memory_space<hbm>>
      tpu.wait_dma2 semaphore(%arg14 : memref<!tpu.dma_semaphore, #tpu.memory_space<semaphore_mem>>) src(%dma_wait3A_408 : memref<16x2048xf32, #tpu.memory_space<hbm>>) dst(%dma_wait3A_406 : memref<16x2048xf32, #tpu.memory_space<vmem_shared>>)
      %add3A_409 = arith.constant 160 : i32
      %add3A_410 = arith.addi %add3A_56, %add3A_409 : i32
      %dma_start3A_411 = arith.constant 1 : i32
      %dma_start3A_412 = arith.constant 0 : i32
      %dma_start3A_413 = tpu.memref_slice %arg4[%add3A_410, %dma_start3A_412] : memref<8192x2048xf32, #tpu.memory_space<hbm>> -> memref<16x2048xf32, #tpu.memory_space<hbm>>
      %dma_start3A_414 = arith.constant 0 : i32
      %dma_start3A_415 = arith.constant 0 : i32
      %dma_start3A_416 = tpu.memref_slice %arg12[%select_n3A_49, %dma_start3A_411, %dma_start3A_414, %dma_start3A_415] : memref<4x3x16x2048xf32, #tpu.memory_space<vmem_shared>> -> memref<1x1x16x2048xf32, #tpu.memory_space<vmem_shared>>
      %dma_start3A_417 = tpu.memref_squeeze %dma_start3A_416 : memref<1x1x16x2048xf32, #tpu.memory_space<vmem_shared>> -> memref<16x2048xf32, #tpu.memory_space<vmem_shared>>
      tpu.enqueue_dma source(%dma_start3A_417 : memref<16x2048xf32, #tpu.memory_space<vmem_shared>>) target(%dma_start3A_413 : memref<16x2048xf32, #tpu.memory_space<hbm>>) target_semaphore(%arg17 : memref<!tpu.dma_semaphore, #tpu.memory_space<semaphore_mem>>)
      %dma_wait3A_418 = arith.constant 1 : i32
      %dma_wait3A_419 = arith.constant 0 : i32
      %dma_wait3A_420 = tpu.memref_slice %arg4[%add3A_410, %dma_wait3A_419] : memref<8192x2048xf32, #tpu.memory_space<hbm>> -> memref<16x2048xf32, #tpu.memory_space<hbm>>
      %dma_wait3A_421 = arith.constant 0 : i32
      %dma_wait3A_422 = arith.constant 0 : i32
      %dma_wait3A_423 = tpu.memref_slice %arg12[%select_n3A_49, %dma_wait3A_418, %dma_wait3A_421, %dma_wait3A_422] : memref<4x3x16x2048xf32, #tpu.memory_space<vmem_shared>> -> memref<1x1x16x2048xf32, #tpu.memory_space<vmem_shared>>
      %dma_wait3A_424 = tpu.memref_squeeze %dma_wait3A_423 : memref<1x1x16x2048xf32, #tpu.memory_space<vmem_shared>> -> memref<16x2048xf32, #tpu.memory_space<vmem_shared>>
      tpu.wait_dma2 semaphore(%arg17 : memref<!tpu.dma_semaphore, #tpu.memory_space<semaphore_mem>>) src(%dma_wait3A_424 : memref<16x2048xf32, #tpu.memory_space<vmem_shared>>) dst(%dma_wait3A_420 : memref<16x2048xf32, #tpu.memory_space<hbm>>)
      %add3A_425 = arith.constant 208 : i32
      %add3A_426 = arith.addi %add3A_56, %add3A_425 : i32
      %dma_start3A_427 = arith.constant 1 : i32
      %dma_start3A_428 = arith.constant 0 : i32
      %dma_start3A_429 = arith.constant 0 : i32
      %dma_start3A_430 = tpu.memref_slice %arg12[%select_n3A_49, %dma_start3A_427, %dma_start3A_428, %dma_start3A_429] : memref<4x3x16x2048xf32, #tpu.memory_space<vmem_shared>> -> memref<1x1x16x2048xf32, #tpu.memory_space<vmem_shared>>
      %dma_start3A_431 = tpu.memref_squeeze %dma_start3A_430 : memref<1x1x16x2048xf32, #tpu.memory_space<vmem_shared>> -> memref<16x2048xf32, #tpu.memory_space<vmem_shared>>
      %dma_start3A_432 = arith.constant 0 : i32
      %dma_start3A_433 = tpu.memref_slice %arg3[%add3A_426, %dma_start3A_432] : memref<8192x2048xf32, #tpu.memory_space<hbm>> -> memref<16x2048xf32, #tpu.memory_space<hbm>>
      tpu.enqueue_dma source(%dma_start3A_433 : memref<16x2048xf32, #tpu.memory_space<hbm>>) target(%dma_start3A_431 : memref<16x2048xf32, #tpu.memory_space<vmem_shared>>) target_semaphore(%arg14 : memref<!tpu.dma_semaphore, #tpu.memory_space<semaphore_mem>>)
      %dma_wait3A_434 = arith.constant 2 : i32
      %dma_wait3A_435 = arith.constant 0 : i32
      %dma_wait3A_436 = arith.constant 0 : i32
      %dma_wait3A_437 = tpu.memref_slice %arg12[%select_n3A_49, %dma_wait3A_434, %dma_wait3A_435, %dma_wait3A_436] : memref<4x3x16x2048xf32, #tpu.memory_space<vmem_shared>> -> memref<1x1x16x2048xf32, #tpu.memory_space<vmem_shared>>
      %dma_wait3A_438 = tpu.memref_squeeze %dma_wait3A_437 : memref<1x1x16x2048xf32, #tpu.memory_space<vmem_shared>> -> memref<16x2048xf32, #tpu.memory_space<vmem_shared>>
      %dma_wait3A_439 = arith.constant 0 : i32
      %dma_wait3A_440 = tpu.memref_slice %arg3[%add3A_362, %dma_wait3A_439] : memref<8192x2048xf32, #tpu.memory_space<hbm>> -> memref<16x2048xf32, #tpu.memory_space<hbm>>
      tpu.wait_dma2 semaphore(%arg15 : memref<!tpu.dma_semaphore, #tpu.memory_space<semaphore_mem>>) src(%dma_wait3A_440 : memref<16x2048xf32, #tpu.memory_space<hbm>>) dst(%dma_wait3A_438 : memref<16x2048xf32, #tpu.memory_space<vmem_shared>>)
      %add3A_441 = arith.constant 176 : i32
      %add3A_442 = arith.addi %add3A_56, %add3A_441 : i32
      %dma_start3A_443 = arith.constant 2 : i32
      %dma_start3A_444 = arith.constant 0 : i32
      %dma_start3A_445 = tpu.memref_slice %arg4[%add3A_442, %dma_start3A_444] : memref<8192x2048xf32, #tpu.memory_space<hbm>> -> memref<16x2048xf32, #tpu.memory_space<hbm>>
      %dma_start3A_446 = arith.constant 0 : i32
      %dma_start3A_447 = arith.constant 0 : i32
      %dma_start3A_448 = tpu.memref_slice %arg12[%select_n3A_49, %dma_start3A_443, %dma_start3A_446, %dma_start3A_447] : memref<4x3x16x2048xf32, #tpu.memory_space<vmem_shared>> -> memref<1x1x16x2048xf32, #tpu.memory_space<vmem_shared>>
      %dma_start3A_449 = tpu.memref_squeeze %dma_start3A_448 : memref<1x1x16x2048xf32, #tpu.memory_space<vmem_shared>> -> memref<16x2048xf32, #tpu.memory_space<vmem_shared>>
      tpu.enqueue_dma source(%dma_start3A_449 : memref<16x2048xf32, #tpu.memory_space<vmem_shared>>) target(%dma_start3A_445 : memref<16x2048xf32, #tpu.memory_space<hbm>>) target_semaphore(%arg18 : memref<!tpu.dma_semaphore, #tpu.memory_space<semaphore_mem>>)
      %dma_wait3A_450 = arith.constant 2 : i32
      %dma_wait3A_451 = arith.constant 0 : i32
      %dma_wait3A_452 = tpu.memref_slice %arg4[%add3A_442, %dma_wait3A_451] : memref<8192x2048xf32, #tpu.memory_space<hbm>> -> memref<16x2048xf32, #tpu.memory_space<hbm>>
      %dma_wait3A_453 = arith.constant 0 : i32
      %dma_wait3A_454 = arith.constant 0 : i32
      %dma_wait3A_455 = tpu.memref_slice %arg12[%select_n3A_49, %dma_wait3A_450, %dma_wait3A_453, %dma_wait3A_454] : memref<4x3x16x2048xf32, #tpu.memory_space<vmem_shared>> -> memref<1x1x16x2048xf32, #tpu.memory_space<vmem_shared>>
      %dma_wait3A_456 = tpu.memref_squeeze %dma_wait3A_455 : memref<1x1x16x2048xf32, #tpu.memory_space<vmem_shared>> -> memref<16x2048xf32, #tpu.memory_space<vmem_shared>>
      tpu.wait_dma2 semaphore(%arg18 : memref<!tpu.dma_semaphore, #tpu.memory_space<semaphore_mem>>) src(%dma_wait3A_456 : memref<16x2048xf32, #tpu.memory_space<vmem_shared>>) dst(%dma_wait3A_452 : memref<16x2048xf32, #tpu.memory_space<hbm>>)
      %add3A_457 = arith.constant 224 : i32
      %add3A_458 = arith.addi %add3A_56, %add3A_457 : i32
      %dma_start3A_459 = arith.constant 2 : i32
      %dma_start3A_460 = arith.constant 0 : i32
      %dma_start3A_461 = arith.constant 0 : i32
      %dma_start3A_462 = tpu.memref_slice %arg12[%select_n3A_49, %dma_start3A_459, %dma_start3A_460, %dma_start3A_461] : memref<4x3x16x2048xf32, #tpu.memory_space<vmem_shared>> -> memref<1x1x16x2048xf32, #tpu.memory_space<vmem_shared>>
      %dma_start3A_463 = tpu.memref_squeeze %dma_start3A_462 : memref<1x1x16x2048xf32, #tpu.memory_space<vmem_shared>> -> memref<16x2048xf32, #tpu.memory_space<vmem_shared>>
      %dma_start3A_464 = arith.constant 0 : i32
      %dma_start3A_465 = tpu.memref_slice %arg3[%add3A_458, %dma_start3A_464] : memref<8192x2048xf32, #tpu.memory_space<hbm>> -> memref<16x2048xf32, #tpu.memory_space<hbm>>
      tpu.enqueue_dma source(%dma_start3A_465 : memref<16x2048xf32, #tpu.memory_space<hbm>>) target(%dma_start3A_463 : memref<16x2048xf32, #tpu.memory_space<vmem_shared>>) target_semaphore(%arg15 : memref<!tpu.dma_semaphore, #tpu.memory_space<semaphore_mem>>)
      %dma_wait3A_466 = arith.constant 0 : i32
      %dma_wait3A_467 = arith.constant 0 : i32
      %dma_wait3A_468 = arith.constant 0 : i32
      %dma_wait3A_469 = tpu.memref_slice %arg12[%select_n3A_49, %dma_wait3A_466, %dma_wait3A_467, %dma_wait3A_468] : memref<4x3x16x2048xf32, #tpu.memory_space<vmem_shared>> -> memref<1x1x16x2048xf32, #tpu.memory_space<vmem_shared>>
      %dma_wait3A_470 = tpu.memref_squeeze %dma_wait3A_469 : memref<1x1x16x2048xf32, #tpu.memory_space<vmem_shared>> -> memref<16x2048xf32, #tpu.memory_space<vmem_shared>>
      %dma_wait3A_471 = arith.constant 0 : i32
      %dma_wait3A_472 = tpu.memref_slice %arg3[%add3A_394, %dma_wait3A_471] : memref<8192x2048xf32, #tpu.memory_space<hbm>> -> memref<16x2048xf32, #tpu.memory_space<hbm>>
      tpu.wait_dma2 semaphore(%arg13 : memref<!tpu.dma_semaphore, #tpu.memory_space<semaphore_mem>>) src(%dma_wait3A_472 : memref<16x2048xf32, #tpu.memory_space<hbm>>) dst(%dma_wait3A_470 : memref<16x2048xf32, #tpu.memory_space<vmem_shared>>)
      %add3A_473 = arith.constant 192 : i32
      %add3A_474 = arith.addi %add3A_56, %add3A_473 : i32
      %dma_start3A_475 = arith.constant 0 : i32
      %dma_start3A_476 = arith.constant 0 : i32
      %dma_start3A_477 = tpu.memref_slice %arg4[%add3A_474, %dma_start3A_476] : memref<8192x2048xf32, #tpu.memory_space<hbm>> -> memref<16x2048xf32, #tpu.memory_space<hbm>>
      %dma_start3A_478 = arith.constant 0 : i32
      %dma_start3A_479 = arith.constant 0 : i32
      %dma_start3A_480 = tpu.memref_slice %arg12[%select_n3A_49, %dma_start3A_475, %dma_start3A_478, %dma_start3A_479] : memref<4x3x16x2048xf32, #tpu.memory_space<vmem_shared>> -> memref<1x1x16x2048xf32, #tpu.memory_space<vmem_shared>>
      %dma_start3A_481 = tpu.memref_squeeze %dma_start3A_480 : memref<1x1x16x2048xf32, #tpu.memory_space<vmem_shared>> -> memref<16x2048xf32, #tpu.memory_space<vmem_shared>>
      tpu.enqueue_dma source(%dma_start3A_481 : memref<16x2048xf32, #tpu.memory_space<vmem_shared>>) target(%dma_start3A_477 : memref<16x2048xf32, #tpu.memory_space<hbm>>) target_semaphore(%arg16 : memref<!tpu.dma_semaphore, #tpu.memory_space<semaphore_mem>>)
      %dma_wait3A_482 = arith.constant 0 : i32
      %dma_wait3A_483 = arith.constant 0 : i32
      %dma_wait3A_484 = tpu.memref_slice %arg4[%add3A_474, %dma_wait3A_483] : memref<8192x2048xf32, #tpu.memory_space<hbm>> -> memref<16x2048xf32, #tpu.memory_space<hbm>>
      %dma_wait3A_485 = arith.constant 0 : i32
      %dma_wait3A_486 = arith.constant 0 : i32
      %dma_wait3A_487 = tpu.memref_slice %arg12[%select_n3A_49, %dma_wait3A_482, %dma_wait3A_485, %dma_wait3A_486] : memref<4x3x16x2048xf32, #tpu.memory_space<vmem_shared>> -> memref<1x1x16x2048xf32, #tpu.memory_space<vmem_shared>>
      %dma_wait3A_488 = tpu.memref_squeeze %dma_wait3A_487 : memref<1x1x16x2048xf32, #tpu.memory_space<vmem_shared>> -> memref<16x2048xf32, #tpu.memory_space<vmem_shared>>
      tpu.wait_dma2 semaphore(%arg16 : memref<!tpu.dma_semaphore, #tpu.memory_space<semaphore_mem>>) src(%dma_wait3A_488 : memref<16x2048xf32, #tpu.memory_space<vmem_shared>>) dst(%dma_wait3A_484 : memref<16x2048xf32, #tpu.memory_space<hbm>>)
      %add3A_489 = arith.constant 240 : i32
      %add3A_490 = arith.addi %add3A_56, %add3A_489 : i32
      %dma_start3A_491 = arith.constant 0 : i32
      %dma_start3A_492 = arith.constant 0 : i32
      %dma_start3A_493 = arith.constant 0 : i32
      %dma_start3A_494 = tpu.memref_slice %arg12[%select_n3A_49, %dma_start3A_491, %dma_start3A_492, %dma_start3A_493] : memref<4x3x16x2048xf32, #tpu.memory_space<vmem_shared>> -> memref<1x1x16x2048xf32, #tpu.memory_space<vmem_shared>>
      %dma_start3A_495 = tpu.memref_squeeze %dma_start3A_494 : memref<1x1x16x2048xf32, #tpu.memory_space<vmem_shared>> -> memref<16x2048xf32, #tpu.memory_space<vmem_shared>>
      %dma_start3A_496 = arith.constant 0 : i32
      %dma_start3A_497 = tpu.memref_slice %arg3[%add3A_490, %dma_start3A_496] : memref<8192x2048xf32, #tpu.memory_space<hbm>> -> memref<16x2048xf32, #tpu.memory_space<hbm>>
      tpu.enqueue_dma source(%dma_start3A_497 : memref<16x2048xf32, #tpu.memory_space<hbm>>) target(%dma_start3A_495 : memref<16x2048xf32, #tpu.memory_space<vmem_shared>>) target_semaphore(%arg13 : memref<!tpu.dma_semaphore, #tpu.memory_space<semaphore_mem>>)
      %dma_wait3A_498 = arith.constant 1 : i32
      %dma_wait3A_499 = arith.constant 0 : i32
      %dma_wait3A_500 = arith.constant 0 : i32
      %dma_wait3A_501 = tpu.memref_slice %arg12[%select_n3A_49, %dma_wait3A_498, %dma_wait3A_499, %dma_wait3A_500] : memref<4x3x16x2048xf32, #tpu.memory_space<vmem_shared>> -> memref<1x1x16x2048xf32, #tpu.memory_space<vmem_shared>>
      %dma_wait3A_502 = tpu.memref_squeeze %dma_wait3A_501 : memref<1x1x16x2048xf32, #tpu.memory_space<vmem_shared>> -> memref<16x2048xf32, #tpu.memory_space<vmem_shared>>
      %dma_wait3A_503 = arith.constant 0 : i32
      %dma_wait3A_504 = tpu.memref_slice %arg3[%add3A_426, %dma_wait3A_503] : memref<8192x2048xf32, #tpu.memory_space<hbm>> -> memref<16x2048xf32, #tpu.memory_space<hbm>>
      tpu.wait_dma2 semaphore(%arg14 : memref<!tpu.dma_semaphore, #tpu.memory_space<semaphore_mem>>) src(%dma_wait3A_504 : memref<16x2048xf32, #tpu.memory_space<hbm>>) dst(%dma_wait3A_502 : memref<16x2048xf32, #tpu.memory_space<vmem_shared>>)
      %add3A_505 = arith.constant 208 : i32
      %add3A_506 = arith.addi %add3A_56, %add3A_505 : i32
      %dma_start3A_507 = arith.constant 1 : i32
      %dma_start3A_508 = arith.constant 0 : i32
      %dma_start3A_509 = tpu.memref_slice %arg4[%add3A_506, %dma_start3A_508] : memref<8192x2048xf32, #tpu.memory_space<hbm>> -> memref<16x2048xf32, #tpu.memory_space<hbm>>
      %dma_start3A_510 = arith.constant 0 : i32
      %dma_start3A_511 = arith.constant 0 : i32
      %dma_start3A_512 = tpu.memref_slice %arg12[%select_n3A_49, %dma_start3A_507, %dma_start3A_510, %dma_start3A_511] : memref<4x3x16x2048xf32, #tpu.memory_space<vmem_shared>> -> memref<1x1x16x2048xf32, #tpu.memory_space<vmem_shared>>
      %dma_start3A_513 = tpu.memref_squeeze %dma_start3A_512 : memref<1x1x16x2048xf32, #tpu.memory_space<vmem_shared>> -> memref<16x2048xf32, #tpu.memory_space<vmem_shared>>
      tpu.enqueue_dma source(%dma_start3A_513 : memref<16x2048xf32, #tpu.memory_space<vmem_shared>>) target(%dma_start3A_509 : memref<16x2048xf32, #tpu.memory_space<hbm>>) target_semaphore(%arg17 : memref<!tpu.dma_semaphore, #tpu.memory_space<semaphore_mem>>)
      %dma_wait3A_514 = arith.constant 1 : i32
      %dma_wait3A_515 = arith.constant 0 : i32
      %dma_wait3A_516 = tpu.memref_slice %arg4[%add3A_506, %dma_wait3A_515] : memref<8192x2048xf32, #tpu.memory_space<hbm>> -> memref<16x2048xf32, #tpu.memory_space<hbm>>
      %dma_wait3A_517 = arith.constant 0 : i32
      %dma_wait3A_518 = arith.constant 0 : i32
      %dma_wait3A_519 = tpu.memref_slice %arg12[%select_n3A_49, %dma_wait3A_514, %dma_wait3A_517, %dma_wait3A_518] : memref<4x3x16x2048xf32, #tpu.memory_space<vmem_shared>> -> memref<1x1x16x2048xf32, #tpu.memory_space<vmem_shared>>
      %dma_wait3A_520 = tpu.memref_squeeze %dma_wait3A_519 : memref<1x1x16x2048xf32, #tpu.memory_space<vmem_shared>> -> memref<16x2048xf32, #tpu.memory_space<vmem_shared>>
      tpu.wait_dma2 semaphore(%arg17 : memref<!tpu.dma_semaphore, #tpu.memory_space<semaphore_mem>>) src(%dma_wait3A_520 : memref<16x2048xf32, #tpu.memory_space<vmem_shared>>) dst(%dma_wait3A_516 : memref<16x2048xf32, #tpu.memory_space<hbm>>)
      %dma_wait3A_521 = arith.constant 2 : i32
      %dma_wait3A_522 = arith.constant 0 : i32
      %dma_wait3A_523 = arith.constant 0 : i32
      %dma_wait3A_524 = tpu.memref_slice %arg12[%select_n3A_49, %dma_wait3A_521, %dma_wait3A_522, %dma_wait3A_523] : memref<4x3x16x2048xf32, #tpu.memory_space<vmem_shared>> -> memref<1x1x16x2048xf32, #tpu.memory_space<vmem_shared>>
      %dma_wait3A_525 = tpu.memref_squeeze %dma_wait3A_524 : memref<1x1x16x2048xf32, #tpu.memory_space<vmem_shared>> -> memref<16x2048xf32, #tpu.memory_space<vmem_shared>>
      %dma_wait3A_526 = arith.constant 0 : i32
      %dma_wait3A_527 = tpu.memref_slice %arg3[%add3A_458, %dma_wait3A_526] : memref<8192x2048xf32, #tpu.memory_space<hbm>> -> memref<16x2048xf32, #tpu.memory_space<hbm>>
      tpu.wait_dma2 semaphore(%arg15 : memref<!tpu.dma_semaphore, #tpu.memory_space<semaphore_mem>>) src(%dma_wait3A_527 : memref<16x2048xf32, #tpu.memory_space<hbm>>) dst(%dma_wait3A_525 : memref<16x2048xf32, #tpu.memory_space<vmem_shared>>)
      %add3A_528 = arith.constant 224 : i32
      %add3A_529 = arith.addi %add3A_56, %add3A_528 : i32
      %dma_start3A_530 = arith.constant 2 : i32
      %dma_start3A_531 = arith.constant 0 : i32
      %dma_start3A_532 = tpu.memref_slice %arg4[%add3A_529, %dma_start3A_531] : memref<8192x2048xf32, #tpu.memory_space<hbm>> -> memref<16x2048xf32, #tpu.memory_space<hbm>>
      %dma_start3A_533 = arith.constant 0 : i32
      %dma_start3A_534 = arith.constant 0 : i32
      %dma_start3A_535 = tpu.memref_slice %arg12[%select_n3A_49, %dma_start3A_530, %dma_start3A_533, %dma_start3A_534] : memref<4x3x16x2048xf32, #tpu.memory_space<vmem_shared>> -> memref<1x1x16x2048xf32, #tpu.memory_space<vmem_shared>>
      %dma_start3A_536 = tpu.memref_squeeze %dma_start3A_535 : memref<1x1x16x2048xf32, #tpu.memory_space<vmem_shared>> -> memref<16x2048xf32, #tpu.memory_space<vmem_shared>>
      tpu.enqueue_dma source(%dma_start3A_536 : memref<16x2048xf32, #tpu.memory_space<vmem_shared>>) target(%dma_start3A_532 : memref<16x2048xf32, #tpu.memory_space<hbm>>) target_semaphore(%arg18 : memref<!tpu.dma_semaphore, #tpu.memory_space<semaphore_mem>>)
      %dma_wait3A_537 = arith.constant 2 : i32
      %dma_wait3A_538 = arith.constant 0 : i32
      %dma_wait3A_539 = tpu.memref_slice %arg4[%add3A_529, %dma_wait3A_538] : memref<8192x2048xf32, #tpu.memory_space<hbm>> -> memref<16x2048xf32, #tpu.memory_space<hbm>>
      %dma_wait3A_540 = arith.constant 0 : i32
      %dma_wait3A_541 = arith.constant 0 : i32
      %dma_wait3A_542 = tpu.memref_slice %arg12[%select_n3A_49, %dma_wait3A_537, %dma_wait3A_540, %dma_wait3A_541] : memref<4x3x16x2048xf32, #tpu.memory_space<vmem_shared>> -> memref<1x1x16x2048xf32, #tpu.memory_space<vmem_shared>>
      %dma_wait3A_543 = tpu.memref_squeeze %dma_wait3A_542 : memref<1x1x16x2048xf32, #tpu.memory_space<vmem_shared>> -> memref<16x2048xf32, #tpu.memory_space<vmem_shared>>
      tpu.wait_dma2 semaphore(%arg18 : memref<!tpu.dma_semaphore, #tpu.memory_space<semaphore_mem>>) src(%dma_wait3A_543 : memref<16x2048xf32, #tpu.memory_space<vmem_shared>>) dst(%dma_wait3A_539 : memref<16x2048xf32, #tpu.memory_space<hbm>>)
      %dma_wait3A_544 = arith.constant 0 : i32
      %dma_wait3A_545 = arith.constant 0 : i32
      %dma_wait3A_546 = arith.constant 0 : i32
      %dma_wait3A_547 = tpu.memref_slice %arg12[%select_n3A_49, %dma_wait3A_544, %dma_wait3A_545, %dma_wait3A_546] : memref<4x3x16x2048xf32, #tpu.memory_space<vmem_shared>> -> memref<1x1x16x2048xf32, #tpu.memory_space<vmem_shared>>
      %dma_wait3A_548 = tpu.memref_squeeze %dma_wait3A_547 : memref<1x1x16x2048xf32, #tpu.memory_space<vmem_shared>> -> memref<16x2048xf32, #tpu.memory_space<vmem_shared>>
      %dma_wait3A_549 = arith.constant 0 : i32
      %dma_wait3A_550 = tpu.memref_slice %arg3[%add3A_490, %dma_wait3A_549] : memref<8192x2048xf32, #tpu.memory_space<hbm>> -> memref<16x2048xf32, #tpu.memory_space<hbm>>
      tpu.wait_dma2 semaphore(%arg13 : memref<!tpu.dma_semaphore, #tpu.memory_space<semaphore_mem>>) src(%dma_wait3A_550 : memref<16x2048xf32, #tpu.memory_space<hbm>>) dst(%dma_wait3A_548 : memref<16x2048xf32, #tpu.memory_space<vmem_shared>>)
      %add3A_551 = arith.constant 240 : i32
      %add3A_552 = arith.addi %add3A_56, %add3A_551 : i32
      %dma_start3A_553 = arith.constant 0 : i32
      %dma_start3A_554 = arith.constant 0 : i32
      %dma_start3A_555 = tpu.memref_slice %arg4[%add3A_552, %dma_start3A_554] : memref<8192x2048xf32, #tpu.memory_space<hbm>> -> memref<16x2048xf32, #tpu.memory_space<hbm>>
      %dma_start3A_556 = arith.constant 0 : i32
      %dma_start3A_557 = arith.constant 0 : i32
      %dma_start3A_558 = tpu.memref_slice %arg12[%select_n3A_49, %dma_start3A_553, %dma_start3A_556, %dma_start3A_557] : memref<4x3x16x2048xf32, #tpu.memory_space<vmem_shared>> -> memref<1x1x16x2048xf32, #tpu.memory_space<vmem_shared>>
      %dma_start3A_559 = tpu.memref_squeeze %dma_start3A_558 : memref<1x1x16x2048xf32, #tpu.memory_space<vmem_shared>> -> memref<16x2048xf32, #tpu.memory_space<vmem_shared>>
      tpu.enqueue_dma source(%dma_start3A_559 : memref<16x2048xf32, #tpu.memory_space<vmem_shared>>) target(%dma_start3A_555 : memref<16x2048xf32, #tpu.memory_space<hbm>>) target_semaphore(%arg16 : memref<!tpu.dma_semaphore, #tpu.memory_space<semaphore_mem>>)
      %dma_wait3A_560 = arith.constant 0 : i32
      %dma_wait3A_561 = arith.constant 0 : i32
      %dma_wait3A_562 = tpu.memref_slice %arg4[%add3A_552, %dma_wait3A_561] : memref<8192x2048xf32, #tpu.memory_space<hbm>> -> memref<16x2048xf32, #tpu.memory_space<hbm>>
      %dma_wait3A_563 = arith.constant 0 : i32
      %dma_wait3A_564 = arith.constant 0 : i32
      %dma_wait3A_565 = tpu.memref_slice %arg12[%select_n3A_49, %dma_wait3A_560, %dma_wait3A_563, %dma_wait3A_564] : memref<4x3x16x2048xf32, #tpu.memory_space<vmem_shared>> -> memref<1x1x16x2048xf32, #tpu.memory_space<vmem_shared>>
      %dma_wait3A_566 = tpu.memref_squeeze %dma_wait3A_565 : memref<1x1x16x2048xf32, #tpu.memory_space<vmem_shared>> -> memref<16x2048xf32, #tpu.memory_space<vmem_shared>>
      tpu.wait_dma2 semaphore(%arg16 : memref<!tpu.dma_semaphore, #tpu.memory_space<semaphore_mem>>) src(%dma_wait3A_566 : memref<16x2048xf32, #tpu.memory_space<vmem_shared>>) dst(%dma_wait3A_562 : memref<16x2048xf32, #tpu.memory_space<hbm>>)
    } else {
    }
    %not3A = arith.constant true
    %not3A_19 = arith.xori %eq3A_16, %not3A : i1
    %and3A_20 = arith.andi %ge3A_5, %not3A_19 : i1
    %convert_element_type3A_21 = arith.extui %and3A_20 : i1 to i32
    %cond3A_22 = arith.constant 0 : i32
    %cond3A_23 = arith.cmpi ne, %convert_element_type3A_21, %cond3A_22 : i32
    scf.if %cond3A_23 {
      %jit3A_29 = arith.constant 4 : i32
      %div3A = arith.divsi %arg1, %jit3A_29 : i32
      %sign3A = arith.constant 0 : i32
      %sign3A_30 = arith.cmpi sgt, %arg1, %sign3A : i32
      %sign3A_31 = arith.extui %sign3A_30 : i1 to i32
      %sign3A_32 = arith.constant 0 : i32
      %sign3A_33 = arith.cmpi slt, %arg1, %sign3A_32 : i32
      %sign3A_34 = arith.extui %sign3A_33 : i1 to i32
      %sign3A_35 = arith.subi %sign3A_31, %sign3A_34 : i32
      %sign3A_36 = arith.constant 0 : i32
      %sign3A_37 = arith.cmpi sgt, %jit3A_29, %sign3A_36 : i32
      %sign3A_38 = arith.extui %sign3A_37 : i1 to i32
      %sign3A_39 = arith.constant 0 : i32
      %sign3A_40 = arith.cmpi slt, %jit3A_29, %sign3A_39 : i32
      %sign3A_41 = arith.extui %sign3A_40 : i1 to i32
      %sign3A_42 = arith.subi %sign3A_38, %sign3A_41 : i32
      %ne3A_43 = arith.cmpi ne, %sign3A_35, %sign3A_42 : i32
      %rem3A_44 = arith.remsi %arg1, %jit3A_29 : i32
      %ne3A_45 = arith.constant 0 : i32
      %ne3A_46 = arith.cmpi ne, %rem3A_44, %ne3A_45 : i32
      %and3A_47 = arith.andi %ne3A_43, %ne3A_46 : i1
      %sub3A = arith.constant 1 : i32
      %sub3A_48 = arith.subi %div3A, %sub3A : i32
      %select_n3A_49 = arith.select %and3A_47, %sub3A_48, %div3A : i32
      %sub3A_50 = arith.subi %arg1, %select_n3A_49 : i32
      %sub3A_51 = arith.constant 1 : i32
      %sub3A_52 = arith.subi %sub3A_50, %sub3A_51 : i32
      %mul3A_53 = arith.constant 2 : i32
      %mul3A_54 = arith.muli %sub3A_52, %mul3A_53 : i32
      %add3A_55 = arith.addi %mul3A_54, %arg0 : i32
      %mul3A_56 = arith.constant 256 : i32
      %mul3A_57 = arith.muli %add3A_55, %mul3A_56 : i32
      %add3A_58 = arith.constant 0 : i32
      %add3A_59 = arith.addi %mul3A_57, %add3A_58 : i32
      %add3A_60 = vector.broadcast %add3A_59 : i32 to vector<16xi32>
      %add3A_61 = arith.addi %add3A_60, %iota3A : vector<16xi32>
      %min3A = arith.minsi %add3A_61, %get3A_4 : vector<16xi32>
      %swap3A = arith.constant 0 : index
      %swap3A_62 = tpu.vector_load %arg6[%swap3A] {strides = array<i32>} : memref<16xi32, #tpu.memory_space<vmem>>, vector<16xi32>,
      %swap3A_63 = vector.shape_cast %swap3A_62 : vector<16xi32> to vector<16xi32>
      %swap3A_64 = vector.shape_cast %min3A : vector<16xi32> to vector<16xi32>
      tpu.vector_store %arg6[%swap3A], %swap3A_64 {strides = array<i32>} : memref<16xi32, #tpu.memory_space<vmem>>, vector<16xi32>,
      %dma_start3A = arith.constant 0 : i32
      %dma_start3A_65 = arith.constant 0 : i32
      %dma_start3A_66 = tpu.memref_slice %arg3[%dma_start3A, %dma_start3A_65] : memref<8192x2048xf32, #tpu.memory_space<hbm>> -> memref<8192x2048xf32, #tpu.memory_space<hbm>>
      tpu.enqueue_indirect_dma source(%dma_start3A_66 : memref<8192x2048xf32, #tpu.memory_space<hbm>>) target(%arg9 : memref<16x2048xf32, #tpu.memory_space<vmem>>) offsets(%arg6 : memref<16xi32, #tpu.memory_space<vmem>>) semaphore(%arg13 : memref<!tpu.dma_semaphore, #tpu.memory_space<semaphore_mem>>)
      %add3A_67 = arith.constant 16 : i32
      %add3A_68 = arith.addi %mul3A_57, %add3A_67 : i32
      %add3A_69 = vector.broadcast %add3A_68 : i32 to vector<16xi32>
      %add3A_70 = arith.addi %add3A_69, %iota3A : vector<16xi32>
      %min3A_71 = arith.minsi %add3A_70, %get3A_4 : vector<16xi32>
      %swap3A_72 = arith.constant 0 : index
      %swap3A_73 = tpu.vector_load %arg7[%swap3A_72] {strides = array<i32>} : memref<16xi32, #tpu.memory_space<vmem>>, vector<16xi32>,
      %swap3A_74 = vector.shape_cast %swap3A_73 : vector<16xi32> to vector<16xi32>
      %swap3A_75 = vector.shape_cast %min3A_71 : vector<16xi32> to vector<16xi32>
      tpu.vector_store %arg7[%swap3A_72], %swap3A_75 {strides = array<i32>} : memref<16xi32, #tpu.memory_space<vmem>>, vector<16xi32>,
      %dma_start3A_76 = arith.constant 0 : i32
      %dma_start3A_77 = arith.constant 0 : i32
      %dma_start3A_78 = tpu.memref_slice %arg3[%dma_start3A_76, %dma_start3A_77] : memref<8192x2048xf32, #tpu.memory_space<hbm>> -> memref<8192x2048xf32, #tpu.memory_space<hbm>>
      tpu.enqueue_indirect_dma source(%dma_start3A_78 : memref<8192x2048xf32, #tpu.memory_space<hbm>>) target(%arg10 : memref<16x2048xf32, #tpu.memory_space<vmem>>) offsets(%arg7 : memref<16xi32, #tpu.memory_space<vmem>>) semaphore(%arg14 : memref<!tpu.dma_semaphore, #tpu.memory_space<semaphore_mem>>)
      %add3A_79 = arith.constant 32 : i32
      %add3A_80 = arith.addi %mul3A_57, %add3A_79 : i32
      %add3A_81 = vector.broadcast %add3A_80 : i32 to vector<16xi32>
      %add3A_82 = arith.addi %add3A_81, %iota3A : vector<16xi32>
      %min3A_83 = arith.minsi %add3A_82, %get3A_4 : vector<16xi32>
      %swap3A_84 = arith.constant 0 : index
      %swap3A_85 = tpu.vector_load %arg8[%swap3A_84] {strides = array<i32>} : memref<16xi32, #tpu.memory_space<vmem>>, vector<16xi32>,
      %swap3A_86 = vector.shape_cast %swap3A_85 : vector<16xi32> to vector<16xi32>
      %swap3A_87 = vector.shape_cast %min3A_83 : vector<16xi32> to vector<16xi32>
      tpu.vector_store %arg8[%swap3A_84], %swap3A_87 {strides = array<i32>} : memref<16xi32, #tpu.memory_space<vmem>>, vector<16xi32>,
      %dma_start3A_88 = arith.constant 0 : i32
      %dma_start3A_89 = arith.constant 0 : i32
      %dma_start3A_90 = tpu.memref_slice %arg3[%dma_start3A_88, %dma_start3A_89] : memref<8192x2048xf32, #tpu.memory_space<hbm>> -> memref<8192x2048xf32, #tpu.memory_space<hbm>>
      tpu.enqueue_indirect_dma source(%dma_start3A_90 : memref<8192x2048xf32, #tpu.memory_space<hbm>>) target(%arg11 : memref<16x2048xf32, #tpu.memory_space<vmem>>) offsets(%arg8 : memref<16xi32, #tpu.memory_space<vmem>>) semaphore(%arg15 : memref<!tpu.dma_semaphore, #tpu.memory_space<semaphore_mem>>)
      %dma_wait3A = arith.constant 0 : i32
      %dma_wait3A_91 = arith.constant 0 : i32
      %dma_wait3A_92 = tpu.memref_slice %arg3[%dma_wait3A, %dma_wait3A_91] : memref<8192x2048xf32, #tpu.memory_space<hbm>> -> memref<8192x2048xf32, #tpu.memory_space<hbm>>
      tpu.wait_indirect_dma semaphore(%arg13 : memref<!tpu.dma_semaphore, #tpu.memory_space<semaphore_mem>>) src(%dma_wait3A_92 : memref<8192x2048xf32, #tpu.memory_space<hbm>>) dst(%arg9 : memref<16x2048xf32, #tpu.memory_space<vmem>>)
      %add3A_93 = arith.constant 0 : i32
      %add3A_94 = arith.addi %mul3A_57, %add3A_93 : i32
      %dma_start3A_95 = arith.constant 0 : i32
      %dma_start3A_96 = tpu.memref_slice %arg4[%add3A_94, %dma_start3A_95] : memref<8192x2048xf32, #tpu.memory_space<hbm>> -> memref<16x2048xf32, #tpu.memory_space<hbm>>
      %dma_start3A_97 = arith.constant 0 : i32
      %dma_start3A_98 = tpu.memref_slice %arg4[%add3A_94, %dma_start3A_97] : memref<8192x2048xf32, #tpu.memory_space<hbm>> -> memref<16x2048xf32, #tpu.memory_space<hbm>>
      tpu.enqueue_dma source(%arg9 : memref<16x2048xf32, #tpu.memory_space<vmem>>) target(%dma_start3A_98 : memref<16x2048xf32, #tpu.memory_space<hbm>>) target_semaphore(%arg16 : memref<!tpu.dma_semaphore, #tpu.memory_space<semaphore_mem>>)
      %dma_wait3A_99 = arith.constant 0 : i32
      %dma_wait3A_100 = tpu.memref_slice %arg4[%add3A_94, %dma_wait3A_99] : memref<8192x2048xf32, #tpu.memory_space<hbm>> -> memref<16x2048xf32, #tpu.memory_space<hbm>>
      %dma_wait3A_101 = arith.constant 0 : i32
      %dma_wait3A_102 = tpu.memref_slice %arg4[%add3A_94, %dma_wait3A_101] : memref<8192x2048xf32, #tpu.memory_space<hbm>> -> memref<16x2048xf32, #tpu.memory_space<hbm>>
      tpu.wait_dma2 semaphore(%arg16 : memref<!tpu.dma_semaphore, #tpu.memory_space<semaphore_mem>>) src(%arg9 : memref<16x2048xf32, #tpu.memory_space<vmem>>) dst(%dma_wait3A_102 : memref<16x2048xf32, #tpu.memory_space<hbm>>)
      %add3A_103 = arith.constant 48 : i32
      %add3A_104 = arith.addi %mul3A_57, %add3A_103 : i32
      %add3A_105 = vector.broadcast %add3A_104 : i32 to vector<16xi32>
      %add3A_106 = arith.addi %add3A_105, %iota3A : vector<16xi32>
      %min3A_107 = arith.minsi %add3A_106, %get3A_4 : vector<16xi32>
      %swap3A_108 = arith.constant 0 : index
      %swap3A_109 = tpu.vector_load %arg6[%swap3A_108] {strides = array<i32>} : memref<16xi32, #tpu.memory_space<vmem>>, vector<16xi32>,
      %swap3A_110 = vector.shape_cast %swap3A_109 : vector<16xi32> to vector<16xi32>
      %swap3A_111 = vector.shape_cast %min3A_107 : vector<16xi32> to vector<16xi32>
      tpu.vector_store %arg6[%swap3A_108], %swap3A_111 {strides = array<i32>} : memref<16xi32, #tpu.memory_space<vmem>>, vector<16xi32>,
      %dma_start3A_112 = arith.constant 0 : i32
      %dma_start3A_113 = arith.constant 0 : i32
      %dma_start3A_114 = tpu.memref_slice %arg3[%dma_start3A_112, %dma_start3A_113] : memref<8192x2048xf32, #tpu.memory_space<hbm>> -> memref<8192x2048xf32, #tpu.memory_space<hbm>>
      tpu.enqueue_indirect_dma source(%dma_start3A_114 : memref<8192x2048xf32, #tpu.memory_space<hbm>>) target(%arg9 : memref<16x2048xf32, #tpu.memory_space<vmem>>) offsets(%arg6 : memref<16xi32, #tpu.memory_space<vmem>>) semaphore(%arg13 : memref<!tpu.dma_semaphore, #tpu.memory_space<semaphore_mem>>)
      %dma_wait3A_115 = arith.constant 0 : i32
      %dma_wait3A_116 = arith.constant 0 : i32
      %dma_wait3A_117 = tpu.memref_slice %arg3[%dma_wait3A_115, %dma_wait3A_116] : memref<8192x2048xf32, #tpu.memory_space<hbm>> -> memref<8192x2048xf32, #tpu.memory_space<hbm>>
      tpu.wait_indirect_dma semaphore(%arg14 : memref<!tpu.dma_semaphore, #tpu.memory_space<semaphore_mem>>) src(%dma_wait3A_117 : memref<8192x2048xf32, #tpu.memory_space<hbm>>) dst(%arg10 : memref<16x2048xf32, #tpu.memory_space<vmem>>)
      %add3A_118 = arith.constant 16 : i32
      %add3A_119 = arith.addi %mul3A_57, %add3A_118 : i32
      %dma_start3A_120 = arith.constant 0 : i32
      %dma_start3A_121 = tpu.memref_slice %arg4[%add3A_119, %dma_start3A_120] : memref<8192x2048xf32, #tpu.memory_space<hbm>> -> memref<16x2048xf32, #tpu.memory_space<hbm>>
      %dma_start3A_122 = arith.constant 0 : i32
      %dma_start3A_123 = tpu.memref_slice %arg4[%add3A_119, %dma_start3A_122] : memref<8192x2048xf32, #tpu.memory_space<hbm>> -> memref<16x2048xf32, #tpu.memory_space<hbm>>
      tpu.enqueue_dma source(%arg10 : memref<16x2048xf32, #tpu.memory_space<vmem>>) target(%dma_start3A_123 : memref<16x2048xf32, #tpu.memory_space<hbm>>) target_semaphore(%arg17 : memref<!tpu.dma_semaphore, #tpu.memory_space<semaphore_mem>>)
      %dma_wait3A_124 = arith.constant 0 : i32
      %dma_wait3A_125 = tpu.memref_slice %arg4[%add3A_119, %dma_wait3A_124] : memref<8192x2048xf32, #tpu.memory_space<hbm>> -> memref<16x2048xf32, #tpu.memory_space<hbm>>
      %dma_wait3A_126 = arith.constant 0 : i32
      %dma_wait3A_127 = tpu.memref_slice %arg4[%add3A_119, %dma_wait3A_126] : memref<8192x2048xf32, #tpu.memory_space<hbm>> -> memref<16x2048xf32, #tpu.memory_space<hbm>>
      tpu.wait_dma2 semaphore(%arg17 : memref<!tpu.dma_semaphore, #tpu.memory_space<semaphore_mem>>) src(%arg10 : memref<16x2048xf32, #tpu.memory_space<vmem>>) dst(%dma_wait3A_127 : memref<16x2048xf32, #tpu.memory_space<hbm>>)
      %add3A_128 = arith.constant 64 : i32
      %add3A_129 = arith.addi %mul3A_57, %add3A_128 : i32
      %add3A_130 = vector.broadcast %add3A_129 : i32 to vector<16xi32>
      %add3A_131 = arith.addi %add3A_130, %iota3A : vector<16xi32>
      %min3A_132 = arith.minsi %add3A_131, %get3A_4 : vector<16xi32>
      %swap3A_133 = arith.constant 0 : index
      %swap3A_134 = tpu.vector_load %arg7[%swap3A_133] {strides = array<i32>} : memref<16xi32, #tpu.memory_space<vmem>>, vector<16xi32>,
      %swap3A_135 = vector.shape_cast %swap3A_134 : vector<16xi32> to vector<16xi32>
      %swap3A_136 = vector.shape_cast %min3A_132 : vector<16xi32> to vector<16xi32>
      tpu.vector_store %arg7[%swap3A_133], %swap3A_136 {strides = array<i32>} : memref<16xi32, #tpu.memory_space<vmem>>, vector<16xi32>,
      %dma_start3A_137 = arith.constant 0 : i32
      %dma_start3A_138 = arith.constant 0 : i32
      %dma_start3A_139 = tpu.memref_slice %arg3[%dma_start3A_137, %dma_start3A_138] : memref<8192x2048xf32, #tpu.memory_space<hbm>> -> memref<8192x2048xf32, #tpu.memory_space<hbm>>
      tpu.enqueue_indirect_dma source(%dma_start3A_139 : memref<8192x2048xf32, #tpu.memory_space<hbm>>) target(%arg10 : memref<16x2048xf32, #tpu.memory_space<vmem>>) offsets(%arg7 : memref<16xi32, #tpu.memory_space<vmem>>) semaphore(%arg14 : memref<!tpu.dma_semaphore, #tpu.memory_space<semaphore_mem>>)
      %dma_wait3A_140 = arith.constant 0 : i32
      %dma_wait3A_141 = arith.constant 0 : i32
      %dma_wait3A_142 = tpu.memref_slice %arg3[%dma_wait3A_140, %dma_wait3A_141] : memref<8192x2048xf32, #tpu.memory_space<hbm>> -> memref<8192x2048xf32, #tpu.memory_space<hbm>>
      tpu.wait_indirect_dma semaphore(%arg15 : memref<!tpu.dma_semaphore, #tpu.memory_space<semaphore_mem>>) src(%dma_wait3A_142 : memref<8192x2048xf32, #tpu.memory_space<hbm>>) dst(%arg11 : memref<16x2048xf32, #tpu.memory_space<vmem>>)
      %add3A_143 = arith.constant 32 : i32
      %add3A_144 = arith.addi %mul3A_57, %add3A_143 : i32
      %dma_start3A_145 = arith.constant 0 : i32
      %dma_start3A_146 = tpu.memref_slice %arg4[%add3A_144, %dma_start3A_145] : memref<8192x2048xf32, #tpu.memory_space<hbm>> -> memref<16x2048xf32, #tpu.memory_space<hbm>>
      %dma_start3A_147 = arith.constant 0 : i32
      %dma_start3A_148 = tpu.memref_slice %arg4[%add3A_144, %dma_start3A_147] : memref<8192x2048xf32, #tpu.memory_space<hbm>> -> memref<16x2048xf32, #tpu.memory_space<hbm>>
      tpu.enqueue_dma source(%arg11 : memref<16x2048xf32, #tpu.memory_space<vmem>>) target(%dma_start3A_148 : memref<16x2048xf32, #tpu.memory_space<hbm>>) target_semaphore(%arg18 : memref<!tpu.dma_semaphore, #tpu.memory_space<semaphore_mem>>)
      %dma_wait3A_149 = arith.constant 0 : i32
      %dma_wait3A_150 = tpu.memref_slice %arg4[%add3A_144, %dma_wait3A_149] : memref<8192x2048xf32, #tpu.memory_space<hbm>> -> memref<16x2048xf32, #tpu.memory_space<hbm>>
      %dma_wait3A_151 = arith.constant 0 : i32
      %dma_wait3A_152 = tpu.memref_slice %arg4[%add3A_144, %dma_wait3A_151] : memref<8192x2048xf32, #tpu.memory_space<hbm>> -> memref<16x2048xf32, #tpu.memory_space<hbm>>
      tpu.wait_dma2 semaphore(%arg18 : memref<!tpu.dma_semaphore, #tpu.memory_space<semaphore_mem>>) src(%arg11 : memref<16x2048xf32, #tpu.memory_space<vmem>>) dst(%dma_wait3A_152 : memref<16x2048xf32, #tpu.memory_space<hbm>>)
      %add3A_153 = arith.constant 80 : i32
      %add3A_154 = arith.addi %mul3A_57, %add3A_153 : i32
      %add3A_155 = vector.broadcast %add3A_154 : i32 to vector<16xi32>
      %add3A_156 = arith.addi %add3A_155, %iota3A : vector<16xi32>
      %min3A_157 = arith.minsi %add3A_156, %get3A_4 : vector<16xi32>
      %swap3A_158 = arith.constant 0 : index
      %swap3A_159 = tpu.vector_load %arg8[%swap3A_158] {strides = array<i32>} : memref<16xi32, #tpu.memory_space<vmem>>, vector<16xi32>,
      %swap3A_160 = vector.shape_cast %swap3A_159 : vector<16xi32> to vector<16xi32>
      %swap3A_161 = vector.shape_cast %min3A_157 : vector<16xi32> to vector<16xi32>
      tpu.vector_store %arg8[%swap3A_158], %swap3A_161 {strides = array<i32>} : memref<16xi32, #tpu.memory_space<vmem>>, vector<16xi32>,
      %dma_start3A_162 = arith.constant 0 : i32
      %dma_start3A_163 = arith.constant 0 : i32
      %dma_start3A_164 = tpu.memref_slice %arg3[%dma_start3A_162, %dma_start3A_163] : memref<8192x2048xf32, #tpu.memory_space<hbm>> -> memref<8192x2048xf32, #tpu.memory_space<hbm>>
      tpu.enqueue_indirect_dma source(%dma_start3A_164 : memref<8192x2048xf32, #tpu.memory_space<hbm>>) target(%arg11 : memref<16x2048xf32, #tpu.memory_space<vmem>>) offsets(%arg8 : memref<16xi32, #tpu.memory_space<vmem>>) semaphore(%arg15 : memref<!tpu.dma_semaphore, #tpu.memory_space<semaphore_mem>>)
      %dma_wait3A_165 = arith.constant 0 : i32
      %dma_wait3A_166 = arith.constant 0 : i32
      %dma_wait3A_167 = tpu.memref_slice %arg3[%dma_wait3A_165, %dma_wait3A_166] : memref<8192x2048xf32, #tpu.memory_space<hbm>> -> memref<8192x2048xf32, #tpu.memory_space<hbm>>
      tpu.wait_indirect_dma semaphore(%arg13 : memref<!tpu.dma_semaphore, #tpu.memory_space<semaphore_mem>>) src(%dma_wait3A_167 : memref<8192x2048xf32, #tpu.memory_space<hbm>>) dst(%arg9 : memref<16x2048xf32, #tpu.memory_space<vmem>>)
      %add3A_168 = arith.constant 48 : i32
      %add3A_169 = arith.addi %mul3A_57, %add3A_168 : i32
      %dma_start3A_170 = arith.constant 0 : i32
      %dma_start3A_171 = tpu.memref_slice %arg4[%add3A_169, %dma_start3A_170] : memref<8192x2048xf32, #tpu.memory_space<hbm>> -> memref<16x2048xf32, #tpu.memory_space<hbm>>
      %dma_start3A_172 = arith.constant 0 : i32
      %dma_start3A_173 = tpu.memref_slice %arg4[%add3A_169, %dma_start3A_172] : memref<8192x2048xf32, #tpu.memory_space<hbm>> -> memref<16x2048xf32, #tpu.memory_space<hbm>>
      tpu.enqueue_dma source(%arg9 : memref<16x2048xf32, #tpu.memory_space<vmem>>) target(%dma_start3A_173 : memref<16x2048xf32, #tpu.memory_space<hbm>>) target_semaphore(%arg16 : memref<!tpu.dma_semaphore, #tpu.memory_space<semaphore_mem>>)
      %dma_wait3A_174 = arith.constant 0 : i32
      %dma_wait3A_175 = tpu.memref_slice %arg4[%add3A_169, %dma_wait3A_174] : memref<8192x2048xf32, #tpu.memory_space<hbm>> -> memref<16x2048xf32, #tpu.memory_space<hbm>>
      %dma_wait3A_176 = arith.constant 0 : i32
      %dma_wait3A_177 = tpu.memref_slice %arg4[%add3A_169, %dma_wait3A_176] : memref<8192x2048xf32, #tpu.memory_space<hbm>> -> memref<16x2048xf32, #tpu.memory_space<hbm>>
      tpu.wait_dma2 semaphore(%arg16 : memref<!tpu.dma_semaphore, #tpu.memory_space<semaphore_mem>>) src(%arg9 : memref<16x2048xf32, #tpu.memory_space<vmem>>) dst(%dma_wait3A_177 : memref<16x2048xf32, #tpu.memory_space<hbm>>)
      %add3A_178 = arith.constant 96 : i32
      %add3A_179 = arith.addi %mul3A_57, %add3A_178 : i32
      %add3A_180 = vector.broadcast %add3A_179 : i32 to vector<16xi32>
      %add3A_181 = arith.addi %add3A_180, %iota3A : vector<16xi32>
      %min3A_182 = arith.minsi %add3A_181, %get3A_4 : vector<16xi32>
      %swap3A_183 = arith.constant 0 : index
      %swap3A_184 = tpu.vector_load %arg6[%swap3A_183] {strides = array<i32>} : memref<16xi32, #tpu.memory_space<vmem>>, vector<16xi32>,
      %swap3A_185 = vector.shape_cast %swap3A_184 : vector<16xi32> to vector<16xi32>
      %swap3A_186 = vector.shape_cast %min3A_182 : vector<16xi32> to vector<16xi32>
      tpu.vector_store %arg6[%swap3A_183], %swap3A_186 {strides = array<i32>} : memref<16xi32, #tpu.memory_space<vmem>>, vector<16xi32>,
      %dma_start3A_187 = arith.constant 0 : i32
      %dma_start3A_188 = arith.constant 0 : i32
      %dma_start3A_189 = tpu.memref_slice %arg3[%dma_start3A_187, %dma_start3A_188] : memref<8192x2048xf32, #tpu.memory_space<hbm>> -> memref<8192x2048xf32, #tpu.memory_space<hbm>>
      tpu.enqueue_indirect_dma source(%dma_start3A_189 : memref<8192x2048xf32, #tpu.memory_space<hbm>>) target(%arg9 : memref<16x2048xf32, #tpu.memory_space<vmem>>) offsets(%arg6 : memref<16xi32, #tpu.memory_space<vmem>>) semaphore(%arg13 : memref<!tpu.dma_semaphore, #tpu.memory_space<semaphore_mem>>)
      %dma_wait3A_190 = arith.constant 0 : i32
      %dma_wait3A_191 = arith.constant 0 : i32
      %dma_wait3A_192 = tpu.memref_slice %arg3[%dma_wait3A_190, %dma_wait3A_191] : memref<8192x2048xf32, #tpu.memory_space<hbm>> -> memref<8192x2048xf32, #tpu.memory_space<hbm>>
      tpu.wait_indirect_dma semaphore(%arg14 : memref<!tpu.dma_semaphore, #tpu.memory_space<semaphore_mem>>) src(%dma_wait3A_192 : memref<8192x2048xf32, #tpu.memory_space<hbm>>) dst(%arg10 : memref<16x2048xf32, #tpu.memory_space<vmem>>)
      %add3A_193 = arith.constant 64 : i32
      %add3A_194 = arith.addi %mul3A_57, %add3A_193 : i32
      %dma_start3A_195 = arith.constant 0 : i32
      %dma_start3A_196 = tpu.memref_slice %arg4[%add3A_194, %dma_start3A_195] : memref<8192x2048xf32, #tpu.memory_space<hbm>> -> memref<16x2048xf32, #tpu.memory_space<hbm>>
      %dma_start3A_197 = arith.constant 0 : i32
      %dma_start3A_198 = tpu.memref_slice %arg4[%add3A_194, %dma_start3A_197] : memref<8192x2048xf32, #tpu.memory_space<hbm>> -> memref<16x2048xf32, #tpu.memory_space<hbm>>
      tpu.enqueue_dma source(%arg10 : memref<16x2048xf32, #tpu.memory_space<vmem>>) target(%dma_start3A_198 : memref<16x2048xf32, #tpu.memory_space<hbm>>) target_semaphore(%arg17 : memref<!tpu.dma_semaphore, #tpu.memory_space<semaphore_mem>>)
      %dma_wait3A_199 = arith.constant 0 : i32
      %dma_wait3A_200 = tpu.memref_slice %arg4[%add3A_194, %dma_wait3A_199] : memref<8192x2048xf32, #tpu.memory_space<hbm>> -> memref<16x2048xf32, #tpu.memory_space<hbm>>
      %dma_wait3A_201 = arith.constant 0 : i32
      %dma_wait3A_202 = tpu.memref_slice %arg4[%add3A_194, %dma_wait3A_201] : memref<8192x2048xf32, #tpu.memory_space<hbm>> -> memref<16x2048xf32, #tpu.memory_space<hbm>>
      tpu.wait_dma2 semaphore(%arg17 : memref<!tpu.dma_semaphore, #tpu.memory_space<semaphore_mem>>) src(%arg10 : memref<16x2048xf32, #tpu.memory_space<vmem>>) dst(%dma_wait3A_202 : memref<16x2048xf32, #tpu.memory_space<hbm>>)
      %add3A_203 = arith.constant 112 : i32
      %add3A_204 = arith.addi %mul3A_57, %add3A_203 : i32
      %add3A_205 = vector.broadcast %add3A_204 : i32 to vector<16xi32>
      %add3A_206 = arith.addi %add3A_205, %iota3A : vector<16xi32>
      %min3A_207 = arith.minsi %add3A_206, %get3A_4 : vector<16xi32>
      %swap3A_208 = arith.constant 0 : index
      %swap3A_209 = tpu.vector_load %arg7[%swap3A_208] {strides = array<i32>} : memref<16xi32, #tpu.memory_space<vmem>>, vector<16xi32>,
      %swap3A_210 = vector.shape_cast %swap3A_209 : vector<16xi32> to vector<16xi32>
      %swap3A_211 = vector.shape_cast %min3A_207 : vector<16xi32> to vector<16xi32>
      tpu.vector_store %arg7[%swap3A_208], %swap3A_211 {strides = array<i32>} : memref<16xi32, #tpu.memory_space<vmem>>, vector<16xi32>,
      %dma_start3A_212 = arith.constant 0 : i32
      %dma_start3A_213 = arith.constant 0 : i32
      %dma_start3A_214 = tpu.memref_slice %arg3[%dma_start3A_212, %dma_start3A_213] : memref<8192x2048xf32, #tpu.memory_space<hbm>> -> memref<8192x2048xf32, #tpu.memory_space<hbm>>
      tpu.enqueue_indirect_dma source(%dma_start3A_214 : memref<8192x2048xf32, #tpu.memory_space<hbm>>) target(%arg10 : memref<16x2048xf32, #tpu.memory_space<vmem>>) offsets(%arg7 : memref<16xi32, #tpu.memory_space<vmem>>) semaphore(%arg14 : memref<!tpu.dma_semaphore, #tpu.memory_space<semaphore_mem>>)
      %dma_wait3A_215 = arith.constant 0 : i32
      %dma_wait3A_216 = arith.constant 0 : i32
      %dma_wait3A_217 = tpu.memref_slice %arg3[%dma_wait3A_215, %dma_wait3A_216] : memref<8192x2048xf32, #tpu.memory_space<hbm>> -> memref<8192x2048xf32, #tpu.memory_space<hbm>>
      tpu.wait_indirect_dma semaphore(%arg15 : memref<!tpu.dma_semaphore, #tpu.memory_space<semaphore_mem>>) src(%dma_wait3A_217 : memref<8192x2048xf32, #tpu.memory_space<hbm>>) dst(%arg11 : memref<16x2048xf32, #tpu.memory_space<vmem>>)
      %add3A_218 = arith.constant 80 : i32
      %add3A_219 = arith.addi %mul3A_57, %add3A_218 : i32
      %dma_start3A_220 = arith.constant 0 : i32
      %dma_start3A_221 = tpu.memref_slice %arg4[%add3A_219, %dma_start3A_220] : memref<8192x2048xf32, #tpu.memory_space<hbm>> -> memref<16x2048xf32, #tpu.memory_space<hbm>>
      %dma_start3A_222 = arith.constant 0 : i32
      %dma_start3A_223 = tpu.memref_slice %arg4[%add3A_219, %dma_start3A_222] : memref<8192x2048xf32, #tpu.memory_space<hbm>> -> memref<16x2048xf32, #tpu.memory_space<hbm>>
      tpu.enqueue_dma source(%arg11 : memref<16x2048xf32, #tpu.memory_space<vmem>>) target(%dma_start3A_223 : memref<16x2048xf32, #tpu.memory_space<hbm>>) target_semaphore(%arg18 : memref<!tpu.dma_semaphore, #tpu.memory_space<semaphore_mem>>)
      %dma_wait3A_224 = arith.constant 0 : i32
      %dma_wait3A_225 = tpu.memref_slice %arg4[%add3A_219, %dma_wait3A_224] : memref<8192x2048xf32, #tpu.memory_space<hbm>> -> memref<16x2048xf32, #tpu.memory_space<hbm>>
      %dma_wait3A_226 = arith.constant 0 : i32
      %dma_wait3A_227 = tpu.memref_slice %arg4[%add3A_219, %dma_wait3A_226] : memref<8192x2048xf32, #tpu.memory_space<hbm>> -> memref<16x2048xf32, #tpu.memory_space<hbm>>
      tpu.wait_dma2 semaphore(%arg18 : memref<!tpu.dma_semaphore, #tpu.memory_space<semaphore_mem>>) src(%arg11 : memref<16x2048xf32, #tpu.memory_space<vmem>>) dst(%dma_wait3A_227 : memref<16x2048xf32, #tpu.memory_space<hbm>>)
      %add3A_228 = arith.constant 128 : i32
      %add3A_229 = arith.addi %mul3A_57, %add3A_228 : i32
      %add3A_230 = vector.broadcast %add3A_229 : i32 to vector<16xi32>
      %add3A_231 = arith.addi %add3A_230, %iota3A : vector<16xi32>
      %min3A_232 = arith.minsi %add3A_231, %get3A_4 : vector<16xi32>
      %swap3A_233 = arith.constant 0 : index
      %swap3A_234 = tpu.vector_load %arg8[%swap3A_233] {strides = array<i32>} : memref<16xi32, #tpu.memory_space<vmem>>, vector<16xi32>,
      %swap3A_235 = vector.shape_cast %swap3A_234 : vector<16xi32> to vector<16xi32>
      %swap3A_236 = vector.shape_cast %min3A_232 : vector<16xi32> to vector<16xi32>
      tpu.vector_store %arg8[%swap3A_233], %swap3A_236 {strides = array<i32>} : memref<16xi32, #tpu.memory_space<vmem>>, vector<16xi32>,
      %dma_start3A_237 = arith.constant 0 : i32
      %dma_start3A_238 = arith.constant 0 : i32
      %dma_start3A_239 = tpu.memref_slice %arg3[%dma_start3A_237, %dma_start3A_238] : memref<8192x2048xf32, #tpu.memory_space<hbm>> -> memref<8192x2048xf32, #tpu.memory_space<hbm>>
      tpu.enqueue_indirect_dma source(%dma_start3A_239 : memref<8192x2048xf32, #tpu.memory_space<hbm>>) target(%arg11 : memref<16x2048xf32, #tpu.memory_space<vmem>>) offsets(%arg8 : memref<16xi32, #tpu.memory_space<vmem>>) semaphore(%arg15 : memref<!tpu.dma_semaphore, #tpu.memory_space<semaphore_mem>>)
      %dma_wait3A_240 = arith.constant 0 : i32
      %dma_wait3A_241 = arith.constant 0 : i32
      %dma_wait3A_242 = tpu.memref_slice %arg3[%dma_wait3A_240, %dma_wait3A_241] : memref<8192x2048xf32, #tpu.memory_space<hbm>> -> memref<8192x2048xf32, #tpu.memory_space<hbm>>
      tpu.wait_indirect_dma semaphore(%arg13 : memref<!tpu.dma_semaphore, #tpu.memory_space<semaphore_mem>>) src(%dma_wait3A_242 : memref<8192x2048xf32, #tpu.memory_space<hbm>>) dst(%arg9 : memref<16x2048xf32, #tpu.memory_space<vmem>>)
      %add3A_243 = arith.constant 96 : i32
      %add3A_244 = arith.addi %mul3A_57, %add3A_243 : i32
      %dma_start3A_245 = arith.constant 0 : i32
      %dma_start3A_246 = tpu.memref_slice %arg4[%add3A_244, %dma_start3A_245] : memref<8192x2048xf32, #tpu.memory_space<hbm>> -> memref<16x2048xf32, #tpu.memory_space<hbm>>
      %dma_start3A_247 = arith.constant 0 : i32
      %dma_start3A_248 = tpu.memref_slice %arg4[%add3A_244, %dma_start3A_247] : memref<8192x2048xf32, #tpu.memory_space<hbm>> -> memref<16x2048xf32, #tpu.memory_space<hbm>>
      tpu.enqueue_dma source(%arg9 : memref<16x2048xf32, #tpu.memory_space<vmem>>) target(%dma_start3A_248 : memref<16x2048xf32, #tpu.memory_space<hbm>>) target_semaphore(%arg16 : memref<!tpu.dma_semaphore, #tpu.memory_space<semaphore_mem>>)
      %dma_wait3A_249 = arith.constant 0 : i32
      %dma_wait3A_250 = tpu.memref_slice %arg4[%add3A_244, %dma_wait3A_249] : memref<8192x2048xf32, #tpu.memory_space<hbm>> -> memref<16x2048xf32, #tpu.memory_space<hbm>>
      %dma_wait3A_251 = arith.constant 0 : i32
      %dma_wait3A_252 = tpu.memref_slice %arg4[%add3A_244, %dma_wait3A_251] : memref<8192x2048xf32, #tpu.memory_space<hbm>> -> memref<16x2048xf32, #tpu.memory_space<hbm>>
      tpu.wait_dma2 semaphore(%arg16 : memref<!tpu.dma_semaphore, #tpu.memory_space<semaphore_mem>>) src(%arg9 : memref<16x2048xf32, #tpu.memory_space<vmem>>) dst(%dma_wait3A_252 : memref<16x2048xf32, #tpu.memory_space<hbm>>)
      %add3A_253 = arith.constant 144 : i32
      %add3A_254 = arith.addi %mul3A_57, %add3A_253 : i32
      %add3A_255 = vector.broadcast %add3A_254 : i32 to vector<16xi32>
      %add3A_256 = arith.addi %add3A_255, %iota3A : vector<16xi32>
      %min3A_257 = arith.minsi %add3A_256, %get3A_4 : vector<16xi32>
      %swap3A_258 = arith.constant 0 : index
      %swap3A_259 = tpu.vector_load %arg6[%swap3A_258] {strides = array<i32>} : memref<16xi32, #tpu.memory_space<vmem>>, vector<16xi32>,
      %swap3A_260 = vector.shape_cast %swap3A_259 : vector<16xi32> to vector<16xi32>
      %swap3A_261 = vector.shape_cast %min3A_257 : vector<16xi32> to vector<16xi32>
      tpu.vector_store %arg6[%swap3A_258], %swap3A_261 {strides = array<i32>} : memref<16xi32, #tpu.memory_space<vmem>>, vector<16xi32>,
      %dma_start3A_262 = arith.constant 0 : i32
      %dma_start3A_263 = arith.constant 0 : i32
      %dma_start3A_264 = tpu.memref_slice %arg3[%dma_start3A_262, %dma_start3A_263] : memref<8192x2048xf32, #tpu.memory_space<hbm>> -> memref<8192x2048xf32, #tpu.memory_space<hbm>>
      tpu.enqueue_indirect_dma source(%dma_start3A_264 : memref<8192x2048xf32, #tpu.memory_space<hbm>>) target(%arg9 : memref<16x2048xf32, #tpu.memory_space<vmem>>) offsets(%arg6 : memref<16xi32, #tpu.memory_space<vmem>>) semaphore(%arg13 : memref<!tpu.dma_semaphore, #tpu.memory_space<semaphore_mem>>)
      %dma_wait3A_265 = arith.constant 0 : i32
      %dma_wait3A_266 = arith.constant 0 : i32
      %dma_wait3A_267 = tpu.memref_slice %arg3[%dma_wait3A_265, %dma_wait3A_266] : memref<8192x2048xf32, #tpu.memory_space<hbm>> -> memref<8192x2048xf32, #tpu.memory_space<hbm>>
      tpu.wait_indirect_dma semaphore(%arg14 : memref<!tpu.dma_semaphore, #tpu.memory_space<semaphore_mem>>) src(%dma_wait3A_267 : memref<8192x2048xf32, #tpu.memory_space<hbm>>) dst(%arg10 : memref<16x2048xf32, #tpu.memory_space<vmem>>)
      %add3A_268 = arith.constant 112 : i32
      %add3A_269 = arith.addi %mul3A_57, %add3A_268 : i32
      %dma_start3A_270 = arith.constant 0 : i32
      %dma_start3A_271 = tpu.memref_slice %arg4[%add3A_269, %dma_start3A_270] : memref<8192x2048xf32, #tpu.memory_space<hbm>> -> memref<16x2048xf32, #tpu.memory_space<hbm>>
      %dma_start3A_272 = arith.constant 0 : i32
      %dma_start3A_273 = tpu.memref_slice %arg4[%add3A_269, %dma_start3A_272] : memref<8192x2048xf32, #tpu.memory_space<hbm>> -> memref<16x2048xf32, #tpu.memory_space<hbm>>
      tpu.enqueue_dma source(%arg10 : memref<16x2048xf32, #tpu.memory_space<vmem>>) target(%dma_start3A_273 : memref<16x2048xf32, #tpu.memory_space<hbm>>) target_semaphore(%arg17 : memref<!tpu.dma_semaphore, #tpu.memory_space<semaphore_mem>>)
      %dma_wait3A_274 = arith.constant 0 : i32
      %dma_wait3A_275 = tpu.memref_slice %arg4[%add3A_269, %dma_wait3A_274] : memref<8192x2048xf32, #tpu.memory_space<hbm>> -> memref<16x2048xf32, #tpu.memory_space<hbm>>
      %dma_wait3A_276 = arith.constant 0 : i32
      %dma_wait3A_277 = tpu.memref_slice %arg4[%add3A_269, %dma_wait3A_276] : memref<8192x2048xf32, #tpu.memory_space<hbm>> -> memref<16x2048xf32, #tpu.memory_space<hbm>>
      tpu.wait_dma2 semaphore(%arg17 : memref<!tpu.dma_semaphore, #tpu.memory_space<semaphore_mem>>) src(%arg10 : memref<16x2048xf32, #tpu.memory_space<vmem>>) dst(%dma_wait3A_277 : memref<16x2048xf32, #tpu.memory_space<hbm>>)
      %add3A_278 = arith.constant 160 : i32
      %add3A_279 = arith.addi %mul3A_57, %add3A_278 : i32
      %add3A_280 = vector.broadcast %add3A_279 : i32 to vector<16xi32>
      %add3A_281 = arith.addi %add3A_280, %iota3A : vector<16xi32>
      %min3A_282 = arith.minsi %add3A_281, %get3A_4 : vector<16xi32>
      %swap3A_283 = arith.constant 0 : index
      %swap3A_284 = tpu.vector_load %arg7[%swap3A_283] {strides = array<i32>} : memref<16xi32, #tpu.memory_space<vmem>>, vector<16xi32>,
      %swap3A_285 = vector.shape_cast %swap3A_284 : vector<16xi32> to vector<16xi32>
      %swap3A_286 = vector.shape_cast %min3A_282 : vector<16xi32> to vector<16xi32>
      tpu.vector_store %arg7[%swap3A_283], %swap3A_286 {strides = array<i32>} : memref<16xi32, #tpu.memory_space<vmem>>, vector<16xi32>,
      %dma_start3A_287 = arith.constant 0 : i32
      %dma_start3A_288 = arith.constant 0 : i32
      %dma_start3A_289 = tpu.memref_slice %arg3[%dma_start3A_287, %dma_start3A_288] : memref<8192x2048xf32, #tpu.memory_space<hbm>> -> memref<8192x2048xf32, #tpu.memory_space<hbm>>
      tpu.enqueue_indirect_dma source(%dma_start3A_289 : memref<8192x2048xf32, #tpu.memory_space<hbm>>) target(%arg10 : memref<16x2048xf32, #tpu.memory_space<vmem>>) offsets(%arg7 : memref<16xi32, #tpu.memory_space<vmem>>) semaphore(%arg14 : memref<!tpu.dma_semaphore, #tpu.memory_space<semaphore_mem>>)
      %dma_wait3A_290 = arith.constant 0 : i32
      %dma_wait3A_291 = arith.constant 0 : i32
      %dma_wait3A_292 = tpu.memref_slice %arg3[%dma_wait3A_290, %dma_wait3A_291] : memref<8192x2048xf32, #tpu.memory_space<hbm>> -> memref<8192x2048xf32, #tpu.memory_space<hbm>>
      tpu.wait_indirect_dma semaphore(%arg15 : memref<!tpu.dma_semaphore, #tpu.memory_space<semaphore_mem>>) src(%dma_wait3A_292 : memref<8192x2048xf32, #tpu.memory_space<hbm>>) dst(%arg11 : memref<16x2048xf32, #tpu.memory_space<vmem>>)
      %add3A_293 = arith.constant 128 : i32
      %add3A_294 = arith.addi %mul3A_57, %add3A_293 : i32
      %dma_start3A_295 = arith.constant 0 : i32
      %dma_start3A_296 = tpu.memref_slice %arg4[%add3A_294, %dma_start3A_295] : memref<8192x2048xf32, #tpu.memory_space<hbm>> -> memref<16x2048xf32, #tpu.memory_space<hbm>>
      %dma_start3A_297 = arith.constant 0 : i32
      %dma_start3A_298 = tpu.memref_slice %arg4[%add3A_294, %dma_start3A_297] : memref<8192x2048xf32, #tpu.memory_space<hbm>> -> memref<16x2048xf32, #tpu.memory_space<hbm>>
      tpu.enqueue_dma source(%arg11 : memref<16x2048xf32, #tpu.memory_space<vmem>>) target(%dma_start3A_298 : memref<16x2048xf32, #tpu.memory_space<hbm>>) target_semaphore(%arg18 : memref<!tpu.dma_semaphore, #tpu.memory_space<semaphore_mem>>)
      %dma_wait3A_299 = arith.constant 0 : i32
      %dma_wait3A_300 = tpu.memref_slice %arg4[%add3A_294, %dma_wait3A_299] : memref<8192x2048xf32, #tpu.memory_space<hbm>> -> memref<16x2048xf32, #tpu.memory_space<hbm>>
      %dma_wait3A_301 = arith.constant 0 : i32
      %dma_wait3A_302 = tpu.memref_slice %arg4[%add3A_294, %dma_wait3A_301] : memref<8192x2048xf32, #tpu.memory_space<hbm>> -> memref<16x2048xf32, #tpu.memory_space<hbm>>
      tpu.wait_dma2 semaphore(%arg18 : memref<!tpu.dma_semaphore, #tpu.memory_space<semaphore_mem>>) src(%arg11 : memref<16x2048xf32, #tpu.memory_space<vmem>>) dst(%dma_wait3A_302 : memref<16x2048xf32, #tpu.memory_space<hbm>>)
      %add3A_303 = arith.constant 176 : i32
      %add3A_304 = arith.addi %mul3A_57, %add3A_303 : i32
      %add3A_305 = vector.broadcast %add3A_304 : i32 to vector<16xi32>
      %add3A_306 = arith.addi %add3A_305, %iota3A : vector<16xi32>
      %min3A_307 = arith.minsi %add3A_306, %get3A_4 : vector<16xi32>
      %swap3A_308 = arith.constant 0 : index
      %swap3A_309 = tpu.vector_load %arg8[%swap3A_308] {strides = array<i32>} : memref<16xi32, #tpu.memory_space<vmem>>, vector<16xi32>,
      %swap3A_310 = vector.shape_cast %swap3A_309 : vector<16xi32> to vector<16xi32>
      %swap3A_311 = vector.shape_cast %min3A_307 : vector<16xi32> to vector<16xi32>
      tpu.vector_store %arg8[%swap3A_308], %swap3A_311 {strides = array<i32>} : memref<16xi32, #tpu.memory_space<vmem>>, vector<16xi32>,
      %dma_start3A_312 = arith.constant 0 : i32
      %dma_start3A_313 = arith.constant 0 : i32
      %dma_start3A_314 = tpu.memref_slice %arg3[%dma_start3A_312, %dma_start3A_313] : memref<8192x2048xf32, #tpu.memory_space<hbm>> -> memref<8192x2048xf32, #tpu.memory_space<hbm>>
      tpu.enqueue_indirect_dma source(%dma_start3A_314 : memref<8192x2048xf32, #tpu.memory_space<hbm>>) target(%arg11 : memref<16x2048xf32, #tpu.memory_space<vmem>>) offsets(%arg8 : memref<16xi32, #tpu.memory_space<vmem>>) semaphore(%arg15 : memref<!tpu.dma_semaphore, #tpu.memory_space<semaphore_mem>>)
      %dma_wait3A_315 = arith.constant 0 : i32
      %dma_wait3A_316 = arith.constant 0 : i32
      %dma_wait3A_317 = tpu.memref_slice %arg3[%dma_wait3A_315, %dma_wait3A_316] : memref<8192x2048xf32, #tpu.memory_space<hbm>> -> memref<8192x2048xf32, #tpu.memory_space<hbm>>
      tpu.wait_indirect_dma semaphore(%arg13 : memref<!tpu.dma_semaphore, #tpu.memory_space<semaphore_mem>>) src(%dma_wait3A_317 : memref<8192x2048xf32, #tpu.memory_space<hbm>>) dst(%arg9 : memref<16x2048xf32, #tpu.memory_space<vmem>>)
      %add3A_318 = arith.constant 144 : i32
      %add3A_319 = arith.addi %mul3A_57, %add3A_318 : i32
      %dma_start3A_320 = arith.constant 0 : i32
      %dma_start3A_321 = tpu.memref_slice %arg4[%add3A_319, %dma_start3A_320] : memref<8192x2048xf32, #tpu.memory_space<hbm>> -> memref<16x2048xf32, #tpu.memory_space<hbm>>
      %dma_start3A_322 = arith.constant 0 : i32
      %dma_start3A_323 = tpu.memref_slice %arg4[%add3A_319, %dma_start3A_322] : memref<8192x2048xf32, #tpu.memory_space<hbm>> -> memref<16x2048xf32, #tpu.memory_space<hbm>>
      tpu.enqueue_dma source(%arg9 : memref<16x2048xf32, #tpu.memory_space<vmem>>) target(%dma_start3A_323 : memref<16x2048xf32, #tpu.memory_space<hbm>>) target_semaphore(%arg16 : memref<!tpu.dma_semaphore, #tpu.memory_space<semaphore_mem>>)
      %dma_wait3A_324 = arith.constant 0 : i32
      %dma_wait3A_325 = tpu.memref_slice %arg4[%add3A_319, %dma_wait3A_324] : memref<8192x2048xf32, #tpu.memory_space<hbm>> -> memref<16x2048xf32, #tpu.memory_space<hbm>>
      %dma_wait3A_326 = arith.constant 0 : i32
      %dma_wait3A_327 = tpu.memref_slice %arg4[%add3A_319, %dma_wait3A_326] : memref<8192x2048xf32, #tpu.memory_space<hbm>> -> memref<16x2048xf32, #tpu.memory_space<hbm>>
      tpu.wait_dma2 semaphore(%arg16 : memref<!tpu.dma_semaphore, #tpu.memory_space<semaphore_mem>>) src(%arg9 : memref<16x2048xf32, #tpu.memory_space<vmem>>) dst(%dma_wait3A_327 : memref<16x2048xf32, #tpu.memory_space<hbm>>)
      %add3A_328 = arith.constant 192 : i32
      %add3A_329 = arith.addi %mul3A_57, %add3A_328 : i32
      %add3A_330 = vector.broadcast %add3A_329 : i32 to vector<16xi32>
      %add3A_331 = arith.addi %add3A_330, %iota3A : vector<16xi32>
      %min3A_332 = arith.minsi %add3A_331, %get3A_4 : vector<16xi32>
      %swap3A_333 = arith.constant 0 : index
      %swap3A_334 = tpu.vector_load %arg6[%swap3A_333] {strides = array<i32>} : memref<16xi32, #tpu.memory_space<vmem>>, vector<16xi32>,
      %swap3A_335 = vector.shape_cast %swap3A_334 : vector<16xi32> to vector<16xi32>
      %swap3A_336 = vector.shape_cast %min3A_332 : vector<16xi32> to vector<16xi32>
      tpu.vector_store %arg6[%swap3A_333], %swap3A_336 {strides = array<i32>} : memref<16xi32, #tpu.memory_space<vmem>>, vector<16xi32>,
      %dma_start3A_337 = arith.constant 0 : i32
      %dma_start3A_338 = arith.constant 0 : i32
      %dma_start3A_339 = tpu.memref_slice %arg3[%dma_start3A_337, %dma_start3A_338] : memref<8192x2048xf32, #tpu.memory_space<hbm>> -> memref<8192x2048xf32, #tpu.memory_space<hbm>>
      tpu.enqueue_indirect_dma source(%dma_start3A_339 : memref<8192x2048xf32, #tpu.memory_space<hbm>>) target(%arg9 : memref<16x2048xf32, #tpu.memory_space<vmem>>) offsets(%arg6 : memref<16xi32, #tpu.memory_space<vmem>>) semaphore(%arg13 : memref<!tpu.dma_semaphore, #tpu.memory_space<semaphore_mem>>)
      %dma_wait3A_340 = arith.constant 0 : i32
      %dma_wait3A_341 = arith.constant 0 : i32
      %dma_wait3A_342 = tpu.memref_slice %arg3[%dma_wait3A_340, %dma_wait3A_341] : memref<8192x2048xf32, #tpu.memory_space<hbm>> -> memref<8192x2048xf32, #tpu.memory_space<hbm>>
      tpu.wait_indirect_dma semaphore(%arg14 : memref<!tpu.dma_semaphore, #tpu.memory_space<semaphore_mem>>) src(%dma_wait3A_342 : memref<8192x2048xf32, #tpu.memory_space<hbm>>) dst(%arg10 : memref<16x2048xf32, #tpu.memory_space<vmem>>)
      %add3A_343 = arith.constant 160 : i32
      %add3A_344 = arith.addi %mul3A_57, %add3A_343 : i32
      %dma_start3A_345 = arith.constant 0 : i32
      %dma_start3A_346 = tpu.memref_slice %arg4[%add3A_344, %dma_start3A_345] : memref<8192x2048xf32, #tpu.memory_space<hbm>> -> memref<16x2048xf32, #tpu.memory_space<hbm>>
      %dma_start3A_347 = arith.constant 0 : i32
      %dma_start3A_348 = tpu.memref_slice %arg4[%add3A_344, %dma_start3A_347] : memref<8192x2048xf32, #tpu.memory_space<hbm>> -> memref<16x2048xf32, #tpu.memory_space<hbm>>
      tpu.enqueue_dma source(%arg10 : memref<16x2048xf32, #tpu.memory_space<vmem>>) target(%dma_start3A_348 : memref<16x2048xf32, #tpu.memory_space<hbm>>) target_semaphore(%arg17 : memref<!tpu.dma_semaphore, #tpu.memory_space<semaphore_mem>>)
      %dma_wait3A_349 = arith.constant 0 : i32
      %dma_wait3A_350 = tpu.memref_slice %arg4[%add3A_344, %dma_wait3A_349] : memref<8192x2048xf32, #tpu.memory_space<hbm>> -> memref<16x2048xf32, #tpu.memory_space<hbm>>
      %dma_wait3A_351 = arith.constant 0 : i32
      %dma_wait3A_352 = tpu.memref_slice %arg4[%add3A_344, %dma_wait3A_351] : memref<8192x2048xf32, #tpu.memory_space<hbm>> -> memref<16x2048xf32, #tpu.memory_space<hbm>>
      tpu.wait_dma2 semaphore(%arg17 : memref<!tpu.dma_semaphore, #tpu.memory_space<semaphore_mem>>) src(%arg10 : memref<16x2048xf32, #tpu.memory_space<vmem>>) dst(%dma_wait3A_352 : memref<16x2048xf32, #tpu.memory_space<hbm>>)
      %add3A_353 = arith.constant 208 : i32
      %add3A_354 = arith.addi %mul3A_57, %add3A_353 : i32
      %add3A_355 = vector.broadcast %add3A_354 : i32 to vector<16xi32>
      %add3A_356 = arith.addi %add3A_355, %iota3A : vector<16xi32>
      %min3A_357 = arith.minsi %add3A_356, %get3A_4 : vector<16xi32>
      %swap3A_358 = arith.constant 0 : index
      %swap3A_359 = tpu.vector_load %arg7[%swap3A_358] {strides = array<i32>} : memref<16xi32, #tpu.memory_space<vmem>>, vector<16xi32>,
      %swap3A_360 = vector.shape_cast %swap3A_359 : vector<16xi32> to vector<16xi32>
      %swap3A_361 = vector.shape_cast %min3A_357 : vector<16xi32> to vector<16xi32>
      tpu.vector_store %arg7[%swap3A_358], %swap3A_361 {strides = array<i32>} : memref<16xi32, #tpu.memory_space<vmem>>, vector<16xi32>,
      %dma_start3A_362 = arith.constant 0 : i32
      %dma_start3A_363 = arith.constant 0 : i32
      %dma_start3A_364 = tpu.memref_slice %arg3[%dma_start3A_362, %dma_start3A_363] : memref<8192x2048xf32, #tpu.memory_space<hbm>> -> memref<8192x2048xf32, #tpu.memory_space<hbm>>
      tpu.enqueue_indirect_dma source(%dma_start3A_364 : memref<8192x2048xf32, #tpu.memory_space<hbm>>) target(%arg10 : memref<16x2048xf32, #tpu.memory_space<vmem>>) offsets(%arg7 : memref<16xi32, #tpu.memory_space<vmem>>) semaphore(%arg14 : memref<!tpu.dma_semaphore, #tpu.memory_space<semaphore_mem>>)
      %dma_wait3A_365 = arith.constant 0 : i32
      %dma_wait3A_366 = arith.constant 0 : i32
      %dma_wait3A_367 = tpu.memref_slice %arg3[%dma_wait3A_365, %dma_wait3A_366] : memref<8192x2048xf32, #tpu.memory_space<hbm>> -> memref<8192x2048xf32, #tpu.memory_space<hbm>>
      tpu.wait_indirect_dma semaphore(%arg15 : memref<!tpu.dma_semaphore, #tpu.memory_space<semaphore_mem>>) src(%dma_wait3A_367 : memref<8192x2048xf32, #tpu.memory_space<hbm>>) dst(%arg11 : memref<16x2048xf32, #tpu.memory_space<vmem>>)
      %add3A_368 = arith.constant 176 : i32
      %add3A_369 = arith.addi %mul3A_57, %add3A_368 : i32
      %dma_start3A_370 = arith.constant 0 : i32
      %dma_start3A_371 = tpu.memref_slice %arg4[%add3A_369, %dma_start3A_370] : memref<8192x2048xf32, #tpu.memory_space<hbm>> -> memref<16x2048xf32, #tpu.memory_space<hbm>>
      %dma_start3A_372 = arith.constant 0 : i32
      %dma_start3A_373 = tpu.memref_slice %arg4[%add3A_369, %dma_start3A_372] : memref<8192x2048xf32, #tpu.memory_space<hbm>> -> memref<16x2048xf32, #tpu.memory_space<hbm>>
      tpu.enqueue_dma source(%arg11 : memref<16x2048xf32, #tpu.memory_space<vmem>>) target(%dma_start3A_373 : memref<16x2048xf32, #tpu.memory_space<hbm>>) target_semaphore(%arg18 : memref<!tpu.dma_semaphore, #tpu.memory_space<semaphore_mem>>)
      %dma_wait3A_374 = arith.constant 0 : i32
      %dma_wait3A_375 = tpu.memref_slice %arg4[%add3A_369, %dma_wait3A_374] : memref<8192x2048xf32, #tpu.memory_space<hbm>> -> memref<16x2048xf32, #tpu.memory_space<hbm>>
      %dma_wait3A_376 = arith.constant 0 : i32
      %dma_wait3A_377 = tpu.memref_slice %arg4[%add3A_369, %dma_wait3A_376] : memref<8192x2048xf32, #tpu.memory_space<hbm>> -> memref<16x2048xf32, #tpu.memory_space<hbm>>
      tpu.wait_dma2 semaphore(%arg18 : memref<!tpu.dma_semaphore, #tpu.memory_space<semaphore_mem>>) src(%arg11 : memref<16x2048xf32, #tpu.memory_space<vmem>>) dst(%dma_wait3A_377 : memref<16x2048xf32, #tpu.memory_space<hbm>>)
      %add3A_378 = arith.constant 224 : i32
      %add3A_379 = arith.addi %mul3A_57, %add3A_378 : i32
      %add3A_380 = vector.broadcast %add3A_379 : i32 to vector<16xi32>
      %add3A_381 = arith.addi %add3A_380, %iota3A : vector<16xi32>
      %min3A_382 = arith.minsi %add3A_381, %get3A_4 : vector<16xi32>
      %swap3A_383 = arith.constant 0 : index
      %swap3A_384 = tpu.vector_load %arg8[%swap3A_383] {strides = array<i32>} : memref<16xi32, #tpu.memory_space<vmem>>, vector<16xi32>,
      %swap3A_385 = vector.shape_cast %swap3A_384 : vector<16xi32> to vector<16xi32>
      %swap3A_386 = vector.shape_cast %min3A_382 : vector<16xi32> to vector<16xi32>
      tpu.vector_store %arg8[%swap3A_383], %swap3A_386 {strides = array<i32>} : memref<16xi32, #tpu.memory_space<vmem>>, vector<16xi32>,
      %dma_start3A_387 = arith.constant 0 : i32
      %dma_start3A_388 = arith.constant 0 : i32
      %dma_start3A_389 = tpu.memref_slice %arg3[%dma_start3A_387, %dma_start3A_388] : memref<8192x2048xf32, #tpu.memory_space<hbm>> -> memref<8192x2048xf32, #tpu.memory_space<hbm>>
      tpu.enqueue_indirect_dma source(%dma_start3A_389 : memref<8192x2048xf32, #tpu.memory_space<hbm>>) target(%arg11 : memref<16x2048xf32, #tpu.memory_space<vmem>>) offsets(%arg8 : memref<16xi32, #tpu.memory_space<vmem>>) semaphore(%arg15 : memref<!tpu.dma_semaphore, #tpu.memory_space<semaphore_mem>>)
      %dma_wait3A_390 = arith.constant 0 : i32
      %dma_wait3A_391 = arith.constant 0 : i32
      %dma_wait3A_392 = tpu.memref_slice %arg3[%dma_wait3A_390, %dma_wait3A_391] : memref<8192x2048xf32, #tpu.memory_space<hbm>> -> memref<8192x2048xf32, #tpu.memory_space<hbm>>
      tpu.wait_indirect_dma semaphore(%arg13 : memref<!tpu.dma_semaphore, #tpu.memory_space<semaphore_mem>>) src(%dma_wait3A_392 : memref<8192x2048xf32, #tpu.memory_space<hbm>>) dst(%arg9 : memref<16x2048xf32, #tpu.memory_space<vmem>>)
      %add3A_393 = arith.constant 192 : i32
      %add3A_394 = arith.addi %mul3A_57, %add3A_393 : i32
      %dma_start3A_395 = arith.constant 0 : i32
      %dma_start3A_396 = tpu.memref_slice %arg4[%add3A_394, %dma_start3A_395] : memref<8192x2048xf32, #tpu.memory_space<hbm>> -> memref<16x2048xf32, #tpu.memory_space<hbm>>
      %dma_start3A_397 = arith.constant 0 : i32
      %dma_start3A_398 = tpu.memref_slice %arg4[%add3A_394, %dma_start3A_397] : memref<8192x2048xf32, #tpu.memory_space<hbm>> -> memref<16x2048xf32, #tpu.memory_space<hbm>>
      tpu.enqueue_dma source(%arg9 : memref<16x2048xf32, #tpu.memory_space<vmem>>) target(%dma_start3A_398 : memref<16x2048xf32, #tpu.memory_space<hbm>>) target_semaphore(%arg16 : memref<!tpu.dma_semaphore, #tpu.memory_space<semaphore_mem>>)
      %dma_wait3A_399 = arith.constant 0 : i32
      %dma_wait3A_400 = tpu.memref_slice %arg4[%add3A_394, %dma_wait3A_399] : memref<8192x2048xf32, #tpu.memory_space<hbm>> -> memref<16x2048xf32, #tpu.memory_space<hbm>>
      %dma_wait3A_401 = arith.constant 0 : i32
      %dma_wait3A_402 = tpu.memref_slice %arg4[%add3A_394, %dma_wait3A_401] : memref<8192x2048xf32, #tpu.memory_space<hbm>> -> memref<16x2048xf32, #tpu.memory_space<hbm>>
      tpu.wait_dma2 semaphore(%arg16 : memref<!tpu.dma_semaphore, #tpu.memory_space<semaphore_mem>>) src(%arg9 : memref<16x2048xf32, #tpu.memory_space<vmem>>) dst(%dma_wait3A_402 : memref<16x2048xf32, #tpu.memory_space<hbm>>)
      %add3A_403 = arith.constant 240 : i32
      %add3A_404 = arith.addi %mul3A_57, %add3A_403 : i32
      %add3A_405 = vector.broadcast %add3A_404 : i32 to vector<16xi32>
      %add3A_406 = arith.addi %add3A_405, %iota3A : vector<16xi32>
      %min3A_407 = arith.minsi %add3A_406, %get3A_4 : vector<16xi32>
      %swap3A_408 = arith.constant 0 : index
      %swap3A_409 = tpu.vector_load %arg6[%swap3A_408] {strides = array<i32>} : memref<16xi32, #tpu.memory_space<vmem>>, vector<16xi32>,
      %swap3A_410 = vector.shape_cast %swap3A_409 : vector<16xi32> to vector<16xi32>
      %swap3A_411 = vector.shape_cast %min3A_407 : vector<16xi32> to vector<16xi32>
      tpu.vector_store %arg6[%swap3A_408], %swap3A_411 {strides = array<i32>} : memref<16xi32, #tpu.memory_space<vmem>>, vector<16xi32>,
      %dma_start3A_412 = arith.constant 0 : i32
      %dma_start3A_413 = arith.constant 0 : i32
      %dma_start3A_414 = tpu.memref_slice %arg3[%dma_start3A_412, %dma_start3A_413] : memref<8192x2048xf32, #tpu.memory_space<hbm>> -> memref<8192x2048xf32, #tpu.memory_space<hbm>>
      tpu.enqueue_indirect_dma source(%dma_start3A_414 : memref<8192x2048xf32, #tpu.memory_space<hbm>>) target(%arg9 : memref<16x2048xf32, #tpu.memory_space<vmem>>) offsets(%arg6 : memref<16xi32, #tpu.memory_space<vmem>>) semaphore(%arg13 : memref<!tpu.dma_semaphore, #tpu.memory_space<semaphore_mem>>)
      %dma_wait3A_415 = arith.constant 0 : i32
      %dma_wait3A_416 = arith.constant 0 : i32
      %dma_wait3A_417 = tpu.memref_slice %arg3[%dma_wait3A_415, %dma_wait3A_416] : memref<8192x2048xf32, #tpu.memory_space<hbm>> -> memref<8192x2048xf32, #tpu.memory_space<hbm>>
      tpu.wait_indirect_dma semaphore(%arg14 : memref<!tpu.dma_semaphore, #tpu.memory_space<semaphore_mem>>) src(%dma_wait3A_417 : memref<8192x2048xf32, #tpu.memory_space<hbm>>) dst(%arg10 : memref<16x2048xf32, #tpu.memory_space<vmem>>)
      %add3A_418 = arith.constant 208 : i32
      %add3A_419 = arith.addi %mul3A_57, %add3A_418 : i32
      %dma_start3A_420 = arith.constant 0 : i32
      %dma_start3A_421 = tpu.memref_slice %arg4[%add3A_419, %dma_start3A_420] : memref<8192x2048xf32, #tpu.memory_space<hbm>> -> memref<16x2048xf32, #tpu.memory_space<hbm>>
      %dma_start3A_422 = arith.constant 0 : i32
      %dma_start3A_423 = tpu.memref_slice %arg4[%add3A_419, %dma_start3A_422] : memref<8192x2048xf32, #tpu.memory_space<hbm>> -> memref<16x2048xf32, #tpu.memory_space<hbm>>
      tpu.enqueue_dma source(%arg10 : memref<16x2048xf32, #tpu.memory_space<vmem>>) target(%dma_start3A_423 : memref<16x2048xf32, #tpu.memory_space<hbm>>) target_semaphore(%arg17 : memref<!tpu.dma_semaphore, #tpu.memory_space<semaphore_mem>>)
      %dma_wait3A_424 = arith.constant 0 : i32
      %dma_wait3A_425 = tpu.memref_slice %arg4[%add3A_419, %dma_wait3A_424] : memref<8192x2048xf32, #tpu.memory_space<hbm>> -> memref<16x2048xf32, #tpu.memory_space<hbm>>
      %dma_wait3A_426 = arith.constant 0 : i32
      %dma_wait3A_427 = tpu.memref_slice %arg4[%add3A_419, %dma_wait3A_426] : memref<8192x2048xf32, #tpu.memory_space<hbm>> -> memref<16x2048xf32, #tpu.memory_space<hbm>>
      tpu.wait_dma2 semaphore(%arg17 : memref<!tpu.dma_semaphore, #tpu.memory_space<semaphore_mem>>) src(%arg10 : memref<16x2048xf32, #tpu.memory_space<vmem>>) dst(%dma_wait3A_427 : memref<16x2048xf32, #tpu.memory_space<hbm>>)
      %dma_wait3A_428 = arith.constant 0 : i32
      %dma_wait3A_429 = arith.constant 0 : i32
      %dma_wait3A_430 = tpu.memref_slice %arg3[%dma_wait3A_428, %dma_wait3A_429] : memref<8192x2048xf32, #tpu.memory_space<hbm>> -> memref<8192x2048xf32, #tpu.memory_space<hbm>>
      tpu.wait_indirect_dma semaphore(%arg15 : memref<!tpu.dma_semaphore, #tpu.memory_space<semaphore_mem>>) src(%dma_wait3A_430 : memref<8192x2048xf32, #tpu.memory_space<hbm>>) dst(%arg11 : memref<16x2048xf32, #tpu.memory_space<vmem>>)
      %add3A_431 = arith.constant 224 : i32
      %add3A_432 = arith.addi %mul3A_57, %add3A_431 : i32
      %dma_start3A_433 = arith.constant 0 : i32
      %dma_start3A_434 = tpu.memref_slice %arg4[%add3A_432, %dma_start3A_433] : memref<8192x2048xf32, #tpu.memory_space<hbm>> -> memref<16x2048xf32, #tpu.memory_space<hbm>>
      %dma_start3A_435 = arith.constant 0 : i32
      %dma_start3A_436 = tpu.memref_slice %arg4[%add3A_432, %dma_start3A_435] : memref<8192x2048xf32, #tpu.memory_space<hbm>> -> memref<16x2048xf32, #tpu.memory_space<hbm>>
      tpu.enqueue_dma source(%arg11 : memref<16x2048xf32, #tpu.memory_space<vmem>>) target(%dma_start3A_436 : memref<16x2048xf32, #tpu.memory_space<hbm>>) target_semaphore(%arg18 : memref<!tpu.dma_semaphore, #tpu.memory_space<semaphore_mem>>)
      %dma_wait3A_437 = arith.constant 0 : i32
      %dma_wait3A_438 = tpu.memref_slice %arg4[%add3A_432, %dma_wait3A_437] : memref<8192x2048xf32, #tpu.memory_space<hbm>> -> memref<16x2048xf32, #tpu.memory_space<hbm>>
      %dma_wait3A_439 = arith.constant 0 : i32
      %dma_wait3A_440 = tpu.memref_slice %arg4[%add3A_432, %dma_wait3A_439] : memref<8192x2048xf32, #tpu.memory_space<hbm>> -> memref<16x2048xf32, #tpu.memory_space<hbm>>
      tpu.wait_dma2 semaphore(%arg18 : memref<!tpu.dma_semaphore, #tpu.memory_space<semaphore_mem>>) src(%arg11 : memref<16x2048xf32, #tpu.memory_space<vmem>>) dst(%dma_wait3A_440 : memref<16x2048xf32, #tpu.memory_space<hbm>>)
      %dma_wait3A_441 = arith.constant 0 : i32
      %dma_wait3A_442 = arith.constant 0 : i32
      %dma_wait3A_443 = tpu.memref_slice %arg3[%dma_wait3A_441, %dma_wait3A_442] : memref<8192x2048xf32, #tpu.memory_space<hbm>> -> memref<8192x2048xf32, #tpu.memory_space<hbm>>
      tpu.wait_indirect_dma semaphore(%arg13 : memref<!tpu.dma_semaphore, #tpu.memory_space<semaphore_mem>>) src(%dma_wait3A_443 : memref<8192x2048xf32, #tpu.memory_space<hbm>>) dst(%arg9 : memref<16x2048xf32, #tpu.memory_space<vmem>>)
      %add3A_444 = arith.constant 240 : i32
      %add3A_445 = arith.addi %mul3A_57, %add3A_444 : i32
      %dma_start3A_446 = arith.constant 0 : i32
      %dma_start3A_447 = tpu.memref_slice %arg4[%add3A_445, %dma_start3A_446] : memref<8192x2048xf32, #tpu.memory_space<hbm>> -> memref<16x2048xf32, #tpu.memory_space<hbm>>
      %dma_start3A_448 = arith.constant 0 : i32
      %dma_start3A_449 = tpu.memref_slice %arg4[%add3A_445, %dma_start3A_448] : memref<8192x2048xf32, #tpu.memory_space<hbm>> -> memref<16x2048xf32, #tpu.memory_space<hbm>>
      tpu.enqueue_dma source(%arg9 : memref<16x2048xf32, #tpu.memory_space<vmem>>) target(%dma_start3A_449 : memref<16x2048xf32, #tpu.memory_space<hbm>>) target_semaphore(%arg16 : memref<!tpu.dma_semaphore, #tpu.memory_space<semaphore_mem>>)
      %dma_wait3A_450 = arith.constant 0 : i32
      %dma_wait3A_451 = tpu.memref_slice %arg4[%add3A_445, %dma_wait3A_450] : memref<8192x2048xf32, #tpu.memory_space<hbm>> -> memref<16x2048xf32, #tpu.memory_space<hbm>>
      %dma_wait3A_452 = arith.constant 0 : i32
      %dma_wait3A_453 = tpu.memref_slice %arg4[%add3A_445, %dma_wait3A_452] : memref<8192x2048xf32, #tpu.memory_space<hbm>> -> memref<16x2048xf32, #tpu.memory_space<hbm>>
      tpu.wait_dma2 semaphore(%arg16 : memref<!tpu.dma_semaphore, #tpu.memory_space<semaphore_mem>>) src(%arg9 : memref<16x2048xf32, #tpu.memory_space<vmem>>) dst(%dma_wait3A_453 : memref<16x2048xf32, #tpu.memory_space<hbm>>)
    } else {
    }
    %not3A_24 = arith.constant true
    %not3A_25 = arith.xori %ge3A_5, %not3A_24 : i1
    %convert_element_type3A_26 = arith.extui %not3A_25 : i1 to i32
    %cond3A_27 = arith.constant 0 : i32
    %cond3A_28 = arith.cmpi ne, %convert_element_type3A_26, %cond3A_27 : i32
    scf.if %cond3A_28 {
      %add3A_29 = arith.constant 0 : i32
      %add3A_30 = arith.addi %mul3A_2, %add3A_29 : i32
      %add3A_31 = vector.broadcast %add3A_30 : i32 to vector<16xi32>
      %add3A_32 = arith.addi %add3A_31, %iota3A : vector<16xi32>
      %min3A = arith.minsi %add3A_32, %get3A_4 : vector<16xi32>
      %swap3A = arith.constant 0 : index
      %swap3A_33 = tpu.vector_load %arg6[%swap3A] {strides = array<i32>} : memref<16xi32, #tpu.memory_space<vmem>>, vector<16xi32>,
      %swap3A_34 = vector.shape_cast %swap3A_33 : vector<16xi32> to vector<16xi32>
      %swap3A_35 = vector.shape_cast %min3A : vector<16xi32> to vector<16xi32>
      tpu.vector_store %arg6[%swap3A], %swap3A_35 {strides = array<i32>} : memref<16xi32, #tpu.memory_space<vmem>>, vector<16xi32>,
      %dma_start3A = arith.constant 0 : i32
      %dma_start3A_36 = arith.constant 0 : i32
      %dma_start3A_37 = tpu.memref_slice %arg3[%dma_start3A, %dma_start3A_36] : memref<8192x2048xf32, #tpu.memory_space<hbm>> -> memref<8192x2048xf32, #tpu.memory_space<hbm>>
      tpu.enqueue_indirect_dma source(%dma_start3A_37 : memref<8192x2048xf32, #tpu.memory_space<hbm>>) target(%arg9 : memref<16x2048xf32, #tpu.memory_space<vmem>>) offsets(%arg6 : memref<16xi32, #tpu.memory_space<vmem>>) semaphore(%arg13 : memref<!tpu.dma_semaphore, #tpu.memory_space<semaphore_mem>>)
      %add3A_38 = arith.constant 16 : i32
      %add3A_39 = arith.addi %mul3A_2, %add3A_38 : i32
      %add3A_40 = vector.broadcast %add3A_39 : i32 to vector<16xi32>
      %add3A_41 = arith.addi %add3A_40, %iota3A : vector<16xi32>
      %min3A_42 = arith.minsi %add3A_41, %get3A_4 : vector<16xi32>
      %swap3A_43 = arith.constant 0 : index
      %swap3A_44 = tpu.vector_load %arg7[%swap3A_43] {strides = array<i32>} : memref<16xi32, #tpu.memory_space<vmem>>, vector<16xi32>,
      %swap3A_45 = vector.shape_cast %swap3A_44 : vector<16xi32> to vector<16xi32>
      %swap3A_46 = vector.shape_cast %min3A_42 : vector<16xi32> to vector<16xi32>
      tpu.vector_store %arg7[%swap3A_43], %swap3A_46 {strides = array<i32>} : memref<16xi32, #tpu.memory_space<vmem>>, vector<16xi32>,
      %dma_start3A_47 = arith.constant 0 : i32
      %dma_start3A_48 = arith.constant 0 : i32
      %dma_start3A_49 = tpu.memref_slice %arg3[%dma_start3A_47, %dma_start3A_48] : memref<8192x2048xf32, #tpu.memory_space<hbm>> -> memref<8192x2048xf32, #tpu.memory_space<hbm>>
      tpu.enqueue_indirect_dma source(%dma_start3A_49 : memref<8192x2048xf32, #tpu.memory_space<hbm>>) target(%arg10 : memref<16x2048xf32, #tpu.memory_space<vmem>>) offsets(%arg7 : memref<16xi32, #tpu.memory_space<vmem>>) semaphore(%arg14 : memref<!tpu.dma_semaphore, #tpu.memory_space<semaphore_mem>>)
      %add3A_50 = arith.constant 32 : i32
      %add3A_51 = arith.addi %mul3A_2, %add3A_50 : i32
      %add3A_52 = vector.broadcast %add3A_51 : i32 to vector<16xi32>
      %add3A_53 = arith.addi %add3A_52, %iota3A : vector<16xi32>
      %min3A_54 = arith.minsi %add3A_53, %get3A_4 : vector<16xi32>
      %swap3A_55 = arith.constant 0 : index
      %swap3A_56 = tpu.vector_load %arg8[%swap3A_55] {strides = array<i32>} : memref<16xi32, #tpu.memory_space<vmem>>, vector<16xi32>,
      %swap3A_57 = vector.shape_cast %swap3A_56 : vector<16xi32> to vector<16xi32>
      %swap3A_58 = vector.shape_cast %min3A_54 : vector<16xi32> to vector<16xi32>
      tpu.vector_store %arg8[%swap3A_55], %swap3A_58 {strides = array<i32>} : memref<16xi32, #tpu.memory_space<vmem>>, vector<16xi32>,
      %dma_start3A_59 = arith.constant 0 : i32
      %dma_start3A_60 = arith.constant 0 : i32
      %dma_start3A_61 = tpu.memref_slice %arg3[%dma_start3A_59, %dma_start3A_60] : memref<8192x2048xf32, #tpu.memory_space<hbm>> -> memref<8192x2048xf32, #tpu.memory_space<hbm>>
      tpu.enqueue_indirect_dma source(%dma_start3A_61 : memref<8192x2048xf32, #tpu.memory_space<hbm>>) target(%arg11 : memref<16x2048xf32, #tpu.memory_space<vmem>>) offsets(%arg8 : memref<16xi32, #tpu.memory_space<vmem>>) semaphore(%arg15 : memref<!tpu.dma_semaphore, #tpu.memory_space<semaphore_mem>>)
      %dma_wait3A = arith.constant 0 : i32
      %dma_wait3A_62 = arith.constant 0 : i32
      %dma_wait3A_63 = tpu.memref_slice %arg3[%dma_wait3A, %dma_wait3A_62] : memref<8192x2048xf32, #tpu.memory_space<hbm>> -> memref<8192x2048xf32, #tpu.memory_space<hbm>>
      tpu.wait_indirect_dma semaphore(%arg13 : memref<!tpu.dma_semaphore, #tpu.memory_space<semaphore_mem>>) src(%dma_wait3A_63 : memref<8192x2048xf32, #tpu.memory_space<hbm>>) dst(%arg9 : memref<16x2048xf32, #tpu.memory_space<vmem>>)
      %add3A_64 = arith.constant 0 : i32
      %add3A_65 = arith.addi %mul3A_2, %add3A_64 : i32
      %dma_start3A_66 = arith.constant 0 : i32
      %dma_start3A_67 = tpu.memref_slice %arg4[%add3A_65, %dma_start3A_66] : memref<8192x2048xf32, #tpu.memory_space<hbm>> -> memref<16x2048xf32, #tpu.memory_space<hbm>>
      %dma_start3A_68 = arith.constant 0 : i32
      %dma_start3A_69 = tpu.memref_slice %arg4[%add3A_65, %dma_start3A_68] : memref<8192x2048xf32, #tpu.memory_space<hbm>> -> memref<16x2048xf32, #tpu.memory_space<hbm>>
      tpu.enqueue_dma source(%arg9 : memref<16x2048xf32, #tpu.memory_space<vmem>>) target(%dma_start3A_69 : memref<16x2048xf32, #tpu.memory_space<hbm>>) target_semaphore(%arg16 : memref<!tpu.dma_semaphore, #tpu.memory_space<semaphore_mem>>)
      %dma_wait3A_70 = arith.constant 0 : i32
      %dma_wait3A_71 = tpu.memref_slice %arg4[%add3A_65, %dma_wait3A_70] : memref<8192x2048xf32, #tpu.memory_space<hbm>> -> memref<16x2048xf32, #tpu.memory_space<hbm>>
      %dma_wait3A_72 = arith.constant 0 : i32
      %dma_wait3A_73 = tpu.memref_slice %arg4[%add3A_65, %dma_wait3A_72] : memref<8192x2048xf32, #tpu.memory_space<hbm>> -> memref<16x2048xf32, #tpu.memory_space<hbm>>
      tpu.wait_dma2 semaphore(%arg16 : memref<!tpu.dma_semaphore, #tpu.memory_space<semaphore_mem>>) src(%arg9 : memref<16x2048xf32, #tpu.memory_space<vmem>>) dst(%dma_wait3A_73 : memref<16x2048xf32, #tpu.memory_space<hbm>>)
      %add3A_74 = arith.constant 48 : i32
      %add3A_75 = arith.addi %mul3A_2, %add3A_74 : i32
      %add3A_76 = vector.broadcast %add3A_75 : i32 to vector<16xi32>
      %add3A_77 = arith.addi %add3A_76, %iota3A : vector<16xi32>
      %min3A_78 = arith.minsi %add3A_77, %get3A_4 : vector<16xi32>
      %swap3A_79 = arith.constant 0 : index
      %swap3A_80 = tpu.vector_load %arg6[%swap3A_79] {strides = array<i32>} : memref<16xi32, #tpu.memory_space<vmem>>, vector<16xi32>,
      %swap3A_81 = vector.shape_cast %swap3A_80 : vector<16xi32> to vector<16xi32>
      %swap3A_82 = vector.shape_cast %min3A_78 : vector<16xi32> to vector<16xi32>
      tpu.vector_store %arg6[%swap3A_79], %swap3A_82 {strides = array<i32>} : memref<16xi32, #tpu.memory_space<vmem>>, vector<16xi32>,
      %dma_start3A_83 = arith.constant 0 : i32
      %dma_start3A_84 = arith.constant 0 : i32
      %dma_start3A_85 = tpu.memref_slice %arg3[%dma_start3A_83, %dma_start3A_84] : memref<8192x2048xf32, #tpu.memory_space<hbm>> -> memref<8192x2048xf32, #tpu.memory_space<hbm>>
      tpu.enqueue_indirect_dma source(%dma_start3A_85 : memref<8192x2048xf32, #tpu.memory_space<hbm>>) target(%arg9 : memref<16x2048xf32, #tpu.memory_space<vmem>>) offsets(%arg6 : memref<16xi32, #tpu.memory_space<vmem>>) semaphore(%arg13 : memref<!tpu.dma_semaphore, #tpu.memory_space<semaphore_mem>>)
      %dma_wait3A_86 = arith.constant 0 : i32
      %dma_wait3A_87 = arith.constant 0 : i32
      %dma_wait3A_88 = tpu.memref_slice %arg3[%dma_wait3A_86, %dma_wait3A_87] : memref<8192x2048xf32, #tpu.memory_space<hbm>> -> memref<8192x2048xf32, #tpu.memory_space<hbm>>
      tpu.wait_indirect_dma semaphore(%arg14 : memref<!tpu.dma_semaphore, #tpu.memory_space<semaphore_mem>>) src(%dma_wait3A_88 : memref<8192x2048xf32, #tpu.memory_space<hbm>>) dst(%arg10 : memref<16x2048xf32, #tpu.memory_space<vmem>>)
      %add3A_89 = arith.constant 16 : i32
      %add3A_90 = arith.addi %mul3A_2, %add3A_89 : i32
      %dma_start3A_91 = arith.constant 0 : i32
      %dma_start3A_92 = tpu.memref_slice %arg4[%add3A_90, %dma_start3A_91] : memref<8192x2048xf32, #tpu.memory_space<hbm>> -> memref<16x2048xf32, #tpu.memory_space<hbm>>
      %dma_start3A_93 = arith.constant 0 : i32
      %dma_start3A_94 = tpu.memref_slice %arg4[%add3A_90, %dma_start3A_93] : memref<8192x2048xf32, #tpu.memory_space<hbm>> -> memref<16x2048xf32, #tpu.memory_space<hbm>>
      tpu.enqueue_dma source(%arg10 : memref<16x2048xf32, #tpu.memory_space<vmem>>) target(%dma_start3A_94 : memref<16x2048xf32, #tpu.memory_space<hbm>>) target_semaphore(%arg17 : memref<!tpu.dma_semaphore, #tpu.memory_space<semaphore_mem>>)
      %dma_wait3A_95 = arith.constant 0 : i32
      %dma_wait3A_96 = tpu.memref_slice %arg4[%add3A_90, %dma_wait3A_95] : memref<8192x2048xf32, #tpu.memory_space<hbm>> -> memref<16x2048xf32, #tpu.memory_space<hbm>>
      %dma_wait3A_97 = arith.constant 0 : i32
      %dma_wait3A_98 = tpu.memref_slice %arg4[%add3A_90, %dma_wait3A_97] : memref<8192x2048xf32, #tpu.memory_space<hbm>> -> memref<16x2048xf32, #tpu.memory_space<hbm>>
      tpu.wait_dma2 semaphore(%arg17 : memref<!tpu.dma_semaphore, #tpu.memory_space<semaphore_mem>>) src(%arg10 : memref<16x2048xf32, #tpu.memory_space<vmem>>) dst(%dma_wait3A_98 : memref<16x2048xf32, #tpu.memory_space<hbm>>)
      %add3A_99 = arith.constant 64 : i32
      %add3A_100 = arith.addi %mul3A_2, %add3A_99 : i32
      %add3A_101 = vector.broadcast %add3A_100 : i32 to vector<16xi32>
      %add3A_102 = arith.addi %add3A_101, %iota3A : vector<16xi32>
      %min3A_103 = arith.minsi %add3A_102, %get3A_4 : vector<16xi32>
      %swap3A_104 = arith.constant 0 : index
      %swap3A_105 = tpu.vector_load %arg7[%swap3A_104] {strides = array<i32>} : memref<16xi32, #tpu.memory_space<vmem>>, vector<16xi32>,
      %swap3A_106 = vector.shape_cast %swap3A_105 : vector<16xi32> to vector<16xi32>
      %swap3A_107 = vector.shape_cast %min3A_103 : vector<16xi32> to vector<16xi32>
      tpu.vector_store %arg7[%swap3A_104], %swap3A_107 {strides = array<i32>} : memref<16xi32, #tpu.memory_space<vmem>>, vector<16xi32>,
      %dma_start3A_108 = arith.constant 0 : i32
      %dma_start3A_109 = arith.constant 0 : i32
      %dma_start3A_110 = tpu.memref_slice %arg3[%dma_start3A_108, %dma_start3A_109] : memref<8192x2048xf32, #tpu.memory_space<hbm>> -> memref<8192x2048xf32, #tpu.memory_space<hbm>>
      tpu.enqueue_indirect_dma source(%dma_start3A_110 : memref<8192x2048xf32, #tpu.memory_space<hbm>>) target(%arg10 : memref<16x2048xf32, #tpu.memory_space<vmem>>) offsets(%arg7 : memref<16xi32, #tpu.memory_space<vmem>>) semaphore(%arg14 : memref<!tpu.dma_semaphore, #tpu.memory_space<semaphore_mem>>)
      %dma_wait3A_111 = arith.constant 0 : i32
      %dma_wait3A_112 = arith.constant 0 : i32
      %dma_wait3A_113 = tpu.memref_slice %arg3[%dma_wait3A_111, %dma_wait3A_112] : memref<8192x2048xf32, #tpu.memory_space<hbm>> -> memref<8192x2048xf32, #tpu.memory_space<hbm>>
      tpu.wait_indirect_dma semaphore(%arg15 : memref<!tpu.dma_semaphore, #tpu.memory_space<semaphore_mem>>) src(%dma_wait3A_113 : memref<8192x2048xf32, #tpu.memory_space<hbm>>) dst(%arg11 : memref<16x2048xf32, #tpu.memory_space<vmem>>)
      %add3A_114 = arith.constant 32 : i32
      %add3A_115 = arith.addi %mul3A_2, %add3A_114 : i32
      %dma_start3A_116 = arith.constant 0 : i32
      %dma_start3A_117 = tpu.memref_slice %arg4[%add3A_115, %dma_start3A_116] : memref<8192x2048xf32, #tpu.memory_space<hbm>> -> memref<16x2048xf32, #tpu.memory_space<hbm>>
      %dma_start3A_118 = arith.constant 0 : i32
      %dma_start3A_119 = tpu.memref_slice %arg4[%add3A_115, %dma_start3A_118] : memref<8192x2048xf32, #tpu.memory_space<hbm>> -> memref<16x2048xf32, #tpu.memory_space<hbm>>
      tpu.enqueue_dma source(%arg11 : memref<16x2048xf32, #tpu.memory_space<vmem>>) target(%dma_start3A_119 : memref<16x2048xf32, #tpu.memory_space<hbm>>) target_semaphore(%arg18 : memref<!tpu.dma_semaphore, #tpu.memory_space<semaphore_mem>>)
      %dma_wait3A_120 = arith.constant 0 : i32
      %dma_wait3A_121 = tpu.memref_slice %arg4[%add3A_115, %dma_wait3A_120] : memref<8192x2048xf32, #tpu.memory_space<hbm>> -> memref<16x2048xf32, #tpu.memory_space<hbm>>
      %dma_wait3A_122 = arith.constant 0 : i32
      %dma_wait3A_123 = tpu.memref_slice %arg4[%add3A_115, %dma_wait3A_122] : memref<8192x2048xf32, #tpu.memory_space<hbm>> -> memref<16x2048xf32, #tpu.memory_space<hbm>>
      tpu.wait_dma2 semaphore(%arg18 : memref<!tpu.dma_semaphore, #tpu.memory_space<semaphore_mem>>) src(%arg11 : memref<16x2048xf32, #tpu.memory_space<vmem>>) dst(%dma_wait3A_123 : memref<16x2048xf32, #tpu.memory_space<hbm>>)
      %add3A_124 = arith.constant 80 : i32
      %add3A_125 = arith.addi %mul3A_2, %add3A_124 : i32
      %add3A_126 = vector.broadcast %add3A_125 : i32 to vector<16xi32>
      %add3A_127 = arith.addi %add3A_126, %iota3A : vector<16xi32>
      %min3A_128 = arith.minsi %add3A_127, %get3A_4 : vector<16xi32>
      %swap3A_129 = arith.constant 0 : index
      %swap3A_130 = tpu.vector_load %arg8[%swap3A_129] {strides = array<i32>} : memref<16xi32, #tpu.memory_space<vmem>>, vector<16xi32>,
      %swap3A_131 = vector.shape_cast %swap3A_130 : vector<16xi32> to vector<16xi32>
      %swap3A_132 = vector.shape_cast %min3A_128 : vector<16xi32> to vector<16xi32>
      tpu.vector_store %arg8[%swap3A_129], %swap3A_132 {strides = array<i32>} : memref<16xi32, #tpu.memory_space<vmem>>, vector<16xi32>,
      %dma_start3A_133 = arith.constant 0 : i32
      %dma_start3A_134 = arith.constant 0 : i32
      %dma_start3A_135 = tpu.memref_slice %arg3[%dma_start3A_133, %dma_start3A_134] : memref<8192x2048xf32, #tpu.memory_space<hbm>> -> memref<8192x2048xf32, #tpu.memory_space<hbm>>
      tpu.enqueue_indirect_dma source(%dma_start3A_135 : memref<8192x2048xf32, #tpu.memory_space<hbm>>) target(%arg11 : memref<16x2048xf32, #tpu.memory_space<vmem>>) offsets(%arg8 : memref<16xi32, #tpu.memory_space<vmem>>) semaphore(%arg15 : memref<!tpu.dma_semaphore, #tpu.memory_space<semaphore_mem>>)
      %dma_wait3A_136 = arith.constant 0 : i32
      %dma_wait3A_137 = arith.constant 0 : i32
      %dma_wait3A_138 = tpu.memref_slice %arg3[%dma_wait3A_136, %dma_wait3A_137] : memref<8192x2048xf32, #tpu.memory_space<hbm>> -> memref<8192x2048xf32, #tpu.memory_space<hbm>>
      tpu.wait_indirect_dma semaphore(%arg13 : memref<!tpu.dma_semaphore, #tpu.memory_space<semaphore_mem>>) src(%dma_wait3A_138 : memref<8192x2048xf32, #tpu.memory_space<hbm>>) dst(%arg9 : memref<16x2048xf32, #tpu.memory_space<vmem>>)
      %add3A_139 = arith.constant 48 : i32
      %add3A_140 = arith.addi %mul3A_2, %add3A_139 : i32
      %dma_start3A_141 = arith.constant 0 : i32
      %dma_start3A_142 = tpu.memref_slice %arg4[%add3A_140, %dma_start3A_141] : memref<8192x2048xf32, #tpu.memory_space<hbm>> -> memref<16x2048xf32, #tpu.memory_space<hbm>>
      %dma_start3A_143 = arith.constant 0 : i32
      %dma_start3A_144 = tpu.memref_slice %arg4[%add3A_140, %dma_start3A_143] : memref<8192x2048xf32, #tpu.memory_space<hbm>> -> memref<16x2048xf32, #tpu.memory_space<hbm>>
      tpu.enqueue_dma source(%arg9 : memref<16x2048xf32, #tpu.memory_space<vmem>>) target(%dma_start3A_144 : memref<16x2048xf32, #tpu.memory_space<hbm>>) target_semaphore(%arg16 : memref<!tpu.dma_semaphore, #tpu.memory_space<semaphore_mem>>)
      %dma_wait3A_145 = arith.constant 0 : i32
      %dma_wait3A_146 = tpu.memref_slice %arg4[%add3A_140, %dma_wait3A_145] : memref<8192x2048xf32, #tpu.memory_space<hbm>> -> memref<16x2048xf32, #tpu.memory_space<hbm>>
      %dma_wait3A_147 = arith.constant 0 : i32
      %dma_wait3A_148 = tpu.memref_slice %arg4[%add3A_140, %dma_wait3A_147] : memref<8192x2048xf32, #tpu.memory_space<hbm>> -> memref<16x2048xf32, #tpu.memory_space<hbm>>
      tpu.wait_dma2 semaphore(%arg16 : memref<!tpu.dma_semaphore, #tpu.memory_space<semaphore_mem>>) src(%arg9 : memref<16x2048xf32, #tpu.memory_space<vmem>>) dst(%dma_wait3A_148 : memref<16x2048xf32, #tpu.memory_space<hbm>>)
      %add3A_149 = arith.constant 96 : i32
      %add3A_150 = arith.addi %mul3A_2, %add3A_149 : i32
      %add3A_151 = vector.broadcast %add3A_150 : i32 to vector<16xi32>
      %add3A_152 = arith.addi %add3A_151, %iota3A : vector<16xi32>
      %min3A_153 = arith.minsi %add3A_152, %get3A_4 : vector<16xi32>
      %swap3A_154 = arith.constant 0 : index
      %swap3A_155 = tpu.vector_load %arg6[%swap3A_154] {strides = array<i32>} : memref<16xi32, #tpu.memory_space<vmem>>, vector<16xi32>,
      %swap3A_156 = vector.shape_cast %swap3A_155 : vector<16xi32> to vector<16xi32>
      %swap3A_157 = vector.shape_cast %min3A_153 : vector<16xi32> to vector<16xi32>
      tpu.vector_store %arg6[%swap3A_154], %swap3A_157 {strides = array<i32>} : memref<16xi32, #tpu.memory_space<vmem>>, vector<16xi32>,
      %dma_start3A_158 = arith.constant 0 : i32
      %dma_start3A_159 = arith.constant 0 : i32
      %dma_start3A_160 = tpu.memref_slice %arg3[%dma_start3A_158, %dma_start3A_159] : memref<8192x2048xf32, #tpu.memory_space<hbm>> -> memref<8192x2048xf32, #tpu.memory_space<hbm>>
      tpu.enqueue_indirect_dma source(%dma_start3A_160 : memref<8192x2048xf32, #tpu.memory_space<hbm>>) target(%arg9 : memref<16x2048xf32, #tpu.memory_space<vmem>>) offsets(%arg6 : memref<16xi32, #tpu.memory_space<vmem>>) semaphore(%arg13 : memref<!tpu.dma_semaphore, #tpu.memory_space<semaphore_mem>>)
      %dma_wait3A_161 = arith.constant 0 : i32
      %dma_wait3A_162 = arith.constant 0 : i32
      %dma_wait3A_163 = tpu.memref_slice %arg3[%dma_wait3A_161, %dma_wait3A_162] : memref<8192x2048xf32, #tpu.memory_space<hbm>> -> memref<8192x2048xf32, #tpu.memory_space<hbm>>
      tpu.wait_indirect_dma semaphore(%arg14 : memref<!tpu.dma_semaphore, #tpu.memory_space<semaphore_mem>>) src(%dma_wait3A_163 : memref<8192x2048xf32, #tpu.memory_space<hbm>>) dst(%arg10 : memref<16x2048xf32, #tpu.memory_space<vmem>>)
      %add3A_164 = arith.constant 64 : i32
      %add3A_165 = arith.addi %mul3A_2, %add3A_164 : i32
      %dma_start3A_166 = arith.constant 0 : i32
      %dma_start3A_167 = tpu.memref_slice %arg4[%add3A_165, %dma_start3A_166] : memref<8192x2048xf32, #tpu.memory_space<hbm>> -> memref<16x2048xf32, #tpu.memory_space<hbm>>
      %dma_start3A_168 = arith.constant 0 : i32
      %dma_start3A_169 = tpu.memref_slice %arg4[%add3A_165, %dma_start3A_168] : memref<8192x2048xf32, #tpu.memory_space<hbm>> -> memref<16x2048xf32, #tpu.memory_space<hbm>>
      tpu.enqueue_dma source(%arg10 : memref<16x2048xf32, #tpu.memory_space<vmem>>) target(%dma_start3A_169 : memref<16x2048xf32, #tpu.memory_space<hbm>>) target_semaphore(%arg17 : memref<!tpu.dma_semaphore, #tpu.memory_space<semaphore_mem>>)
      %dma_wait3A_170 = arith.constant 0 : i32
      %dma_wait3A_171 = tpu.memref_slice %arg4[%add3A_165, %dma_wait3A_170] : memref<8192x2048xf32, #tpu.memory_space<hbm>> -> memref<16x2048xf32, #tpu.memory_space<hbm>>
      %dma_wait3A_172 = arith.constant 0 : i32
      %dma_wait3A_173 = tpu.memref_slice %arg4[%add3A_165, %dma_wait3A_172] : memref<8192x2048xf32, #tpu.memory_space<hbm>> -> memref<16x2048xf32, #tpu.memory_space<hbm>>
      tpu.wait_dma2 semaphore(%arg17 : memref<!tpu.dma_semaphore, #tpu.memory_space<semaphore_mem>>) src(%arg10 : memref<16x2048xf32, #tpu.memory_space<vmem>>) dst(%dma_wait3A_173 : memref<16x2048xf32, #tpu.memory_space<hbm>>)
      %add3A_174 = arith.constant 112 : i32
      %add3A_175 = arith.addi %mul3A_2, %add3A_174 : i32
      %add3A_176 = vector.broadcast %add3A_175 : i32 to vector<16xi32>
      %add3A_177 = arith.addi %add3A_176, %iota3A : vector<16xi32>
      %min3A_178 = arith.minsi %add3A_177, %get3A_4 : vector<16xi32>
      %swap3A_179 = arith.constant 0 : index
      %swap3A_180 = tpu.vector_load %arg7[%swap3A_179] {strides = array<i32>} : memref<16xi32, #tpu.memory_space<vmem>>, vector<16xi32>,
      %swap3A_181 = vector.shape_cast %swap3A_180 : vector<16xi32> to vector<16xi32>
      %swap3A_182 = vector.shape_cast %min3A_178 : vector<16xi32> to vector<16xi32>
      tpu.vector_store %arg7[%swap3A_179], %swap3A_182 {strides = array<i32>} : memref<16xi32, #tpu.memory_space<vmem>>, vector<16xi32>,
      %dma_start3A_183 = arith.constant 0 : i32
      %dma_start3A_184 = arith.constant 0 : i32
      %dma_start3A_185 = tpu.memref_slice %arg3[%dma_start3A_183, %dma_start3A_184] : memref<8192x2048xf32, #tpu.memory_space<hbm>> -> memref<8192x2048xf32, #tpu.memory_space<hbm>>
      tpu.enqueue_indirect_dma source(%dma_start3A_185 : memref<8192x2048xf32, #tpu.memory_space<hbm>>) target(%arg10 : memref<16x2048xf32, #tpu.memory_space<vmem>>) offsets(%arg7 : memref<16xi32, #tpu.memory_space<vmem>>) semaphore(%arg14 : memref<!tpu.dma_semaphore, #tpu.memory_space<semaphore_mem>>)
      %dma_wait3A_186 = arith.constant 0 : i32
      %dma_wait3A_187 = arith.constant 0 : i32
      %dma_wait3A_188 = tpu.memref_slice %arg3[%dma_wait3A_186, %dma_wait3A_187] : memref<8192x2048xf32, #tpu.memory_space<hbm>> -> memref<8192x2048xf32, #tpu.memory_space<hbm>>
      tpu.wait_indirect_dma semaphore(%arg15 : memref<!tpu.dma_semaphore, #tpu.memory_space<semaphore_mem>>) src(%dma_wait3A_188 : memref<8192x2048xf32, #tpu.memory_space<hbm>>) dst(%arg11 : memref<16x2048xf32, #tpu.memory_space<vmem>>)
      %add3A_189 = arith.constant 80 : i32
      %add3A_190 = arith.addi %mul3A_2, %add3A_189 : i32
      %dma_start3A_191 = arith.constant 0 : i32
      %dma_start3A_192 = tpu.memref_slice %arg4[%add3A_190, %dma_start3A_191] : memref<8192x2048xf32, #tpu.memory_space<hbm>> -> memref<16x2048xf32, #tpu.memory_space<hbm>>
      %dma_start3A_193 = arith.constant 0 : i32
      %dma_start3A_194 = tpu.memref_slice %arg4[%add3A_190, %dma_start3A_193] : memref<8192x2048xf32, #tpu.memory_space<hbm>> -> memref<16x2048xf32, #tpu.memory_space<hbm>>
      tpu.enqueue_dma source(%arg11 : memref<16x2048xf32, #tpu.memory_space<vmem>>) target(%dma_start3A_194 : memref<16x2048xf32, #tpu.memory_space<hbm>>) target_semaphore(%arg18 : memref<!tpu.dma_semaphore, #tpu.memory_space<semaphore_mem>>)
      %dma_wait3A_195 = arith.constant 0 : i32
      %dma_wait3A_196 = tpu.memref_slice %arg4[%add3A_190, %dma_wait3A_195] : memref<8192x2048xf32, #tpu.memory_space<hbm>> -> memref<16x2048xf32, #tpu.memory_space<hbm>>
      %dma_wait3A_197 = arith.constant 0 : i32
      %dma_wait3A_198 = tpu.memref_slice %arg4[%add3A_190, %dma_wait3A_197] : memref<8192x2048xf32, #tpu.memory_space<hbm>> -> memref<16x2048xf32, #tpu.memory_space<hbm>>
      tpu.wait_dma2 semaphore(%arg18 : memref<!tpu.dma_semaphore, #tpu.memory_space<semaphore_mem>>) src(%arg11 : memref<16x2048xf32, #tpu.memory_space<vmem>>) dst(%dma_wait3A_198 : memref<16x2048xf32, #tpu.memory_space<hbm>>)
      %add3A_199 = arith.constant 128 : i32
      %add3A_200 = arith.addi %mul3A_2, %add3A_199 : i32
      %add3A_201 = vector.broadcast %add3A_200 : i32 to vector<16xi32>
      %add3A_202 = arith.addi %add3A_201, %iota3A : vector<16xi32>
      %min3A_203 = arith.minsi %add3A_202, %get3A_4 : vector<16xi32>
      %swap3A_204 = arith.constant 0 : index
      %swap3A_205 = tpu.vector_load %arg8[%swap3A_204] {strides = array<i32>} : memref<16xi32, #tpu.memory_space<vmem>>, vector<16xi32>,
      %swap3A_206 = vector.shape_cast %swap3A_205 : vector<16xi32> to vector<16xi32>
      %swap3A_207 = vector.shape_cast %min3A_203 : vector<16xi32> to vector<16xi32>
      tpu.vector_store %arg8[%swap3A_204], %swap3A_207 {strides = array<i32>} : memref<16xi32, #tpu.memory_space<vmem>>, vector<16xi32>,
      %dma_start3A_208 = arith.constant 0 : i32
      %dma_start3A_209 = arith.constant 0 : i32
      %dma_start3A_210 = tpu.memref_slice %arg3[%dma_start3A_208, %dma_start3A_209] : memref<8192x2048xf32, #tpu.memory_space<hbm>> -> memref<8192x2048xf32, #tpu.memory_space<hbm>>
      tpu.enqueue_indirect_dma source(%dma_start3A_210 : memref<8192x2048xf32, #tpu.memory_space<hbm>>) target(%arg11 : memref<16x2048xf32, #tpu.memory_space<vmem>>) offsets(%arg8 : memref<16xi32, #tpu.memory_space<vmem>>) semaphore(%arg15 : memref<!tpu.dma_semaphore, #tpu.memory_space<semaphore_mem>>)
      %dma_wait3A_211 = arith.constant 0 : i32
      %dma_wait3A_212 = arith.constant 0 : i32
      %dma_wait3A_213 = tpu.memref_slice %arg3[%dma_wait3A_211, %dma_wait3A_212] : memref<8192x2048xf32, #tpu.memory_space<hbm>> -> memref<8192x2048xf32, #tpu.memory_space<hbm>>
      tpu.wait_indirect_dma semaphore(%arg13 : memref<!tpu.dma_semaphore, #tpu.memory_space<semaphore_mem>>) src(%dma_wait3A_213 : memref<8192x2048xf32, #tpu.memory_space<hbm>>) dst(%arg9 : memref<16x2048xf32, #tpu.memory_space<vmem>>)
      %add3A_214 = arith.constant 96 : i32
      %add3A_215 = arith.addi %mul3A_2, %add3A_214 : i32
      %dma_start3A_216 = arith.constant 0 : i32
      %dma_start3A_217 = tpu.memref_slice %arg4[%add3A_215, %dma_start3A_216] : memref<8192x2048xf32, #tpu.memory_space<hbm>> -> memref<16x2048xf32, #tpu.memory_space<hbm>>
      %dma_start3A_218 = arith.constant 0 : i32
      %dma_start3A_219 = tpu.memref_slice %arg4[%add3A_215, %dma_start3A_218] : memref<8192x2048xf32, #tpu.memory_space<hbm>> -> memref<16x2048xf32, #tpu.memory_space<hbm>>
      tpu.enqueue_dma source(%arg9 : memref<16x2048xf32, #tpu.memory_space<vmem>>) target(%dma_start3A_219 : memref<16x2048xf32, #tpu.memory_space<hbm>>) target_semaphore(%arg16 : memref<!tpu.dma_semaphore, #tpu.memory_space<semaphore_mem>>)
      %dma_wait3A_220 = arith.constant 0 : i32
      %dma_wait3A_221 = tpu.memref_slice %arg4[%add3A_215, %dma_wait3A_220] : memref<8192x2048xf32, #tpu.memory_space<hbm>> -> memref<16x2048xf32, #tpu.memory_space<hbm>>
      %dma_wait3A_222 = arith.constant 0 : i32
      %dma_wait3A_223 = tpu.memref_slice %arg4[%add3A_215, %dma_wait3A_222] : memref<8192x2048xf32, #tpu.memory_space<hbm>> -> memref<16x2048xf32, #tpu.memory_space<hbm>>
      tpu.wait_dma2 semaphore(%arg16 : memref<!tpu.dma_semaphore, #tpu.memory_space<semaphore_mem>>) src(%arg9 : memref<16x2048xf32, #tpu.memory_space<vmem>>) dst(%dma_wait3A_223 : memref<16x2048xf32, #tpu.memory_space<hbm>>)
      %add3A_224 = arith.constant 144 : i32
      %add3A_225 = arith.addi %mul3A_2, %add3A_224 : i32
      %add3A_226 = vector.broadcast %add3A_225 : i32 to vector<16xi32>
      %add3A_227 = arith.addi %add3A_226, %iota3A : vector<16xi32>
      %min3A_228 = arith.minsi %add3A_227, %get3A_4 : vector<16xi32>
      %swap3A_229 = arith.constant 0 : index
      %swap3A_230 = tpu.vector_load %arg6[%swap3A_229] {strides = array<i32>} : memref<16xi32, #tpu.memory_space<vmem>>, vector<16xi32>,
      %swap3A_231 = vector.shape_cast %swap3A_230 : vector<16xi32> to vector<16xi32>
      %swap3A_232 = vector.shape_cast %min3A_228 : vector<16xi32> to vector<16xi32>
      tpu.vector_store %arg6[%swap3A_229], %swap3A_232 {strides = array<i32>} : memref<16xi32, #tpu.memory_space<vmem>>, vector<16xi32>,
      %dma_start3A_233 = arith.constant 0 : i32
      %dma_start3A_234 = arith.constant 0 : i32
      %dma_start3A_235 = tpu.memref_slice %arg3[%dma_start3A_233, %dma_start3A_234] : memref<8192x2048xf32, #tpu.memory_space<hbm>> -> memref<8192x2048xf32, #tpu.memory_space<hbm>>
      tpu.enqueue_indirect_dma source(%dma_start3A_235 : memref<8192x2048xf32, #tpu.memory_space<hbm>>) target(%arg9 : memref<16x2048xf32, #tpu.memory_space<vmem>>) offsets(%arg6 : memref<16xi32, #tpu.memory_space<vmem>>) semaphore(%arg13 : memref<!tpu.dma_semaphore, #tpu.memory_space<semaphore_mem>>)
      %dma_wait3A_236 = arith.constant 0 : i32
      %dma_wait3A_237 = arith.constant 0 : i32
      %dma_wait3A_238 = tpu.memref_slice %arg3[%dma_wait3A_236, %dma_wait3A_237] : memref<8192x2048xf32, #tpu.memory_space<hbm>> -> memref<8192x2048xf32, #tpu.memory_space<hbm>>
      tpu.wait_indirect_dma semaphore(%arg14 : memref<!tpu.dma_semaphore, #tpu.memory_space<semaphore_mem>>) src(%dma_wait3A_238 : memref<8192x2048xf32, #tpu.memory_space<hbm>>) dst(%arg10 : memref<16x2048xf32, #tpu.memory_space<vmem>>)
      %add3A_239 = arith.constant 112 : i32
      %add3A_240 = arith.addi %mul3A_2, %add3A_239 : i32
      %dma_start3A_241 = arith.constant 0 : i32
      %dma_start3A_242 = tpu.memref_slice %arg4[%add3A_240, %dma_start3A_241] : memref<8192x2048xf32, #tpu.memory_space<hbm>> -> memref<16x2048xf32, #tpu.memory_space<hbm>>
      %dma_start3A_243 = arith.constant 0 : i32
      %dma_start3A_244 = tpu.memref_slice %arg4[%add3A_240, %dma_start3A_243] : memref<8192x2048xf32, #tpu.memory_space<hbm>> -> memref<16x2048xf32, #tpu.memory_space<hbm>>
      tpu.enqueue_dma source(%arg10 : memref<16x2048xf32, #tpu.memory_space<vmem>>) target(%dma_start3A_244 : memref<16x2048xf32, #tpu.memory_space<hbm>>) target_semaphore(%arg17 : memref<!tpu.dma_semaphore, #tpu.memory_space<semaphore_mem>>)
      %dma_wait3A_245 = arith.constant 0 : i32
      %dma_wait3A_246 = tpu.memref_slice %arg4[%add3A_240, %dma_wait3A_245] : memref<8192x2048xf32, #tpu.memory_space<hbm>> -> memref<16x2048xf32, #tpu.memory_space<hbm>>
      %dma_wait3A_247 = arith.constant 0 : i32
      %dma_wait3A_248 = tpu.memref_slice %arg4[%add3A_240, %dma_wait3A_247] : memref<8192x2048xf32, #tpu.memory_space<hbm>> -> memref<16x2048xf32, #tpu.memory_space<hbm>>
      tpu.wait_dma2 semaphore(%arg17 : memref<!tpu.dma_semaphore, #tpu.memory_space<semaphore_mem>>) src(%arg10 : memref<16x2048xf32, #tpu.memory_space<vmem>>) dst(%dma_wait3A_248 : memref<16x2048xf32, #tpu.memory_space<hbm>>)
      %add3A_249 = arith.constant 160 : i32
      %add3A_250 = arith.addi %mul3A_2, %add3A_249 : i32
      %add3A_251 = vector.broadcast %add3A_250 : i32 to vector<16xi32>
      %add3A_252 = arith.addi %add3A_251, %iota3A : vector<16xi32>
      %min3A_253 = arith.minsi %add3A_252, %get3A_4 : vector<16xi32>
      %swap3A_254 = arith.constant 0 : index
      %swap3A_255 = tpu.vector_load %arg7[%swap3A_254] {strides = array<i32>} : memref<16xi32, #tpu.memory_space<vmem>>, vector<16xi32>,
      %swap3A_256 = vector.shape_cast %swap3A_255 : vector<16xi32> to vector<16xi32>
      %swap3A_257 = vector.shape_cast %min3A_253 : vector<16xi32> to vector<16xi32>
      tpu.vector_store %arg7[%swap3A_254], %swap3A_257 {strides = array<i32>} : memref<16xi32, #tpu.memory_space<vmem>>, vector<16xi32>,
      %dma_start3A_258 = arith.constant 0 : i32
      %dma_start3A_259 = arith.constant 0 : i32
      %dma_start3A_260 = tpu.memref_slice %arg3[%dma_start3A_258, %dma_start3A_259] : memref<8192x2048xf32, #tpu.memory_space<hbm>> -> memref<8192x2048xf32, #tpu.memory_space<hbm>>
      tpu.enqueue_indirect_dma source(%dma_start3A_260 : memref<8192x2048xf32, #tpu.memory_space<hbm>>) target(%arg10 : memref<16x2048xf32, #tpu.memory_space<vmem>>) offsets(%arg7 : memref<16xi32, #tpu.memory_space<vmem>>) semaphore(%arg14 : memref<!tpu.dma_semaphore, #tpu.memory_space<semaphore_mem>>)
      %dma_wait3A_261 = arith.constant 0 : i32
      %dma_wait3A_262 = arith.constant 0 : i32
      %dma_wait3A_263 = tpu.memref_slice %arg3[%dma_wait3A_261, %dma_wait3A_262] : memref<8192x2048xf32, #tpu.memory_space<hbm>> -> memref<8192x2048xf32, #tpu.memory_space<hbm>>
      tpu.wait_indirect_dma semaphore(%arg15 : memref<!tpu.dma_semaphore, #tpu.memory_space<semaphore_mem>>) src(%dma_wait3A_263 : memref<8192x2048xf32, #tpu.memory_space<hbm>>) dst(%arg11 : memref<16x2048xf32, #tpu.memory_space<vmem>>)
      %add3A_264 = arith.constant 128 : i32
      %add3A_265 = arith.addi %mul3A_2, %add3A_264 : i32
      %dma_start3A_266 = arith.constant 0 : i32
      %dma_start3A_267 = tpu.memref_slice %arg4[%add3A_265, %dma_start3A_266] : memref<8192x2048xf32, #tpu.memory_space<hbm>> -> memref<16x2048xf32, #tpu.memory_space<hbm>>
      %dma_start3A_268 = arith.constant 0 : i32
      %dma_start3A_269 = tpu.memref_slice %arg4[%add3A_265, %dma_start3A_268] : memref<8192x2048xf32, #tpu.memory_space<hbm>> -> memref<16x2048xf32, #tpu.memory_space<hbm>>
      tpu.enqueue_dma source(%arg11 : memref<16x2048xf32, #tpu.memory_space<vmem>>) target(%dma_start3A_269 : memref<16x2048xf32, #tpu.memory_space<hbm>>) target_semaphore(%arg18 : memref<!tpu.dma_semaphore, #tpu.memory_space<semaphore_mem>>)
      %dma_wait3A_270 = arith.constant 0 : i32
      %dma_wait3A_271 = tpu.memref_slice %arg4[%add3A_265, %dma_wait3A_270] : memref<8192x2048xf32, #tpu.memory_space<hbm>> -> memref<16x2048xf32, #tpu.memory_space<hbm>>
      %dma_wait3A_272 = arith.constant 0 : i32
      %dma_wait3A_273 = tpu.memref_slice %arg4[%add3A_265, %dma_wait3A_272] : memref<8192x2048xf32, #tpu.memory_space<hbm>> -> memref<16x2048xf32, #tpu.memory_space<hbm>>
      tpu.wait_dma2 semaphore(%arg18 : memref<!tpu.dma_semaphore, #tpu.memory_space<semaphore_mem>>) src(%arg11 : memref<16x2048xf32, #tpu.memory_space<vmem>>) dst(%dma_wait3A_273 : memref<16x2048xf32, #tpu.memory_space<hbm>>)
      %add3A_274 = arith.constant 176 : i32
      %add3A_275 = arith.addi %mul3A_2, %add3A_274 : i32
      %add3A_276 = vector.broadcast %add3A_275 : i32 to vector<16xi32>
      %add3A_277 = arith.addi %add3A_276, %iota3A : vector<16xi32>
      %min3A_278 = arith.minsi %add3A_277, %get3A_4 : vector<16xi32>
      %swap3A_279 = arith.constant 0 : index
      %swap3A_280 = tpu.vector_load %arg8[%swap3A_279] {strides = array<i32>} : memref<16xi32, #tpu.memory_space<vmem>>, vector<16xi32>,
      %swap3A_281 = vector.shape_cast %swap3A_280 : vector<16xi32> to vector<16xi32>
      %swap3A_282 = vector.shape_cast %min3A_278 : vector<16xi32> to vector<16xi32>
      tpu.vector_store %arg8[%swap3A_279], %swap3A_282 {strides = array<i32>} : memref<16xi32, #tpu.memory_space<vmem>>, vector<16xi32>,
      %dma_start3A_283 = arith.constant 0 : i32
      %dma_start3A_284 = arith.constant 0 : i32
      %dma_start3A_285 = tpu.memref_slice %arg3[%dma_start3A_283, %dma_start3A_284] : memref<8192x2048xf32, #tpu.memory_space<hbm>> -> memref<8192x2048xf32, #tpu.memory_space<hbm>>
      tpu.enqueue_indirect_dma source(%dma_start3A_285 : memref<8192x2048xf32, #tpu.memory_space<hbm>>) target(%arg11 : memref<16x2048xf32, #tpu.memory_space<vmem>>) offsets(%arg8 : memref<16xi32, #tpu.memory_space<vmem>>) semaphore(%arg15 : memref<!tpu.dma_semaphore, #tpu.memory_space<semaphore_mem>>)
      %dma_wait3A_286 = arith.constant 0 : i32
      %dma_wait3A_287 = arith.constant 0 : i32
      %dma_wait3A_288 = tpu.memref_slice %arg3[%dma_wait3A_286, %dma_wait3A_287] : memref<8192x2048xf32, #tpu.memory_space<hbm>> -> memref<8192x2048xf32, #tpu.memory_space<hbm>>
      tpu.wait_indirect_dma semaphore(%arg13 : memref<!tpu.dma_semaphore, #tpu.memory_space<semaphore_mem>>) src(%dma_wait3A_288 : memref<8192x2048xf32, #tpu.memory_space<hbm>>) dst(%arg9 : memref<16x2048xf32, #tpu.memory_space<vmem>>)
      %add3A_289 = arith.constant 144 : i32
      %add3A_290 = arith.addi %mul3A_2, %add3A_289 : i32
      %dma_start3A_291 = arith.constant 0 : i32
      %dma_start3A_292 = tpu.memref_slice %arg4[%add3A_290, %dma_start3A_291] : memref<8192x2048xf32, #tpu.memory_space<hbm>> -> memref<16x2048xf32, #tpu.memory_space<hbm>>
      %dma_start3A_293 = arith.constant 0 : i32
      %dma_start3A_294 = tpu.memref_slice %arg4[%add3A_290, %dma_start3A_293] : memref<8192x2048xf32, #tpu.memory_space<hbm>> -> memref<16x2048xf32, #tpu.memory_space<hbm>>
      tpu.enqueue_dma source(%arg9 : memref<16x2048xf32, #tpu.memory_space<vmem>>) target(%dma_start3A_294 : memref<16x2048xf32, #tpu.memory_space<hbm>>) target_semaphore(%arg16 : memref<!tpu.dma_semaphore, #tpu.memory_space<semaphore_mem>>)
      %dma_wait3A_295 = arith.constant 0 : i32
      %dma_wait3A_296 = tpu.memref_slice %arg4[%add3A_290, %dma_wait3A_295] : memref<8192x2048xf32, #tpu.memory_space<hbm>> -> memref<16x2048xf32, #tpu.memory_space<hbm>>
      %dma_wait3A_297 = arith.constant 0 : i32
      %dma_wait3A_298 = tpu.memref_slice %arg4[%add3A_290, %dma_wait3A_297] : memref<8192x2048xf32, #tpu.memory_space<hbm>> -> memref<16x2048xf32, #tpu.memory_space<hbm>>
      tpu.wait_dma2 semaphore(%arg16 : memref<!tpu.dma_semaphore, #tpu.memory_space<semaphore_mem>>) src(%arg9 : memref<16x2048xf32, #tpu.memory_space<vmem>>) dst(%dma_wait3A_298 : memref<16x2048xf32, #tpu.memory_space<hbm>>)
      %add3A_299 = arith.constant 192 : i32
      %add3A_300 = arith.addi %mul3A_2, %add3A_299 : i32
      %add3A_301 = vector.broadcast %add3A_300 : i32 to vector<16xi32>
      %add3A_302 = arith.addi %add3A_301, %iota3A : vector<16xi32>
      %min3A_303 = arith.minsi %add3A_302, %get3A_4 : vector<16xi32>
      %swap3A_304 = arith.constant 0 : index
      %swap3A_305 = tpu.vector_load %arg6[%swap3A_304] {strides = array<i32>} : memref<16xi32, #tpu.memory_space<vmem>>, vector<16xi32>,
      %swap3A_306 = vector.shape_cast %swap3A_305 : vector<16xi32> to vector<16xi32>
      %swap3A_307 = vector.shape_cast %min3A_303 : vector<16xi32> to vector<16xi32>
      tpu.vector_store %arg6[%swap3A_304], %swap3A_307 {strides = array<i32>} : memref<16xi32, #tpu.memory_space<vmem>>, vector<16xi32>,
      %dma_start3A_308 = arith.constant 0 : i32
      %dma_start3A_309 = arith.constant 0 : i32
      %dma_start3A_310 = tpu.memref_slice %arg3[%dma_start3A_308, %dma_start3A_309] : memref<8192x2048xf32, #tpu.memory_space<hbm>> -> memref<8192x2048xf32, #tpu.memory_space<hbm>>
      tpu.enqueue_indirect_dma source(%dma_start3A_310 : memref<8192x2048xf32, #tpu.memory_space<hbm>>) target(%arg9 : memref<16x2048xf32, #tpu.memory_space<vmem>>) offsets(%arg6 : memref<16xi32, #tpu.memory_space<vmem>>) semaphore(%arg13 : memref<!tpu.dma_semaphore, #tpu.memory_space<semaphore_mem>>)
      %dma_wait3A_311 = arith.constant 0 : i32
      %dma_wait3A_312 = arith.constant 0 : i32
      %dma_wait3A_313 = tpu.memref_slice %arg3[%dma_wait3A_311, %dma_wait3A_312] : memref<8192x2048xf32, #tpu.memory_space<hbm>> -> memref<8192x2048xf32, #tpu.memory_space<hbm>>
      tpu.wait_indirect_dma semaphore(%arg14 : memref<!tpu.dma_semaphore, #tpu.memory_space<semaphore_mem>>) src(%dma_wait3A_313 : memref<8192x2048xf32, #tpu.memory_space<hbm>>) dst(%arg10 : memref<16x2048xf32, #tpu.memory_space<vmem>>)
      %add3A_314 = arith.constant 160 : i32
      %add3A_315 = arith.addi %mul3A_2, %add3A_314 : i32
      %dma_start3A_316 = arith.constant 0 : i32
      %dma_start3A_317 = tpu.memref_slice %arg4[%add3A_315, %dma_start3A_316] : memref<8192x2048xf32, #tpu.memory_space<hbm>> -> memref<16x2048xf32, #tpu.memory_space<hbm>>
      %dma_start3A_318 = arith.constant 0 : i32
      %dma_start3A_319 = tpu.memref_slice %arg4[%add3A_315, %dma_start3A_318] : memref<8192x2048xf32, #tpu.memory_space<hbm>> -> memref<16x2048xf32, #tpu.memory_space<hbm>>
      tpu.enqueue_dma source(%arg10 : memref<16x2048xf32, #tpu.memory_space<vmem>>) target(%dma_start3A_319 : memref<16x2048xf32, #tpu.memory_space<hbm>>) target_semaphore(%arg17 : memref<!tpu.dma_semaphore, #tpu.memory_space<semaphore_mem>>)
      %dma_wait3A_320 = arith.constant 0 : i32
      %dma_wait3A_321 = tpu.memref_slice %arg4[%add3A_315, %dma_wait3A_320] : memref<8192x2048xf32, #tpu.memory_space<hbm>> -> memref<16x2048xf32, #tpu.memory_space<hbm>>
      %dma_wait3A_322 = arith.constant 0 : i32
      %dma_wait3A_323 = tpu.memref_slice %arg4[%add3A_315, %dma_wait3A_322] : memref<8192x2048xf32, #tpu.memory_space<hbm>> -> memref<16x2048xf32, #tpu.memory_space<hbm>>
      tpu.wait_dma2 semaphore(%arg17 : memref<!tpu.dma_semaphore, #tpu.memory_space<semaphore_mem>>) src(%arg10 : memref<16x2048xf32, #tpu.memory_space<vmem>>) dst(%dma_wait3A_323 : memref<16x2048xf32, #tpu.memory_space<hbm>>)
      %add3A_324 = arith.constant 208 : i32
      %add3A_325 = arith.addi %mul3A_2, %add3A_324 : i32
      %add3A_326 = vector.broadcast %add3A_325 : i32 to vector<16xi32>
      %add3A_327 = arith.addi %add3A_326, %iota3A : vector<16xi32>
      %min3A_328 = arith.minsi %add3A_327, %get3A_4 : vector<16xi32>
      %swap3A_329 = arith.constant 0 : index
      %swap3A_330 = tpu.vector_load %arg7[%swap3A_329] {strides = array<i32>} : memref<16xi32, #tpu.memory_space<vmem>>, vector<16xi32>,
      %swap3A_331 = vector.shape_cast %swap3A_330 : vector<16xi32> to vector<16xi32>
      %swap3A_332 = vector.shape_cast %min3A_328 : vector<16xi32> to vector<16xi32>
      tpu.vector_store %arg7[%swap3A_329], %swap3A_332 {strides = array<i32>} : memref<16xi32, #tpu.memory_space<vmem>>, vector<16xi32>,
      %dma_start3A_333 = arith.constant 0 : i32
      %dma_start3A_334 = arith.constant 0 : i32
      %dma_start3A_335 = tpu.memref_slice %arg3[%dma_start3A_333, %dma_start3A_334] : memref<8192x2048xf32, #tpu.memory_space<hbm>> -> memref<8192x2048xf32, #tpu.memory_space<hbm>>
      tpu.enqueue_indirect_dma source(%dma_start3A_335 : memref<8192x2048xf32, #tpu.memory_space<hbm>>) target(%arg10 : memref<16x2048xf32, #tpu.memory_space<vmem>>) offsets(%arg7 : memref<16xi32, #tpu.memory_space<vmem>>) semaphore(%arg14 : memref<!tpu.dma_semaphore, #tpu.memory_space<semaphore_mem>>)
      %dma_wait3A_336 = arith.constant 0 : i32
      %dma_wait3A_337 = arith.constant 0 : i32
      %dma_wait3A_338 = tpu.memref_slice %arg3[%dma_wait3A_336, %dma_wait3A_337] : memref<8192x2048xf32, #tpu.memory_space<hbm>> -> memref<8192x2048xf32, #tpu.memory_space<hbm>>
      tpu.wait_indirect_dma semaphore(%arg15 : memref<!tpu.dma_semaphore, #tpu.memory_space<semaphore_mem>>) src(%dma_wait3A_338 : memref<8192x2048xf32, #tpu.memory_space<hbm>>) dst(%arg11 : memref<16x2048xf32, #tpu.memory_space<vmem>>)
      %add3A_339 = arith.constant 176 : i32
      %add3A_340 = arith.addi %mul3A_2, %add3A_339 : i32
      %dma_start3A_341 = arith.constant 0 : i32
      %dma_start3A_342 = tpu.memref_slice %arg4[%add3A_340, %dma_start3A_341] : memref<8192x2048xf32, #tpu.memory_space<hbm>> -> memref<16x2048xf32, #tpu.memory_space<hbm>>
      %dma_start3A_343 = arith.constant 0 : i32
      %dma_start3A_344 = tpu.memref_slice %arg4[%add3A_340, %dma_start3A_343] : memref<8192x2048xf32, #tpu.memory_space<hbm>> -> memref<16x2048xf32, #tpu.memory_space<hbm>>
      tpu.enqueue_dma source(%arg11 : memref<16x2048xf32, #tpu.memory_space<vmem>>) target(%dma_start3A_344 : memref<16x2048xf32, #tpu.memory_space<hbm>>) target_semaphore(%arg18 : memref<!tpu.dma_semaphore, #tpu.memory_space<semaphore_mem>>)
      %dma_wait3A_345 = arith.constant 0 : i32
      %dma_wait3A_346 = tpu.memref_slice %arg4[%add3A_340, %dma_wait3A_345] : memref<8192x2048xf32, #tpu.memory_space<hbm>> -> memref<16x2048xf32, #tpu.memory_space<hbm>>
      %dma_wait3A_347 = arith.constant 0 : i32
      %dma_wait3A_348 = tpu.memref_slice %arg4[%add3A_340, %dma_wait3A_347] : memref<8192x2048xf32, #tpu.memory_space<hbm>> -> memref<16x2048xf32, #tpu.memory_space<hbm>>
      tpu.wait_dma2 semaphore(%arg18 : memref<!tpu.dma_semaphore, #tpu.memory_space<semaphore_mem>>) src(%arg11 : memref<16x2048xf32, #tpu.memory_space<vmem>>) dst(%dma_wait3A_348 : memref<16x2048xf32, #tpu.memory_space<hbm>>)
      %add3A_349 = arith.constant 224 : i32
      %add3A_350 = arith.addi %mul3A_2, %add3A_349 : i32
      %add3A_351 = vector.broadcast %add3A_350 : i32 to vector<16xi32>
      %add3A_352 = arith.addi %add3A_351, %iota3A : vector<16xi32>
      %min3A_353 = arith.minsi %add3A_352, %get3A_4 : vector<16xi32>
      %swap3A_354 = arith.constant 0 : index
      %swap3A_355 = tpu.vector_load %arg8[%swap3A_354] {strides = array<i32>} : memref<16xi32, #tpu.memory_space<vmem>>, vector<16xi32>,
      %swap3A_356 = vector.shape_cast %swap3A_355 : vector<16xi32> to vector<16xi32>
      %swap3A_357 = vector.shape_cast %min3A_353 : vector<16xi32> to vector<16xi32>
      tpu.vector_store %arg8[%swap3A_354], %swap3A_357 {strides = array<i32>} : memref<16xi32, #tpu.memory_space<vmem>>, vector<16xi32>,
      %dma_start3A_358 = arith.constant 0 : i32
      %dma_start3A_359 = arith.constant 0 : i32
      %dma_start3A_360 = tpu.memref_slice %arg3[%dma_start3A_358, %dma_start3A_359] : memref<8192x2048xf32, #tpu.memory_space<hbm>> -> memref<8192x2048xf32, #tpu.memory_space<hbm>>
      tpu.enqueue_indirect_dma source(%dma_start3A_360 : memref<8192x2048xf32, #tpu.memory_space<hbm>>) target(%arg11 : memref<16x2048xf32, #tpu.memory_space<vmem>>) offsets(%arg8 : memref<16xi32, #tpu.memory_space<vmem>>) semaphore(%arg15 : memref<!tpu.dma_semaphore, #tpu.memory_space<semaphore_mem>>)
      %dma_wait3A_361 = arith.constant 0 : i32
      %dma_wait3A_362 = arith.constant 0 : i32
      %dma_wait3A_363 = tpu.memref_slice %arg3[%dma_wait3A_361, %dma_wait3A_362] : memref<8192x2048xf32, #tpu.memory_space<hbm>> -> memref<8192x2048xf32, #tpu.memory_space<hbm>>
      tpu.wait_indirect_dma semaphore(%arg13 : memref<!tpu.dma_semaphore, #tpu.memory_space<semaphore_mem>>) src(%dma_wait3A_363 : memref<8192x2048xf32, #tpu.memory_space<hbm>>) dst(%arg9 : memref<16x2048xf32, #tpu.memory_space<vmem>>)
      %add3A_364 = arith.constant 192 : i32
      %add3A_365 = arith.addi %mul3A_2, %add3A_364 : i32
      %dma_start3A_366 = arith.constant 0 : i32
      %dma_start3A_367 = tpu.memref_slice %arg4[%add3A_365, %dma_start3A_366] : memref<8192x2048xf32, #tpu.memory_space<hbm>> -> memref<16x2048xf32, #tpu.memory_space<hbm>>
      %dma_start3A_368 = arith.constant 0 : i32
      %dma_start3A_369 = tpu.memref_slice %arg4[%add3A_365, %dma_start3A_368] : memref<8192x2048xf32, #tpu.memory_space<hbm>> -> memref<16x2048xf32, #tpu.memory_space<hbm>>
      tpu.enqueue_dma source(%arg9 : memref<16x2048xf32, #tpu.memory_space<vmem>>) target(%dma_start3A_369 : memref<16x2048xf32, #tpu.memory_space<hbm>>) target_semaphore(%arg16 : memref<!tpu.dma_semaphore, #tpu.memory_space<semaphore_mem>>)
      %dma_wait3A_370 = arith.constant 0 : i32
      %dma_wait3A_371 = tpu.memref_slice %arg4[%add3A_365, %dma_wait3A_370] : memref<8192x2048xf32, #tpu.memory_space<hbm>> -> memref<16x2048xf32, #tpu.memory_space<hbm>>
      %dma_wait3A_372 = arith.constant 0 : i32
      %dma_wait3A_373 = tpu.memref_slice %arg4[%add3A_365, %dma_wait3A_372] : memref<8192x2048xf32, #tpu.memory_space<hbm>> -> memref<16x2048xf32, #tpu.memory_space<hbm>>
      tpu.wait_dma2 semaphore(%arg16 : memref<!tpu.dma_semaphore, #tpu.memory_space<semaphore_mem>>) src(%arg9 : memref<16x2048xf32, #tpu.memory_space<vmem>>) dst(%dma_wait3A_373 : memref<16x2048xf32, #tpu.memory_space<hbm>>)
      %add3A_374 = arith.constant 240 : i32
      %add3A_375 = arith.addi %mul3A_2, %add3A_374 : i32
      %add3A_376 = vector.broadcast %add3A_375 : i32 to vector<16xi32>
      %add3A_377 = arith.addi %add3A_376, %iota3A : vector<16xi32>
      %min3A_378 = arith.minsi %add3A_377, %get3A_4 : vector<16xi32>
      %swap3A_379 = arith.constant 0 : index
      %swap3A_380 = tpu.vector_load %arg6[%swap3A_379] {strides = array<i32>} : memref<16xi32, #tpu.memory_space<vmem>>, vector<16xi32>,
      %swap3A_381 = vector.shape_cast %swap3A_380 : vector<16xi32> to vector<16xi32>
      %swap3A_382 = vector.shape_cast %min3A_378 : vector<16xi32> to vector<16xi32>
      tpu.vector_store %arg6[%swap3A_379], %swap3A_382 {strides = array<i32>} : memref<16xi32, #tpu.memory_space<vmem>>, vector<16xi32>,
      %dma_start3A_383 = arith.constant 0 : i32
      %dma_start3A_384 = arith.constant 0 : i32
      %dma_start3A_385 = tpu.memref_slice %arg3[%dma_start3A_383, %dma_start3A_384] : memref<8192x2048xf32, #tpu.memory_space<hbm>> -> memref<8192x2048xf32, #tpu.memory_space<hbm>>
      tpu.enqueue_indirect_dma source(%dma_start3A_385 : memref<8192x2048xf32, #tpu.memory_space<hbm>>) target(%arg9 : memref<16x2048xf32, #tpu.memory_space<vmem>>) offsets(%arg6 : memref<16xi32, #tpu.memory_space<vmem>>) semaphore(%arg13 : memref<!tpu.dma_semaphore, #tpu.memory_space<semaphore_mem>>)
      %dma_wait3A_386 = arith.constant 0 : i32
      %dma_wait3A_387 = arith.constant 0 : i32
      %dma_wait3A_388 = tpu.memref_slice %arg3[%dma_wait3A_386, %dma_wait3A_387] : memref<8192x2048xf32, #tpu.memory_space<hbm>> -> memref<8192x2048xf32, #tpu.memory_space<hbm>>
      tpu.wait_indirect_dma semaphore(%arg14 : memref<!tpu.dma_semaphore, #tpu.memory_space<semaphore_mem>>) src(%dma_wait3A_388 : memref<8192x2048xf32, #tpu.memory_space<hbm>>) dst(%arg10 : memref<16x2048xf32, #tpu.memory_space<vmem>>)
      %add3A_389 = arith.constant 208 : i32
      %add3A_390 = arith.addi %mul3A_2, %add3A_389 : i32
      %dma_start3A_391 = arith.constant 0 : i32
      %dma_start3A_392 = tpu.memref_slice %arg4[%add3A_390, %dma_start3A_391] : memref<8192x2048xf32, #tpu.memory_space<hbm>> -> memref<16x2048xf32, #tpu.memory_space<hbm>>
      %dma_start3A_393 = arith.constant 0 : i32
      %dma_start3A_394 = tpu.memref_slice %arg4[%add3A_390, %dma_start3A_393] : memref<8192x2048xf32, #tpu.memory_space<hbm>> -> memref<16x2048xf32, #tpu.memory_space<hbm>>
      tpu.enqueue_dma source(%arg10 : memref<16x2048xf32, #tpu.memory_space<vmem>>) target(%dma_start3A_394 : memref<16x2048xf32, #tpu.memory_space<hbm>>) target_semaphore(%arg17 : memref<!tpu.dma_semaphore, #tpu.memory_space<semaphore_mem>>)
      %dma_wait3A_395 = arith.constant 0 : i32
      %dma_wait3A_396 = tpu.memref_slice %arg4[%add3A_390, %dma_wait3A_395] : memref<8192x2048xf32, #tpu.memory_space<hbm>> -> memref<16x2048xf32, #tpu.memory_space<hbm>>
      %dma_wait3A_397 = arith.constant 0 : i32
      %dma_wait3A_398 = tpu.memref_slice %arg4[%add3A_390, %dma_wait3A_397] : memref<8192x2048xf32, #tpu.memory_space<hbm>> -> memref<16x2048xf32, #tpu.memory_space<hbm>>
      tpu.wait_dma2 semaphore(%arg17 : memref<!tpu.dma_semaphore, #tpu.memory_space<semaphore_mem>>) src(%arg10 : memref<16x2048xf32, #tpu.memory_space<vmem>>) dst(%dma_wait3A_398 : memref<16x2048xf32, #tpu.memory_space<hbm>>)
      %dma_wait3A_399 = arith.constant 0 : i32
      %dma_wait3A_400 = arith.constant 0 : i32
      %dma_wait3A_401 = tpu.memref_slice %arg3[%dma_wait3A_399, %dma_wait3A_400] : memref<8192x2048xf32, #tpu.memory_space<hbm>> -> memref<8192x2048xf32, #tpu.memory_space<hbm>>
      tpu.wait_indirect_dma semaphore(%arg15 : memref<!tpu.dma_semaphore, #tpu.memory_space<semaphore_mem>>) src(%dma_wait3A_401 : memref<8192x2048xf32, #tpu.memory_space<hbm>>) dst(%arg11 : memref<16x2048xf32, #tpu.memory_space<vmem>>)
      %add3A_402 = arith.constant 224 : i32
      %add3A_403 = arith.addi %mul3A_2, %add3A_402 : i32
      %dma_start3A_404 = arith.constant 0 : i32
      %dma_start3A_405 = tpu.memref_slice %arg4[%add3A_403, %dma_start3A_404] : memref<8192x2048xf32, #tpu.memory_space<hbm>> -> memref<16x2048xf32, #tpu.memory_space<hbm>>
      %dma_start3A_406 = arith.constant 0 : i32
      %dma_start3A_407 = tpu.memref_slice %arg4[%add3A_403, %dma_start3A_406] : memref<8192x2048xf32, #tpu.memory_space<hbm>> -> memref<16x2048xf32, #tpu.memory_space<hbm>>
      tpu.enqueue_dma source(%arg11 : memref<16x2048xf32, #tpu.memory_space<vmem>>) target(%dma_start3A_407 : memref<16x2048xf32, #tpu.memory_space<hbm>>) target_semaphore(%arg18 : memref<!tpu.dma_semaphore, #tpu.memory_space<semaphore_mem>>)
      %dma_wait3A_408 = arith.constant 0 : i32
      %dma_wait3A_409 = tpu.memref_slice %arg4[%add3A_403, %dma_wait3A_408] : memref<8192x2048xf32, #tpu.memory_space<hbm>> -> memref<16x2048xf32, #tpu.memory_space<hbm>>
      %dma_wait3A_410 = arith.constant 0 : i32
      %dma_wait3A_411 = tpu.memref_slice %arg4[%add3A_403, %dma_wait3A_410] : memref<8192x2048xf32, #tpu.memory_space<hbm>> -> memref<16x2048xf32, #tpu.memory_space<hbm>>
      tpu.wait_dma2 semaphore(%arg18 : memref<!tpu.dma_semaphore, #tpu.memory_space<semaphore_mem>>) src(%arg11 : memref<16x2048xf32, #tpu.memory_space<vmem>>) dst(%dma_wait3A_411 : memref<16x2048xf32, #tpu.memory_space<hbm>>)
      %dma_wait3A_412 = arith.constant 0 : i32
      %dma_wait3A_413 = arith.constant 0 : i32
      %dma_wait3A_414 = tpu.memref_slice %arg3[%dma_wait3A_412, %dma_wait3A_413] : memref<8192x2048xf32, #tpu.memory_space<hbm>> -> memref<8192x2048xf32, #tpu.memory_space<hbm>>
      tpu.wait_indirect_dma semaphore(%arg13 : memref<!tpu.dma_semaphore, #tpu.memory_space<semaphore_mem>>) src(%dma_wait3A_414 : memref<8192x2048xf32, #tpu.memory_space<hbm>>) dst(%arg9 : memref<16x2048xf32, #tpu.memory_space<vmem>>)
      %add3A_415 = arith.constant 240 : i32
      %add3A_416 = arith.addi %mul3A_2, %add3A_415 : i32
      %dma_start3A_417 = arith.constant 0 : i32
      %dma_start3A_418 = tpu.memref_slice %arg4[%add3A_416, %dma_start3A_417] : memref<8192x2048xf32, #tpu.memory_space<hbm>> -> memref<16x2048xf32, #tpu.memory_space<hbm>>
      %dma_start3A_419 = arith.constant 0 : i32
      %dma_start3A_420 = tpu.memref_slice %arg4[%add3A_416, %dma_start3A_419] : memref<8192x2048xf32, #tpu.memory_space<hbm>> -> memref<16x2048xf32, #tpu.memory_space<hbm>>
      tpu.enqueue_dma source(%arg9 : memref<16x2048xf32, #tpu.memory_space<vmem>>) target(%dma_start3A_420 : memref<16x2048xf32, #tpu.memory_space<hbm>>) target_semaphore(%arg16 : memref<!tpu.dma_semaphore, #tpu.memory_space<semaphore_mem>>)
      %dma_wait3A_421 = arith.constant 0 : i32
      %dma_wait3A_422 = tpu.memref_slice %arg4[%add3A_416, %dma_wait3A_421] : memref<8192x2048xf32, #tpu.memory_space<hbm>> -> memref<16x2048xf32, #tpu.memory_space<hbm>>
      %dma_wait3A_423 = arith.constant 0 : i32
      %dma_wait3A_424 = tpu.memref_slice %arg4[%add3A_416, %dma_wait3A_423] : memref<8192x2048xf32, #tpu.memory_space<hbm>> -> memref<16x2048xf32, #tpu.memory_space<hbm>>
      tpu.wait_dma2 semaphore(%arg16 : memref<!tpu.dma_semaphore, #tpu.memory_space<semaphore_mem>>) src(%arg9 : memref<16x2048xf32, #tpu.memory_space<vmem>>) dst(%dma_wait3A_424 : memref<16x2048xf32, #tpu.memory_space<hbm>>)
    } else {
    }
    return
  }
}

</mosaic_0001>

<sc_bundles>
// kernel: kernel.3.cloned.1.call-start
scs
__scs_entry_jumppad:
0x0: {  	(pc) =	sbr.rel $0x88, $3  }
0x1: {  	(tag) =	ssettag $0x0;
	lr =	simm.s32 $0x1  }
0x2: {  	[smem:$0x3F9F] =	sst lr;
	_ =	strace $0xD0000000  }
0x3: {  	_ = 	snop  }
0x4: {  	_ = 	snop  }
0x5: {  	_ = 	snop  }
0x6: {  	_ = 	snop  }
0x7: {  	_ = 	snop  }
__scs_overlays_trampoline_lowered:
0x8: {  	[smem:$0x3FAE] =	sst s0  }
0x9: {  	[smem:$0x3FAF] =	sst s1  }
0xa: {  	[smem:$0x3FB0] =	sst s2  }
0xb: {  	[smem:$0x3FB1] =	sst s3  }
0xc: {  	[smem:$0x3FB2] =	sst s4  }
0xd: {  	[smem:$0x3FB3] =	sst s5  }
0xe: {  	[smem:$0x3FB4] =	sst s6  }
0xf: {  	[smem:$0x3FB5] =	sst s7  }
0x10: {  	[smem:$0x3FB6] =	sst s8  }
0x11: {  	[smem:$0x3FB7] =	sst s9;
	s0 =	simm.s32 @!p0 $0x0  }
0x12: {  	s1 =	sld [smem:$0x3F9D];
	s0 =	simm.s32 @p0 $0x1  }
0x13: {  	[smem:$0x3FB8] =	sst s0;
	s0 =	simm.s32 @!p1 $0x0  }
0x14: {  	s2 =	sld [smem:$0x3F9C];
	s0 =	simm.s32 @p1 $0x1  }
0x15: {  	[smem:$0x3FB9] =	sst s0;
	s0 =	simm.s32 @!p2 $0x0  }
0x16: {  	s3 =	sld [smem:$0x3FDB];
	s0 =	simm.s32 @p2 $0x1  }
0x17: {  	s4 =	simm.s32 $0x1BF5;
	[smem:$0x3FBB] =	sst s0  }
0x18: {  	s0 =	sld [smem:$0x3F9E];
	_ =	swait.ge [sflag:s4], $0x0  }
0x19: {  	s7 =	sld [smem:$0x3F9F]  }
0x1a: {  	s8 =	sadd.s32 $0xFFFFE003, lr  }
0x1b: {  	s9 =	sadd.s32 $0xFFFFFEF7, lr;
	s5 =	simm.s32 $0xFFFFFFFF;
	p2 =	slt.u32 s8, $0xFFFFF086  }
0x1c: {  	p1 =	slt.u32 s9, $0xF7A;
	s5 =	simm.s32 @!p2 $0x0  }
0x1d: {  	s5 =	simm.s32 @p1 $0x1;
	p0 =	seq.s32 s7, s2  }
0x1e: {  	s7 =	smul.u32 @!p0 $0xF7A, s2;
	p2 =	seq.s32 @!p0 s5, $0x0  }
0x1f: {  	s9 =	smul.u32 $0xF7A, s1;
	s8 =	simm.s32 @!p0 $0x1BF5;
	p2 =	por !p2, p0  }
0x20: {  	[sflag:s8] =	ssyncset.s32 @!p0 $0xFFFFF086;
	s6 =	sadd.s32 @!p0 s3, s7;
	s7 =	simm.s32 @!p0 $0x108  }
0x21: {  	s3 =	sadd.s32 s3, s9;
	s6 =	sadd.s32 @!p0 $0x88, s6;
	s7 =	simm.s32 @p2 $0x1082  }
0x22: {  	[simem:s7], [sflag:s8] =	dma.local @!p0 [hbm:s6], $0xF7A  }
0x23: {  	s9 =	sor.u32 $0xD0000000, s2;
	s6 =	simm.s32 $0x108;
	_ =	swait.ge @!p0 [sflag:s8], $0x0  }
0x24: {  	s3 =	sadd.s32 $0x88, s3;
	s6 =	simm.s32 @!p1 $0x1082;
	[sflag:s4] =	ssyncset.s32 $0xFFFFF086  }
0x25: {  	[simem:s6], [sflag:s4] =	dma.local [hbm:s3], $0xF7A  }
0x26: {  	[smem:$0x3F9F] =	sst s1;
	(tag) =	ssettag s2;
	_ =	strace s9  }
0x27: {  	s1 =	sld [smem:$0x3FAF]  }
0x28: {  	s2 =	sld [smem:$0x3FB0]  }
0x29: {  	s4 =	sld [smem:$0x3FB2]  }
0x2a: {  	p0 =	seq.s32 s5, $0x0;
	s5 =	sld [smem:$0x3FB3]  }
0x2b: {  	s6 =	sld [smem:$0x3FB4]  }
0x2c: {  	s7 =	sld [smem:$0x3FB5]  }
0x2d: {  	s3 =	simm.s32 $0x108;
	s8 =	sld [smem:$0x3FB6]  }
0x2e: {  	s3 =	simm.s32 @!p0 $0x1082;
	s9 =	sld [smem:$0x3FB7]  }
0x2f: {  	lr =	sadd.s32 s0, s3;
	s0 =	sld [smem:$0x3FAE]  }
0x30: {  	s3 =	sld [smem:$0x3FB1]  }
0x31: {  	[smem:$0x3FBA] =	sst s10  }
0x32: {  	s10 =	sld [smem:$0x3FB8];
	_ =	sdelay $0x3  }
0x33: {  	p0 =	seq.s32 s10, $0x1;
	s10 =	sld [smem:$0x3FBA];
	_ =	sdelay $0x3  }
0x34: {  	[smem:$0x3FBA] =	sst s10  }
0x35: {  	s10 =	sld [smem:$0x3FB9];
	_ =	sdelay $0x3  }
0x36: {  	p1 =	seq.s32 s10, $0x1;
	s10 =	sld [smem:$0x3FBA];
	_ =	sdelay $0x3  }
0x37: {  	[smem:$0x3FBA] =	sst s10  }
0x38: {  	s10 =	sld [smem:$0x3FBB]  }
0x39: {  	_ = 	snop;
	(pc) =	sbr.ind lr, $3  }
0x3a: {  	_ = 	snop  }
0x3b: {  	_ = 	snop  }
0x3c: {  	p2 =	seq.s32 s10, $0x1;
	s10 =	sld [smem:$0x3FBA]  }
0x3d: {  	_ =	shalt  }
0x3e: {  	_ =	shalt  }
0x3f: {  	_ =	shalt  }
0x40: {  	_ =	shalt  }
0x41: {  	_ =	shalt  }
0x42: {  	_ =	shalt  }
0x43: {  	_ =	shalt  }
0x44: {  	_ =	shalt  }
0x45: {  	_ =	shalt  }
0x46: {  	_ =	shalt  }
0x47: {  	_ =	shalt  }
0x48: {  	_ =	shalt  }
0x49: {  	_ =	shalt  }
0x4a: {  	_ =	shalt  }
0x4b: {  	_ =	shalt  }
0x4c: {  	_ =	shalt  }
0x4d: {  	_ =	shalt  }
0x4e: {  	_ =	shalt  }
0x4f: {  	_ =	shalt  }
0x50: {  	_ =	shalt  }
0x51: {  	_ =	shalt  }
0x52: {  	_ =	shalt  }
0x53: {  	_ =	shalt  }
0x54: {  	_ =	shalt  }
0x55: {  	_ =	shalt  }
0x56: {  	_ =	shalt  }
0x57: {  	_ =	shalt  }
0x58: {  	_ =	shalt  }
0x59: {  	_ =	shalt  }
0x5a: {  	_ =	shalt  }
0x5b: {  	_ =	shalt  }
0x5c: {  	_ =	shalt  }
0x5d: {  	_ =	shalt  }
0x5e: {  	_ =	shalt  }
0x5f: {  	_ =	shalt  }
0x60: {  	_ =	shalt  }
0x61: {  	_ =	shalt  }
0x62: {  	_ =	shalt  }
0x63: {  	_ =	shalt  }
0x64: {  	_ =	shalt  }
0x65: {  	_ =	shalt  }
0x66: {  	_ =	shalt  }
0x67: {  	_ =	shalt  }
0x68: {  	_ =	shalt  }
0x69: {  	_ =	shalt  }
0x6a: {  	_ =	shalt  }
0x6b: {  	_ =	shalt  }
0x6c: {  	_ =	shalt  }
0x6d: {  	_ =	shalt  }
0x6e: {  	_ =	shalt  }
0x6f: {  	_ =	shalt  }
0x70: {  	_ =	shalt  }
0x71: {  	_ =	shalt  }
0x72: {  	_ =	shalt  }
0x73: {  	_ =	shalt  }
0x74: {  	_ =	shalt  }
0x75: {  	_ =	shalt  }
0x76: {  	_ =	shalt  }
0x77: {  	_ =	shalt  }
0x78: {  	_ =	shalt  }
0x79: {  	_ =	shalt  }
0x7a: {  	_ =	shalt  }
0x7b: {  	_ =	shalt  }
0x7c: {  	_ =	shalt  }
0x7d: {  	_ =	shalt  }
0x7e: {  	_ =	shalt  }
0x7f: {  	_ =	shalt  }
0x80: {  	_ =	shalt  }
0x81: {  	_ =	shalt  }
0x82: {  	_ =	shalt  }
0x83: {  	_ =	shalt  }
0x84: {  	_ =	shalt  }
0x85: {  	_ =	shalt  }
0x86: {  	_ =	shalt  }
0x87: {  	_ =	shalt  }
.Lfunc_end0:
.L_simem_size_0:
called_computation_lowered:
.L_overlay_start_0:
0x88: {  	s2 =	sld [smem:$0x3FD9]  }
0x89: {  	s3 =	sld [smem:$0x3FFE];
	_ =	sdelay $0x1  }
0x8a: {  	s1 =	srdreg.scid  }
0x8b: {  	s0 =	sand.u32 $0x1, s1  }
0x8c: {  	s17 =	sshll.u32 s0, $0xA;
	s2 =	sadd.s32 s3, s2  }
0x8d: {  	s2 =	sadd.s32 s2, s17  }
0x8e: {  	[smem:$0x3FC6] =	sst s2  }
0x8f: {  	_ = 	snop  }
0x90: {  	s2 =	sld [smem:$0x3FC8]  }
0x91: {  	s18 =	sld [smem:$0x3FD0];
	(tm) =	ssettm $0x1  }
0x92: {  	s4 =	sld [smem:$0x3FFB];
	_ =	sdelay $0x3  }
0x93: {  	_ =	strace s4  }
0x94: {  	s4 =	sld [smem:$0x3FFC];
	_ =	sdelay $0x3  }
0x95: {  	_ =	strace s4  }
0x96: {  	s4 =	sld [smem:$0x3FFD];
	_ =	sdelay $0x3  }
0x97: {  	_ =	strace s4  }
0x98: {  	_ =	strace $0x8FFFFFFF  }
0x99: {  	s19 =	sld [smem:$0x3FDB];
	_ =	sdelay $0x1  }
0x9a: {  	s5 =	simm.s32 $_scs_section_size  }
0x9b: {  	s6 =	simm.s32 $_size__tile_overlayer_lowered;
	s7 =	simm.s32 $_tile_overlayer_lowered  }
0x9c: {  	s22 =	simm.s32 $0x1BFF;
	s21 =	sshll.u32 s7, $0x1;
	s4 =	sadd.s32 s5, s19  }
0x9d: {  	s8 =	simm.s32 $0x0;
	s20 =	sshll.u32 s6, $0x1;
	s6 =	sadd.s32 s21, s4  }
0x9e: {  	[timem:s8], [sflag:s22] =	dma.local [hbm:s6], s20  }
0x9f: {  	_ =	swait.ge [sflag:s22], s20  }
0xa0: {  	s5 =	ssub.s32 $0x0, s20;
	[sflag:s22] =	ssyncset.done $0x0  }
0xa1: {  	[sflag:s22] =	ssyncadd.s32 s5;
	_ =	sdelay $0x1  }
0xa2: {  	s23 =	simm.s32 $0x1B8B  }
0xa3: {  	_ =	swait.ge [sflag:s23], $0x1  }
0xa4: {  	[sflag:s23] =	ssyncset.done $0x0  }
0xa5: {  	s25 =	simm.s32 $0x1B8E;
	s24 =	sld [smem:$0x3FFE];
	[sflag:s23] =	ssyncadd.s32 $0xFFFFFFFF  }
0xa6: {  	s26 =	simm.s32 $execute0_lowered;
	[smem:$0x3FD2] =	sst s25  }
0xa7: {  	s6 =	sshll.u32 s26, $0x1;
	_ =	strace $0x80000046;
	[dreg:$0x1] =	wrdreg $0xFFFFFFFF  }
0xa8: {  	s28 =	simm.s32 $_size_execute0_lowered;
	s4 =	sadd.s32 s4, s6;
	[dreg:$0x0] =	wrdreg $0x0  }
0xa9: {  	s6 =	sshll.u32 s28, $0x1;
	[dreg:$0x2] =	wrdreg s4  }
0xaa: {  	[dreg:$0x3] =	wrdreg s6  }
0xab: {  	[dreg:$0x4] =	wrdreg $0xC0  }
0xac: {  	_ =	task [dreg:s8], $0x5FFFF  }
0xad: {  	[dreg:$0x1] =	wrdreg $0xFFFFFFFF  }
0xae: {  	[dreg:$0x0] =	wrdreg $0x60  }
0xaf: {  	[dreg:$0x2] =	wrdreg s24  }
0xb0: {  	[dreg:$0x3] =	wrdreg s2  }
0xb1: {  	[dreg:$0x4] =	wrdreg s18  }
0xb2: {  	[dreg:$0x5] =	wrdreg $0x182000  }
0xb3: {  	[dreg:$0x6] =	wrdreg $0x9  }
0xb4: {  	_ =	task.clear_ibuf [dreg:s8], $0x7FFFF;
	_ =	strace $0x90000046  }
0xb5: {  	s29 =	simm.s32 $0x9;
	_ =	strace $0x80000048  }
0xb6: {  	_ =	swait.ge [sflag:s29], $0x1  }
0xb7: {  	[sflag:s29] =	ssyncadd.s32 $0xFFFFFFFF  }
0xb8: {  	_ =	strace $0x90000048  }
0xb9: {  	_ =	sfence  }
0xba: {  	s30 =	sld [smem:$0x0];
	_ =	sdelay $0x2  }
0xbb: {  	s31 =	sshll.u32 s1, $0xD;
	s1 =	sshrl.u32 s1, $0x2  }
0xbc: {  	s3 =	sand.u32 $0x4000, s31;
	s1 =	sadd.s32 s1, s30  }
0xbd: {  	s0 =	sor.u32 s3, s0;
	s1 =	sshll.u32 s1, $0x11  }
0xbe: {  	s0 =	sor.u32 s1, s0  }
0xbf: {  	s0 =	sadd.s32 $0x8F2B, s0  }
0xc0: {  	[sflag:s0] =	ssyncadd.remote.s32 $0x1  }
0xc1: {  	_ =	sfence.sel $0xFFFF  }
0xc2: {  	[dreg:$0x0] =	wrdreg $0xFFFFFFFF;
	(pc) =	sbr.abs _section_cstart, $3  }
0xc3: {  	[dreg:$0x1] =	wrdreg $0xFFFFFFFF  }
0xc4: {  	_ =	task.clear_ibuf [dreg:s8], $0x2FFFF;
	_ =	strace $0x9FFFFFFF  }
0xc5: {  	(tm) =	ssettm $0x7FFFFFFF  }
tec
execute0_lowered:
.L_overlay_start_1:
0x0: {  	(tag) =	ssettag $0x1  }
0x1: {  	s3 =	rddreg [dreg:$0x0]  }
0x2: {  	s12 =	rddreg [dreg:$0x1]  }
0x3: {  	s0 =	rddreg [dreg:$0x2]  }
0x4: {  	s6 =	rddreg [dreg:$0x3];
	s2 =	simm.s32 $0x0;
	s4 =	srdreg.scid  }
0x5: {  	s17 =	stileid.u32;
	[smem:$0x7FF] =	sst s2  }
0x6: {  	s7 =	sand.u32 $0x1, s4;
	s9 =	sshll.u32 s17, $0x9;
	s4 =	sadd.s32 $0x400, s3  }
0x7: {  	s22 =	sshrl.u32 s17, $0x2;
	_ =	strace $0x80000047;
	s5 =	ssub.s32 $0x2, s7  }
0x8: {  	s10 =	sshll.u32 s7, $0x8;
	s15 =	ssub.s32 s17, s22;
	s8 =	sshrl.u32 s5, $0x1  }
0x9: {  	s16 =	smul.u32 $0x60000, s22;
	s5 =	ssub.s32 s5, s8;
	s8 =	sor.u32 s10, s9  }
0xa: {  	[smem:$0x7FD] =	sst s4;
	s23 =	sshll.u32 s15, $0x1;
	s14 =	sor.u32 $0x40, s8  }
0xb: {  	s16 =	sshrl.u32 s16, $0x2;
	s26 =	sor.u32 $0x70, s8;
	[smem:$0x7E5] =	sst s14  }
0xc: {  	s11 =	sor.u32 $0x10, s8;
	s22 =	sor.u32 $0xA0, s8;
	[smem:$0x7E6] =	sst s26  }
0xd: {  	s18 =	sshll.u32 s8, $0x8;
	s16 =	sadd.s32 s16, s6;
	[smem:$0x7E9] =	sst s22  }
0xe: {  	s1 =	sor.u32 $0x50, s8;
	s3 =	sadd.s32 s0, s18;
	[dreg:$0xa] =	wrdreg s16  }
0xf: {  	s19 =	sshll.u32 s11, $0x8;
	s18 =	sor.u32 $0x80, s8;
	[dreg:$0x5] =	wrdreg s3  }
0x10: {  	s14 =	sshll.u32 s14, $0x8;
	s3 =	sadd.s32 s0, s19;
	[smem:$0x7E7] =	sst s18  }
0x11: {  	s24 =	sshll.u32 s1, $0x8;
	s14 =	sadd.s32 s0, s14;
	[dreg:$0x6] =	wrdreg s3  }
0x12: {  	s9 =	sor.u32 $0x20, s8;
	s15 =	sadd.s32 s0, s24;
	[dreg:$0x9] =	wrdreg s14  }
0x13: {  	s20 =	sshll.u32 s9, $0x8;
	s24 =	sor.u32 $0xB0, s8;
	[dreg:$0xb] =	wrdreg s15  }
0x14: {  	s19 =	sshll.u32 s26, $0x8;
	s26 =	sor.u32 $0xC0, s8;
	[smem:$0x7EA] =	sst s24  }
0x15: {  	s10 =	sor.u32 $0x30, s8;
	s3 =	sadd.s32 s0, s20;
	[smem:$0x7EB] =	sst s26  }
0x16: {  	s21 =	sshll.u32 s10, $0x8;
	s20 =	sor.u32 $0x90, s8;
	[dreg:$0x7] =	wrdreg s3  }
0x17: {  	s25 =	sshll.u32 s17, $0xF;
	s3 =	sadd.s32 s0, s21;
	[smem:$0x7E8] =	sst s20  }
0x18: {  	v34 =	vlaneseq.u32;
	s14 =	sor.u32 s7, s23;
	[dreg:$0x8] =	wrdreg s3;
	s3 =	sor.u32 $0x60, s8  }
0x19: {  	v2 =	vor.u32 s9, v34;
	s7 =	sshll.u32 s7, $0x10;
	s9 =	sld [smem:$0x7EB];
	s15 =	sshll.u32 s3, $0x8  }
0x1a: {  	s6 =	sadd.s32 s7, s25;
	v6 =	vor.u32 s3, v34;
	s3 =	sld [smem:$0x7E8];
	s7 =	sadd.s32 s0, s15  }
0x1b: {  	s15 =	sor.u32 $0xD0, s8;
	[dreg:$0xc] =	wrdreg s7  }
0x1c: {  	s7 =	sadd.s32 s0, s19;
	[smem:$0x7EC] =	sst s15  }
0x1d: {  	s19 =	sor.u32 $0xE0, s8;
	[dreg:$0xd] =	wrdreg s7  }
0x1e: {  	s21 =	sshll.u32 s18, $0x8;
	[smem:$0x7ED] =	sst s19  }
0x1f: {  	s13 =	sand.u32 $0x3, s17;
	v3 =	vor.u32 s10, v34;
	s7 =	sadd.s32 s0, s21;
	s10 =	sld [smem:$0x7EC]  }
0x20: {  	p0 =	sne.s32 s13, $0x0;
	s23 =	sshll.u32 s20, $0x8;
	[dreg:$0xe] =	wrdreg s7  }
0x21: {  	v0 =	vor.u32 s8, v34;
	s7 =	sadd.s32 s0, s23;
	s23 =	sor.u32 $0xF0, s8;
	s8 =	sld [smem:$0x7EA]  }
0x22: {  	p1 =	seq.s32 s13, $0x0;
	v1 =	vor.u32 s11, v34;
	s13 =	sshll.u32 s24, $0x8;
	s11 =	sld [smem:$0x7ED]  }
0x23: {  	s25 =	sshll.u32 s22, $0x8;
	s21 =	sadd.s32 $0xFFFFFE, s14;
	[dreg:$0xf] =	wrdreg s7  }
0x24: {  	s14 =	sshll.u32 s21, $0x8;
	s7 =	sadd.s32 s0, s25;
	[smem:$0x7EE] =	sst s23  }
0x25: {  	s20 =	sshll.u32 s15, $0x8;
	s15 =	sor.u32 $0x10, s14;
	[dreg:$0x10] =	wrdreg s7  }
0x26: {  	s18 =	sshll.u32 s26, $0x8;
	s17 =	sor.u32 $0x20, s14;
	[smem:$0x7EF] =	sst s15  }
0x27: {  	s26 =	sshll.u32 s23, $0x8;
	s23 =	sor.u32 $0x60, s14;
	[smem:$0x7F0] =	sst s17  }
0x28: {  	s22 =	sshll.u32 s19, $0x8;
	s7 =	sadd.s32 s0, s13;
	[smem:$0x7F3] =	sst s23  }
0x29: {  	s13 =	sadd.s32 s0, s22;
	[dreg:$0x11] =	wrdreg s7  }
0x2a: {  	s22 =	sor.u32 $0x50, s14;
	[dreg:$0x14] =	wrdreg s13  }
0x2b: {  	s19 =	sshll.u32 s17, $0x8;
	s17 =	sor.u32 $0x80, s14;
	[smem:$0x7F2] =	sst s22  }
0x2c: {  	s7 =	sadd.s32 s0, s18;
	[smem:$0x7F5] =	sst s17  }
0x2d: {  	s13 =	sadd.s32 s0, s26;
	[dreg:$0x12] =	wrdreg s7  }
0x2e: {  	s18 =	sor.u32 $0x30, s14;
	[dreg:$0x15] =	wrdreg s13  }
0x2f: {  	s26 =	sshll.u32 s23, $0x8;
	s23 =	sor.u32 $0xA0, s14;
	[smem:$0x7F1] =	sst s18  }
0x30: {  	[smem:$0x7F7] =	sst s23  }
0x31: {  	v9 =	vor.u32 s3, v34;
	s3 =	sld [smem:$0x7F2]  }
0x32: {  	v12 =	vor.u32 s9, v34;
	s7 =	sadd.s32 s0, s20;
	s9 =	sld [smem:$0x7F5]  }
0x33: {  	s24 =	sshll.u32 s21, $0x10;
	s13 =	sadd.s32 s0, s26;
	[dreg:$0x13] =	wrdreg s7  }
0x34: {  	s25 =	sand.u32 $0x1FFF0000, s24;
	[dreg:$0x1c] =	wrdreg s13  }
0x35: {  	v14 =	vor.u32 s11, v34;
	s20 =	sshll.u32 s18, $0x8;
	s7 =	sadd.s32 s0, s25;
	s11 =	sld [smem:$0x7F7]  }
0x36: {  	s21 =	sadd.s32 s0, s20;
	[dreg:$0x16] =	wrdreg s7  }
0x37: {  	s7 =	sshll.u32 s15, $0x8;
	[dreg:$0x19] =	wrdreg s21;
	s15 =	sor.u32 $0x70, s14  }
0x38: {  	s7 =	sadd.s32 s0, s7;
	[smem:$0x7F4] =	sst s15  }
0x39: {  	[dreg:$0x17] =	wrdreg s7  }
0x3a: {  	v11 =	vor.u32 s8, v34;
	s18 =	sor.u32 $0x40, s14;
	s7 =	sadd.s32 s0, s19;
	s8 =	sld [smem:$0x7F4]  }
0x3b: {  	s24 =	sshll.u32 s18, $0x8;
	s19 =	sor.u32 $0x90, s14;
	[dreg:$0x18] =	wrdreg s7  }
0x3c: {  	s7 =	sadd.s32 s0, s24;
	[smem:$0x7F6] =	sst s19  }
0x3d: {  	s24 =	sor.u32 $0xB0, s14;
	[dreg:$0x1a] =	wrdreg s7  }
0x3e: {  	s21 =	sshll.u32 s19, $0x8;
	s19 =	sor.u32 $0xD0, s14;
	[smem:$0x7F8] =	sst s24  }
0x3f: {  	s25 =	sshll.u32 s22, $0x8;
	[smem:$0x7FA] =	sst s19  }
0x40: {  	v13 =	vor.u32 s10, v34;
	s7 =	sadd.s32 s0, s25;
	s10 =	sld [smem:$0x7F6]  }
0x41: {  	s22 =	sadd.s32 s0, s21;
	[dreg:$0x1b] =	wrdreg s7  }
0x42: {  	s25 =	sor.u32 $0xC0, s14;
	[dreg:$0x1f] =	wrdreg s22  }
0x43: {  	s21 =	sor.u32 $0xF0, s14;
	[smem:$0x7F9] =	sst s25  }
0x44: {  	[smem:$0x7FC] =	sst s21  }
0x45: {  	s7 =	sshll.u32 s15, $0x8;
	s15 =	sld [smem:$0x7E6]  }
0x46: {  	v20 =	vor.u32 s18, v34;
	s13 =	sshll.u32 s25, $0x8;
	s7 =	sadd.s32 s0, s7;
	s18 =	sld [smem:$0x7FC]  }
0x47: {  	s20 =	sshll.u32 s17, $0x8;
	s17 =	sadd.s32 s0, s13;
	[dreg:$0x1d] =	wrdreg s7  }
0x48: {  	[smem:$0x7C1] =	sst s17  }
0x49: {  	v16 =	vor.u32 s14, v34;
	s7 =	sadd.s32 s0, s20;
	s20 =	sor.u32 $0xE0, s14;
	s14 =	sld [smem:$0x7EF]  }
0x4a: {  	s13 =	sor.u32 $0x181000, s6;
	[dreg:$0x1e] =	wrdreg s7  }
0x4b: {  	s17 =	sadd.s32 s12, s13;
	[smem:$0x7FB] =	sst s20  }
0x4c: {  	s7 =	sshll.u32 s23, $0x8;
	[smem:$0x7C7] =	sst s17  }
0x4d: {  	s23 =	sshll.u32 s21, $0x8;
	v7 =	vor.u32 s15, v34;
	s15 =	sld [smem:$0x7F0];
	s7 =	sadd.s32 s0, s7  }
0x4e: {  	s26 =	sshll.u32 s24, $0x8;
	s24 =	sadd.s32 s0, s23;
	[smem:$0x7BF] =	sst s7  }
0x4f: {  	[smem:$0x7C4] =	sst s24  }
0x50: {  	s25 =	sor.u32 $0x180000, s6;
	s7 =	sadd.s32 s0, s26;
	v17 =	vor.u32 s14, v34;
	s14 =	sld [smem:$0x7F9]  }
0x51: {  	s23 =	sor.u32 $0x184000, s6;
	s26 =	sadd.s32 s12, s25;
	[smem:$0x7C0] =	sst s7  }
0x52: {  	s24 =	sadd.s32 s12, s23;
	[smem:$0x7C5] =	sst s26  }
0x53: {  	s7 =	sshll.u32 s19, $0x8;
	[smem:$0x7CD] =	sst s24  }
0x54: {  	s19 =	sor.u32 $0x182000, s6;
	v18 =	vor.u32 s15, v34;
	s15 =	sld [smem:$0x7FA];
	s7 =	sadd.s32 s0, s7  }
0x55: {  	s22 =	sshll.u32 s20, $0x8;
	s20 =	sadd.s32 s12, s19;
	[smem:$0x7C2] =	sst s7  }
0x56: {  	s21 =	sor.u32 $0x183000, s6;
	s7 =	sadd.s32 s0, s22;
	[smem:$0x7C9] =	sst s20  }
0x57: {  	s22 =	sadd.s32 s12, s21;
	[smem:$0x7C3] =	sst s7  }
0x58: {  	s7 =	sadd.s32 s0, s25;
	[smem:$0x7CB] =	sst s22  }
0x59: {  	s25 =	sor.u32 $0x185000, s6;
	[smem:$0x7C6] =	sst s7;
	s7 =	sadd.s32 s0, s13  }
0x5a: {  	s26 =	sadd.s32 s12, s25;
	[smem:$0x7C8] =	sst s7  }
0x5b: {  	s13 =	sor.u32 $0x186000, s6;
	s7 =	sadd.s32 s0, s19;
	[smem:$0x7CF] =	sst s26  }
0x5c: {  	s17 =	sadd.s32 s12, s13;
	[smem:$0x7CA] =	sst s7  }
0x5d: {  	s19 =	sor.u32 $0x187000, s6;
	s7 =	sadd.s32 s0, s21;
	[smem:$0x7D1] =	sst s17  }
0x5e: {  	s20 =	sadd.s32 s12, s19;
	[smem:$0x7CC] =	sst s7  }
0x5f: {  	s21 =	sor.u32 $0x188000, s6;
	s7 =	sadd.s32 s0, s23;
	[smem:$0x7D3] =	sst s20  }
0x60: {  	s22 =	sadd.s32 s12, s21;
	[smem:$0x7CE] =	sst s7  }
0x61: {  	s23 =	sor.u32 $0x189000, s6;
	s7 =	sadd.s32 s0, s25;
	[smem:$0x7D5] =	sst s22  }
0x62: {  	s24 =	sadd.s32 s12, s23;
	[smem:$0x7D0] =	sst s7  }
0x63: {  	s25 =	sor.u32 $0x18A000, s6;
	s7 =	sadd.s32 s0, s13;
	[smem:$0x7D7] =	sst s24  }
0x64: {  	s22 =	sor.u32 $0x18E000, s6;
	s26 =	sadd.s32 s12, s25;
	[smem:$0x7D2] =	sst s7  }
0x65: {  	s24 =	sadd.s32 s12, s22;
	[smem:$0x7D9] =	sst s26  }
0x66: {  	s7 =	sadd.s32 s0, s19;
	[smem:$0x7E1] =	sst s24  }
0x67: {  	s19 =	sor.u32 $0x18C000, s6;
	[smem:$0x7D4] =	sst s7;
	s7 =	sadd.s32 s0, s21  }
0x68: {  	s13 =	sor.u32 $0x18B000, s6;
	s20 =	sadd.s32 s12, s19;
	[smem:$0x7D6] =	sst s7  }
0x69: {  	s21 =	sor.u32 $0x18D000, s6;
	s7 =	sadd.s32 s0, s23;
	[smem:$0x7DD] =	sst s20  }
0x6a: {  	s6 =	sor.u32 $0x18F000, s6;
	s23 =	sadd.s32 s12, s21;
	[smem:$0x7D8] =	sst s7  }
0x6b: {  	s17 =	sadd.s32 s12, s13;
	s26 =	sadd.s32 s12, s6;
	[smem:$0x7DF] =	sst s23  }
0x6c: {  	s24 =	sadd.s32 $0x500, s12;
	s7 =	sadd.s32 s0, s25;
	[smem:$0x7E4] =	sst s26  }
0x6d: {  	s20 =	sadd.s32 $0x100, s12;
	s25 =	sadd.s32 s0, s22;
	[smem:$0x7DA] =	sst s7  }
0x6e: {  	s22 =	sadd.s32 $0x300, s12;
	s7 =	sadd.s32 s0, s13;
	[smem:$0x7E2] =	sst s25  }
0x6f: {  	s23 =	sadd.s32 $0x400, s12;
	[smem:$0x7DC] =	sst s7;
	s7 =	sadd.s32 s0, s19  }
0x70: {  	s26 =	sadd.s32 $0x700, s12;
	s25 =	sadd.s32 $0x600, s12;
	[smem:$0x7DE] =	sst s7  }
0x71: {  	s7 =	sadd.s32 s0, s21;
	s21 =	sadd.s32 $0x200, s12;
	s12 =	sld [smem:$0x7E5]  }
0x72: {  	s0 =	sadd.s32 s0, s6;
	[smem:$0x7E0] =	sst s7  }
0x73: {  	s6 =	sadd.s32 $0x8000, s16;
	s7 =	sadd.s32 $0x10000, s16;
	s16 =	sld [smem:$0x7E7]  }
0x74: {  	s19 =	sshrl.u32 s7, $0x3;
	s7 =	sld [smem:$0x7E9]  }
0x75: {  	v4 =	vor.u32 s12, v34;
	s12 =	sld [smem:$0x7EE]  }
0x76: {  	vm0 =	vmmov $0xffff;
	v33 =	vshrl.u32 v34, $0x3;
	v8 =	vor.u32 s16, v34;
	s16 =	sld [smem:$0x7F1]  }
0x77: {  	v32 =	vand.u32 $0x7, v34;
	v33 =	vmul.u32 $0x8, v33;
	v10 =	vor.u32 s7, v34;
	s7 =	sld [smem:$0x7F3]  }
.Ltmp0:
0x78: {  	v5 =	vor.u32 s1, v34;
	v21 =	vor.u32 s3, v34;
	v15 =	vor.u32 s12, v34;
	s12 =	sld [smem:$0x7F8];
	(pc) =	sbr.rel .LBB2_1-.Ltmp0, $4  }
0x79: {  	s28 =	simm.s32 $0x7;
	s29 =	simm.s32 $0x1;
	v24 =	vor.u32 s9, v34;
	v26 =	vor.u32 s11, v34;
	v19 =	vor.u32 s16, v34;
	s16 =	sld [smem:$0x7FB]  }
0x7a: {  	s30 =	simm.s32 $0x4;
	s31 =	simm.s32 $0x2;
	v23 =	vor.u32 s8, v34;
	v25 =	vor.u32 s10, v34;
	v31 =	vor.u32 s18, v34;
	[smem:$0x7DB] =	sst s17  }
0x7b: {  	v28 =	vor.u32 s14, v34;
	v29 =	vor.u32 s15, v34;
	s17 =	smax.u32 s5, $0x1;
	s5 =	simm.s32 $0x3;
	[smem:$0x7E3] =	sst s0;
	v22 =	vor.u32 s7, v34  }
0x7c: {  	s13 =	sshrl.u32 s6, $0x3;
	s0 =	simm.s32 $0x5;
	s6 =	simm.s32 $0x6;
	v27 =	vor.u32 s12, v34;
	v30 =	vor.u32 s16, v34;
	v34 =	vor.u32 $0x8, v34  }
.LBB2_2:
0x7d: {  	s8 =	stileid.u32;
	s15 =	sld [smem:$0x7C5]  }
0x7e: {  	s14 =	rddreg [dreg:$0xa];
	s11 =	sshll.u32 s8, $0x6  }
0x7f: {  	s14 =	sshrl.u32 s14, $0x3;
	s16 =	sor.u32 $0x1C01, s11  }
0x80: {  	[spmem:s14], [sflag:s16] =	dma.local [hbm:s15], $0x1000  }
0x81: {  	s8 =	sld [smem:$0x7C7];
	_ =	sdelay $0x1  }
0x82: {  	s10 =	sor.u32 $0x1C02, s11  }
0x83: {  	[spmem:s13], [sflag:s10] =	dma.local [hbm:s8], $0x1000  }
0x84: {  	s3 =	sld [smem:$0x7C9];
	_ =	sdelay $0x1  }
0x85: {  	s8 =	sor.u32 $0x1C03, s11  }
0x86: {  	[spmem:s19], [sflag:s8] =	dma.local [hbm:s3], $0x1000  }
0x87: {  	_ =	swait.ge [sflag:s29], $0x1000  }
0x88: {  	s9 =	sld [smem:$0x7C6]  }
0x89: {  	[sflag:s29] =	ssyncset.done $0x0  }
0x8a: {  	s15 =	sor.u32 $0x1C04, s11;
	[sflag:s29] =	ssyncadd.s32 $0xFFFFF000  }
0x8b: {  	[hbm:s9], [sflag:s15] =	dma.local [spmem:s14], $0x1000  }
0x8c: {  	_ =	swait.ge [sflag:s30], $0x1000  }
0x8d: {  	s18 =	sld [smem:$0x7CB]  }
0x8e: {  	[sflag:s30] =	ssyncset.done $0x0  }
0x8f: {  	[sflag:s30] =	ssyncadd.s32 $0xFFFFF000  }
0x90: {  	[spmem:s14], [sflag:s16] =	dma.local [hbm:s18], $0x1000  }
0x91: {  	_ =	swait.ge [sflag:s31], $0x1000  }
0x92: {  	s1 =	sld [smem:$0x7C8]  }
0x93: {  	[sflag:s31] =	ssyncset.done $0x0  }
0x94: {  	s9 =	sor.u32 $0x1C05, s11;
	[sflag:s31] =	ssyncadd.s32 $0xFFFFF000  }
0x95: {  	[hbm:s1], [sflag:s9] =	dma.local [spmem:s13], $0x1000  }
0x96: {  	_ =	swait.ge [sflag:s0], $0x1000  }
0x97: {  	s7 =	sld [smem:$0x7CD]  }
0x98: {  	[sflag:s0] =	ssyncset.done $0x0  }
0x99: {  	[sflag:s0] =	ssyncadd.s32 $0xFFFFF000  }
0x9a: {  	[spmem:s13], [sflag:s10] =	dma.local [hbm:s7], $0x1000  }
0x9b: {  	_ =	swait.ge [sflag:s5], $0x1000  }
0x9c: {  	s12 =	sld [smem:$0x7CA]  }
0x9d: {  	[sflag:s5] =	ssyncset.done $0x0  }
0x9e: {  	s11 =	sor.u32 $0x1C06, s11;
	[sflag:s5] =	ssyncadd.s32 $0xFFFFF000  }
0x9f: {  	[hbm:s12], [sflag:s11] =	dma.local [spmem:s19], $0x1000  }
0xa0: {  	_ =	swait.ge [sflag:s6], $0x1000  }
0xa1: {  	s18 =	sld [smem:$0x7CF]  }
0xa2: {  	[sflag:s6] =	ssyncset.done $0x0  }
0xa3: {  	[sflag:s6] =	ssyncadd.s32 $0xFFFFF000  }
0xa4: {  	[spmem:s19], [sflag:s8] =	dma.local [hbm:s18], $0x1000  }
0xa5: {  	_ =	swait.ge [sflag:s29], $0x1000  }
0xa6: {  	s1 =	sld [smem:$0x7CC]  }
0xa7: {  	[sflag:s29] =	ssyncset.done $0x0  }
0xa8: {  	[sflag:s29] =	ssyncadd.s32 $0xFFFFF000  }
0xa9: {  	[hbm:s1], [sflag:s15] =	dma.local [spmem:s14], $0x1000  }
0xaa: {  	_ =	swait.ge [sflag:s30], $0x1000  }
0xab: {  	s7 =	sld [smem:$0x7D1]  }
0xac: {  	[sflag:s30] =	ssyncset.done $0x0  }
0xad: {  	[sflag:s30] =	ssyncadd.s32 $0xFFFFF000  }
0xae: {  	[spmem:s14], [sflag:s16] =	dma.local [hbm:s7], $0x1000  }
0xaf: {  	_ =	swait.ge [sflag:s31], $0x1000  }
0xb0: {  	s12 =	sld [smem:$0x7CE]  }
0xb1: {  	[sflag:s31] =	ssyncset.done $0x0  }
0xb2: {  	[sflag:s31] =	ssyncadd.s32 $0xFFFFF000  }
0xb3: {  	[hbm:s12], [sflag:s9] =	dma.local [spmem:s13], $0x1000  }
0xb4: {  	_ =	swait.ge [sflag:s0], $0x1000  }
0xb5: {  	s18 =	sld [smem:$0x7D3]  }
0xb6: {  	[sflag:s0] =	ssyncset.done $0x0  }
0xb7: {  	[sflag:s0] =	ssyncadd.s32 $0xFFFFF000  }
0xb8: {  	[spmem:s13], [sflag:s10] =	dma.local [hbm:s18], $0x1000  }
0xb9: {  	_ =	swait.ge [sflag:s5], $0x1000  }
0xba: {  	s1 =	sld [smem:$0x7D0]  }
0xbb: {  	[sflag:s5] =	ssyncset.done $0x0  }
0xbc: {  	[sflag:s5] =	ssyncadd.s32 $0xFFFFF000  }
0xbd: {  	[hbm:s1], [sflag:s11] =	dma.local [spmem:s19], $0x1000  }
0xbe: {  	_ =	swait.ge [sflag:s6], $0x1000  }
0xbf: {  	s7 =	sld [smem:$0x7D5]  }
0xc0: {  	[sflag:s6] =	ssyncset.done $0x0  }
0xc1: {  	[sflag:s6] =	ssyncadd.s32 $0xFFFFF000  }
0xc2: {  	[spmem:s19], [sflag:s8] =	dma.local [hbm:s7], $0x1000  }
0xc3: {  	_ =	swait.ge [sflag:s29], $0x1000  }
0xc4: {  	s12 =	sld [smem:$0x7D2]  }
0xc5: {  	[sflag:s29] =	ssyncset.done $0x0  }
0xc6: {  	[sflag:s29] =	ssyncadd.s32 $0xFFFFF000  }
0xc7: {  	[hbm:s12], [sflag:s15] =	dma.local [spmem:s14], $0x1000  }
0xc8: {  	_ =	swait.ge [sflag:s30], $0x1000  }
0xc9: {  	s18 =	sld [smem:$0x7D7]  }
0xca: {  	[sflag:s30] =	ssyncset.done $0x0  }
0xcb: {  	[sflag:s30] =	ssyncadd.s32 $0xFFFFF000  }
0xcc: {  	[spmem:s14], [sflag:s16] =	dma.local [hbm:s18], $0x1000  }
0xcd: {  	_ =	swait.ge [sflag:s31], $0x1000  }
0xce: {  	s1 =	sld [smem:$0x7D4]  }
0xcf: {  	[sflag:s31] =	ssyncset.done $0x0  }
0xd0: {  	[sflag:s31] =	ssyncadd.s32 $0xFFFFF000  }
0xd1: {  	[hbm:s1], [sflag:s9] =	dma.local [spmem:s13], $0x1000  }
0xd2: {  	_ =	swait.ge [sflag:s0], $0x1000  }
0xd3: {  	s7 =	sld [smem:$0x7D9]  }
0xd4: {  	[sflag:s0] =	ssyncset.done $0x0  }
0xd5: {  	[sflag:s0] =	ssyncadd.s32 $0xFFFFF000  }
0xd6: {  	[spmem:s13], [sflag:s10] =	dma.local [hbm:s7], $0x1000  }
0xd7: {  	_ =	swait.ge [sflag:s5], $0x1000  }
0xd8: {  	s12 =	sld [smem:$0x7D6]  }
0xd9: {  	[sflag:s5] =	ssyncset.done $0x0  }
0xda: {  	[sflag:s5] =	ssyncadd.s32 $0xFFFFF000  }
0xdb: {  	[hbm:s12], [sflag:s11] =	dma.local [spmem:s19], $0x1000  }
0xdc: {  	_ =	swait.ge [sflag:s6], $0x1000  }
0xdd: {  	s18 =	sld [smem:$0x7DB]  }
0xde: {  	[sflag:s6] =	ssyncset.done $0x0  }
0xdf: {  	[sflag:s6] =	ssyncadd.s32 $0xFFFFF000  }
0xe0: {  	[spmem:s19], [sflag:s8] =	dma.local [hbm:s18], $0x1000  }
0xe1: {  	_ =	swait.ge [sflag:s29], $0x1000  }
0xe2: {  	s1 =	sld [smem:$0x7D8]  }
0xe3: {  	[sflag:s29] =	ssyncset.done $0x0  }
0xe4: {  	[sflag:s29] =	ssyncadd.s32 $0xFFFFF000  }
0xe5: {  	[hbm:s1], [sflag:s15] =	dma.local [spmem:s14], $0x1000  }
0xe6: {  	_ =	swait.ge [sflag:s30], $0x1000  }
0xe7: {  	s7 =	sld [smem:$0x7DD]  }
0xe8: {  	[sflag:s30] =	ssyncset.done $0x0  }
0xe9: {  	[sflag:s30] =	ssyncadd.s32 $0xFFFFF000  }
0xea: {  	[spmem:s14], [sflag:s16] =	dma.local [hbm:s7], $0x1000  }
0xeb: {  	_ =	swait.ge [sflag:s31], $0x1000  }
0xec: {  	s12 =	sld [smem:$0x7DA]  }
0xed: {  	[sflag:s31] =	ssyncset.done $0x0  }
0xee: {  	[sflag:s31] =	ssyncadd.s32 $0xFFFFF000  }
0xef: {  	[hbm:s12], [sflag:s9] =	dma.local [spmem:s13], $0x1000  }
0xf0: {  	_ =	swait.ge [sflag:s0], $0x1000  }
0xf1: {  	s18 =	sld [smem:$0x7DF]  }
0xf2: {  	[sflag:s0] =	ssyncset.done $0x0  }
0xf3: {  	[sflag:s0] =	ssyncadd.s32 $0xFFFFF000  }
0xf4: {  	[spmem:s13], [sflag:s10] =	dma.local [hbm:s18], $0x1000  }
0xf5: {  	_ =	swait.ge [sflag:s5], $0x1000  }
0xf6: {  	s1 =	sld [smem:$0x7DC]  }
0xf7: {  	[sflag:s5] =	ssyncset.done $0x0  }
0xf8: {  	[sflag:s5] =	ssyncadd.s32 $0xFFFFF000  }
0xf9: {  	[hbm:s1], [sflag:s11] =	dma.local [spmem:s19], $0x1000  }
0xfa: {  	_ =	swait.ge [sflag:s6], $0x1000  }
0xfb: {  	s7 =	sld [smem:$0x7E1]  }
0xfc: {  	[sflag:s6] =	ssyncset.done $0x0  }
0xfd: {  	[sflag:s6] =	ssyncadd.s32 $0xFFFFF000  }
0xfe: {  	[spmem:s19], [sflag:s8] =	dma.local [hbm:s7], $0x1000  }
0xff: {  	_ =	swait.ge [sflag:s29], $0x1000  }
0x100: {  	s8 =	sld [smem:$0x7DE]  }
0x101: {  	[sflag:s29] =	ssyncset.done $0x0  }
0x102: {  	[sflag:s29] =	ssyncadd.s32 $0xFFFFF000  }
0x103: {  	[hbm:s8], [sflag:s15] =	dma.local [spmem:s14], $0x1000  }
0x104: {  	_ =	swait.ge [sflag:s30], $0x1000  }
0x105: {  	s10 =	sld [smem:$0x7E4]  }
0x106: {  	[sflag:s30] =	ssyncset.done $0x0  }
0x107: {  	[sflag:s30] =	ssyncadd.s32 $0xFFFFF000  }
0x108: {  	[spmem:s14], [sflag:s16] =	dma.local [hbm:s10], $0x1000  }
0x109: {  	_ =	swait.ge [sflag:s31], $0x1000  }
0x10a: {  	s12 =	sld [smem:$0x7E0]  }
0x10b: {  	[sflag:s31] =	ssyncset.done $0x0  }
0x10c: {  	[sflag:s31] =	ssyncadd.s32 $0xFFFFF000  }
0x10d: {  	[hbm:s12], [sflag:s9] =	dma.local [spmem:s13], $0x1000  }
0x10e: {  	_ =	swait.ge [sflag:s0], $0x1000  }
0x10f: {  	[sflag:s0] =	ssyncset.done $0x0  }
0x110: {  	[sflag:s0] =	ssyncadd.s32 $0xFFFFF000  }
0x111: {  	_ =	swait.ge [sflag:s5], $0x1000  }
0x112: {  	s16 =	sld [smem:$0x7E2]  }
0x113: {  	[sflag:s5] =	ssyncset.done $0x0  }
0x114: {  	[sflag:s5] =	ssyncadd.s32 $0xFFFFF000  }
0x115: {  	[hbm:s16], [sflag:s11] =	dma.local [spmem:s19], $0x1000  }
0x116: {  	_ =	swait.ge [sflag:s6], $0x1000  }
0x117: {  	[sflag:s6] =	ssyncset.done $0x0  }
0x118: {  	[sflag:s6] =	ssyncadd.s32 $0xFFFFF000  }
0x119: {  	_ =	swait.ge [sflag:s29], $0x1000  }
0x11a: {  	s18 =	sld [smem:$0x7E3]  }
0x11b: {  	[sflag:s29] =	ssyncset.done $0x0  }
0x11c: {  	[sflag:s29] =	ssyncadd.s32 $0xFFFFF000  }
0x11d: {  	[hbm:s18], [sflag:s15] =	dma.local [spmem:s14], $0x1000  }
0x11e: {  	_ =	swait.ge [sflag:s30], $0x1000  }
0x11f: {  	[sflag:s30] =	ssyncset.done $0x0  }
0x120: {  	[sflag:s30] =	ssyncadd.s32 $0xFFFFF000  }
.LBB2_7:
0x121: {  	s17 =	sadd.s32 $0xFFFFFFFF, s17  }
0x122: {  	p2 =	sne.s32 s17, $0x0  }
.Ltmp1:
0x123: {  	_ = 	snop;
	(pc) =	sbr.rel @!p2 .LBB2_8-.Ltmp1, $1  }
0x124: {  	_ =	sdelay $0x3  }
.LBB2_1:
0x125: {  	[tilespmem:s2], [sflag:$0x7] =	stream.linear.gather [hbm4b:s4+s2], $0x80, $0x38;
	[tilespmem:$0x1E200] =	vst v63  }
0x126: {  	_ =	swait.ge [sflag:s28], $0x80  }
0x127: {  	[sflag:s28] =	ssyncset.done $0x0  }
0x128: {  	[sflag:s28] =	ssyncadd.s32 $0xFFFFFF80  }
0x129: {  	v35 =	vld [tilespmem:$0x0];
	_ =	sdelay $0x4  }
0x12a: {  	(v2sf) =	vpush v35, $0x0;
	_ =	sdelay $0xe  }
0x12b: {  	s8 =	spop (v2sf)  }
0x12c: {  	p2 =	slt.s32 @!p0 s8, $0x1FFF  }
0x12d: {  	p2 =	por p0, p2  }
.Ltmp2:
0x12e: {  	_ = 	snop;
	(pc) =	sbr.rel @!p2 .LBB2_2-.Ltmp2, $1  }
0x12f: {  	_ =	sdelay $0x3  }
0x130: {  	p2 =	slt.s32 @!p1 s8, $0x1FFF  }
0x131: {  	p2 =	por p1, p2  }
.Ltmp3:
0x132: {  	_ = 	snop;
	(pc) =	sbr.rel @p2 .LBB2_5-.Ltmp3, $1  }
0x133: {  	_ =	sdelay $0x3  }
0x134: {  	vm1 =	vlt.s32 v16, v35  }
0x135: {  	v36 =	vsel vm1, v16, v35  }
0x136: {  	v37 =	vshll.u32 v36, $0x4  }
0x137: {  	v38 =	vand.u32 $0x7, v36;
	v37 =	vand.u32 $0xFFFFFF80, v37  }
0x138: {  	v37 =	vor.u32 v38, v37  }
0x139: {  	v38 =	vperm.xlane v37, v32;
	_ =	sdelay $0x1  }
0x13a: {  	v38 =	vadd.s32 v33, v38;
	_ =	sdelay $0x3  }
0x13b: {  	s3 =	simm.s32 $0x200;
	s18 =	rddreg [dreg:$0x1];
	[tilespmem:$0x80] =	vst v36  }
0x13c: {  	[tilespmem:s3], [sflag:$0x1] =	stream.indirect_vreg.gather [hbm4b:s18+s2], $0x80, v38, vm0, $0xb8;
	[tilespmem:$0x1E200] =	vst v63  }
0x13d: {  	s4 =	simm.s32 $0xA00  }
0x13e: {  	[tilespmem:s4], [sflag:$0x1] =	stream.indirect_vreg.gather [hbm4b:s20+s2], $0x80, v38, vm0, $0xb8;
	[tilespmem:$0x1E200] =	vst v63  }
0x13f: {  	s16 =	simm.s32 $0x1200  }
0x140: {  	[tilespmem:s16], [sflag:$0x1] =	stream.indirect_vreg.gather [hbm4b:s21+s2], $0x80, v38, vm0, $0xb8;
	[tilespmem:$0x1E200] =	vst v63  }
0x141: {  	s1 =	simm.s32 $0x1A00  }
0x142: {  	[tilespmem:s1], [sflag:$0x1] =	stream.indirect_vreg.gather [hbm4b:s22+s2], $0x80, v38, vm0, $0xb8;
	[tilespmem:$0x1E200] =	vst v63  }
0x143: {  	s3 =	simm.s32 $0x2200  }
0x144: {  	[tilespmem:s3], [sflag:$0x1] =	stream.indirect_vreg.gather [hbm4b:s23+s2], $0x80, v38, vm0, $0xb8;
	[tilespmem:$0x1E200] =	vst v63  }
0x145: {  	s7 =	simm.s32 $0x2A00;
	v41 =	vperm.xlane v37, v34  }
0x146: {  	[tilespmem:s7], [sflag:$0x1] =	stream.indirect_vreg.gather [hbm4b:s24+s2], $0x80, v38, vm0, $0xb8;
	[tilespmem:$0x1E200] =	vst v63  }
0x147: {  	s8 =	simm.s32 $0x3200;
	v36 =	vadd.s32 v33, v41  }
0x148: {  	[tilespmem:s8], [sflag:$0x1] =	stream.indirect_vreg.gather [hbm4b:s25+s2], $0x80, v38, vm0, $0xb8;
	[tilespmem:$0x1E200] =	vst v63  }
0x149: {  	s9 =	simm.s32 $0x3A00  }
0x14a: {  	[tilespmem:s9], [sflag:$0x1] =	stream.indirect_vreg.gather [hbm4b:s26+s2], $0x80, v38, vm0, $0xb8;
	[tilespmem:$0x1E200] =	vst v63  }
0x14b: {  	s10 =	simm.s32 $0x4200  }
0x14c: {  	[tilespmem:s10], [sflag:$0x1] =	stream.indirect_vreg.gather [hbm4b:s18+s2], $0x80, v36, vm0, $0xb8;
	[tilespmem:$0x1E200] =	vst v63  }
0x14d: {  	s11 =	simm.s32 $0x4A00  }
0x14e: {  	[tilespmem:s11], [sflag:$0x1] =	stream.indirect_vreg.gather [hbm4b:s20+s2], $0x80, v36, vm0, $0xb8;
	[tilespmem:$0x1E200] =	vst v63  }
0x14f: {  	s12 =	simm.s32 $0x5200  }
0x150: {  	vm1 =	vlt.s32 v17, v35;
	[tilespmem:s12], [sflag:$0x1] =	stream.indirect_vreg.gather [hbm4b:s21+s2], $0x80, v36, vm0, $0xb8;
	[tilespmem:$0x1E200] =	vst v63  }
0x151: {  	s14 =	simm.s32 $0x5A00;
	v42 =	vsel vm1, v17, v35  }
0x152: {  	v43 =	vshll.u32 v42, $0x4;
	[tilespmem:s14], [sflag:$0x1] =	stream.indirect_vreg.gather [hbm4b:s22+s2], $0x80, v36, vm0, $0xb8;
	[tilespmem:$0x1E200] =	vst v63  }
0x153: {  	v39 =	vand.u32 $0x7, v42;
	s16 =	simm.s32 $0x6200;
	v38 =	vand.u32 $0xFFFFFF80, v43  }
0x154: {  	v38 =	vor.u32 v39, v38;
	[tilespmem:s16], [sflag:$0x1] =	stream.indirect_vreg.gather [hbm4b:s23+s2], $0x80, v36, vm0, $0xb8;
	[tilespmem:$0x1E200] =	vst v63  }
0x155: {  	s1 =	simm.s32 $0x6A00;
	v39 =	vperm.xlane v38, v32  }
0x156: {  	[tilespmem:s1], [sflag:$0x1] =	stream.indirect_vreg.gather [hbm4b:s24+s2], $0x80, v36, vm0, $0xb8;
	[tilespmem:$0x1E200] =	vst v63  }
0x157: {  	s4 =	simm.s32 $0x7200;
	v39 =	vadd.s32 v33, v39  }
0x158: {  	[tilespmem:s4], [sflag:$0x1] =	stream.indirect_vreg.gather [hbm4b:s25+s2], $0x80, v36, vm0, $0xb8;
	[tilespmem:$0x1E200] =	vst v63  }
0x159: {  	s8 =	simm.s32 $0x7A00  }
0x15a: {  	[tilespmem:s8], [sflag:$0x1] =	stream.indirect_vreg.gather [hbm4b:s26+s2], $0x80, v36, vm0, $0xb8;
	[tilespmem:$0x1E200] =	vst v63  }
0x15b: {  	s10 =	simm.s32 $0x8200;
	[tilespmem:$0x100] =	vst v42  }
0x15c: {  	[tilespmem:s10], [sflag:$0x2] =	stream.indirect_vreg.gather [hbm4b:s18+s2], $0x80, v39, vm0, $0xb8;
	[tilespmem:$0x1E200] =	vst v63  }
0x15d: {  	s1 =	simm.s32 $0x8A00  }
0x15e: {  	[tilespmem:s1], [sflag:$0x2] =	stream.indirect_vreg.gather [hbm4b:s20+s2], $0x80, v39, vm0, $0xb8;
	[tilespmem:$0x1E200] =	vst v63  }
0x15f: {  	s16 =	simm.s32 $0x9200  }
0x160: {  	[tilespmem:s16], [sflag:$0x2] =	stream.indirect_vreg.gather [hbm4b:s21+s2], $0x80, v39, vm0, $0xb8;
	[tilespmem:$0x1E200] =	vst v63  }
0x161: {  	s3 =	simm.s32 $0x9A00  }
0x162: {  	[tilespmem:s3], [sflag:$0x2] =	stream.indirect_vreg.gather [hbm4b:s22+s2], $0x80, v39, vm0, $0xb8;
	[tilespmem:$0x1E200] =	vst v63  }
0x163: {  	s4 =	simm.s32 $0xA200  }
0x164: {  	[tilespmem:s4], [sflag:$0x2] =	stream.indirect_vreg.gather [hbm4b:s23+s2], $0x80, v39, vm0, $0xb8;
	[tilespmem:$0x1E200] =	vst v63  }
0x165: {  	v44 =	vperm.xlane v38, v34;
	s8 =	simm.s32 $0xAA00  }
0x166: {  	[tilespmem:s8], [sflag:$0x2] =	stream.indirect_vreg.gather [hbm4b:s24+s2], $0x80, v39, vm0, $0xb8;
	[tilespmem:$0x1E200] =	vst v63  }
0x167: {  	v36 =	vadd.s32 v33, v44;
	s10 =	simm.s32 $0xB200  }
0x168: {  	[tilespmem:s10], [sflag:$0x2] =	stream.indirect_vreg.gather [hbm4b:s25+s2], $0x80, v39, vm0, $0xb8;
	[tilespmem:$0x1E200] =	vst v63  }
0x169: {  	s16 =	simm.s32 $0xBA00  }
0x16a: {  	[tilespmem:s16], [sflag:$0x2] =	stream.indirect_vreg.gather [hbm4b:s26+s2], $0x80, v39, vm0, $0xb8;
	[tilespmem:$0x1E200] =	vst v63  }
0x16b: {  	s3 =	simm.s32 $0xC200  }
0x16c: {  	[tilespmem:s3], [sflag:$0x2] =	stream.indirect_vreg.gather [hbm4b:s18+s2], $0x80, v36, vm0, $0xb8;
	[tilespmem:$0x1E200] =	vst v63  }
0x16d: {  	s4 =	simm.s32 $0xCA00  }
0x16e: {  	[tilespmem:s4], [sflag:$0x2] =	stream.indirect_vreg.gather [hbm4b:s20+s2], $0x80, v36, vm0, $0xb8;
	[tilespmem:$0x1E200] =	vst v63  }
0x16f: {  	s8 =	simm.s32 $0xD200  }
0x170: {  	vm1 =	vlt.s32 v18, v35;
	[tilespmem:s8], [sflag:$0x2] =	stream.indirect_vreg.gather [hbm4b:s21+s2], $0x80, v36, vm0, $0xb8;
	[tilespmem:$0x1E200] =	vst v63  }
0x171: {  	v45 =	vsel vm1, v18, v35;
	s10 =	simm.s32 $0xDA00  }
0x172: {  	v46 =	vshll.u32 v45, $0x4;
	[tilespmem:s10], [sflag:$0x2] =	stream.indirect_vreg.gather [hbm4b:s22+s2], $0x80, v36, vm0, $0xb8;
	[tilespmem:$0x1E200] =	vst v63  }
0x173: {  	v47 =	vand.u32 $0x7, v45;
	v38 =	vand.u32 $0xFFFFFF80, v46;
	s16 =	simm.s32 $0xE200  }
0x174: {  	v38 =	vor.u32 v47, v38;
	[tilespmem:s16], [sflag:$0x2] =	stream.indirect_vreg.gather [hbm4b:s23+s2], $0x80, v36, vm0, $0xb8;
	[tilespmem:$0x1E200] =	vst v63  }
0x175: {  	s1 =	simm.s32 $0xEA00;
	v39 =	vperm.xlane v38, v32  }
0x176: {  	[tilespmem:s1], [sflag:$0x2] =	stream.indirect_vreg.gather [hbm4b:s24+s2], $0x80, v36, vm0, $0xb8;
	[tilespmem:$0x1E200] =	vst v63  }
0x177: {  	v39 =	vadd.s32 v33, v39;
	s4 =	simm.s32 $0xF200  }
0x178: {  	[tilespmem:s4], [sflag:$0x2] =	stream.indirect_vreg.gather [hbm4b:s25+s2], $0x80, v36, vm0, $0xb8;
	[tilespmem:$0x1E200] =	vst v63  }
0x179: {  	s8 =	simm.s32 $0xFA00  }
0x17a: {  	[tilespmem:s8], [sflag:$0x2] =	stream.indirect_vreg.gather [hbm4b:s26+s2], $0x80, v36, vm0, $0xb8;
	[tilespmem:$0x1E200] =	vst v63  }
0x17b: {  	s4 =	simm.s32 $0x10200;
	[tilespmem:$0x180] =	vst v45  }
0x17c: {  	[tilespmem:s4], [sflag:$0x3] =	stream.indirect_vreg.gather [hbm4b:s18+s2], $0x80, v39, vm0, $0xb8;
	[tilespmem:$0x1E200] =	vst v63  }
0x17d: {  	s8 =	simm.s32 $0x10A00  }
0x17e: {  	[tilespmem:s8], [sflag:$0x3] =	stream.indirect_vreg.gather [hbm4b:s20+s2], $0x80, v39, vm0, $0xb8;
	[tilespmem:$0x1E200] =	vst v63  }
0x17f: {  	s4 =	simm.s32 $0x11200  }
0x180: {  	[tilespmem:s4], [sflag:$0x3] =	stream.indirect_vreg.gather [hbm4b:s21+s2], $0x80, v39, vm0, $0xb8;
	[tilespmem:$0x1E200] =	vst v63  }
0x181: {  	s8 =	simm.s32 $0x11A00  }
0x182: {  	[tilespmem:s8], [sflag:$0x3] =	stream.indirect_vreg.gather [hbm4b:s22+s2], $0x80, v39, vm0, $0xb8;
	[tilespmem:$0x1E200] =	vst v63  }
0x183: {  	s4 =	simm.s32 $0x12200  }
0x184: {  	[tilespmem:s4], [sflag:$0x3] =	stream.indirect_vreg.gather [hbm4b:s23+s2], $0x80, v39, vm0, $0xb8;
	[tilespmem:$0x1E200] =	vst v63  }
0x185: {  	v48 =	vperm.xlane v38, v34;
	s8 =	simm.s32 $0x12A00  }
0x186: {  	[tilespmem:s8], [sflag:$0x3] =	stream.indirect_vreg.gather [hbm4b:s24+s2], $0x80, v39, vm0, $0xb8;
	[tilespmem:$0x1E200] =	vst v63  }
0x187: {  	v36 =	vadd.s32 v33, v48;
	s4 =	simm.s32 $0x13200  }
0x188: {  	[tilespmem:s4], [sflag:$0x3] =	stream.indirect_vreg.gather [hbm4b:s25+s2], $0x80, v39, vm0, $0xb8;
	[tilespmem:$0x1E200] =	vst v63  }
0x189: {  	s8 =	simm.s32 $0x13A00  }
0x18a: {  	[tilespmem:s8], [sflag:$0x3] =	stream.indirect_vreg.gather [hbm4b:s26+s2], $0x80, v39, vm0, $0xb8;
	[tilespmem:$0x1E200] =	vst v63  }
0x18b: {  	s4 =	simm.s32 $0x14200  }
0x18c: {  	[tilespmem:s4], [sflag:$0x3] =	stream.indirect_vreg.gather [hbm4b:s18+s2], $0x80, v36, vm0, $0xb8;
	[tilespmem:$0x1E200] =	vst v63  }
0x18d: {  	s8 =	simm.s32 $0x14A00  }
0x18e: {  	[tilespmem:s8], [sflag:$0x3] =	stream.indirect_vreg.gather [hbm4b:s20+s2], $0x80, v36, vm0, $0xb8;
	[tilespmem:$0x1E200] =	vst v63  }
0x18f: {  	s4 =	simm.s32 $0x15200  }
0x190: {  	[tilespmem:s4], [sflag:$0x3] =	stream.indirect_vreg.gather [hbm4b:s21+s2], $0x80, v36, vm0, $0xb8;
	[tilespmem:$0x1E200] =	vst v63  }
0x191: {  	s8 =	simm.s32 $0x15A00  }
0x192: {  	[tilespmem:s8], [sflag:$0x3] =	stream.indirect_vreg.gather [hbm4b:s22+s2], $0x80, v36, vm0, $0xb8;
	[tilespmem:$0x1E200] =	vst v63  }
0x193: {  	s4 =	simm.s32 $0x16200  }
0x194: {  	[tilespmem:s4], [sflag:$0x3] =	stream.indirect_vreg.gather [hbm4b:s23+s2], $0x80, v36, vm0, $0xb8;
	[tilespmem:$0x1E200] =	vst v63  }
0x195: {  	s8 =	simm.s32 $0x16A00  }
0x196: {  	[tilespmem:s8], [sflag:$0x3] =	stream.indirect_vreg.gather [hbm4b:s24+s2], $0x80, v36, vm0, $0xb8;
	[tilespmem:$0x1E200] =	vst v63  }
0x197: {  	vm1 =	vlt.s32 v19, v35;
	s4 =	simm.s32 $0x17200  }
0x198: {  	v49 =	vsel vm1, v19, v35;
	[tilespmem:s4], [sflag:$0x3] =	stream.indirect_vreg.gather [hbm4b:s25+s2], $0x80, v36, vm0, $0xb8;
	[tilespmem:$0x1E200] =	vst v63  }
0x199: {  	v50 =	vshll.u32 v49, $0x4;
	s8 =	simm.s32 $0x17A00  }
0x19a: {  	v51 =	vand.u32 $0x7, v49;
	v38 =	vand.u32 $0xFFFFFF80, v50;
	[tilespmem:s8], [sflag:$0x3] =	stream.indirect_vreg.gather [hbm4b:s26+s2], $0x80, v36, vm0, $0xb8;
	[tilespmem:$0x1E200] =	vst v63  }
0x19b: {  	v36 =	vor.u32 v51, v38;
	_ =	swait.ge [sflag:s29], $0x8000  }
0x19c: {  	v38 =	vperm.xlane v36, v32;
	[sflag:s29] =	ssyncset.done $0x0  }
0x19d: {  	s4 =	simm.s32 $0x200;
	s8 =	rddreg [dreg:$0x16];
	[sflag:s29] =	ssyncadd.s32 $0xFFFF8000  }
0x19e: {  	v38 =	vadd.s32 v33, v38;
	[hbm4b:s8+s2] =	stream.linear.scatter [tilespmem:s4], [sflag:$0x4], $0x8000, $0x38;
	[tilespmem:$0x1E200] =	vst v63  }
0x19f: {  	_ =	swait.ge [sflag:s30], $0x8000  }
0x1a0: {  	[sflag:s30] =	ssyncset.done $0x0  }
0x1a1: {  	[sflag:s30] =	ssyncadd.s32 $0xFFFF8000  }
0x1a2: {  	[tilespmem:$0x80] =	vst v49  }
0x1a3: {  	[tilespmem:s4], [sflag:$0x1] =	stream.indirect_vreg.gather [hbm4b:s18+s2], $0x80, v38, vm0, $0xb8;
	[tilespmem:$0x1E200] =	vst v63  }
0x1a4: {  	s3 =	simm.s32 $0xA00  }
0x1a5: {  	[tilespmem:s3], [sflag:$0x1] =	stream.indirect_vreg.gather [hbm4b:s20+s2], $0x80, v38, vm0, $0xb8;
	[tilespmem:$0x1E200] =	vst v63  }
0x1a6: {  	s4 =	simm.s32 $0x1200  }
0x1a7: {  	[tilespmem:s4], [sflag:$0x1] =	stream.indirect_vreg.gather [hbm4b:s21+s2], $0x80, v38, vm0, $0xb8;
	[tilespmem:$0x1E200] =	vst v63  }
0x1a8: {  	s8 =	simm.s32 $0x1A00  }
0x1a9: {  	[tilespmem:s8], [sflag:$0x1] =	stream.indirect_vreg.gather [hbm4b:s22+s2], $0x80, v38, vm0, $0xb8;
	[tilespmem:$0x1E200] =	vst v63  }
0x1aa: {  	s8 =	simm.s32 $0x2200  }
0x1ab: {  	[tilespmem:s8], [sflag:$0x1] =	stream.indirect_vreg.gather [hbm4b:s23+s2], $0x80, v38, vm0, $0xb8;
	[tilespmem:$0x1E200] =	vst v63  }
0x1ac: {  	v36 =	vperm.xlane v36, v34;
	s8 =	simm.s32 $0x2A00  }
0x1ad: {  	[tilespmem:s8], [sflag:$0x1] =	stream.indirect_vreg.gather [hbm4b:s24+s2], $0x80, v38, vm0, $0xb8;
	[tilespmem:$0x1E200] =	vst v63  }
0x1ae: {  	v36 =	vadd.s32 v33, v36;
	s8 =	simm.s32 $0x3200  }
0x1af: {  	[tilespmem:s8], [sflag:$0x1] =	stream.indirect_vreg.gather [hbm4b:s25+s2], $0x80, v38, vm0, $0xb8;
	[tilespmem:$0x1E200] =	vst v63  }
0x1b0: {  	s8 =	simm.s32 $0x3A00  }
0x1b1: {  	[tilespmem:s8], [sflag:$0x1] =	stream.indirect_vreg.gather [hbm4b:s26+s2], $0x80, v38, vm0, $0xb8;
	[tilespmem:$0x1E200] =	vst v63  }
0x1b2: {  	s28 =	simm.s32 $0x4200  }
0x1b3: {  	[tilespmem:s28], [sflag:$0x1] =	stream.indirect_vreg.gather [hbm4b:s18+s2], $0x80, v36, vm0, $0xb8;
	[tilespmem:$0x1E200] =	vst v63  }
0x1b4: {  	s8 =	simm.s32 $0x4A00  }
0x1b5: {  	[tilespmem:s8], [sflag:$0x1] =	stream.indirect_vreg.gather [hbm4b:s20+s2], $0x80, v36, vm0, $0xb8;
	[tilespmem:$0x1E200] =	vst v63  }
0x1b6: {  	s15 =	simm.s32 $0x5200  }
0x1b7: {  	[tilespmem:s15], [sflag:$0x1] =	stream.indirect_vreg.gather [hbm4b:s21+s2], $0x80, v36, vm0, $0xb8;
	[tilespmem:$0x1E200] =	vst v63  }
0x1b8: {  	s11 =	simm.s32 $0x5A00  }
0x1b9: {  	[tilespmem:s11], [sflag:$0x1] =	stream.indirect_vreg.gather [hbm4b:s22+s2], $0x80, v36, vm0, $0xb8;
	[tilespmem:$0x1E200] =	vst v63  }
0x1ba: {  	s12 =	simm.s32 $0x6200  }
0x1bb: {  	[tilespmem:s12], [sflag:$0x1] =	stream.indirect_vreg.gather [hbm4b:s23+s2], $0x80, v36, vm0, $0xb8;
	[tilespmem:$0x1E200] =	vst v63  }
0x1bc: {  	s7 =	simm.s32 $0x6A00  }
0x1bd: {  	[tilespmem:s7], [sflag:$0x1] =	stream.indirect_vreg.gather [hbm4b:s24+s2], $0x80, v36, vm0, $0xb8;
	[tilespmem:$0x1E200] =	vst v63  }
0x1be: {  	vm1 =	vlt.s32 v20, v35;
	s9 =	simm.s32 $0x7200  }
0x1bf: {  	v52 =	vsel vm1, v20, v35;
	[tilespmem:s9], [sflag:$0x1] =	stream.indirect_vreg.gather [hbm4b:s25+s2], $0x80, v36, vm0, $0xb8;
	[tilespmem:$0x1E200] =	vst v63  }
0x1c0: {  	v53 =	vshll.u32 v52, $0x4;
	s14 =	simm.s32 $0x7A00  }
0x1c1: {  	v54 =	vand.u32 $0x7, v52;
	v38 =	vand.u32 $0xFFFFFF80, v53;
	[tilespmem:s14], [sflag:$0x1] =	stream.indirect_vreg.gather [hbm4b:s26+s2], $0x80, v36, vm0, $0xb8;
	[tilespmem:$0x1E200] =	vst v63  }
0x1c2: {  	v36 =	vor.u32 v54, v38;
	_ =	swait.ge [sflag:s31], $0x8000  }
0x1c3: {  	v38 =	vperm.xlane v36, v32;
	[sflag:s31] =	ssyncset.done $0x0  }
0x1c4: {  	s11 =	simm.s32 $0x8200;
	s9 =	rddreg [dreg:$0x17];
	[sflag:s31] =	ssyncadd.s32 $0xFFFF8000  }
0x1c5: {  	v38 =	vadd.s32 v33, v38;
	[hbm4b:s9+s2] =	stream.linear.scatter [tilespmem:s11], [sflag:$0x5], $0x8000, $0x38;
	[tilespmem:$0x1E200] =	vst v63  }
0x1c6: {  	_ =	swait.ge [sflag:s0], $0x8000  }
0x1c7: {  	[sflag:s0] =	ssyncset.done $0x0  }
0x1c8: {  	[sflag:s0] =	ssyncadd.s32 $0xFFFF8000  }
0x1c9: {  	[tilespmem:$0x100] =	vst v52  }
0x1ca: {  	[tilespmem:s11], [sflag:$0x2] =	stream.indirect_vreg.gather [hbm4b:s18+s2], $0x80, v38, vm0, $0xb8;
	[tilespmem:$0x1E200] =	vst v63  }
0x1cb: {  	s12 =	simm.s32 $0x8A00  }
0x1cc: {  	[tilespmem:s12], [sflag:$0x2] =	stream.indirect_vreg.gather [hbm4b:s20+s2], $0x80, v38, vm0, $0xb8;
	[tilespmem:$0x1E200] =	vst v63  }
0x1cd: {  	s14 =	simm.s32 $0x9200  }
0x1ce: {  	[tilespmem:s14], [sflag:$0x2] =	stream.indirect_vreg.gather [hbm4b:s21+s2], $0x80, v38, vm0, $0xb8;
	[tilespmem:$0x1E200] =	vst v63  }
0x1cf: {  	s15 =	simm.s32 $0x9A00  }
0x1d0: {  	[tilespmem:s15], [sflag:$0x2] =	stream.indirect_vreg.gather [hbm4b:s22+s2], $0x80, v38, vm0, $0xb8;
	[tilespmem:$0x1E200] =	vst v63  }
0x1d1: {  	s8 =	simm.s32 $0xA200  }
0x1d2: {  	[tilespmem:s8], [sflag:$0x2] =	stream.indirect_vreg.gather [hbm4b:s23+s2], $0x80, v38, vm0, $0xb8;
	[tilespmem:$0x1E200] =	vst v63  }
0x1d3: {  	v36 =	vperm.xlane v36, v34;
	s9 =	simm.s32 $0xAA00  }
0x1d4: {  	[tilespmem:s9], [sflag:$0x2] =	stream.indirect_vreg.gather [hbm4b:s24+s2], $0x80, v38, vm0, $0xb8;
	[tilespmem:$0x1E200] =	vst v63  }
0x1d5: {  	v36 =	vadd.s32 v33, v36;
	s11 =	simm.s32 $0xB200  }
0x1d6: {  	[tilespmem:s11], [sflag:$0x2] =	stream.indirect_vreg.gather [hbm4b:s25+s2], $0x80, v38, vm0, $0xb8;
	[tilespmem:$0x1E200] =	vst v63  }
0x1d7: {  	s12 =	simm.s32 $0xBA00  }
0x1d8: {  	[tilespmem:s12], [sflag:$0x2] =	stream.indirect_vreg.gather [hbm4b:s26+s2], $0x80, v38, vm0, $0xb8;
	[tilespmem:$0x1E200] =	vst v63  }
0x1d9: {  	s14 =	simm.s32 $0xC200  }
0x1da: {  	[tilespmem:s14], [sflag:$0x2] =	stream.indirect_vreg.gather [hbm4b:s18+s2], $0x80, v36, vm0, $0xb8;
	[tilespmem:$0x1E200] =	vst v63  }
0x1db: {  	s15 =	simm.s32 $0xCA00  }
0x1dc: {  	[tilespmem:s15], [sflag:$0x2] =	stream.indirect_vreg.gather [hbm4b:s20+s2], $0x80, v36, vm0, $0xb8;
	[tilespmem:$0x1E200] =	vst v63  }
0x1dd: {  	s8 =	simm.s32 $0xD200  }
0x1de: {  	[tilespmem:s8], [sflag:$0x2] =	stream.indirect_vreg.gather [hbm4b:s21+s2], $0x80, v36, vm0, $0xb8;
	[tilespmem:$0x1E200] =	vst v63  }
0x1df: {  	s9 =	simm.s32 $0xDA00  }
0x1e0: {  	[tilespmem:s9], [sflag:$0x2] =	stream.indirect_vreg.gather [hbm4b:s22+s2], $0x80, v36, vm0, $0xb8;
	[tilespmem:$0x1E200] =	vst v63  }
0x1e1: {  	s16 =	simm.s32 $0xE200  }
0x1e2: {  	[tilespmem:s16], [sflag:$0x2] =	stream.indirect_vreg.gather [hbm4b:s23+s2], $0x80, v36, vm0, $0xb8;
	[tilespmem:$0x1E200] =	vst v63  }
0x1e3: {  	s10 =	simm.s32 $0xEA00  }
0x1e4: {  	[tilespmem:s10], [sflag:$0x2] =	stream.indirect_vreg.gather [hbm4b:s24+s2], $0x80, v36, vm0, $0xb8;
	[tilespmem:$0x1E200] =	vst v63  }
0x1e5: {  	vm1 =	vlt.s32 v21, v35;
	s1 =	simm.s32 $0xF200  }
0x1e6: {  	v55 =	vsel vm1, v21, v35;
	[tilespmem:s1], [sflag:$0x2] =	stream.indirect_vreg.gather [hbm4b:s25+s2], $0x80, v36, vm0, $0xb8;
	[tilespmem:$0x1E200] =	vst v63  }
0x1e7: {  	v56 =	vshll.u32 v55, $0x4;
	s10 =	simm.s32 $0xFA00  }
0x1e8: {  	v57 =	vand.u32 $0x7, v55;
	v38 =	vand.u32 $0xFFFFFF80, v56;
	[tilespmem:s10], [sflag:$0x2] =	stream.indirect_vreg.gather [hbm4b:s26+s2], $0x80, v36, vm0, $0xb8;
	[tilespmem:$0x1E200] =	vst v63  }
0x1e9: {  	v36 =	vor.u32 v57, v38;
	_ =	swait.ge [sflag:s5], $0x8000  }
0x1ea: {  	v38 =	vperm.xlane v36, v32;
	[sflag:s5] =	ssyncset.done $0x0  }
0x1eb: {  	s12 =	simm.s32 $0x10200;
	s11 =	rddreg [dreg:$0x18];
	[sflag:s5] =	ssyncadd.s32 $0xFFFF8000  }
0x1ec: {  	v38 =	vadd.s32 v33, v38;
	[hbm4b:s11+s2] =	stream.linear.scatter [tilespmem:s12], [sflag:$0x6], $0x8000, $0x38;
	[tilespmem:$0x1E200] =	vst v63  }
0x1ed: {  	_ =	swait.ge [sflag:s6], $0x8000  }
0x1ee: {  	[sflag:s6] =	ssyncset.done $0x0  }
0x1ef: {  	[sflag:s6] =	ssyncadd.s32 $0xFFFF8000  }
0x1f0: {  	[tilespmem:$0x180] =	vst v55  }
0x1f1: {  	[tilespmem:s12], [sflag:$0x3] =	stream.indirect_vreg.gather [hbm4b:s18+s2], $0x80, v38, vm0, $0xb8;
	[tilespmem:$0x1E200] =	vst v63  }
0x1f2: {  	s14 =	simm.s32 $0x10A00  }
0x1f3: {  	[tilespmem:s14], [sflag:$0x3] =	stream.indirect_vreg.gather [hbm4b:s20+s2], $0x80, v38, vm0, $0xb8;
	[tilespmem:$0x1E200] =	vst v63  }
0x1f4: {  	s14 =	simm.s32 $0x11200  }
0x1f5: {  	[tilespmem:s14], [sflag:$0x3] =	stream.indirect_vreg.gather [hbm4b:s21+s2], $0x80, v38, vm0, $0xb8;
	[tilespmem:$0x1E200] =	vst v63  }
0x1f6: {  	s7 =	simm.s32 $0x11A00  }
0x1f7: {  	[tilespmem:s7], [sflag:$0x3] =	stream.indirect_vreg.gather [hbm4b:s22+s2], $0x80, v38, vm0, $0xb8;
	[tilespmem:$0x1E200] =	vst v63  }
0x1f8: {  	s15 =	simm.s32 $0x12200  }
0x1f9: {  	[tilespmem:s15], [sflag:$0x3] =	stream.indirect_vreg.gather [hbm4b:s23+s2], $0x80, v38, vm0, $0xb8;
	[tilespmem:$0x1E200] =	vst v63  }
0x1fa: {  	s16 =	simm.s32 $0x12A00;
	v36 =	vperm.xlane v36, v34  }
0x1fb: {  	[tilespmem:s16], [sflag:$0x3] =	stream.indirect_vreg.gather [hbm4b:s24+s2], $0x80, v38, vm0, $0xb8;
	[tilespmem:$0x1E200] =	vst v63  }
0x1fc: {  	s9 =	simm.s32 $0x13200;
	v36 =	vadd.s32 v33, v36  }
0x1fd: {  	[tilespmem:s9], [sflag:$0x3] =	stream.indirect_vreg.gather [hbm4b:s25+s2], $0x80, v38, vm0, $0xb8;
	[tilespmem:$0x1E200] =	vst v63  }
0x1fe: {  	s10 =	simm.s32 $0x13A00  }
0x1ff: {  	[tilespmem:s10], [sflag:$0x3] =	stream.indirect_vreg.gather [hbm4b:s26+s2], $0x80, v38, vm0, $0xb8;
	[tilespmem:$0x1E200] =	vst v63  }
0x200: {  	s11 =	simm.s32 $0x14200  }
0x201: {  	[tilespmem:s11], [sflag:$0x3] =	stream.indirect_vreg.gather [hbm4b:s18+s2], $0x80, v36, vm0, $0xb8;
	[tilespmem:$0x1E200] =	vst v63  }
0x202: {  	s28 =	simm.s32 $0x14A00  }
0x203: {  	[tilespmem:s28], [sflag:$0x3] =	stream.indirect_vreg.gather [hbm4b:s20+s2], $0x80, v36, vm0, $0xb8;
	[tilespmem:$0x1E200] =	vst v63  }
0x204: {  	s15 =	simm.s32 $0x15200  }
0x205: {  	[tilespmem:s15], [sflag:$0x3] =	stream.indirect_vreg.gather [hbm4b:s21+s2], $0x80, v36, vm0, $0xb8;
	[tilespmem:$0x1E200] =	vst v63  }
0x206: {  	s16 =	simm.s32 $0x15A00  }
0x207: {  	[tilespmem:s16], [sflag:$0x3] =	stream.indirect_vreg.gather [hbm4b:s22+s2], $0x80, v36, vm0, $0xb8;
	[tilespmem:$0x1E200] =	vst v63  }
0x208: {  	s8 =	simm.s32 $0x16200  }
0x209: {  	[tilespmem:s8], [sflag:$0x3] =	stream.indirect_vreg.gather [hbm4b:s23+s2], $0x80, v36, vm0, $0xb8;
	[tilespmem:$0x1E200] =	vst v63  }
0x20a: {  	s12 =	simm.s32 $0x16A00  }
0x20b: {  	[tilespmem:s12], [sflag:$0x3] =	stream.indirect_vreg.gather [hbm4b:s24+s2], $0x80, v36, vm0, $0xb8;
	[tilespmem:$0x1E200] =	vst v63  }
0x20c: {  	vm1 =	vlt.s32 v22, v35;
	s8 =	simm.s32 $0x17200  }
0x20d: {  	v58 =	vsel vm1, v22, v35;
	[tilespmem:s8], [sflag:$0x3] =	stream.indirect_vreg.gather [hbm4b:s25+s2], $0x80, v36, vm0, $0xb8;
	[tilespmem:$0x1E200] =	vst v63  }
0x20e: {  	v59 =	vshll.u32 v58, $0x4;
	s12 =	simm.s32 $0x17A00  }
0x20f: {  	v60 =	vand.u32 $0x7, v58;
	v38 =	vand.u32 $0xFFFFFF80, v59;
	[tilespmem:s12], [sflag:$0x3] =	stream.indirect_vreg.gather [hbm4b:s26+s2], $0x80, v36, vm0, $0xb8;
	[tilespmem:$0x1E200] =	vst v63  }
0x210: {  	v36 =	vor.u32 v60, v38;
	_ =	swait.ge [sflag:s29], $0x8000  }
0x211: {  	v38 =	vperm.xlane v36, v32;
	[sflag:s29] =	ssyncset.done $0x0  }
0x212: {  	s12 =	simm.s32 $0x200;
	s1 =	rddreg [dreg:$0x19];
	[sflag:s29] =	ssyncadd.s32 $0xFFFF8000  }
0x213: {  	v38 =	vadd.s32 v33, v38;
	[hbm4b:s1+s2] =	stream.linear.scatter [tilespmem:s12], [sflag:$0x4], $0x8000, $0x38;
	[tilespmem:$0x1E200] =	vst v63  }
0x214: {  	_ =	swait.ge [sflag:s30], $0x8000  }
0x215: {  	[sflag:s30] =	ssyncset.done $0x0  }
0x216: {  	[sflag:s30] =	ssyncadd.s32 $0xFFFF8000  }
0x217: {  	[tilespmem:$0x80] =	vst v58  }
0x218: {  	[tilespmem:s12], [sflag:$0x1] =	stream.indirect_vreg.gather [hbm4b:s18+s2], $0x80, v38, vm0, $0xb8;
	[tilespmem:$0x1E200] =	vst v63  }
0x219: {  	_ = 	snop  }
0x21a: {  	[tilespmem:s3], [sflag:$0x1] =	stream.indirect_vreg.gather [hbm4b:s20+s2], $0x80, v38, vm0, $0xb8;
	[tilespmem:$0x1E200] =	vst v63  }
0x21b: {  	_ = 	snop  }
0x21c: {  	[tilespmem:s4], [sflag:$0x1] =	stream.indirect_vreg.gather [hbm4b:s21+s2], $0x80, v38, vm0, $0xb8;
	[tilespmem:$0x1E200] =	vst v63  }
0x21d: {  	s4 =	simm.s32 $0x1A00  }
0x21e: {  	[tilespmem:s4], [sflag:$0x1] =	stream.indirect_vreg.gather [hbm4b:s22+s2], $0x80, v38, vm0, $0xb8;
	[tilespmem:$0x1E200] =	vst v63  }
0x21f: {  	s12 =	simm.s32 $0x2200  }
0x220: {  	[tilespmem:s12], [sflag:$0x1] =	stream.indirect_vreg.gather [hbm4b:s23+s2], $0x80, v38, vm0, $0xb8;
	[tilespmem:$0x1E200] =	vst v63  }
0x221: {  	v36 =	vperm.xlane v36, v34;
	s3 =	simm.s32 $0x2A00  }
0x222: {  	[tilespmem:s3], [sflag:$0x1] =	stream.indirect_vreg.gather [hbm4b:s24+s2], $0x80, v38, vm0, $0xb8;
	[tilespmem:$0x1E200] =	vst v63  }
0x223: {  	s8 =	simm.s32 $0x3200;
	v36 =	vadd.s32 v33, v36  }
0x224: {  	[tilespmem:s8], [sflag:$0x1] =	stream.indirect_vreg.gather [hbm4b:s25+s2], $0x80, v38, vm0, $0xb8;
	[tilespmem:$0x1E200] =	vst v63  }
0x225: {  	s12 =	simm.s32 $0x3A00  }
0x226: {  	[tilespmem:s12], [sflag:$0x1] =	stream.indirect_vreg.gather [hbm4b:s26+s2], $0x80, v38, vm0, $0xb8;
	[tilespmem:$0x1E200] =	vst v63  }
0x227: {  	s3 =	simm.s32 $0x4200  }
0x228: {  	[tilespmem:s3], [sflag:$0x1] =	stream.indirect_vreg.gather [hbm4b:s18+s2], $0x80, v36, vm0, $0xb8;
	[tilespmem:$0x1E200] =	vst v63  }
0x229: {  	s8 =	simm.s32 $0x4A00  }
0x22a: {  	[tilespmem:s8], [sflag:$0x1] =	stream.indirect_vreg.gather [hbm4b:s20+s2], $0x80, v36, vm0, $0xb8;
	[tilespmem:$0x1E200] =	vst v63  }
0x22b: {  	s12 =	simm.s32 $0x5200  }
0x22c: {  	[tilespmem:s12], [sflag:$0x1] =	stream.indirect_vreg.gather [hbm4b:s21+s2], $0x80, v36, vm0, $0xb8;
	[tilespmem:$0x1E200] =	vst v63  }
0x22d: {  	s3 =	simm.s32 $0x5A00  }
0x22e: {  	[tilespmem:s3], [sflag:$0x1] =	stream.indirect_vreg.gather [hbm4b:s22+s2], $0x80, v36, vm0, $0xb8;
	[tilespmem:$0x1E200] =	vst v63  }
0x22f: {  	s8 =	simm.s32 $0x6200  }
0x230: {  	[tilespmem:s8], [sflag:$0x1] =	stream.indirect_vreg.gather [hbm4b:s23+s2], $0x80, v36, vm0, $0xb8;
	[tilespmem:$0x1E200] =	vst v63  }
0x231: {  	s12 =	simm.s32 $0x6A00  }
0x232: {  	[tilespmem:s12], [sflag:$0x1] =	stream.indirect_vreg.gather [hbm4b:s24+s2], $0x80, v36, vm0, $0xb8;
	[tilespmem:$0x1E200] =	vst v63  }
0x233: {  	vm1 =	vlt.s32 v23, v35;
	s3 =	simm.s32 $0x7200  }
0x234: {  	v61 =	vsel vm1, v23, v35;
	[tilespmem:s3], [sflag:$0x1] =	stream.indirect_vreg.gather [hbm4b:s25+s2], $0x80, v36, vm0, $0xb8;
	[tilespmem:$0x1E200] =	vst v63  }
0x235: {  	v62 =	vshll.u32 v61, $0x4;
	s8 =	simm.s32 $0x7A00  }
0x236: {  	v63 =	vand.u32 $0x7, v61;
	v38 =	vand.u32 $0xFFFFFF80, v62;
	[tilespmem:s8], [sflag:$0x1] =	stream.indirect_vreg.gather [hbm4b:s26+s2], $0x80, v36, vm0, $0xb8;
	[tilespmem:$0x1E200] =	vst v63  }
0x237: {  	v36 =	vor.u32 v63, v38;
	_ =	swait.ge [sflag:s31], $0x8000  }
0x238: {  	v38 =	vperm.xlane v36, v32;
	[sflag:s31] =	ssyncset.done $0x0  }
0x239: {  	s1 =	simm.s32 $0x8200;
	s12 =	rddreg [dreg:$0x1a];
	[sflag:s31] =	ssyncadd.s32 $0xFFFF8000  }
0x23a: {  	v38 =	vadd.s32 v33, v38;
	[hbm4b:s12+s2] =	stream.linear.scatter [tilespmem:s1], [sflag:$0x5], $0x8000, $0x38;
	[tilespmem:$0x1E200] =	vst v63  }
0x23b: {  	_ =	swait.ge [sflag:s0], $0x8000  }
0x23c: {  	[sflag:s0] =	ssyncset.done $0x0  }
0x23d: {  	[sflag:s0] =	ssyncadd.s32 $0xFFFF8000  }
0x23e: {  	[tilespmem:$0x100] =	vst v61  }
0x23f: {  	[tilespmem:s1], [sflag:$0x2] =	stream.indirect_vreg.gather [hbm4b:s18+s2], $0x80, v38, vm0, $0xb8;
	[tilespmem:$0x1E200] =	vst v63  }
0x240: {  	s3 =	simm.s32 $0x8A00  }
0x241: {  	[tilespmem:s3], [sflag:$0x2] =	stream.indirect_vreg.gather [hbm4b:s20+s2], $0x80, v38, vm0, $0xb8;
	[tilespmem:$0x1E200] =	vst v63  }
0x242: {  	s8 =	simm.s32 $0x9200  }
0x243: {  	[tilespmem:s8], [sflag:$0x2] =	stream.indirect_vreg.gather [hbm4b:s21+s2], $0x80, v38, vm0, $0xb8;
	[tilespmem:$0x1E200] =	vst v63  }
0x244: {  	s12 =	simm.s32 $0x9A00  }
0x245: {  	[tilespmem:s12], [sflag:$0x2] =	stream.indirect_vreg.gather [hbm4b:s22+s2], $0x80, v38, vm0, $0xb8;
	[tilespmem:$0x1E200] =	vst v63  }
0x246: {  	s3 =	simm.s32 $0xA200  }
0x247: {  	[tilespmem:s3], [sflag:$0x2] =	stream.indirect_vreg.gather [hbm4b:s23+s2], $0x80, v38, vm0, $0xb8;
	[tilespmem:$0x1E200] =	vst v63  }
0x248: {  	v36 =	vperm.xlane v36, v34;
	s8 =	simm.s32 $0xAA00  }
0x249: {  	[tilespmem:s8], [sflag:$0x2] =	stream.indirect_vreg.gather [hbm4b:s24+s2], $0x80, v38, vm0, $0xb8;
	[tilespmem:$0x1E200] =	vst v63  }
0x24a: {  	v36 =	vadd.s32 v33, v36;
	s12 =	simm.s32 $0xB200  }
0x24b: {  	[tilespmem:s12], [sflag:$0x2] =	stream.indirect_vreg.gather [hbm4b:s25+s2], $0x80, v38, vm0, $0xb8;
	[tilespmem:$0x1E200] =	vst v63  }
0x24c: {  	s3 =	simm.s32 $0xBA00  }
0x24d: {  	[tilespmem:s3], [sflag:$0x2] =	stream.indirect_vreg.gather [hbm4b:s26+s2], $0x80, v38, vm0, $0xb8;
	[tilespmem:$0x1E200] =	vst v63  }
0x24e: {  	s8 =	simm.s32 $0xC200  }
0x24f: {  	[tilespmem:s8], [sflag:$0x2] =	stream.indirect_vreg.gather [hbm4b:s18+s2], $0x80, v36, vm0, $0xb8;
	[tilespmem:$0x1E200] =	vst v63  }
0x250: {  	s12 =	simm.s32 $0xCA00  }
0x251: {  	[tilespmem:s12], [sflag:$0x2] =	stream.indirect_vreg.gather [hbm4b:s20+s2], $0x80, v36, vm0, $0xb8;
	[tilespmem:$0x1E200] =	vst v63  }
0x252: {  	s3 =	simm.s32 $0xD200  }
0x253: {  	[tilespmem:s3], [sflag:$0x2] =	stream.indirect_vreg.gather [hbm4b:s21+s2], $0x80, v36, vm0, $0xb8;
	[tilespmem:$0x1E200] =	vst v63  }
0x254: {  	s8 =	simm.s32 $0xDA00  }
0x255: {  	[tilespmem:s8], [sflag:$0x2] =	stream.indirect_vreg.gather [hbm4b:s22+s2], $0x80, v36, vm0, $0xb8;
	[tilespmem:$0x1E200] =	vst v63  }
0x256: {  	s12 =	simm.s32 $0xE200  }
0x257: {  	[tilespmem:s12], [sflag:$0x2] =	stream.indirect_vreg.gather [hbm4b:s23+s2], $0x80, v36, vm0, $0xb8;
	[tilespmem:$0x1E200] =	vst v63  }
0x258: {  	s3 =	simm.s32 $0xEA00  }
0x259: {  	[tilespmem:s3], [sflag:$0x2] =	stream.indirect_vreg.gather [hbm4b:s24+s2], $0x80, v36, vm0, $0xb8;
	[tilespmem:$0x1E200] =	vst v63  }
0x25a: {  	vm1 =	vlt.s32 v24, v35;
	s12 =	simm.s32 $0xF200  }
0x25b: {  	v40 =	vsel vm1, v24, v35;
	[tilespmem:s12], [sflag:$0x2] =	stream.indirect_vreg.gather [hbm4b:s25+s2], $0x80, v36, vm0, $0xb8;
	[tilespmem:$0x1E200] =	vst v63  }
0x25c: {  	v41 =	vshll.u32 v40, $0x4;
	s8 =	simm.s32 $0xFA00  }
0x25d: {  	v42 =	vand.u32 $0x7, v40;
	v38 =	vand.u32 $0xFFFFFF80, v41;
	[tilespmem:s8], [sflag:$0x2] =	stream.indirect_vreg.gather [hbm4b:s26+s2], $0x80, v36, vm0, $0xb8;
	[tilespmem:$0x1E200] =	vst v63  }
0x25e: {  	v36 =	vor.u32 v42, v38;
	_ =	swait.ge [sflag:s5], $0x8000  }
0x25f: {  	v38 =	vperm.xlane v36, v32;
	[sflag:s5] =	ssyncset.done $0x0  }
0x260: {  	s31 =	simm.s32 $0x10200;
	s3 =	rddreg [dreg:$0x1b];
	[sflag:s5] =	ssyncadd.s32 $0xFFFF8000  }
0x261: {  	v38 =	vadd.s32 v33, v38;
	[hbm4b:s3+s2] =	stream.linear.scatter [tilespmem:s31], [sflag:$0x6], $0x8000, $0x38;
	[tilespmem:$0x1E200] =	vst v63  }
0x262: {  	_ =	swait.ge [sflag:s6], $0x8000  }
0x263: {  	[sflag:s6] =	ssyncset.done $0x0  }
0x264: {  	[sflag:s6] =	ssyncadd.s32 $0xFFFF8000  }
0x265: {  	[tilespmem:$0x180] =	vst v40  }
0x266: {  	[tilespmem:s31], [sflag:$0x3] =	stream.indirect_vreg.gather [hbm4b:s18+s2], $0x80, v38, vm0, $0xb8;
	[tilespmem:$0x1E200] =	vst v63  }
0x267: {  	s8 =	simm.s32 $0x10A00  }
0x268: {  	[tilespmem:s8], [sflag:$0x3] =	stream.indirect_vreg.gather [hbm4b:s20+s2], $0x80, v38, vm0, $0xb8;
	[tilespmem:$0x1E200] =	vst v63  }
0x269: {  	_ = 	snop  }
0x26a: {  	[tilespmem:s14], [sflag:$0x3] =	stream.indirect_vreg.gather [hbm4b:s21+s2], $0x80, v38, vm0, $0xb8;
	[tilespmem:$0x1E200] =	vst v63  }
0x26b: {  	_ = 	snop  }
0x26c: {  	[tilespmem:s7], [sflag:$0x3] =	stream.indirect_vreg.gather [hbm4b:s22+s2], $0x80, v38, vm0, $0xb8;
	[tilespmem:$0x1E200] =	vst v63  }
0x26d: {  	s1 =	simm.s32 $0x12200  }
0x26e: {  	[tilespmem:s1], [sflag:$0x3] =	stream.indirect_vreg.gather [hbm4b:s23+s2], $0x80, v38, vm0, $0xb8;
	[tilespmem:$0x1E200] =	vst v63  }
0x26f: {  	v36 =	vperm.xlane v36, v34;
	s3 =	simm.s32 $0x12A00  }
0x270: {  	[tilespmem:s3], [sflag:$0x3] =	stream.indirect_vreg.gather [hbm4b:s24+s2], $0x80, v38, vm0, $0xb8;
	[tilespmem:$0x1E200] =	vst v63  }
0x271: {  	v36 =	vadd.s32 v33, v36  }
0x272: {  	[tilespmem:s9], [sflag:$0x3] =	stream.indirect_vreg.gather [hbm4b:s25+s2], $0x80, v38, vm0, $0xb8;
	[tilespmem:$0x1E200] =	vst v63  }
0x273: {  	_ = 	snop  }
0x274: {  	[tilespmem:s10], [sflag:$0x3] =	stream.indirect_vreg.gather [hbm4b:s26+s2], $0x80, v38, vm0, $0xb8;
	[tilespmem:$0x1E200] =	vst v63  }
0x275: {  	_ = 	snop  }
0x276: {  	[tilespmem:s11], [sflag:$0x3] =	stream.indirect_vreg.gather [hbm4b:s18+s2], $0x80, v36, vm0, $0xb8;
	[tilespmem:$0x1E200] =	vst v63  }
0x277: {  	_ = 	snop  }
0x278: {  	[tilespmem:s28], [sflag:$0x3] =	stream.indirect_vreg.gather [hbm4b:s20+s2], $0x80, v36, vm0, $0xb8;
	[tilespmem:$0x1E200] =	vst v63  }
0x279: {  	_ = 	snop  }
0x27a: {  	[tilespmem:s15], [sflag:$0x3] =	stream.indirect_vreg.gather [hbm4b:s21+s2], $0x80, v36, vm0, $0xb8;
	[tilespmem:$0x1E200] =	vst v63  }
0x27b: {  	_ = 	snop  }
0x27c: {  	[tilespmem:s16], [sflag:$0x3] =	stream.indirect_vreg.gather [hbm4b:s22+s2], $0x80, v36, vm0, $0xb8;
	[tilespmem:$0x1E200] =	vst v63  }
0x27d: {  	s16 =	simm.s32 $0x16200  }
0x27e: {  	[tilespmem:s16], [sflag:$0x3] =	stream.indirect_vreg.gather [hbm4b:s23+s2], $0x80, v36, vm0, $0xb8;
	[tilespmem:$0x1E200] =	vst v63  }
0x27f: {  	s14 =	simm.s32 $0x16A00  }
0x280: {  	[tilespmem:s14], [sflag:$0x3] =	stream.indirect_vreg.gather [hbm4b:s24+s2], $0x80, v36, vm0, $0xb8;
	[tilespmem:$0x1E200] =	vst v63  }
0x281: {  	vm1 =	vlt.s32 v25, v35;
	s15 =	simm.s32 $0x17200  }
0x282: {  	v43 =	vsel vm1, v25, v35;
	[tilespmem:s15], [sflag:$0x3] =	stream.indirect_vreg.gather [hbm4b:s25+s2], $0x80, v36, vm0, $0xb8;
	[tilespmem:$0x1E200] =	vst v63  }
0x283: {  	v44 =	vshll.u32 v43, $0x4;
	s8 =	simm.s32 $0x17A00  }
0x284: {  	v45 =	vand.u32 $0x7, v43;
	v38 =	vand.u32 $0xFFFFFF80, v44;
	[tilespmem:s8], [sflag:$0x3] =	stream.indirect_vreg.gather [hbm4b:s26+s2], $0x80, v36, vm0, $0xb8;
	[tilespmem:$0x1E200] =	vst v63  }
0x285: {  	v36 =	vor.u32 v45, v38;
	_ =	swait.ge [sflag:s29], $0x8000  }
0x286: {  	v38 =	vperm.xlane v36, v32;
	[sflag:s29] =	ssyncset.done $0x0  }
0x287: {  	s10 =	simm.s32 $0x200;
	s9 =	rddreg [dreg:$0x1c];
	[sflag:s29] =	ssyncadd.s32 $0xFFFF8000  }
0x288: {  	v38 =	vadd.s32 v33, v38;
	[hbm4b:s9+s2] =	stream.linear.scatter [tilespmem:s10], [sflag:$0x4], $0x8000, $0x38;
	[tilespmem:$0x1E200] =	vst v63  }
0x289: {  	_ =	swait.ge [sflag:s30], $0x8000  }
0x28a: {  	[sflag:s30] =	ssyncset.done $0x0  }
0x28b: {  	[sflag:s30] =	ssyncadd.s32 $0xFFFF8000  }
0x28c: {  	[tilespmem:$0x80] =	vst v43  }
0x28d: {  	[tilespmem:s10], [sflag:$0x1] =	stream.indirect_vreg.gather [hbm4b:s18+s2], $0x80, v38, vm0, $0xb8;
	[tilespmem:$0x1E200] =	vst v63  }
0x28e: {  	s7 =	simm.s32 $0xA00  }
0x28f: {  	[tilespmem:s7], [sflag:$0x1] =	stream.indirect_vreg.gather [hbm4b:s20+s2], $0x80, v38, vm0, $0xb8;
	[tilespmem:$0x1E200] =	vst v63  }
0x290: {  	s9 =	simm.s32 $0x1200  }
0x291: {  	[tilespmem:s9], [sflag:$0x1] =	stream.indirect_vreg.gather [hbm4b:s21+s2], $0x80, v38, vm0, $0xb8;
	[tilespmem:$0x1E200] =	vst v63  }
0x292: {  	_ = 	snop  }
0x293: {  	[tilespmem:s4], [sflag:$0x1] =	stream.indirect_vreg.gather [hbm4b:s22+s2], $0x80, v38, vm0, $0xb8;
	[tilespmem:$0x1E200] =	vst v63  }
0x294: {  	s11 =	simm.s32 $0x2200  }
0x295: {  	[tilespmem:s11], [sflag:$0x1] =	stream.indirect_vreg.gather [hbm4b:s23+s2], $0x80, v38, vm0, $0xb8;
	[tilespmem:$0x1E200] =	vst v63  }
0x296: {  	s15 =	simm.s32 $0x2A00;
	v36 =	vperm.xlane v36, v34  }
0x297: {  	[tilespmem:s15], [sflag:$0x1] =	stream.indirect_vreg.gather [hbm4b:s24+s2], $0x80, v38, vm0, $0xb8;
	[tilespmem:$0x1E200] =	vst v63  }
0x298: {  	s8 =	simm.s32 $0x3200;
	v36 =	vadd.s32 v33, v36  }
0x299: {  	[tilespmem:s8], [sflag:$0x1] =	stream.indirect_vreg.gather [hbm4b:s25+s2], $0x80, v38, vm0, $0xb8;
	[tilespmem:$0x1E200] =	vst v63  }
0x29a: {  	s10 =	simm.s32 $0x3A00  }
0x29b: {  	[tilespmem:s10], [sflag:$0x1] =	stream.indirect_vreg.gather [hbm4b:s26+s2], $0x80, v38, vm0, $0xb8;
	[tilespmem:$0x1E200] =	vst v63  }
0x29c: {  	s11 =	simm.s32 $0x4200  }
0x29d: {  	[tilespmem:s11], [sflag:$0x1] =	stream.indirect_vreg.gather [hbm4b:s18+s2], $0x80, v36, vm0, $0xb8;
	[tilespmem:$0x1E200] =	vst v63  }
0x29e: {  	s15 =	simm.s32 $0x4A00  }
0x29f: {  	[tilespmem:s15], [sflag:$0x1] =	stream.indirect_vreg.gather [hbm4b:s20+s2], $0x80, v36, vm0, $0xb8;
	[tilespmem:$0x1E200] =	vst v63  }
0x2a0: {  	s8 =	simm.s32 $0x5200  }
0x2a1: {  	[tilespmem:s8], [sflag:$0x1] =	stream.indirect_vreg.gather [hbm4b:s21+s2], $0x80, v36, vm0, $0xb8;
	[tilespmem:$0x1E200] =	vst v63  }
0x2a2: {  	s10 =	simm.s32 $0x5A00  }
0x2a3: {  	[tilespmem:s10], [sflag:$0x1] =	stream.indirect_vreg.gather [hbm4b:s22+s2], $0x80, v36, vm0, $0xb8;
	[tilespmem:$0x1E200] =	vst v63  }
0x2a4: {  	s11 =	simm.s32 $0x6200  }
0x2a5: {  	[tilespmem:s11], [sflag:$0x1] =	stream.indirect_vreg.gather [hbm4b:s23+s2], $0x80, v36, vm0, $0xb8;
	[tilespmem:$0x1E200] =	vst v63  }
0x2a6: {  	s15 =	simm.s32 $0x6A00  }
0x2a7: {  	[tilespmem:s15], [sflag:$0x1] =	stream.indirect_vreg.gather [hbm4b:s24+s2], $0x80, v36, vm0, $0xb8;
	[tilespmem:$0x1E200] =	vst v63  }
0x2a8: {  	vm1 =	vlt.s32 v26, v35;
	s8 =	simm.s32 $0x7200  }
0x2a9: {  	v46 =	vsel vm1, v26, v35;
	[tilespmem:s8], [sflag:$0x1] =	stream.indirect_vreg.gather [hbm4b:s25+s2], $0x80, v36, vm0, $0xb8;
	[tilespmem:$0x1E200] =	vst v63  }
0x2aa: {  	v47 =	vshll.u32 v46, $0x4;
	s31 =	simm.s32 $0x2;
	s10 =	simm.s32 $0x7A00  }
0x2ab: {  	v48 =	vand.u32 $0x7, v46;
	v38 =	vand.u32 $0xFFFFFF80, v47;
	[tilespmem:s10], [sflag:$0x1] =	stream.indirect_vreg.gather [hbm4b:s26+s2], $0x80, v36, vm0, $0xb8;
	[tilespmem:$0x1E200] =	vst v63  }
0x2ac: {  	v36 =	vor.u32 v48, v38;
	_ =	swait.ge [sflag:s31], $0x8000  }
0x2ad: {  	v38 =	vperm.xlane v36, v32;
	[sflag:s31] =	ssyncset.done $0x0  }
0x2ae: {  	s15 =	simm.s32 $0x8200;
	s11 =	rddreg [dreg:$0x1d];
	[sflag:s31] =	ssyncadd.s32 $0xFFFF8000  }
0x2af: {  	v38 =	vadd.s32 v33, v38;
	[hbm4b:s11+s2] =	stream.linear.scatter [tilespmem:s15], [sflag:$0x5], $0x8000, $0x38;
	[tilespmem:$0x1E200] =	vst v63  }
0x2b0: {  	_ =	swait.ge [sflag:s0], $0x8000  }
0x2b1: {  	[sflag:s0] =	ssyncset.done $0x0  }
0x2b2: {  	[sflag:s0] =	ssyncadd.s32 $0xFFFF8000  }
0x2b3: {  	[tilespmem:$0x100] =	vst v46  }
0x2b4: {  	[tilespmem:s15], [sflag:$0x2] =	stream.indirect_vreg.gather [hbm4b:s18+s2], $0x80, v38, vm0, $0xb8;
	[tilespmem:$0x1E200] =	vst v63  }
0x2b5: {  	s8 =	simm.s32 $0x8A00  }
0x2b6: {  	[tilespmem:s8], [sflag:$0x2] =	stream.indirect_vreg.gather [hbm4b:s20+s2], $0x80, v38, vm0, $0xb8;
	[tilespmem:$0x1E200] =	vst v63  }
0x2b7: {  	s10 =	simm.s32 $0x9200  }
0x2b8: {  	[tilespmem:s10], [sflag:$0x2] =	stream.indirect_vreg.gather [hbm4b:s21+s2], $0x80, v38, vm0, $0xb8;
	[tilespmem:$0x1E200] =	vst v63  }
0x2b9: {  	s11 =	simm.s32 $0x9A00  }
0x2ba: {  	[tilespmem:s11], [sflag:$0x2] =	stream.indirect_vreg.gather [hbm4b:s22+s2], $0x80, v38, vm0, $0xb8;
	[tilespmem:$0x1E200] =	vst v63  }
0x2bb: {  	s8 =	simm.s32 $0xA200  }
0x2bc: {  	[tilespmem:s8], [sflag:$0x2] =	stream.indirect_vreg.gather [hbm4b:s23+s2], $0x80, v38, vm0, $0xb8;
	[tilespmem:$0x1E200] =	vst v63  }
0x2bd: {  	v36 =	vperm.xlane v36, v34;
	s10 =	simm.s32 $0xAA00  }
0x2be: {  	[tilespmem:s10], [sflag:$0x2] =	stream.indirect_vreg.gather [hbm4b:s24+s2], $0x80, v38, vm0, $0xb8;
	[tilespmem:$0x1E200] =	vst v63  }
0x2bf: {  	v36 =	vadd.s32 v33, v36;
	s11 =	simm.s32 $0xB200  }
0x2c0: {  	[tilespmem:s11], [sflag:$0x2] =	stream.indirect_vreg.gather [hbm4b:s25+s2], $0x80, v38, vm0, $0xb8;
	[tilespmem:$0x1E200] =	vst v63  }
0x2c1: {  	s8 =	simm.s32 $0xBA00  }
0x2c2: {  	[tilespmem:s8], [sflag:$0x2] =	stream.indirect_vreg.gather [hbm4b:s26+s2], $0x80, v38, vm0, $0xb8;
	[tilespmem:$0x1E200] =	vst v63  }
0x2c3: {  	s10 =	simm.s32 $0xC200  }
0x2c4: {  	[tilespmem:s10], [sflag:$0x2] =	stream.indirect_vreg.gather [hbm4b:s18+s2], $0x80, v36, vm0, $0xb8;
	[tilespmem:$0x1E200] =	vst v63  }
0x2c5: {  	s11 =	simm.s32 $0xCA00  }
0x2c6: {  	[tilespmem:s11], [sflag:$0x2] =	stream.indirect_vreg.gather [hbm4b:s20+s2], $0x80, v36, vm0, $0xb8;
	[tilespmem:$0x1E200] =	vst v63  }
0x2c7: {  	s8 =	simm.s32 $0xD200  }
0x2c8: {  	[tilespmem:s8], [sflag:$0x2] =	stream.indirect_vreg.gather [hbm4b:s21+s2], $0x80, v36, vm0, $0xb8;
	[tilespmem:$0x1E200] =	vst v63  }
0x2c9: {  	s10 =	simm.s32 $0xDA00  }
0x2ca: {  	[tilespmem:s10], [sflag:$0x2] =	stream.indirect_vreg.gather [hbm4b:s22+s2], $0x80, v36, vm0, $0xb8;
	[tilespmem:$0x1E200] =	vst v63  }
0x2cb: {  	s11 =	simm.s32 $0xE200  }
0x2cc: {  	[tilespmem:s11], [sflag:$0x2] =	stream.indirect_vreg.gather [hbm4b:s23+s2], $0x80, v36, vm0, $0xb8;
	[tilespmem:$0x1E200] =	vst v63  }
0x2cd: {  	s4 =	simm.s32 $0xEA00  }
0x2ce: {  	[tilespmem:s4], [sflag:$0x2] =	stream.indirect_vreg.gather [hbm4b:s24+s2], $0x80, v36, vm0, $0xb8;
	[tilespmem:$0x1E200] =	vst v63  }
0x2cf: {  	vm1 =	vlt.s32 v27, v35  }
0x2d0: {  	v49 =	vsel vm1, v27, v35;
	[tilespmem:s12], [sflag:$0x2] =	stream.indirect_vreg.gather [hbm4b:s25+s2], $0x80, v36, vm0, $0xb8;
	[tilespmem:$0x1E200] =	vst v63  }
0x2d1: {  	v50 =	vshll.u32 v49, $0x4;
	s10 =	simm.s32 $0xFA00  }
0x2d2: {  	v51 =	vand.u32 $0x7, v49;
	v38 =	vand.u32 $0xFFFFFF80, v50;
	[tilespmem:s10], [sflag:$0x2] =	stream.indirect_vreg.gather [hbm4b:s26+s2], $0x80, v36, vm0, $0xb8;
	[tilespmem:$0x1E200] =	vst v63  }
0x2d3: {  	v36 =	vor.u32 v51, v38;
	_ =	swait.ge [sflag:s5], $0x8000  }
0x2d4: {  	v38 =	vperm.xlane v36, v32;
	[sflag:s5] =	ssyncset.done $0x0  }
0x2d5: {  	s4 =	simm.s32 $0x10200;
	s11 =	rddreg [dreg:$0x1e];
	[sflag:s5] =	ssyncadd.s32 $0xFFFF8000  }
0x2d6: {  	v38 =	vadd.s32 v33, v38;
	[hbm4b:s11+s2] =	stream.linear.scatter [tilespmem:s4], [sflag:$0x6], $0x8000, $0x38;
	[tilespmem:$0x1E200] =	vst v63  }
0x2d7: {  	_ =	swait.ge [sflag:s6], $0x8000  }
0x2d8: {  	[sflag:s6] =	ssyncset.done $0x0  }
0x2d9: {  	[sflag:s6] =	ssyncadd.s32 $0xFFFF8000  }
0x2da: {  	[tilespmem:$0x180] =	vst v49  }
0x2db: {  	[tilespmem:s4], [sflag:$0x3] =	stream.indirect_vreg.gather [hbm4b:s18+s2], $0x80, v38, vm0, $0xb8;
	[tilespmem:$0x1E200] =	vst v63  }
0x2dc: {  	s4 =	simm.s32 $0x10A00  }
0x2dd: {  	[tilespmem:s4], [sflag:$0x3] =	stream.indirect_vreg.gather [hbm4b:s20+s2], $0x80, v38, vm0, $0xb8;
	[tilespmem:$0x1E200] =	vst v63  }
0x2de: {  	s10 =	simm.s32 $0x11200  }
0x2df: {  	[tilespmem:s10], [sflag:$0x3] =	stream.indirect_vreg.gather [hbm4b:s21+s2], $0x80, v38, vm0, $0xb8;
	[tilespmem:$0x1E200] =	vst v63  }
0x2e0: {  	s10 =	simm.s32 $0x11A00  }
0x2e1: {  	[tilespmem:s10], [sflag:$0x3] =	stream.indirect_vreg.gather [hbm4b:s22+s2], $0x80, v38, vm0, $0xb8;
	[tilespmem:$0x1E200] =	vst v63  }
0x2e2: {  	_ = 	snop  }
0x2e3: {  	[tilespmem:s1], [sflag:$0x3] =	stream.indirect_vreg.gather [hbm4b:s23+s2], $0x80, v38, vm0, $0xb8;
	[tilespmem:$0x1E200] =	vst v63  }
0x2e4: {  	v36 =	vperm.xlane v36, v34  }
0x2e5: {  	[tilespmem:s3], [sflag:$0x3] =	stream.indirect_vreg.gather [hbm4b:s24+s2], $0x80, v38, vm0, $0xb8;
	[tilespmem:$0x1E200] =	vst v63  }
0x2e6: {  	v36 =	vadd.s32 v33, v36;
	s10 =	simm.s32 $0x13200  }
0x2e7: {  	[tilespmem:s10], [sflag:$0x3] =	stream.indirect_vreg.gather [hbm4b:s25+s2], $0x80, v38, vm0, $0xb8;
	[tilespmem:$0x1E200] =	vst v63  }
0x2e8: {  	s3 =	simm.s32 $0x13A00  }
0x2e9: {  	[tilespmem:s3], [sflag:$0x3] =	stream.indirect_vreg.gather [hbm4b:s26+s2], $0x80, v38, vm0, $0xb8;
	[tilespmem:$0x1E200] =	vst v63  }
0x2ea: {  	s10 =	simm.s32 $0x14200  }
0x2eb: {  	[tilespmem:s10], [sflag:$0x3] =	stream.indirect_vreg.gather [hbm4b:s18+s2], $0x80, v36, vm0, $0xb8;
	[tilespmem:$0x1E200] =	vst v63  }
0x2ec: {  	s1 =	simm.s32 $0x14A00  }
0x2ed: {  	[tilespmem:s1], [sflag:$0x3] =	stream.indirect_vreg.gather [hbm4b:s20+s2], $0x80, v36, vm0, $0xb8;
	[tilespmem:$0x1E200] =	vst v63  }
0x2ee: {  	s1 =	simm.s32 $0x15200  }
0x2ef: {  	[tilespmem:s1], [sflag:$0x3] =	stream.indirect_vreg.gather [hbm4b:s21+s2], $0x80, v36, vm0, $0xb8;
	[tilespmem:$0x1E200] =	vst v63  }
0x2f0: {  	s1 =	simm.s32 $0x15A00  }
0x2f1: {  	[tilespmem:s1], [sflag:$0x3] =	stream.indirect_vreg.gather [hbm4b:s22+s2], $0x80, v36, vm0, $0xb8;
	[tilespmem:$0x1E200] =	vst v63  }
0x2f2: {  	_ = 	snop  }
0x2f3: {  	[tilespmem:s16], [sflag:$0x3] =	stream.indirect_vreg.gather [hbm4b:s23+s2], $0x80, v36, vm0, $0xb8;
	[tilespmem:$0x1E200] =	vst v63  }
0x2f4: {  	s1 =	simm.s32 $0x16A00  }
0x2f5: {  	[tilespmem:s1], [sflag:$0x3] =	stream.indirect_vreg.gather [hbm4b:s24+s2], $0x80, v36, vm0, $0xb8;
	[tilespmem:$0x1E200] =	vst v63  }
0x2f6: {  	vm1 =	vlt.s32 v28, v35;
	s1 =	simm.s32 $0x17200  }
0x2f7: {  	v52 =	vsel vm1, v28, v35;
	[tilespmem:s1], [sflag:$0x3] =	stream.indirect_vreg.gather [hbm4b:s25+s2], $0x80, v36, vm0, $0xb8;
	[tilespmem:$0x1E200] =	vst v63  }
0x2f8: {  	v53 =	vshll.u32 v52, $0x4;
	s1 =	simm.s32 $0x17A00  }
0x2f9: {  	v54 =	vand.u32 $0x7, v52;
	v38 =	vand.u32 $0xFFFFFF80, v53;
	[tilespmem:s1], [sflag:$0x3] =	stream.indirect_vreg.gather [hbm4b:s26+s2], $0x80, v36, vm0, $0xb8;
	[tilespmem:$0x1E200] =	vst v63  }
0x2fa: {  	v36 =	vor.u32 v54, v38;
	_ =	swait.ge [sflag:s29], $0x8000  }
0x2fb: {  	v38 =	vperm.xlane v36, v32;
	[sflag:s29] =	ssyncset.done $0x0  }
0x2fc: {  	s14 =	simm.s32 $0x200;
	s1 =	rddreg [dreg:$0x1f];
	[sflag:s29] =	ssyncadd.s32 $0xFFFF8000  }
0x2fd: {  	v38 =	vadd.s32 v33, v38;
	[hbm4b:s1+s2] =	stream.linear.scatter [tilespmem:s14], [sflag:$0x4], $0x8000, $0x38;
	[tilespmem:$0x1E200] =	vst v63  }
0x2fe: {  	_ =	swait.ge [sflag:s30], $0x8000  }
0x2ff: {  	[sflag:s30] =	ssyncset.done $0x0  }
0x300: {  	[sflag:s30] =	ssyncadd.s32 $0xFFFF8000  }
0x301: {  	[tilespmem:$0x80] =	vst v52  }
0x302: {  	[tilespmem:s14], [sflag:$0x1] =	stream.indirect_vreg.gather [hbm4b:s18+s2], $0x80, v38, vm0, $0xb8;
	[tilespmem:$0x1E200] =	vst v63  }
0x303: {  	_ = 	snop  }
0x304: {  	[tilespmem:s7], [sflag:$0x1] =	stream.indirect_vreg.gather [hbm4b:s20+s2], $0x80, v38, vm0, $0xb8;
	[tilespmem:$0x1E200] =	vst v63  }
0x305: {  	_ = 	snop  }
0x306: {  	[tilespmem:s9], [sflag:$0x1] =	stream.indirect_vreg.gather [hbm4b:s21+s2], $0x80, v38, vm0, $0xb8;
	[tilespmem:$0x1E200] =	vst v63  }
0x307: {  	s9 =	simm.s32 $0x1A00  }
0x308: {  	[tilespmem:s9], [sflag:$0x1] =	stream.indirect_vreg.gather [hbm4b:s22+s2], $0x80, v38, vm0, $0xb8;
	[tilespmem:$0x1E200] =	vst v63  }
0x309: {  	s1 =	simm.s32 $0x2200  }
0x30a: {  	[tilespmem:s1], [sflag:$0x1] =	stream.indirect_vreg.gather [hbm4b:s23+s2], $0x80, v38, vm0, $0xb8;
	[tilespmem:$0x1E200] =	vst v63  }
0x30b: {  	v36 =	vperm.xlane v36, v34;
	s7 =	simm.s32 $0x2A00  }
0x30c: {  	[tilespmem:s7], [sflag:$0x1] =	stream.indirect_vreg.gather [hbm4b:s24+s2], $0x80, v38, vm0, $0xb8;
	[tilespmem:$0x1E200] =	vst v63  }
0x30d: {  	v36 =	vadd.s32 v33, v36;
	s1 =	simm.s32 $0x3200  }
0x30e: {  	[tilespmem:s1], [sflag:$0x1] =	stream.indirect_vreg.gather [hbm4b:s25+s2], $0x80, v38, vm0, $0xb8;
	[tilespmem:$0x1E200] =	vst v63  }
0x30f: {  	s7 =	simm.s32 $0x3A00  }
0x310: {  	[tilespmem:s7], [sflag:$0x1] =	stream.indirect_vreg.gather [hbm4b:s26+s2], $0x80, v38, vm0, $0xb8;
	[tilespmem:$0x1E200] =	vst v63  }
0x311: {  	s1 =	simm.s32 $0x4200  }
0x312: {  	[tilespmem:s1], [sflag:$0x1] =	stream.indirect_vreg.gather [hbm4b:s18+s2], $0x80, v36, vm0, $0xb8;
	[tilespmem:$0x1E200] =	vst v63  }
0x313: {  	s7 =	simm.s32 $0x4A00  }
0x314: {  	[tilespmem:s7], [sflag:$0x1] =	stream.indirect_vreg.gather [hbm4b:s20+s2], $0x80, v36, vm0, $0xb8;
	[tilespmem:$0x1E200] =	vst v63  }
0x315: {  	s1 =	simm.s32 $0x5200  }
0x316: {  	[tilespmem:s1], [sflag:$0x1] =	stream.indirect_vreg.gather [hbm4b:s21+s2], $0x80, v36, vm0, $0xb8;
	[tilespmem:$0x1E200] =	vst v63  }
0x317: {  	s7 =	simm.s32 $0x5A00  }
0x318: {  	[tilespmem:s7], [sflag:$0x1] =	stream.indirect_vreg.gather [hbm4b:s22+s2], $0x80, v36, vm0, $0xb8;
	[tilespmem:$0x1E200] =	vst v63  }
0x319: {  	s1 =	simm.s32 $0x6200  }
0x31a: {  	[tilespmem:s1], [sflag:$0x1] =	stream.indirect_vreg.gather [hbm4b:s23+s2], $0x80, v36, vm0, $0xb8;
	[tilespmem:$0x1E200] =	vst v63  }
0x31b: {  	s7 =	simm.s32 $0x6A00  }
0x31c: {  	[tilespmem:s7], [sflag:$0x1] =	stream.indirect_vreg.gather [hbm4b:s24+s2], $0x80, v36, vm0, $0xb8;
	[tilespmem:$0x1E200] =	vst v63  }
0x31d: {  	s8 =	simm.s32 $0x7200  }
0x31e: {  	vm1 =	vlt.s32 v29, v35;
	[tilespmem:s8], [sflag:$0x1] =	stream.indirect_vreg.gather [hbm4b:s25+s2], $0x80, v36, vm0, $0xb8;
	[tilespmem:$0x1E200] =	vst v63  }
0x31f: {  	v55 =	vsel vm1, v29, v35;
	s1 =	simm.s32 $0x7A00  }
0x320: {  	v56 =	vshll.u32 v55, $0x4;
	[tilespmem:s1], [sflag:$0x1] =	stream.indirect_vreg.gather [hbm4b:s26+s2], $0x80, v36, vm0, $0xb8;
	[tilespmem:$0x1E200] =	vst v63  }
0x321: {  	v57 =	vand.u32 $0x7, v55;
	v38 =	vand.u32 $0xFFFFFF80, v56;
	_ =	swait.ge [sflag:s31], $0x8000  }
0x322: {  	v36 =	vor.u32 v57, v38;
	s8 =	sld [smem:$0x7BF]  }
0x323: {  	v38 =	vperm.xlane v36, v32;
	[sflag:s31] =	ssyncset.done $0x0  }
0x324: {  	s15 =	simm.s32 $0x8200;
	[sflag:s31] =	ssyncadd.s32 $0xFFFF8000  }
0x325: {  	v38 =	vadd.s32 v33, v38;
	[hbm4b:s8+s2] =	stream.linear.scatter [tilespmem:s15], [sflag:$0x5], $0x8000, $0x38;
	[tilespmem:$0x1E200] =	vst v63  }
0x326: {  	_ =	swait.ge [sflag:s0], $0x8000  }
0x327: {  	[sflag:s0] =	ssyncset.done $0x0  }
0x328: {  	[sflag:s0] =	ssyncadd.s32 $0xFFFF8000  }
0x329: {  	[tilespmem:$0x100] =	vst v55  }
0x32a: {  	[tilespmem:s15], [sflag:$0x2] =	stream.indirect_vreg.gather [hbm4b:s18+s2], $0x80, v38, vm0, $0xb8;
	[tilespmem:$0x1E200] =	vst v63  }
0x32b: {  	s8 =	simm.s32 $0x8A00  }
0x32c: {  	[tilespmem:s8], [sflag:$0x2] =	stream.indirect_vreg.gather [hbm4b:s20+s2], $0x80, v38, vm0, $0xb8;
	[tilespmem:$0x1E200] =	vst v63  }
0x32d: {  	s8 =	simm.s32 $0x9200  }
0x32e: {  	[tilespmem:s8], [sflag:$0x2] =	stream.indirect_vreg.gather [hbm4b:s21+s2], $0x80, v38, vm0, $0xb8;
	[tilespmem:$0x1E200] =	vst v63  }
0x32f: {  	s8 =	simm.s32 $0x9A00  }
0x330: {  	[tilespmem:s8], [sflag:$0x2] =	stream.indirect_vreg.gather [hbm4b:s22+s2], $0x80, v38, vm0, $0xb8;
	[tilespmem:$0x1E200] =	vst v63  }
0x331: {  	s8 =	simm.s32 $0xA200  }
0x332: {  	[tilespmem:s8], [sflag:$0x2] =	stream.indirect_vreg.gather [hbm4b:s23+s2], $0x80, v38, vm0, $0xb8;
	[tilespmem:$0x1E200] =	vst v63  }
0x333: {  	v36 =	vperm.xlane v36, v34;
	s8 =	simm.s32 $0xAA00  }
0x334: {  	[tilespmem:s8], [sflag:$0x2] =	stream.indirect_vreg.gather [hbm4b:s24+s2], $0x80, v38, vm0, $0xb8;
	[tilespmem:$0x1E200] =	vst v63  }
0x335: {  	v36 =	vadd.s32 v33, v36;
	s8 =	simm.s32 $0xB200  }
0x336: {  	[tilespmem:s8], [sflag:$0x2] =	stream.indirect_vreg.gather [hbm4b:s25+s2], $0x80, v38, vm0, $0xb8;
	[tilespmem:$0x1E200] =	vst v63  }
0x337: {  	s8 =	simm.s32 $0xBA00  }
0x338: {  	[tilespmem:s8], [sflag:$0x2] =	stream.indirect_vreg.gather [hbm4b:s26+s2], $0x80, v38, vm0, $0xb8;
	[tilespmem:$0x1E200] =	vst v63  }
0x339: {  	s8 =	simm.s32 $0xC200  }
0x33a: {  	[tilespmem:s8], [sflag:$0x2] =	stream.indirect_vreg.gather [hbm4b:s18+s2], $0x80, v36, vm0, $0xb8;
	[tilespmem:$0x1E200] =	vst v63  }
0x33b: {  	s8 =	simm.s32 $0xCA00  }
0x33c: {  	[tilespmem:s8], [sflag:$0x2] =	stream.indirect_vreg.gather [hbm4b:s20+s2], $0x80, v36, vm0, $0xb8;
	[tilespmem:$0x1E200] =	vst v63  }
0x33d: {  	s8 =	simm.s32 $0xD200  }
0x33e: {  	[tilespmem:s8], [sflag:$0x2] =	stream.indirect_vreg.gather [hbm4b:s21+s2], $0x80, v36, vm0, $0xb8;
	[tilespmem:$0x1E200] =	vst v63  }
0x33f: {  	s28 =	simm.s32 $0xDA00  }
0x340: {  	[tilespmem:s28], [sflag:$0x2] =	stream.indirect_vreg.gather [hbm4b:s22+s2], $0x80, v36, vm0, $0xb8;
	[tilespmem:$0x1E200] =	vst v63  }
0x341: {  	s8 =	simm.s32 $0xE200  }
0x342: {  	[tilespmem:s8], [sflag:$0x2] =	stream.indirect_vreg.gather [hbm4b:s23+s2], $0x80, v36, vm0, $0xb8;
	[tilespmem:$0x1E200] =	vst v63  }
0x343: {  	s8 =	simm.s32 $0xEA00  }
0x344: {  	[tilespmem:s8], [sflag:$0x2] =	stream.indirect_vreg.gather [hbm4b:s24+s2], $0x80, v36, vm0, $0xb8;
	[tilespmem:$0x1E200] =	vst v63  }
0x345: {  	s12 =	simm.s32 $0xF200  }
0x346: {  	vm1 =	vlt.s32 v30, v35;
	[tilespmem:s12], [sflag:$0x2] =	stream.indirect_vreg.gather [hbm4b:s25+s2], $0x80, v36, vm0, $0xb8;
	[tilespmem:$0x1E200] =	vst v63  }
0x347: {  	v58 =	vsel vm1, v30, v35;
	s12 =	simm.s32 $0xFA00  }
0x348: {  	v59 =	vshll.u32 v58, $0x4;
	[tilespmem:s12], [sflag:$0x2] =	stream.indirect_vreg.gather [hbm4b:s26+s2], $0x80, v36, vm0, $0xb8;
	[tilespmem:$0x1E200] =	vst v63  }
0x349: {  	v60 =	vand.u32 $0x7, v58;
	v38 =	vand.u32 $0xFFFFFF80, v59;
	_ =	swait.ge [sflag:s5], $0x8000  }
0x34a: {  	v36 =	vor.u32 v60, v38;
	s12 =	sld [smem:$0x7C0]  }
0x34b: {  	v38 =	vperm.xlane v36, v32;
	[sflag:s5] =	ssyncset.done $0x0  }
0x34c: {  	s11 =	simm.s32 $0x10200;
	[sflag:s5] =	ssyncadd.s32 $0xFFFF8000  }
0x34d: {  	v38 =	vadd.s32 v33, v38;
	[hbm4b:s12+s2] =	stream.linear.scatter [tilespmem:s11], [sflag:$0x6], $0x8000, $0x38;
	[tilespmem:$0x1E200] =	vst v63  }
0x34e: {  	_ =	swait.ge [sflag:s6], $0x8000  }
0x34f: {  	[sflag:s6] =	ssyncset.done $0x0  }
0x350: {  	[sflag:s6] =	ssyncadd.s32 $0xFFFF8000  }
0x351: {  	[tilespmem:$0x180] =	vst v58  }
0x352: {  	[tilespmem:s11], [sflag:$0x3] =	stream.indirect_vreg.gather [hbm4b:s18+s2], $0x80, v38, vm0, $0xb8;
	[tilespmem:$0x1E200] =	vst v63  }
0x353: {  	_ = 	snop  }
0x354: {  	[tilespmem:s4], [sflag:$0x3] =	stream.indirect_vreg.gather [hbm4b:s20+s2], $0x80, v38, vm0, $0xb8;
	[tilespmem:$0x1E200] =	vst v63  }
0x355: {  	s12 =	simm.s32 $0x11200  }
0x356: {  	[tilespmem:s12], [sflag:$0x3] =	stream.indirect_vreg.gather [hbm4b:s21+s2], $0x80, v38, vm0, $0xb8;
	[tilespmem:$0x1E200] =	vst v63  }
0x357: {  	s8 =	simm.s32 $0x11A00  }
0x358: {  	[tilespmem:s8], [sflag:$0x3] =	stream.indirect_vreg.gather [hbm4b:s22+s2], $0x80, v38, vm0, $0xb8;
	[tilespmem:$0x1E200] =	vst v63  }
0x359: {  	s12 =	simm.s32 $0x12200  }
0x35a: {  	[tilespmem:s12], [sflag:$0x3] =	stream.indirect_vreg.gather [hbm4b:s23+s2], $0x80, v38, vm0, $0xb8;
	[tilespmem:$0x1E200] =	vst v63  }
0x35b: {  	v36 =	vperm.xlane v36, v34;
	s8 =	simm.s32 $0x12A00  }
0x35c: {  	[tilespmem:s8], [sflag:$0x3] =	stream.indirect_vreg.gather [hbm4b:s24+s2], $0x80, v38, vm0, $0xb8;
	[tilespmem:$0x1E200] =	vst v63  }
0x35d: {  	v36 =	vadd.s32 v33, v36;
	s12 =	simm.s32 $0x13200  }
0x35e: {  	[tilespmem:s12], [sflag:$0x3] =	stream.indirect_vreg.gather [hbm4b:s25+s2], $0x80, v38, vm0, $0xb8;
	[tilespmem:$0x1E200] =	vst v63  }
0x35f: {  	_ = 	snop  }
0x360: {  	[tilespmem:s3], [sflag:$0x3] =	stream.indirect_vreg.gather [hbm4b:s26+s2], $0x80, v38, vm0, $0xb8;
	[tilespmem:$0x1E200] =	vst v63  }
0x361: {  	_ = 	snop  }
0x362: {  	[tilespmem:s10], [sflag:$0x3] =	stream.indirect_vreg.gather [hbm4b:s18+s2], $0x80, v36, vm0, $0xb8;
	[tilespmem:$0x1E200] =	vst v63  }
0x363: {  	s8 =	simm.s32 $0x14A00  }
0x364: {  	[tilespmem:s8], [sflag:$0x3] =	stream.indirect_vreg.gather [hbm4b:s20+s2], $0x80, v36, vm0, $0xb8;
	[tilespmem:$0x1E200] =	vst v63  }
0x365: {  	s10 =	simm.s32 $0x15200  }
0x366: {  	[tilespmem:s10], [sflag:$0x3] =	stream.indirect_vreg.gather [hbm4b:s21+s2], $0x80, v36, vm0, $0xb8;
	[tilespmem:$0x1E200] =	vst v63  }
0x367: {  	s12 =	simm.s32 $0x15A00  }
0x368: {  	[tilespmem:s12], [sflag:$0x3] =	stream.indirect_vreg.gather [hbm4b:s22+s2], $0x80, v36, vm0, $0xb8;
	[tilespmem:$0x1E200] =	vst v63  }
0x369: {  	s16 =	simm.s32 $0x16200  }
0x36a: {  	[tilespmem:s16], [sflag:$0x3] =	stream.indirect_vreg.gather [hbm4b:s23+s2], $0x80, v36, vm0, $0xb8;
	[tilespmem:$0x1E200] =	vst v63  }
0x36b: {  	s16 =	simm.s32 $0x16A00  }
0x36c: {  	[tilespmem:s16], [sflag:$0x3] =	stream.indirect_vreg.gather [hbm4b:s24+s2], $0x80, v36, vm0, $0xb8;
	[tilespmem:$0x1E200] =	vst v63  }
0x36d: {  	s4 =	simm.s32 $0x17200  }
0x36e: {  	vm1 =	vlt.s32 v31, v35;
	[tilespmem:s4], [sflag:$0x3] =	stream.indirect_vreg.gather [hbm4b:s25+s2], $0x80, v36, vm0, $0xb8;
	[tilespmem:$0x1E200] =	vst v63  }
0x36f: {  	v35 =	vsel vm1, v31, v35;
	s8 =	simm.s32 $0x17A00  }
0x370: {  	v61 =	vshll.u32 v35, $0x4;
	[tilespmem:s8], [sflag:$0x3] =	stream.indirect_vreg.gather [hbm4b:s26+s2], $0x80, v36, vm0, $0xb8;
	[tilespmem:$0x1E200] =	vst v63  }
0x371: {  	v62 =	vand.u32 $0x7, v35;
	v37 =	vand.u32 $0xFFFFFF80, v61;
	_ =	swait.ge [sflag:s29], $0x8000  }
0x372: {  	v36 =	vor.u32 v62, v37;
	s10 =	sld [smem:$0x7C1]  }
0x373: {  	v37 =	vperm.xlane v36, v32;
	[sflag:s29] =	ssyncset.done $0x0  }
0x374: {  	[sflag:s29] =	ssyncadd.s32 $0xFFFF8000  }
0x375: {  	v37 =	vadd.s32 v33, v37;
	[hbm4b:s10+s2] =	stream.linear.scatter [tilespmem:s14], [sflag:$0x4], $0x8000, $0x38;
	[tilespmem:$0x1E200] =	vst v63  }
0x376: {  	_ =	swait.ge [sflag:s30], $0x8000  }
0x377: {  	[sflag:s30] =	ssyncset.done $0x0  }
0x378: {  	[sflag:s30] =	ssyncadd.s32 $0xFFFF8000  }
0x379: {  	[tilespmem:$0x80] =	vst v35  }
0x37a: {  	[tilespmem:s14], [sflag:$0x1] =	stream.indirect_vreg.gather [hbm4b:s18+s2], $0x80, v37, vm0, $0xb8;
	[tilespmem:$0x1E200] =	vst v63  }
0x37b: {  	s12 =	simm.s32 $0xA00  }
0x37c: {  	[tilespmem:s12], [sflag:$0x1] =	stream.indirect_vreg.gather [hbm4b:s20+s2], $0x80, v37, vm0, $0xb8;
	[tilespmem:$0x1E200] =	vst v63  }
0x37d: {  	s16 =	simm.s32 $0x1200  }
0x37e: {  	[tilespmem:s16], [sflag:$0x1] =	stream.indirect_vreg.gather [hbm4b:s21+s2], $0x80, v37, vm0, $0xb8;
	[tilespmem:$0x1E200] =	vst v63  }
0x37f: {  	s9 =	simm.s32 $0x1A00  }
0x380: {  	[tilespmem:s9], [sflag:$0x1] =	stream.indirect_vreg.gather [hbm4b:s22+s2], $0x80, v37, vm0, $0xb8;
	[tilespmem:$0x1E200] =	vst v63  }
0x381: {  	s4 =	simm.s32 $0x2200  }
0x382: {  	[tilespmem:s4], [sflag:$0x1] =	stream.indirect_vreg.gather [hbm4b:s23+s2], $0x80, v37, vm0, $0xb8;
	[tilespmem:$0x1E200] =	vst v63  }
0x383: {  	s8 =	simm.s32 $0x2A00;
	v63 =	vperm.xlane v36, v34  }
0x384: {  	[tilespmem:s8], [sflag:$0x1] =	stream.indirect_vreg.gather [hbm4b:s24+s2], $0x80, v37, vm0, $0xb8;
	[tilespmem:$0x1E200] =	vst v63  }
0x385: {  	v35 =	vadd.s32 v33, v63;
	s9 =	simm.s32 $0x3200  }
0x386: {  	[tilespmem:s9], [sflag:$0x1] =	stream.indirect_vreg.gather [hbm4b:s25+s2], $0x80, v37, vm0, $0xb8;
	[tilespmem:$0x1E200] =	vst v63  }
0x387: {  	s10 =	simm.s32 $0x3A00  }
0x388: {  	[tilespmem:s10], [sflag:$0x1] =	stream.indirect_vreg.gather [hbm4b:s26+s2], $0x80, v37, vm0, $0xb8;
	[tilespmem:$0x1E200] =	vst v63  }
0x389: {  	s12 =	simm.s32 $0x4200  }
0x38a: {  	[tilespmem:s12], [sflag:$0x1] =	stream.indirect_vreg.gather [hbm4b:s18+s2], $0x80, v35, vm0, $0xb8;
	[tilespmem:$0x1E200] =	vst v63  }
0x38b: {  	s16 =	simm.s32 $0x4A00  }
0x38c: {  	[tilespmem:s16], [sflag:$0x1] =	stream.indirect_vreg.gather [hbm4b:s20+s2], $0x80, v35, vm0, $0xb8;
	[tilespmem:$0x1E200] =	vst v63  }
0x38d: {  	s18 =	simm.s32 $0x5200  }
0x38e: {  	[tilespmem:s18], [sflag:$0x1] =	stream.indirect_vreg.gather [hbm4b:s21+s2], $0x80, v35, vm0, $0xb8;
	[tilespmem:$0x1E200] =	vst v63  }
0x38f: {  	s8 =	simm.s32 $0x5A00  }
0x390: {  	[tilespmem:s8], [sflag:$0x1] =	stream.indirect_vreg.gather [hbm4b:s22+s2], $0x80, v35, vm0, $0xb8;
	[tilespmem:$0x1E200] =	vst v63  }
0x391: {  	s9 =	simm.s32 $0x6200  }
0x392: {  	[tilespmem:s9], [sflag:$0x1] =	stream.indirect_vreg.gather [hbm4b:s23+s2], $0x80, v35, vm0, $0xb8;
	[tilespmem:$0x1E200] =	vst v63  }
0x393: {  	s10 =	simm.s32 $0x6A00  }
0x394: {  	[tilespmem:s10], [sflag:$0x1] =	stream.indirect_vreg.gather [hbm4b:s24+s2], $0x80, v35, vm0, $0xb8;
	[tilespmem:$0x1E200] =	vst v63  }
0x395: {  	s7 =	simm.s32 $0x7200  }
0x396: {  	[tilespmem:s7], [sflag:$0x1] =	stream.indirect_vreg.gather [hbm4b:s25+s2], $0x80, v35, vm0, $0xb8;
	[tilespmem:$0x1E200] =	vst v63  }
0x397: {  	_ = 	snop  }
0x398: {  	[tilespmem:s1], [sflag:$0x1] =	stream.indirect_vreg.gather [hbm4b:s26+s2], $0x80, v35, vm0, $0xb8;
	[tilespmem:$0x1E200] =	vst v63  }
0x399: {  	s4 =	sld [smem:$0x7FD];
	_ =	swait.ge [sflag:s31], $0x8000  }
0x39a: {  	s12 =	sld [smem:$0x7C2]  }
0x39b: {  	[sflag:s31] =	ssyncset.done $0x0  }
0x39c: {  	[sflag:s31] =	ssyncadd.s32 $0xFFFF8000  }
0x39d: {  	[hbm4b:s12+s2] =	stream.linear.scatter [tilespmem:s15], [sflag:$0x5], $0x8000, $0x38;
	[tilespmem:$0x1E200] =	vst v63  }
0x39e: {  	_ =	swait.ge [sflag:s0], $0x8000  }
0x39f: {  	[sflag:s0] =	ssyncset.done $0x0  }
0x3a0: {  	[sflag:s0] =	ssyncadd.s32 $0xFFFF8000  }
0x3a1: {  	_ =	swait.ge [sflag:s5], $0x8000  }
0x3a2: {  	s16 =	sld [smem:$0x7C3]  }
0x3a3: {  	[sflag:s5] =	ssyncset.done $0x0  }
0x3a4: {  	[sflag:s5] =	ssyncadd.s32 $0xFFFF8000  }
0x3a5: {  	[hbm4b:s16+s2] =	stream.linear.scatter [tilespmem:s11], [sflag:$0x6], $0x8000, $0x38;
	[tilespmem:$0x1E200] =	vst v63  }
0x3a6: {  	_ =	swait.ge [sflag:s6], $0x8000  }
0x3a7: {  	[sflag:s6] =	ssyncset.done $0x0  }
0x3a8: {  	[sflag:s6] =	ssyncadd.s32 $0xFFFF8000  }
0x3a9: {  	_ =	swait.ge [sflag:s29], $0x8000  }
0x3aa: {  	s18 =	sld [smem:$0x7C4]  }
0x3ab: {  	[sflag:s29] =	ssyncset.done $0x0  }
.Ltmp4:
0x3ac: {  	[sflag:s29] =	ssyncadd.s32 $0xFFFF8000;
	(pc) =	sbr.rel .LBB2_7-.Ltmp4, $4  }
0x3ad: {  	[hbm4b:s18+s2] =	stream.linear.scatter [tilespmem:s14], [sflag:$0x4], $0x8000, $0x38;
	[tilespmem:$0x1E200] =	vst v63  }
0x3ae: {  	_ =	swait.ge [sflag:s30], $0x8000  }
0x3af: {  	[sflag:s30] =	ssyncset.done $0x0  }
0x3b0: {  	s28 =	simm.s32 $0x7;
	[sflag:s30] =	ssyncadd.s32 $0xFFFF8000  }
.LBB2_5:
0x3b1: {  	p2 =	sgt.s32 s8, $0x1FFE  }
.Ltmp5:
0x3b2: {  	_ = 	snop;
	(pc) =	sbr.rel @p2 .LBB2_7-.Ltmp5, $1  }
0x3b3: {  	_ =	sdelay $0x3  }
0x3b4: {  	vm1 =	vlt.s32 v0, v35  }
0x3b5: {  	v36 =	vsel vm1, v0, v35  }
0x3b6: {  	v37 =	vshll.u32 v36, $0x4  }
0x3b7: {  	v38 =	vand.u32 $0x7, v36;
	v37 =	vand.u32 $0xFFFFFF80, v37  }
0x3b8: {  	v37 =	vor.u32 v38, v37  }
0x3b9: {  	v38 =	vperm.xlane v37, v32;
	_ =	sdelay $0x1  }
0x3ba: {  	v38 =	vadd.s32 v33, v38;
	_ =	sdelay $0x3  }
0x3bb: {  	s1 =	simm.s32 $0x200;
	s12 =	rddreg [dreg:$0x1];
	[tilespmem:$0x80] =	vst v36  }
0x3bc: {  	[tilespmem:s1], [sflag:$0x1] =	stream.indirect_vreg.gather [hbm4b:s12+s2], $0x80, v38, vm0, $0xb8;
	[tilespmem:$0x1E200] =	vst v63  }
0x3bd: {  	s4 =	simm.s32 $0xA00  }
0x3be: {  	[tilespmem:s4], [sflag:$0x1] =	stream.indirect_vreg.gather [hbm4b:s20+s2], $0x80, v38, vm0, $0xb8;
	[tilespmem:$0x1E200] =	vst v63  }
0x3bf: {  	s15 =	simm.s32 $0x1200  }
0x3c0: {  	[tilespmem:s15], [sflag:$0x1] =	stream.indirect_vreg.gather [hbm4b:s21+s2], $0x80, v38, vm0, $0xb8;
	[tilespmem:$0x1E200] =	vst v63  }
0x3c1: {  	s16 =	simm.s32 $0x1A00  }
0x3c2: {  	[tilespmem:s16], [sflag:$0x1] =	stream.indirect_vreg.gather [hbm4b:s22+s2], $0x80, v38, vm0, $0xb8;
	[tilespmem:$0x1E200] =	vst v63  }
0x3c3: {  	s18 =	simm.s32 $0x2200  }
0x3c4: {  	[tilespmem:s18], [sflag:$0x1] =	stream.indirect_vreg.gather [hbm4b:s23+s2], $0x80, v38, vm0, $0xb8;
	[tilespmem:$0x1E200] =	vst v63  }
0x3c5: {  	v41 =	vperm.xlane v37, v34;
	s1 =	simm.s32 $0x2A00  }
0x3c6: {  	[tilespmem:s1], [sflag:$0x1] =	stream.indirect_vreg.gather [hbm4b:s24+s2], $0x80, v38, vm0, $0xb8;
	[tilespmem:$0x1E200] =	vst v63  }
0x3c7: {  	s3 =	simm.s32 $0x3200;
	v36 =	vadd.s32 v33, v41  }
0x3c8: {  	[tilespmem:s3], [sflag:$0x1] =	stream.indirect_vreg.gather [hbm4b:s25+s2], $0x80, v38, vm0, $0xb8;
	[tilespmem:$0x1E200] =	vst v63  }
0x3c9: {  	s7 =	simm.s32 $0x3A00  }
0x3ca: {  	[tilespmem:s7], [sflag:$0x1] =	stream.indirect_vreg.gather [hbm4b:s26+s2], $0x80, v38, vm0, $0xb8;
	[tilespmem:$0x1E200] =	vst v63  }
0x3cb: {  	s8 =	simm.s32 $0x4200  }
0x3cc: {  	[tilespmem:s8], [sflag:$0x1] =	stream.indirect_vreg.gather [hbm4b:s12+s2], $0x80, v36, vm0, $0xb8;
	[tilespmem:$0x1E200] =	vst v63  }
0x3cd: {  	s9 =	simm.s32 $0x4A00  }
0x3ce: {  	[tilespmem:s9], [sflag:$0x1] =	stream.indirect_vreg.gather [hbm4b:s20+s2], $0x80, v36, vm0, $0xb8;
	[tilespmem:$0x1E200] =	vst v63  }
0x3cf: {  	s10 =	simm.s32 $0x5200  }
0x3d0: {  	vm1 =	vlt.s32 v1, v35;
	[tilespmem:s10], [sflag:$0x1] =	stream.indirect_vreg.gather [hbm4b:s21+s2], $0x80, v36, vm0, $0xb8;
	[tilespmem:$0x1E200] =	vst v63  }
0x3d1: {  	v42 =	vsel vm1, v1, v35;
	s3 =	simm.s32 $0x5A00  }
0x3d2: {  	v43 =	vshll.u32 v42, $0x4;
	[tilespmem:s3], [sflag:$0x1] =	stream.indirect_vreg.gather [hbm4b:s22+s2], $0x80, v36, vm0, $0xb8;
	[tilespmem:$0x1E200] =	vst v63  }
0x3d3: {  	s11 =	simm.s32 $0x6200;
	v39 =	vand.u32 $0x7, v42;
	v38 =	vand.u32 $0xFFFFFF80, v43  }
0x3d4: {  	v38 =	vor.u32 v39, v38;
	[tilespmem:s11], [sflag:$0x1] =	stream.indirect_vreg.gather [hbm4b:s23+s2], $0x80, v36, vm0, $0xb8;
	[tilespmem:$0x1E200] =	vst v63  }
0x3d5: {  	s14 =	simm.s32 $0x6A00;
	v39 =	vperm.xlane v38, v32  }
0x3d6: {  	[tilespmem:s14], [sflag:$0x1] =	stream.indirect_vreg.gather [hbm4b:s24+s2], $0x80, v36, vm0, $0xb8;
	[tilespmem:$0x1E200] =	vst v63  }
0x3d7: {  	s1 =	simm.s32 $0x7200;
	v39 =	vadd.s32 v33, v39  }
0x3d8: {  	[tilespmem:s1], [sflag:$0x1] =	stream.indirect_vreg.gather [hbm4b:s25+s2], $0x80, v36, vm0, $0xb8;
	[tilespmem:$0x1E200] =	vst v63  }
0x3d9: {  	s4 =	simm.s32 $0x7A00  }
0x3da: {  	[tilespmem:s4], [sflag:$0x1] =	stream.indirect_vreg.gather [hbm4b:s26+s2], $0x80, v36, vm0, $0xb8;
	[tilespmem:$0x1E200] =	vst v63  }
0x3db: {  	s8 =	simm.s32 $0x8200;
	[tilespmem:$0x100] =	vst v42  }
0x3dc: {  	[tilespmem:s8], [sflag:$0x2] =	stream.indirect_vreg.gather [hbm4b:s12+s2], $0x80, v39, vm0, $0xb8;
	[tilespmem:$0x1E200] =	vst v63  }
0x3dd: {  	s10 =	simm.s32 $0x8A00  }
0x3de: {  	[tilespmem:s10], [sflag:$0x2] =	stream.indirect_vreg.gather [hbm4b:s20+s2], $0x80, v39, vm0, $0xb8;
	[tilespmem:$0x1E200] =	vst v63  }
0x3df: {  	s11 =	simm.s32 $0x9200  }
0x3e0: {  	[tilespmem:s11], [sflag:$0x2] =	stream.indirect_vreg.gather [hbm4b:s21+s2], $0x80, v39, vm0, $0xb8;
	[tilespmem:$0x1E200] =	vst v63  }
0x3e1: {  	s3 =	simm.s32 $0x9A00  }
0x3e2: {  	[tilespmem:s3], [sflag:$0x2] =	stream.indirect_vreg.gather [hbm4b:s22+s2], $0x80, v39, vm0, $0xb8;
	[tilespmem:$0x1E200] =	vst v63  }
0x3e3: {  	s4 =	simm.s32 $0xA200  }
0x3e4: {  	[tilespmem:s4], [sflag:$0x2] =	stream.indirect_vreg.gather [hbm4b:s23+s2], $0x80, v39, vm0, $0xb8;
	[tilespmem:$0x1E200] =	vst v63  }
0x3e5: {  	v44 =	vperm.xlane v38, v34;
	s8 =	simm.s32 $0xAA00  }
0x3e6: {  	[tilespmem:s8], [sflag:$0x2] =	stream.indirect_vreg.gather [hbm4b:s24+s2], $0x80, v39, vm0, $0xb8;
	[tilespmem:$0x1E200] =	vst v63  }
0x3e7: {  	v36 =	vadd.s32 v33, v44;
	s10 =	simm.s32 $0xB200  }
0x3e8: {  	[tilespmem:s10], [sflag:$0x2] =	stream.indirect_vreg.gather [hbm4b:s25+s2], $0x80, v39, vm0, $0xb8;
	[tilespmem:$0x1E200] =	vst v63  }
0x3e9: {  	s11 =	simm.s32 $0xBA00  }
0x3ea: {  	[tilespmem:s11], [sflag:$0x2] =	stream.indirect_vreg.gather [hbm4b:s26+s2], $0x80, v39, vm0, $0xb8;
	[tilespmem:$0x1E200] =	vst v63  }
0x3eb: {  	s3 =	simm.s32 $0xC200  }
0x3ec: {  	[tilespmem:s3], [sflag:$0x2] =	stream.indirect_vreg.gather [hbm4b:s12+s2], $0x80, v36, vm0, $0xb8;
	[tilespmem:$0x1E200] =	vst v63  }
0x3ed: {  	s4 =	simm.s32 $0xCA00  }
0x3ee: {  	[tilespmem:s4], [sflag:$0x2] =	stream.indirect_vreg.gather [hbm4b:s20+s2], $0x80, v36, vm0, $0xb8;
	[tilespmem:$0x1E200] =	vst v63  }
0x3ef: {  	s8 =	simm.s32 $0xD200  }
0x3f0: {  	vm1 =	vlt.s32 v2, v35;
	[tilespmem:s8], [sflag:$0x2] =	stream.indirect_vreg.gather [hbm4b:s21+s2], $0x80, v36, vm0, $0xb8;
	[tilespmem:$0x1E200] =	vst v63  }
0x3f1: {  	v45 =	vsel vm1, v2, v35;
	s10 =	simm.s32 $0xDA00  }
0x3f2: {  	v46 =	vshll.u32 v45, $0x4;
	[tilespmem:s10], [sflag:$0x2] =	stream.indirect_vreg.gather [hbm4b:s22+s2], $0x80, v36, vm0, $0xb8;
	[tilespmem:$0x1E200] =	vst v63  }
0x3f3: {  	v47 =	vand.u32 $0x7, v45;
	v38 =	vand.u32 $0xFFFFFF80, v46;
	s11 =	simm.s32 $0xE200  }
0x3f4: {  	v38 =	vor.u32 v47, v38;
	[tilespmem:s11], [sflag:$0x2] =	stream.indirect_vreg.gather [hbm4b:s23+s2], $0x80, v36, vm0, $0xb8;
	[tilespmem:$0x1E200] =	vst v63  }
0x3f5: {  	v39 =	vperm.xlane v38, v32;
	s3 =	simm.s32 $0xEA00  }
0x3f6: {  	[tilespmem:s3], [sflag:$0x2] =	stream.indirect_vreg.gather [hbm4b:s24+s2], $0x80, v36, vm0, $0xb8;
	[tilespmem:$0x1E200] =	vst v63  }
0x3f7: {  	v39 =	vadd.s32 v33, v39;
	s4 =	simm.s32 $0xF200  }
0x3f8: {  	[tilespmem:s4], [sflag:$0x2] =	stream.indirect_vreg.gather [hbm4b:s25+s2], $0x80, v36, vm0, $0xb8;
	[tilespmem:$0x1E200] =	vst v63  }
0x3f9: {  	s8 =	simm.s32 $0xFA00  }
0x3fa: {  	[tilespmem:s8], [sflag:$0x2] =	stream.indirect_vreg.gather [hbm4b:s26+s2], $0x80, v36, vm0, $0xb8;
	[tilespmem:$0x1E200] =	vst v63  }
0x3fb: {  	s1 =	simm.s32 $0x10200;
	[tilespmem:$0x180] =	vst v45  }
0x3fc: {  	[tilespmem:s1], [sflag:$0x3] =	stream.indirect_vreg.gather [hbm4b:s12+s2], $0x80, v39, vm0, $0xb8;
	[tilespmem:$0x1E200] =	vst v63  }
0x3fd: {  	s4 =	simm.s32 $0x10A00  }
0x3fe: {  	[tilespmem:s4], [sflag:$0x3] =	stream.indirect_vreg.gather [hbm4b:s20+s2], $0x80, v39, vm0, $0xb8;
	[tilespmem:$0x1E200] =	vst v63  }
0x3ff: {  	s8 =	simm.s32 $0x11200  }
0x400: {  	[tilespmem:s8], [sflag:$0x3] =	stream.indirect_vreg.gather [hbm4b:s21+s2], $0x80, v39, vm0, $0xb8;
	[tilespmem:$0x1E200] =	vst v63  }
0x401: {  	s1 =	simm.s32 $0x11A00  }
0x402: {  	[tilespmem:s1], [sflag:$0x3] =	stream.indirect_vreg.gather [hbm4b:s22+s2], $0x80, v39, vm0, $0xb8;
	[tilespmem:$0x1E200] =	vst v63  }
0x403: {  	s4 =	simm.s32 $0x12200  }
0x404: {  	[tilespmem:s4], [sflag:$0x3] =	stream.indirect_vreg.gather [hbm4b:s23+s2], $0x80, v39, vm0, $0xb8;
	[tilespmem:$0x1E200] =	vst v63  }
0x405: {  	v48 =	vperm.xlane v38, v34;
	s8 =	simm.s32 $0x12A00  }
0x406: {  	[tilespmem:s8], [sflag:$0x3] =	stream.indirect_vreg.gather [hbm4b:s24+s2], $0x80, v39, vm0, $0xb8;
	[tilespmem:$0x1E200] =	vst v63  }
0x407: {  	v36 =	vadd.s32 v33, v48;
	s1 =	simm.s32 $0x13200  }
0x408: {  	[tilespmem:s1], [sflag:$0x3] =	stream.indirect_vreg.gather [hbm4b:s25+s2], $0x80, v39, vm0, $0xb8;
	[tilespmem:$0x1E200] =	vst v63  }
0x409: {  	s4 =	simm.s32 $0x13A00  }
0x40a: {  	[tilespmem:s4], [sflag:$0x3] =	stream.indirect_vreg.gather [hbm4b:s26+s2], $0x80, v39, vm0, $0xb8;
	[tilespmem:$0x1E200] =	vst v63  }
0x40b: {  	s8 =	simm.s32 $0x14200  }
0x40c: {  	[tilespmem:s8], [sflag:$0x3] =	stream.indirect_vreg.gather [hbm4b:s12+s2], $0x80, v36, vm0, $0xb8;
	[tilespmem:$0x1E200] =	vst v63  }
0x40d: {  	s1 =	simm.s32 $0x14A00  }
0x40e: {  	[tilespmem:s1], [sflag:$0x3] =	stream.indirect_vreg.gather [hbm4b:s20+s2], $0x80, v36, vm0, $0xb8;
	[tilespmem:$0x1E200] =	vst v63  }
0x40f: {  	s4 =	simm.s32 $0x15200  }
0x410: {  	[tilespmem:s4], [sflag:$0x3] =	stream.indirect_vreg.gather [hbm4b:s21+s2], $0x80, v36, vm0, $0xb8;
	[tilespmem:$0x1E200] =	vst v63  }
0x411: {  	s8 =	simm.s32 $0x15A00  }
0x412: {  	[tilespmem:s8], [sflag:$0x3] =	stream.indirect_vreg.gather [hbm4b:s22+s2], $0x80, v36, vm0, $0xb8;
	[tilespmem:$0x1E200] =	vst v63  }
0x413: {  	s1 =	simm.s32 $0x16200  }
0x414: {  	[tilespmem:s1], [sflag:$0x3] =	stream.indirect_vreg.gather [hbm4b:s23+s2], $0x80, v36, vm0, $0xb8;
	[tilespmem:$0x1E200] =	vst v63  }
0x415: {  	s4 =	simm.s32 $0x16A00  }
0x416: {  	[tilespmem:s4], [sflag:$0x3] =	stream.indirect_vreg.gather [hbm4b:s24+s2], $0x80, v36, vm0, $0xb8;
	[tilespmem:$0x1E200] =	vst v63  }
0x417: {  	vm1 =	vlt.s32 v3, v35;
	s8 =	simm.s32 $0x17200  }
0x418: {  	v49 =	vsel vm1, v3, v35;
	[tilespmem:s8], [sflag:$0x3] =	stream.indirect_vreg.gather [hbm4b:s25+s2], $0x80, v36, vm0, $0xb8;
	[tilespmem:$0x1E200] =	vst v63  }
0x419: {  	v50 =	vshll.u32 v49, $0x4;
	s1 =	simm.s32 $0x17A00  }
0x41a: {  	v51 =	vand.u32 $0x7, v49;
	v38 =	vand.u32 $0xFFFFFF80, v50;
	[tilespmem:s1], [sflag:$0x3] =	stream.indirect_vreg.gather [hbm4b:s26+s2], $0x80, v36, vm0, $0xb8;
	[tilespmem:$0x1E200] =	vst v63  }
0x41b: {  	v36 =	vor.u32 v51, v38;
	_ =	swait.ge [sflag:s29], $0x8000  }
0x41c: {  	v38 =	vperm.xlane v36, v32;
	[sflag:s29] =	ssyncset.done $0x0  }
0x41d: {  	s4 =	simm.s32 $0x200;
	s8 =	rddreg [dreg:$0x5];
	[sflag:s29] =	ssyncadd.s32 $0xFFFF8000  }
0x41e: {  	v38 =	vadd.s32 v33, v38;
	[hbm4b:s8+s2] =	stream.linear.scatter [tilespmem:s4], [sflag:$0x4], $0x8000, $0x38;
	[tilespmem:$0x1E200] =	vst v63  }
0x41f: {  	_ =	swait.ge [sflag:s30], $0x8000  }
0x420: {  	[sflag:s30] =	ssyncset.done $0x0  }
0x421: {  	[sflag:s30] =	ssyncadd.s32 $0xFFFF8000  }
0x422: {  	[tilespmem:$0x80] =	vst v49  }
0x423: {  	[tilespmem:s4], [sflag:$0x1] =	stream.indirect_vreg.gather [hbm4b:s12+s2], $0x80, v38, vm0, $0xb8;
	[tilespmem:$0x1E200] =	vst v63  }
0x424: {  	s3 =	simm.s32 $0xA00  }
0x425: {  	[tilespmem:s3], [sflag:$0x1] =	stream.indirect_vreg.gather [hbm4b:s20+s2], $0x80, v38, vm0, $0xb8;
	[tilespmem:$0x1E200] =	vst v63  }
0x426: {  	s4 =	simm.s32 $0x1200  }
0x427: {  	[tilespmem:s4], [sflag:$0x1] =	stream.indirect_vreg.gather [hbm4b:s21+s2], $0x80, v38, vm0, $0xb8;
	[tilespmem:$0x1E200] =	vst v63  }
0x428: {  	s8 =	simm.s32 $0x1A00  }
0x429: {  	[tilespmem:s8], [sflag:$0x1] =	stream.indirect_vreg.gather [hbm4b:s22+s2], $0x80, v38, vm0, $0xb8;
	[tilespmem:$0x1E200] =	vst v63  }
0x42a: {  	s8 =	simm.s32 $0x2200  }
0x42b: {  	[tilespmem:s8], [sflag:$0x1] =	stream.indirect_vreg.gather [hbm4b:s23+s2], $0x80, v38, vm0, $0xb8;
	[tilespmem:$0x1E200] =	vst v63  }
0x42c: {  	v36 =	vperm.xlane v36, v34;
	s8 =	simm.s32 $0x2A00  }
0x42d: {  	[tilespmem:s8], [sflag:$0x1] =	stream.indirect_vreg.gather [hbm4b:s24+s2], $0x80, v38, vm0, $0xb8;
	[tilespmem:$0x1E200] =	vst v63  }
0x42e: {  	v36 =	vadd.s32 v33, v36;
	s8 =	simm.s32 $0x3200  }
0x42f: {  	[tilespmem:s8], [sflag:$0x1] =	stream.indirect_vreg.gather [hbm4b:s25+s2], $0x80, v38, vm0, $0xb8;
	[tilespmem:$0x1E200] =	vst v63  }
0x430: {  	s8 =	simm.s32 $0x3A00  }
0x431: {  	[tilespmem:s8], [sflag:$0x1] =	stream.indirect_vreg.gather [hbm4b:s26+s2], $0x80, v38, vm0, $0xb8;
	[tilespmem:$0x1E200] =	vst v63  }
0x432: {  	s28 =	simm.s32 $0x4200  }
0x433: {  	[tilespmem:s28], [sflag:$0x1] =	stream.indirect_vreg.gather [hbm4b:s12+s2], $0x80, v36, vm0, $0xb8;
	[tilespmem:$0x1E200] =	vst v63  }
0x434: {  	s8 =	simm.s32 $0x4A00  }
0x435: {  	[tilespmem:s8], [sflag:$0x1] =	stream.indirect_vreg.gather [hbm4b:s20+s2], $0x80, v36, vm0, $0xb8;
	[tilespmem:$0x1E200] =	vst v63  }
0x436: {  	s16 =	simm.s32 $0x5200  }
0x437: {  	[tilespmem:s16], [sflag:$0x1] =	stream.indirect_vreg.gather [hbm4b:s21+s2], $0x80, v36, vm0, $0xb8;
	[tilespmem:$0x1E200] =	vst v63  }
0x438: {  	s15 =	simm.s32 $0x5A00  }
0x439: {  	[tilespmem:s15], [sflag:$0x1] =	stream.indirect_vreg.gather [hbm4b:s22+s2], $0x80, v36, vm0, $0xb8;
	[tilespmem:$0x1E200] =	vst v63  }
0x43a: {  	s18 =	simm.s32 $0x6200  }
0x43b: {  	[tilespmem:s18], [sflag:$0x1] =	stream.indirect_vreg.gather [hbm4b:s23+s2], $0x80, v36, vm0, $0xb8;
	[tilespmem:$0x1E200] =	vst v63  }
0x43c: {  	s7 =	simm.s32 $0x6A00  }
0x43d: {  	[tilespmem:s7], [sflag:$0x1] =	stream.indirect_vreg.gather [hbm4b:s24+s2], $0x80, v36, vm0, $0xb8;
	[tilespmem:$0x1E200] =	vst v63  }
0x43e: {  	vm1 =	vlt.s32 v4, v35;
	s9 =	simm.s32 $0x7200  }
0x43f: {  	v52 =	vsel vm1, v4, v35;
	[tilespmem:s9], [sflag:$0x1] =	stream.indirect_vreg.gather [hbm4b:s25+s2], $0x80, v36, vm0, $0xb8;
	[tilespmem:$0x1E200] =	vst v63  }
0x440: {  	v53 =	vshll.u32 v52, $0x4;
	s14 =	simm.s32 $0x7A00  }
0x441: {  	v54 =	vand.u32 $0x7, v52;
	v38 =	vand.u32 $0xFFFFFF80, v53;
	[tilespmem:s14], [sflag:$0x1] =	stream.indirect_vreg.gather [hbm4b:s26+s2], $0x80, v36, vm0, $0xb8;
	[tilespmem:$0x1E200] =	vst v63  }
0x442: {  	v36 =	vor.u32 v54, v38;
	_ =	swait.ge [sflag:s31], $0x8000  }
0x443: {  	v38 =	vperm.xlane v36, v32;
	[sflag:s31] =	ssyncset.done $0x0  }
0x444: {  	s15 =	simm.s32 $0x8200;
	s14 =	rddreg [dreg:$0x6];
	[sflag:s31] =	ssyncadd.s32 $0xFFFF8000  }
0x445: {  	v38 =	vadd.s32 v33, v38;
	[hbm4b:s14+s2] =	stream.linear.scatter [tilespmem:s15], [sflag:$0x5], $0x8000, $0x38;
	[tilespmem:$0x1E200] =	vst v63  }
0x446: {  	_ =	swait.ge [sflag:s0], $0x8000  }
0x447: {  	[sflag:s0] =	ssyncset.done $0x0  }
0x448: {  	[sflag:s0] =	ssyncadd.s32 $0xFFFF8000  }
0x449: {  	[tilespmem:$0x100] =	vst v52  }
0x44a: {  	[tilespmem:s15], [sflag:$0x2] =	stream.indirect_vreg.gather [hbm4b:s12+s2], $0x80, v38, vm0, $0xb8;
	[tilespmem:$0x1E200] =	vst v63  }
0x44b: {  	s16 =	simm.s32 $0x8A00  }
0x44c: {  	[tilespmem:s16], [sflag:$0x2] =	stream.indirect_vreg.gather [hbm4b:s20+s2], $0x80, v38, vm0, $0xb8;
	[tilespmem:$0x1E200] =	vst v63  }
0x44d: {  	s18 =	simm.s32 $0x9200  }
0x44e: {  	[tilespmem:s18], [sflag:$0x2] =	stream.indirect_vreg.gather [hbm4b:s21+s2], $0x80, v38, vm0, $0xb8;
	[tilespmem:$0x1E200] =	vst v63  }
0x44f: {  	s7 =	simm.s32 $0x9A00  }
0x450: {  	[tilespmem:s7], [sflag:$0x2] =	stream.indirect_vreg.gather [hbm4b:s22+s2], $0x80, v38, vm0, $0xb8;
	[tilespmem:$0x1E200] =	vst v63  }
0x451: {  	s8 =	simm.s32 $0xA200  }
0x452: {  	[tilespmem:s8], [sflag:$0x2] =	stream.indirect_vreg.gather [hbm4b:s23+s2], $0x80, v38, vm0, $0xb8;
	[tilespmem:$0x1E200] =	vst v63  }
0x453: {  	s9 =	simm.s32 $0xAA00;
	v36 =	vperm.xlane v36, v34  }
0x454: {  	[tilespmem:s9], [sflag:$0x2] =	stream.indirect_vreg.gather [hbm4b:s24+s2], $0x80, v38, vm0, $0xb8;
	[tilespmem:$0x1E200] =	vst v63  }
0x455: {  	v36 =	vadd.s32 v33, v36;
	s14 =	simm.s32 $0xB200  }
0x456: {  	[tilespmem:s14], [sflag:$0x2] =	stream.indirect_vreg.gather [hbm4b:s25+s2], $0x80, v38, vm0, $0xb8;
	[tilespmem:$0x1E200] =	vst v63  }
0x457: {  	s15 =	simm.s32 $0xBA00  }
0x458: {  	[tilespmem:s15], [sflag:$0x2] =	stream.indirect_vreg.gather [hbm4b:s26+s2], $0x80, v38, vm0, $0xb8;
	[tilespmem:$0x1E200] =	vst v63  }
0x459: {  	s16 =	simm.s32 $0xC200  }
0x45a: {  	[tilespmem:s16], [sflag:$0x2] =	stream.indirect_vreg.gather [hbm4b:s12+s2], $0x80, v36, vm0, $0xb8;
	[tilespmem:$0x1E200] =	vst v63  }
0x45b: {  	s18 =	simm.s32 $0xCA00  }
0x45c: {  	[tilespmem:s18], [sflag:$0x2] =	stream.indirect_vreg.gather [hbm4b:s20+s2], $0x80, v36, vm0, $0xb8;
	[tilespmem:$0x1E200] =	vst v63  }
0x45d: {  	s7 =	simm.s32 $0xD200  }
0x45e: {  	[tilespmem:s7], [sflag:$0x2] =	stream.indirect_vreg.gather [hbm4b:s21+s2], $0x80, v36, vm0, $0xb8;
	[tilespmem:$0x1E200] =	vst v63  }
0x45f: {  	s8 =	simm.s32 $0xDA00  }
0x460: {  	[tilespmem:s8], [sflag:$0x2] =	stream.indirect_vreg.gather [hbm4b:s22+s2], $0x80, v36, vm0, $0xb8;
	[tilespmem:$0x1E200] =	vst v63  }
0x461: {  	s9 =	simm.s32 $0xE200  }
0x462: {  	[tilespmem:s9], [sflag:$0x2] =	stream.indirect_vreg.gather [hbm4b:s23+s2], $0x80, v36, vm0, $0xb8;
	[tilespmem:$0x1E200] =	vst v63  }
0x463: {  	s11 =	simm.s32 $0xEA00  }
0x464: {  	[tilespmem:s11], [sflag:$0x2] =	stream.indirect_vreg.gather [hbm4b:s24+s2], $0x80, v36, vm0, $0xb8;
	[tilespmem:$0x1E200] =	vst v63  }
0x465: {  	vm1 =	vlt.s32 v5, v35;
	s10 =	simm.s32 $0xF200  }
0x466: {  	v55 =	vsel vm1, v5, v35;
	[tilespmem:s10], [sflag:$0x2] =	stream.indirect_vreg.gather [hbm4b:s25+s2], $0x80, v36, vm0, $0xb8;
	[tilespmem:$0x1E200] =	vst v63  }
0x467: {  	v56 =	vshll.u32 v55, $0x4;
	s10 =	simm.s32 $0xFA00  }
0x468: {  	v57 =	vand.u32 $0x7, v55;
	v38 =	vand.u32 $0xFFFFFF80, v56;
	[tilespmem:s10], [sflag:$0x2] =	stream.indirect_vreg.gather [hbm4b:s26+s2], $0x80, v36, vm0, $0xb8;
	[tilespmem:$0x1E200] =	vst v63  }
0x469: {  	v36 =	vor.u32 v57, v38;
	_ =	swait.ge [sflag:s5], $0x8000  }
0x46a: {  	v38 =	vperm.xlane v36, v32;
	[sflag:s5] =	ssyncset.done $0x0  }
0x46b: {  	s14 =	simm.s32 $0x10200;
	s11 =	rddreg [dreg:$0x7];
	[sflag:s5] =	ssyncadd.s32 $0xFFFF8000  }
0x46c: {  	v38 =	vadd.s32 v33, v38;
	[hbm4b:s11+s2] =	stream.linear.scatter [tilespmem:s14], [sflag:$0x6], $0x8000, $0x38;
	[tilespmem:$0x1E200] =	vst v63  }
0x46d: {  	_ =	swait.ge [sflag:s6], $0x8000  }
0x46e: {  	[sflag:s6] =	ssyncset.done $0x0  }
0x46f: {  	[sflag:s6] =	ssyncadd.s32 $0xFFFF8000  }
0x470: {  	[tilespmem:$0x180] =	vst v55  }
0x471: {  	[tilespmem:s14], [sflag:$0x3] =	stream.indirect_vreg.gather [hbm4b:s12+s2], $0x80, v38, vm0, $0xb8;
	[tilespmem:$0x1E200] =	vst v63  }
0x472: {  	s18 =	simm.s32 $0x10A00  }
0x473: {  	[tilespmem:s18], [sflag:$0x3] =	stream.indirect_vreg.gather [hbm4b:s20+s2], $0x80, v38, vm0, $0xb8;
	[tilespmem:$0x1E200] =	vst v63  }
0x474: {  	s14 =	simm.s32 $0x11200  }
0x475: {  	[tilespmem:s14], [sflag:$0x3] =	stream.indirect_vreg.gather [hbm4b:s21+s2], $0x80, v38, vm0, $0xb8;
	[tilespmem:$0x1E200] =	vst v63  }
0x476: {  	s7 =	simm.s32 $0x11A00  }
0x477: {  	[tilespmem:s7], [sflag:$0x3] =	stream.indirect_vreg.gather [hbm4b:s22+s2], $0x80, v38, vm0, $0xb8;
	[tilespmem:$0x1E200] =	vst v63  }
0x478: {  	s15 =	simm.s32 $0x12200  }
0x479: {  	[tilespmem:s15], [sflag:$0x3] =	stream.indirect_vreg.gather [hbm4b:s23+s2], $0x80, v38, vm0, $0xb8;
	[tilespmem:$0x1E200] =	vst v63  }
0x47a: {  	s16 =	simm.s32 $0x12A00;
	v36 =	vperm.xlane v36, v34  }
0x47b: {  	[tilespmem:s16], [sflag:$0x3] =	stream.indirect_vreg.gather [hbm4b:s24+s2], $0x80, v38, vm0, $0xb8;
	[tilespmem:$0x1E200] =	vst v63  }
0x47c: {  	s9 =	simm.s32 $0x13200;
	v36 =	vadd.s32 v33, v36  }
0x47d: {  	[tilespmem:s9], [sflag:$0x3] =	stream.indirect_vreg.gather [hbm4b:s25+s2], $0x80, v38, vm0, $0xb8;
	[tilespmem:$0x1E200] =	vst v63  }
0x47e: {  	s10 =	simm.s32 $0x13A00  }
0x47f: {  	[tilespmem:s10], [sflag:$0x3] =	stream.indirect_vreg.gather [hbm4b:s26+s2], $0x80, v38, vm0, $0xb8;
	[tilespmem:$0x1E200] =	vst v63  }
0x480: {  	s11 =	simm.s32 $0x14200  }
0x481: {  	[tilespmem:s11], [sflag:$0x3] =	stream.indirect_vreg.gather [hbm4b:s12+s2], $0x80, v36, vm0, $0xb8;
	[tilespmem:$0x1E200] =	vst v63  }
0x482: {  	s28 =	simm.s32 $0x14A00  }
0x483: {  	[tilespmem:s28], [sflag:$0x3] =	stream.indirect_vreg.gather [hbm4b:s20+s2], $0x80, v36, vm0, $0xb8;
	[tilespmem:$0x1E200] =	vst v63  }
0x484: {  	s15 =	simm.s32 $0x15200  }
0x485: {  	[tilespmem:s15], [sflag:$0x3] =	stream.indirect_vreg.gather [hbm4b:s21+s2], $0x80, v36, vm0, $0xb8;
	[tilespmem:$0x1E200] =	vst v63  }
0x486: {  	s16 =	simm.s32 $0x15A00  }
0x487: {  	[tilespmem:s16], [sflag:$0x3] =	stream.indirect_vreg.gather [hbm4b:s22+s2], $0x80, v36, vm0, $0xb8;
	[tilespmem:$0x1E200] =	vst v63  }
0x488: {  	s8 =	simm.s32 $0x16200  }
0x489: {  	[tilespmem:s8], [sflag:$0x3] =	stream.indirect_vreg.gather [hbm4b:s23+s2], $0x80, v36, vm0, $0xb8;
	[tilespmem:$0x1E200] =	vst v63  }
0x48a: {  	s8 =	simm.s32 $0x16A00  }
0x48b: {  	[tilespmem:s8], [sflag:$0x3] =	stream.indirect_vreg.gather [hbm4b:s24+s2], $0x80, v36, vm0, $0xb8;
	[tilespmem:$0x1E200] =	vst v63  }
0x48c: {  	vm1 =	vlt.s32 v6, v35;
	s8 =	simm.s32 $0x17200  }
0x48d: {  	v58 =	vsel vm1, v6, v35;
	[tilespmem:s8], [sflag:$0x3] =	stream.indirect_vreg.gather [hbm4b:s25+s2], $0x80, v36, vm0, $0xb8;
	[tilespmem:$0x1E200] =	vst v63  }
0x48e: {  	v59 =	vshll.u32 v58, $0x4;
	s8 =	simm.s32 $0x17A00  }
0x48f: {  	v60 =	vand.u32 $0x7, v58;
	v38 =	vand.u32 $0xFFFFFF80, v59;
	[tilespmem:s8], [sflag:$0x3] =	stream.indirect_vreg.gather [hbm4b:s26+s2], $0x80, v36, vm0, $0xb8;
	[tilespmem:$0x1E200] =	vst v63  }
0x490: {  	v36 =	vor.u32 v60, v38;
	_ =	swait.ge [sflag:s29], $0x8000  }
0x491: {  	v38 =	vperm.xlane v36, v32;
	[sflag:s29] =	ssyncset.done $0x0  }
0x492: {  	s1 =	simm.s32 $0x200;
	s8 =	rddreg [dreg:$0x8];
	[sflag:s29] =	ssyncadd.s32 $0xFFFF8000  }
0x493: {  	v38 =	vadd.s32 v33, v38;
	[hbm4b:s8+s2] =	stream.linear.scatter [tilespmem:s1], [sflag:$0x4], $0x8000, $0x38;
	[tilespmem:$0x1E200] =	vst v63  }
0x494: {  	_ =	swait.ge [sflag:s30], $0x8000  }
0x495: {  	[sflag:s30] =	ssyncset.done $0x0  }
0x496: {  	[sflag:s30] =	ssyncadd.s32 $0xFFFF8000  }
0x497: {  	[tilespmem:$0x80] =	vst v58  }
0x498: {  	[tilespmem:s1], [sflag:$0x1] =	stream.indirect_vreg.gather [hbm4b:s12+s2], $0x80, v38, vm0, $0xb8;
	[tilespmem:$0x1E200] =	vst v63  }
0x499: {  	_ = 	snop  }
0x49a: {  	[tilespmem:s3], [sflag:$0x1] =	stream.indirect_vreg.gather [hbm4b:s20+s2], $0x80, v38, vm0, $0xb8;
	[tilespmem:$0x1E200] =	vst v63  }
0x49b: {  	_ = 	snop  }
0x49c: {  	[tilespmem:s4], [sflag:$0x1] =	stream.indirect_vreg.gather [hbm4b:s21+s2], $0x80, v38, vm0, $0xb8;
	[tilespmem:$0x1E200] =	vst v63  }
0x49d: {  	s3 =	simm.s32 $0x1A00  }
0x49e: {  	[tilespmem:s3], [sflag:$0x1] =	stream.indirect_vreg.gather [hbm4b:s22+s2], $0x80, v38, vm0, $0xb8;
	[tilespmem:$0x1E200] =	vst v63  }
0x49f: {  	s4 =	simm.s32 $0x2200  }
0x4a0: {  	[tilespmem:s4], [sflag:$0x1] =	stream.indirect_vreg.gather [hbm4b:s23+s2], $0x80, v38, vm0, $0xb8;
	[tilespmem:$0x1E200] =	vst v63  }
0x4a1: {  	v36 =	vperm.xlane v36, v34;
	s8 =	simm.s32 $0x2A00  }
0x4a2: {  	[tilespmem:s8], [sflag:$0x1] =	stream.indirect_vreg.gather [hbm4b:s24+s2], $0x80, v38, vm0, $0xb8;
	[tilespmem:$0x1E200] =	vst v63  }
0x4a3: {  	v36 =	vadd.s32 v33, v36;
	s8 =	simm.s32 $0x3200  }
0x4a4: {  	[tilespmem:s8], [sflag:$0x1] =	stream.indirect_vreg.gather [hbm4b:s25+s2], $0x80, v38, vm0, $0xb8;
	[tilespmem:$0x1E200] =	vst v63  }
0x4a5: {  	s8 =	simm.s32 $0x3A00  }
0x4a6: {  	[tilespmem:s8], [sflag:$0x1] =	stream.indirect_vreg.gather [hbm4b:s26+s2], $0x80, v38, vm0, $0xb8;
	[tilespmem:$0x1E200] =	vst v63  }
0x4a7: {  	s8 =	simm.s32 $0x4200  }
0x4a8: {  	[tilespmem:s8], [sflag:$0x1] =	stream.indirect_vreg.gather [hbm4b:s12+s2], $0x80, v36, vm0, $0xb8;
	[tilespmem:$0x1E200] =	vst v63  }
0x4a9: {  	s8 =	simm.s32 $0x4A00  }
0x4aa: {  	[tilespmem:s8], [sflag:$0x1] =	stream.indirect_vreg.gather [hbm4b:s20+s2], $0x80, v36, vm0, $0xb8;
	[tilespmem:$0x1E200] =	vst v63  }
0x4ab: {  	s8 =	simm.s32 $0x5200  }
0x4ac: {  	[tilespmem:s8], [sflag:$0x1] =	stream.indirect_vreg.gather [hbm4b:s21+s2], $0x80, v36, vm0, $0xb8;
	[tilespmem:$0x1E200] =	vst v63  }
0x4ad: {  	s8 =	simm.s32 $0x5A00  }
0x4ae: {  	[tilespmem:s8], [sflag:$0x1] =	stream.indirect_vreg.gather [hbm4b:s22+s2], $0x80, v36, vm0, $0xb8;
	[tilespmem:$0x1E200] =	vst v63  }
0x4af: {  	s8 =	simm.s32 $0x6200  }
0x4b0: {  	[tilespmem:s8], [sflag:$0x1] =	stream.indirect_vreg.gather [hbm4b:s23+s2], $0x80, v36, vm0, $0xb8;
	[tilespmem:$0x1E200] =	vst v63  }
0x4b1: {  	s8 =	simm.s32 $0x6A00  }
0x4b2: {  	[tilespmem:s8], [sflag:$0x1] =	stream.indirect_vreg.gather [hbm4b:s24+s2], $0x80, v36, vm0, $0xb8;
	[tilespmem:$0x1E200] =	vst v63  }
0x4b3: {  	vm1 =	vlt.s32 v7, v35;
	s8 =	simm.s32 $0x7200  }
0x4b4: {  	v61 =	vsel vm1, v7, v35;
	[tilespmem:s8], [sflag:$0x1] =	stream.indirect_vreg.gather [hbm4b:s25+s2], $0x80, v36, vm0, $0xb8;
	[tilespmem:$0x1E200] =	vst v63  }
0x4b5: {  	v62 =	vshll.u32 v61, $0x4;
	s8 =	simm.s32 $0x7A00  }
0x4b6: {  	v63 =	vand.u32 $0x7, v61;
	v38 =	vand.u32 $0xFFFFFF80, v62;
	[tilespmem:s8], [sflag:$0x1] =	stream.indirect_vreg.gather [hbm4b:s26+s2], $0x80, v36, vm0, $0xb8;
	[tilespmem:$0x1E200] =	vst v63  }
0x4b7: {  	v36 =	vor.u32 v63, v38;
	_ =	swait.ge [sflag:s31], $0x8000  }
0x4b8: {  	v38 =	vperm.xlane v36, v32;
	[sflag:s31] =	ssyncset.done $0x0  }
0x4b9: {  	s1 =	simm.s32 $0x8200;
	s8 =	rddreg [dreg:$0x9];
	[sflag:s31] =	ssyncadd.s32 $0xFFFF8000  }
0x4ba: {  	v38 =	vadd.s32 v33, v38;
	[hbm4b:s8+s2] =	stream.linear.scatter [tilespmem:s1], [sflag:$0x5], $0x8000, $0x38;
	[tilespmem:$0x1E200] =	vst v63  }
0x4bb: {  	_ =	swait.ge [sflag:s0], $0x8000  }
0x4bc: {  	[sflag:s0] =	ssyncset.done $0x0  }
0x4bd: {  	[sflag:s0] =	ssyncadd.s32 $0xFFFF8000  }
0x4be: {  	[tilespmem:$0x100] =	vst v61  }
0x4bf: {  	[tilespmem:s1], [sflag:$0x2] =	stream.indirect_vreg.gather [hbm4b:s12+s2], $0x80, v38, vm0, $0xb8;
	[tilespmem:$0x1E200] =	vst v63  }
0x4c0: {  	s8 =	simm.s32 $0x8A00  }
0x4c1: {  	[tilespmem:s8], [sflag:$0x2] =	stream.indirect_vreg.gather [hbm4b:s20+s2], $0x80, v38, vm0, $0xb8;
	[tilespmem:$0x1E200] =	vst v63  }
0x4c2: {  	s8 =	simm.s32 $0x9200  }
0x4c3: {  	[tilespmem:s8], [sflag:$0x2] =	stream.indirect_vreg.gather [hbm4b:s21+s2], $0x80, v38, vm0, $0xb8;
	[tilespmem:$0x1E200] =	vst v63  }
0x4c4: {  	s8 =	simm.s32 $0x9A00  }
0x4c5: {  	[tilespmem:s8], [sflag:$0x2] =	stream.indirect_vreg.gather [hbm4b:s22+s2], $0x80, v38, vm0, $0xb8;
	[tilespmem:$0x1E200] =	vst v63  }
0x4c6: {  	s8 =	simm.s32 $0xA200  }
0x4c7: {  	[tilespmem:s8], [sflag:$0x2] =	stream.indirect_vreg.gather [hbm4b:s23+s2], $0x80, v38, vm0, $0xb8;
	[tilespmem:$0x1E200] =	vst v63  }
0x4c8: {  	v36 =	vperm.xlane v36, v34;
	s8 =	simm.s32 $0xAA00  }
0x4c9: {  	[tilespmem:s8], [sflag:$0x2] =	stream.indirect_vreg.gather [hbm4b:s24+s2], $0x80, v38, vm0, $0xb8;
	[tilespmem:$0x1E200] =	vst v63  }
0x4ca: {  	v36 =	vadd.s32 v33, v36;
	s8 =	simm.s32 $0xB200  }
0x4cb: {  	[tilespmem:s8], [sflag:$0x2] =	stream.indirect_vreg.gather [hbm4b:s25+s2], $0x80, v38, vm0, $0xb8;
	[tilespmem:$0x1E200] =	vst v63  }
0x4cc: {  	s8 =	simm.s32 $0xBA00  }
0x4cd: {  	[tilespmem:s8], [sflag:$0x2] =	stream.indirect_vreg.gather [hbm4b:s26+s2], $0x80, v38, vm0, $0xb8;
	[tilespmem:$0x1E200] =	vst v63  }
0x4ce: {  	s8 =	simm.s32 $0xC200  }
0x4cf: {  	[tilespmem:s8], [sflag:$0x2] =	stream.indirect_vreg.gather [hbm4b:s12+s2], $0x80, v36, vm0, $0xb8;
	[tilespmem:$0x1E200] =	vst v63  }
0x4d0: {  	s8 =	simm.s32 $0xCA00  }
0x4d1: {  	[tilespmem:s8], [sflag:$0x2] =	stream.indirect_vreg.gather [hbm4b:s20+s2], $0x80, v36, vm0, $0xb8;
	[tilespmem:$0x1E200] =	vst v63  }
0x4d2: {  	s8 =	simm.s32 $0xD200  }
0x4d3: {  	[tilespmem:s8], [sflag:$0x2] =	stream.indirect_vreg.gather [hbm4b:s21+s2], $0x80, v36, vm0, $0xb8;
	[tilespmem:$0x1E200] =	vst v63  }
0x4d4: {  	s8 =	simm.s32 $0xDA00  }
0x4d5: {  	[tilespmem:s8], [sflag:$0x2] =	stream.indirect_vreg.gather [hbm4b:s22+s2], $0x80, v36, vm0, $0xb8;
	[tilespmem:$0x1E200] =	vst v63  }
0x4d6: {  	s8 =	simm.s32 $0xE200  }
0x4d7: {  	[tilespmem:s8], [sflag:$0x2] =	stream.indirect_vreg.gather [hbm4b:s23+s2], $0x80, v36, vm0, $0xb8;
	[tilespmem:$0x1E200] =	vst v63  }
0x4d8: {  	s8 =	simm.s32 $0xEA00  }
0x4d9: {  	[tilespmem:s8], [sflag:$0x2] =	stream.indirect_vreg.gather [hbm4b:s24+s2], $0x80, v36, vm0, $0xb8;
	[tilespmem:$0x1E200] =	vst v63  }
0x4da: {  	vm1 =	vlt.s32 v8, v35;
	s8 =	simm.s32 $0xF200  }
0x4db: {  	v40 =	vsel vm1, v8, v35;
	[tilespmem:s8], [sflag:$0x2] =	stream.indirect_vreg.gather [hbm4b:s25+s2], $0x80, v36, vm0, $0xb8;
	[tilespmem:$0x1E200] =	vst v63  }
0x4dc: {  	v41 =	vshll.u32 v40, $0x4;
	s8 =	simm.s32 $0xFA00  }
0x4dd: {  	v42 =	vand.u32 $0x7, v40;
	v38 =	vand.u32 $0xFFFFFF80, v41;
	[tilespmem:s8], [sflag:$0x2] =	stream.indirect_vreg.gather [hbm4b:s26+s2], $0x80, v36, vm0, $0xb8;
	[tilespmem:$0x1E200] =	vst v63  }
0x4de: {  	v36 =	vor.u32 v42, v38;
	_ =	swait.ge [sflag:s5], $0x8000  }
0x4df: {  	v38 =	vperm.xlane v36, v32;
	[sflag:s5] =	ssyncset.done $0x0  }
0x4e0: {  	s1 =	simm.s32 $0x10200;
	s8 =	rddreg [dreg:$0xb];
	[sflag:s5] =	ssyncadd.s32 $0xFFFF8000  }
0x4e1: {  	v38 =	vadd.s32 v33, v38;
	[hbm4b:s8+s2] =	stream.linear.scatter [tilespmem:s1], [sflag:$0x6], $0x8000, $0x38;
	[tilespmem:$0x1E200] =	vst v63  }
0x4e2: {  	_ =	swait.ge [sflag:s6], $0x8000  }
0x4e3: {  	[sflag:s6] =	ssyncset.done $0x0  }
0x4e4: {  	[sflag:s6] =	ssyncadd.s32 $0xFFFF8000  }
0x4e5: {  	[tilespmem:$0x180] =	vst v40  }
0x4e6: {  	[tilespmem:s1], [sflag:$0x3] =	stream.indirect_vreg.gather [hbm4b:s12+s2], $0x80, v38, vm0, $0xb8;
	[tilespmem:$0x1E200] =	vst v63  }
0x4e7: {  	_ = 	snop  }
0x4e8: {  	[tilespmem:s18], [sflag:$0x3] =	stream.indirect_vreg.gather [hbm4b:s20+s2], $0x80, v38, vm0, $0xb8;
	[tilespmem:$0x1E200] =	vst v63  }
0x4e9: {  	_ = 	snop  }
0x4ea: {  	[tilespmem:s14], [sflag:$0x3] =	stream.indirect_vreg.gather [hbm4b:s21+s2], $0x80, v38, vm0, $0xb8;
	[tilespmem:$0x1E200] =	vst v63  }
0x4eb: {  	_ = 	snop  }
0x4ec: {  	[tilespmem:s7], [sflag:$0x3] =	stream.indirect_vreg.gather [hbm4b:s22+s2], $0x80, v38, vm0, $0xb8;
	[tilespmem:$0x1E200] =	vst v63  }
0x4ed: {  	s8 =	simm.s32 $0x12200  }
0x4ee: {  	[tilespmem:s8], [sflag:$0x3] =	stream.indirect_vreg.gather [hbm4b:s23+s2], $0x80, v38, vm0, $0xb8;
	[tilespmem:$0x1E200] =	vst v63  }
0x4ef: {  	v36 =	vperm.xlane v36, v34;
	s14 =	simm.s32 $0x12A00  }
0x4f0: {  	[tilespmem:s14], [sflag:$0x3] =	stream.indirect_vreg.gather [hbm4b:s24+s2], $0x80, v38, vm0, $0xb8;
	[tilespmem:$0x1E200] =	vst v63  }
0x4f1: {  	v36 =	vadd.s32 v33, v36  }
0x4f2: {  	[tilespmem:s9], [sflag:$0x3] =	stream.indirect_vreg.gather [hbm4b:s25+s2], $0x80, v38, vm0, $0xb8;
	[tilespmem:$0x1E200] =	vst v63  }
0x4f3: {  	_ = 	snop  }
0x4f4: {  	[tilespmem:s10], [sflag:$0x3] =	stream.indirect_vreg.gather [hbm4b:s26+s2], $0x80, v38, vm0, $0xb8;
	[tilespmem:$0x1E200] =	vst v63  }
0x4f5: {  	_ = 	snop  }
0x4f6: {  	[tilespmem:s11], [sflag:$0x3] =	stream.indirect_vreg.gather [hbm4b:s12+s2], $0x80, v36, vm0, $0xb8;
	[tilespmem:$0x1E200] =	vst v63  }
0x4f7: {  	_ = 	snop  }
0x4f8: {  	[tilespmem:s28], [sflag:$0x3] =	stream.indirect_vreg.gather [hbm4b:s20+s2], $0x80, v36, vm0, $0xb8;
	[tilespmem:$0x1E200] =	vst v63  }
0x4f9: {  	_ = 	snop  }
0x4fa: {  	[tilespmem:s15], [sflag:$0x3] =	stream.indirect_vreg.gather [hbm4b:s21+s2], $0x80, v36, vm0, $0xb8;
	[tilespmem:$0x1E200] =	vst v63  }
0x4fb: {  	_ = 	snop  }
0x4fc: {  	[tilespmem:s16], [sflag:$0x3] =	stream.indirect_vreg.gather [hbm4b:s22+s2], $0x80, v36, vm0, $0xb8;
	[tilespmem:$0x1E200] =	vst v63  }
0x4fd: {  	s16 =	simm.s32 $0x16200  }
0x4fe: {  	[tilespmem:s16], [sflag:$0x3] =	stream.indirect_vreg.gather [hbm4b:s23+s2], $0x80, v36, vm0, $0xb8;
	[tilespmem:$0x1E200] =	vst v63  }
0x4ff: {  	s18 =	simm.s32 $0x16A00  }
0x500: {  	[tilespmem:s18], [sflag:$0x3] =	stream.indirect_vreg.gather [hbm4b:s24+s2], $0x80, v36, vm0, $0xb8;
	[tilespmem:$0x1E200] =	vst v63  }
0x501: {  	vm1 =	vlt.s32 v9, v35;
	s7 =	simm.s32 $0x17200  }
0x502: {  	v43 =	vsel vm1, v9, v35;
	[tilespmem:s7], [sflag:$0x3] =	stream.indirect_vreg.gather [hbm4b:s25+s2], $0x80, v36, vm0, $0xb8;
	[tilespmem:$0x1E200] =	vst v63  }
0x503: {  	v44 =	vshll.u32 v43, $0x4;
	s8 =	simm.s32 $0x17A00  }
0x504: {  	v45 =	vand.u32 $0x7, v43;
	v38 =	vand.u32 $0xFFFFFF80, v44;
	[tilespmem:s8], [sflag:$0x3] =	stream.indirect_vreg.gather [hbm4b:s26+s2], $0x80, v36, vm0, $0xb8;
	[tilespmem:$0x1E200] =	vst v63  }
0x505: {  	v36 =	vor.u32 v45, v38;
	_ =	swait.ge [sflag:s29], $0x8000  }
0x506: {  	v38 =	vperm.xlane v36, v32;
	[sflag:s29] =	ssyncset.done $0x0  }
0x507: {  	s10 =	simm.s32 $0x200;
	s9 =	rddreg [dreg:$0xc];
	[sflag:s29] =	ssyncadd.s32 $0xFFFF8000  }
0x508: {  	v38 =	vadd.s32 v33, v38;
	[hbm4b:s9+s2] =	stream.linear.scatter [tilespmem:s10], [sflag:$0x4], $0x8000, $0x38;
	[tilespmem:$0x1E200] =	vst v63  }
0x509: {  	_ =	swait.ge [sflag:s30], $0x8000  }
0x50a: {  	[sflag:s30] =	ssyncset.done $0x0  }
0x50b: {  	[sflag:s30] =	ssyncadd.s32 $0xFFFF8000  }
0x50c: {  	[tilespmem:$0x80] =	vst v43  }
0x50d: {  	[tilespmem:s10], [sflag:$0x1] =	stream.indirect_vreg.gather [hbm4b:s12+s2], $0x80, v38, vm0, $0xb8;
	[tilespmem:$0x1E200] =	vst v63  }
0x50e: {  	s1 =	simm.s32 $0xA00  }
0x50f: {  	[tilespmem:s1], [sflag:$0x1] =	stream.indirect_vreg.gather [hbm4b:s20+s2], $0x80, v38, vm0, $0xb8;
	[tilespmem:$0x1E200] =	vst v63  }
0x510: {  	s7 =	simm.s32 $0x1200  }
0x511: {  	[tilespmem:s7], [sflag:$0x1] =	stream.indirect_vreg.gather [hbm4b:s21+s2], $0x80, v38, vm0, $0xb8;
	[tilespmem:$0x1E200] =	vst v63  }
0x512: {  	_ = 	snop  }
0x513: {  	[tilespmem:s3], [sflag:$0x1] =	stream.indirect_vreg.gather [hbm4b:s22+s2], $0x80, v38, vm0, $0xb8;
	[tilespmem:$0x1E200] =	vst v63  }
0x514: {  	_ = 	snop  }
0x515: {  	[tilespmem:s4], [sflag:$0x1] =	stream.indirect_vreg.gather [hbm4b:s23+s2], $0x80, v38, vm0, $0xb8;
	[tilespmem:$0x1E200] =	vst v63  }
0x516: {  	s11 =	simm.s32 $0x2A00;
	v36 =	vperm.xlane v36, v34  }
0x517: {  	[tilespmem:s11], [sflag:$0x1] =	stream.indirect_vreg.gather [hbm4b:s24+s2], $0x80, v38, vm0, $0xb8;
	[tilespmem:$0x1E200] =	vst v63  }
0x518: {  	s14 =	simm.s32 $0x3200;
	v36 =	vadd.s32 v33, v36  }
0x519: {  	[tilespmem:s14], [sflag:$0x1] =	stream.indirect_vreg.gather [hbm4b:s25+s2], $0x80, v38, vm0, $0xb8;
	[tilespmem:$0x1E200] =	vst v63  }
0x51a: {  	s15 =	simm.s32 $0x3A00  }
0x51b: {  	[tilespmem:s15], [sflag:$0x1] =	stream.indirect_vreg.gather [hbm4b:s26+s2], $0x80, v38, vm0, $0xb8;
	[tilespmem:$0x1E200] =	vst v63  }
0x51c: {  	s18 =	simm.s32 $0x4200  }
0x51d: {  	[tilespmem:s18], [sflag:$0x1] =	stream.indirect_vreg.gather [hbm4b:s12+s2], $0x80, v36, vm0, $0xb8;
	[tilespmem:$0x1E200] =	vst v63  }
0x51e: {  	s4 =	simm.s32 $0x4A00  }
0x51f: {  	[tilespmem:s4], [sflag:$0x1] =	stream.indirect_vreg.gather [hbm4b:s20+s2], $0x80, v36, vm0, $0xb8;
	[tilespmem:$0x1E200] =	vst v63  }
0x520: {  	s8 =	simm.s32 $0x5200  }
0x521: {  	[tilespmem:s8], [sflag:$0x1] =	stream.indirect_vreg.gather [hbm4b:s21+s2], $0x80, v36, vm0, $0xb8;
	[tilespmem:$0x1E200] =	vst v63  }
0x522: {  	s10 =	simm.s32 $0x5A00  }
0x523: {  	[tilespmem:s10], [sflag:$0x1] =	stream.indirect_vreg.gather [hbm4b:s22+s2], $0x80, v36, vm0, $0xb8;
	[tilespmem:$0x1E200] =	vst v63  }
0x524: {  	s11 =	simm.s32 $0x6200  }
0x525: {  	[tilespmem:s11], [sflag:$0x1] =	stream.indirect_vreg.gather [hbm4b:s23+s2], $0x80, v36, vm0, $0xb8;
	[tilespmem:$0x1E200] =	vst v63  }
0x526: {  	s14 =	simm.s32 $0x6A00  }
0x527: {  	[tilespmem:s14], [sflag:$0x1] =	stream.indirect_vreg.gather [hbm4b:s24+s2], $0x80, v36, vm0, $0xb8;
	[tilespmem:$0x1E200] =	vst v63  }
0x528: {  	vm1 =	vlt.s32 v10, v35;
	s15 =	simm.s32 $0x7200  }
0x529: {  	v46 =	vsel vm1, v10, v35;
	[tilespmem:s15], [sflag:$0x1] =	stream.indirect_vreg.gather [hbm4b:s25+s2], $0x80, v36, vm0, $0xb8;
	[tilespmem:$0x1E200] =	vst v63  }
0x52a: {  	v47 =	vshll.u32 v46, $0x4;
	s18 =	simm.s32 $0x7A00  }
0x52b: {  	v48 =	vand.u32 $0x7, v46;
	v38 =	vand.u32 $0xFFFFFF80, v47;
	[tilespmem:s18], [sflag:$0x1] =	stream.indirect_vreg.gather [hbm4b:s26+s2], $0x80, v36, vm0, $0xb8;
	[tilespmem:$0x1E200] =	vst v63  }
0x52c: {  	v36 =	vor.u32 v48, v38;
	_ =	swait.ge [sflag:s31], $0x8000  }
0x52d: {  	v38 =	vperm.xlane v36, v32;
	[sflag:s31] =	ssyncset.done $0x0  }
0x52e: {  	s10 =	simm.s32 $0x8200;
	s4 =	rddreg [dreg:$0xd];
	[sflag:s31] =	ssyncadd.s32 $0xFFFF8000  }
0x52f: {  	v38 =	vadd.s32 v33, v38;
	[hbm4b:s4+s2] =	stream.linear.scatter [tilespmem:s10], [sflag:$0x5], $0x8000, $0x38;
	[tilespmem:$0x1E200] =	vst v63  }
0x530: {  	_ =	swait.ge [sflag:s0], $0x8000  }
0x531: {  	[sflag:s0] =	ssyncset.done $0x0  }
0x532: {  	[sflag:s0] =	ssyncadd.s32 $0xFFFF8000  }
0x533: {  	[tilespmem:$0x100] =	vst v46  }
0x534: {  	[tilespmem:s10], [sflag:$0x2] =	stream.indirect_vreg.gather [hbm4b:s12+s2], $0x80, v38, vm0, $0xb8;
	[tilespmem:$0x1E200] =	vst v63  }
0x535: {  	s11 =	simm.s32 $0x8A00  }
0x536: {  	[tilespmem:s11], [sflag:$0x2] =	stream.indirect_vreg.gather [hbm4b:s20+s2], $0x80, v38, vm0, $0xb8;
	[tilespmem:$0x1E200] =	vst v63  }
0x537: {  	s14 =	simm.s32 $0x9200  }
0x538: {  	[tilespmem:s14], [sflag:$0x2] =	stream.indirect_vreg.gather [hbm4b:s21+s2], $0x80, v38, vm0, $0xb8;
	[tilespmem:$0x1E200] =	vst v63  }
0x539: {  	s15 =	simm.s32 $0x9A00  }
0x53a: {  	[tilespmem:s15], [sflag:$0x2] =	stream.indirect_vreg.gather [hbm4b:s22+s2], $0x80, v38, vm0, $0xb8;
	[tilespmem:$0x1E200] =	vst v63  }
0x53b: {  	s18 =	simm.s32 $0xA200  }
0x53c: {  	[tilespmem:s18], [sflag:$0x2] =	stream.indirect_vreg.gather [hbm4b:s23+s2], $0x80, v38, vm0, $0xb8;
	[tilespmem:$0x1E200] =	vst v63  }
0x53d: {  	s8 =	simm.s32 $0xAA00;
	v36 =	vperm.xlane v36, v34  }
0x53e: {  	[tilespmem:s8], [sflag:$0x2] =	stream.indirect_vreg.gather [hbm4b:s24+s2], $0x80, v38, vm0, $0xb8;
	[tilespmem:$0x1E200] =	vst v63  }
0x53f: {  	v36 =	vadd.s32 v33, v36;
	s11 =	simm.s32 $0xB200  }
0x540: {  	[tilespmem:s11], [sflag:$0x2] =	stream.indirect_vreg.gather [hbm4b:s25+s2], $0x80, v38, vm0, $0xb8;
	[tilespmem:$0x1E200] =	vst v63  }
0x541: {  	s15 =	simm.s32 $0xBA00  }
0x542: {  	[tilespmem:s15], [sflag:$0x2] =	stream.indirect_vreg.gather [hbm4b:s26+s2], $0x80, v38, vm0, $0xb8;
	[tilespmem:$0x1E200] =	vst v63  }
0x543: {  	s8 =	simm.s32 $0xC200  }
0x544: {  	[tilespmem:s8], [sflag:$0x2] =	stream.indirect_vreg.gather [hbm4b:s12+s2], $0x80, v36, vm0, $0xb8;
	[tilespmem:$0x1E200] =	vst v63  }
0x545: {  	s11 =	simm.s32 $0xCA00  }
0x546: {  	[tilespmem:s11], [sflag:$0x2] =	stream.indirect_vreg.gather [hbm4b:s20+s2], $0x80, v36, vm0, $0xb8;
	[tilespmem:$0x1E200] =	vst v63  }
0x547: {  	s15 =	simm.s32 $0xD200  }
0x548: {  	[tilespmem:s15], [sflag:$0x2] =	stream.indirect_vreg.gather [hbm4b:s21+s2], $0x80, v36, vm0, $0xb8;
	[tilespmem:$0x1E200] =	vst v63  }
0x549: {  	s8 =	simm.s32 $0xDA00  }
0x54a: {  	[tilespmem:s8], [sflag:$0x2] =	stream.indirect_vreg.gather [hbm4b:s22+s2], $0x80, v36, vm0, $0xb8;
	[tilespmem:$0x1E200] =	vst v63  }
0x54b: {  	s8 =	simm.s32 $0xE200  }
0x54c: {  	[tilespmem:s8], [sflag:$0x2] =	stream.indirect_vreg.gather [hbm4b:s23+s2], $0x80, v36, vm0, $0xb8;
	[tilespmem:$0x1E200] =	vst v63  }
0x54d: {  	s3 =	simm.s32 $0xEA00  }
0x54e: {  	[tilespmem:s3], [sflag:$0x2] =	stream.indirect_vreg.gather [hbm4b:s24+s2], $0x80, v36, vm0, $0xb8;
	[tilespmem:$0x1E200] =	vst v63  }
0x54f: {  	vm1 =	vlt.s32 v11, v35;
	s8 =	simm.s32 $0xF200  }
0x550: {  	v49 =	vsel vm1, v11, v35;
	[tilespmem:s8], [sflag:$0x2] =	stream.indirect_vreg.gather [hbm4b:s25+s2], $0x80, v36, vm0, $0xb8;
	[tilespmem:$0x1E200] =	vst v63  }
0x551: {  	v50 =	vshll.u32 v49, $0x4;
	s8 =	simm.s32 $0xFA00  }
0x552: {  	v51 =	vand.u32 $0x7, v49;
	v38 =	vand.u32 $0xFFFFFF80, v50;
	[tilespmem:s8], [sflag:$0x2] =	stream.indirect_vreg.gather [hbm4b:s26+s2], $0x80, v36, vm0, $0xb8;
	[tilespmem:$0x1E200] =	vst v63  }
0x553: {  	v36 =	vor.u32 v51, v38;
	_ =	swait.ge [sflag:s5], $0x8000  }
0x554: {  	v38 =	vperm.xlane v36, v32;
	[sflag:s5] =	ssyncset.done $0x0  }
0x555: {  	s3 =	simm.s32 $0x10200;
	s8 =	rddreg [dreg:$0xe];
	[sflag:s5] =	ssyncadd.s32 $0xFFFF8000  }
0x556: {  	v38 =	vadd.s32 v33, v38;
	[hbm4b:s8+s2] =	stream.linear.scatter [tilespmem:s3], [sflag:$0x6], $0x8000, $0x38;
	[tilespmem:$0x1E200] =	vst v63  }
0x557: {  	_ =	swait.ge [sflag:s6], $0x8000  }
0x558: {  	[sflag:s6] =	ssyncset.done $0x0  }
0x559: {  	[sflag:s6] =	ssyncadd.s32 $0xFFFF8000  }
0x55a: {  	[tilespmem:$0x180] =	vst v49  }
0x55b: {  	[tilespmem:s3], [sflag:$0x3] =	stream.indirect_vreg.gather [hbm4b:s12+s2], $0x80, v38, vm0, $0xb8;
	[tilespmem:$0x1E200] =	vst v63  }
0x55c: {  	s8 =	simm.s32 $0x10A00  }
0x55d: {  	[tilespmem:s8], [sflag:$0x3] =	stream.indirect_vreg.gather [hbm4b:s20+s2], $0x80, v38, vm0, $0xb8;
	[tilespmem:$0x1E200] =	vst v63  }
0x55e: {  	s8 =	simm.s32 $0x11200  }
0x55f: {  	[tilespmem:s8], [sflag:$0x3] =	stream.indirect_vreg.gather [hbm4b:s21+s2], $0x80, v38, vm0, $0xb8;
	[tilespmem:$0x1E200] =	vst v63  }
0x560: {  	s8 =	simm.s32 $0x11A00  }
0x561: {  	[tilespmem:s8], [sflag:$0x3] =	stream.indirect_vreg.gather [hbm4b:s22+s2], $0x80, v38, vm0, $0xb8;
	[tilespmem:$0x1E200] =	vst v63  }
0x562: {  	s8 =	simm.s32 $0x12200  }
0x563: {  	[tilespmem:s8], [sflag:$0x3] =	stream.indirect_vreg.gather [hbm4b:s23+s2], $0x80, v38, vm0, $0xb8;
	[tilespmem:$0x1E200] =	vst v63  }
0x564: {  	v36 =	vperm.xlane v36, v34;
	s8 =	simm.s32 $0x12A00  }
0x565: {  	[tilespmem:s8], [sflag:$0x3] =	stream.indirect_vreg.gather [hbm4b:s24+s2], $0x80, v38, vm0, $0xb8;
	[tilespmem:$0x1E200] =	vst v63  }
0x566: {  	v36 =	vadd.s32 v33, v36;
	s8 =	simm.s32 $0x13200  }
0x567: {  	[tilespmem:s8], [sflag:$0x3] =	stream.indirect_vreg.gather [hbm4b:s25+s2], $0x80, v38, vm0, $0xb8;
	[tilespmem:$0x1E200] =	vst v63  }
0x568: {  	s8 =	simm.s32 $0x13A00  }
0x569: {  	[tilespmem:s8], [sflag:$0x3] =	stream.indirect_vreg.gather [hbm4b:s26+s2], $0x80, v38, vm0, $0xb8;
	[tilespmem:$0x1E200] =	vst v63  }
0x56a: {  	s8 =	simm.s32 $0x14200  }
0x56b: {  	[tilespmem:s8], [sflag:$0x3] =	stream.indirect_vreg.gather [hbm4b:s12+s2], $0x80, v36, vm0, $0xb8;
	[tilespmem:$0x1E200] =	vst v63  }
0x56c: {  	s8 =	simm.s32 $0x14A00  }
0x56d: {  	[tilespmem:s8], [sflag:$0x3] =	stream.indirect_vreg.gather [hbm4b:s20+s2], $0x80, v36, vm0, $0xb8;
	[tilespmem:$0x1E200] =	vst v63  }
0x56e: {  	s8 =	simm.s32 $0x15200  }
0x56f: {  	[tilespmem:s8], [sflag:$0x3] =	stream.indirect_vreg.gather [hbm4b:s21+s2], $0x80, v36, vm0, $0xb8;
	[tilespmem:$0x1E200] =	vst v63  }
0x570: {  	s8 =	simm.s32 $0x15A00  }
0x571: {  	[tilespmem:s8], [sflag:$0x3] =	stream.indirect_vreg.gather [hbm4b:s22+s2], $0x80, v36, vm0, $0xb8;
	[tilespmem:$0x1E200] =	vst v63  }
0x572: {  	_ = 	snop  }
0x573: {  	[tilespmem:s16], [sflag:$0x3] =	stream.indirect_vreg.gather [hbm4b:s23+s2], $0x80, v36, vm0, $0xb8;
	[tilespmem:$0x1E200] =	vst v63  }
0x574: {  	s8 =	simm.s32 $0x16A00  }
0x575: {  	[tilespmem:s8], [sflag:$0x3] =	stream.indirect_vreg.gather [hbm4b:s24+s2], $0x80, v36, vm0, $0xb8;
	[tilespmem:$0x1E200] =	vst v63  }
0x576: {  	vm1 =	vlt.s32 v12, v35;
	s8 =	simm.s32 $0x17200  }
0x577: {  	v52 =	vsel vm1, v12, v35;
	[tilespmem:s8], [sflag:$0x3] =	stream.indirect_vreg.gather [hbm4b:s25+s2], $0x80, v36, vm0, $0xb8;
	[tilespmem:$0x1E200] =	vst v63  }
0x578: {  	v53 =	vshll.u32 v52, $0x4;
	s8 =	simm.s32 $0x17A00  }
0x579: {  	v54 =	vand.u32 $0x7, v52;
	v38 =	vand.u32 $0xFFFFFF80, v53;
	[tilespmem:s8], [sflag:$0x3] =	stream.indirect_vreg.gather [hbm4b:s26+s2], $0x80, v36, vm0, $0xb8;
	[tilespmem:$0x1E200] =	vst v63  }
0x57a: {  	v36 =	vor.u32 v54, v38;
	_ =	swait.ge [sflag:s29], $0x8000  }
0x57b: {  	v38 =	vperm.xlane v36, v32;
	[sflag:s29] =	ssyncset.done $0x0  }
0x57c: {  	s9 =	simm.s32 $0x200;
	s8 =	rddreg [dreg:$0xf];
	[sflag:s29] =	ssyncadd.s32 $0xFFFF8000  }
0x57d: {  	v38 =	vadd.s32 v33, v38;
	[hbm4b:s8+s2] =	stream.linear.scatter [tilespmem:s9], [sflag:$0x4], $0x8000, $0x38;
	[tilespmem:$0x1E200] =	vst v63  }
0x57e: {  	_ =	swait.ge [sflag:s30], $0x8000  }
0x57f: {  	[sflag:s30] =	ssyncset.done $0x0  }
0x580: {  	[sflag:s30] =	ssyncadd.s32 $0xFFFF8000  }
0x581: {  	[tilespmem:$0x80] =	vst v52  }
0x582: {  	[tilespmem:s9], [sflag:$0x1] =	stream.indirect_vreg.gather [hbm4b:s12+s2], $0x80, v38, vm0, $0xb8;
	[tilespmem:$0x1E200] =	vst v63  }
0x583: {  	_ = 	snop  }
0x584: {  	[tilespmem:s1], [sflag:$0x1] =	stream.indirect_vreg.gather [hbm4b:s20+s2], $0x80, v38, vm0, $0xb8;
	[tilespmem:$0x1E200] =	vst v63  }
0x585: {  	_ = 	snop  }
0x586: {  	[tilespmem:s7], [sflag:$0x1] =	stream.indirect_vreg.gather [hbm4b:s21+s2], $0x80, v38, vm0, $0xb8;
	[tilespmem:$0x1E200] =	vst v63  }
0x587: {  	s7 =	simm.s32 $0x1A00  }
0x588: {  	[tilespmem:s7], [sflag:$0x1] =	stream.indirect_vreg.gather [hbm4b:s22+s2], $0x80, v38, vm0, $0xb8;
	[tilespmem:$0x1E200] =	vst v63  }
0x589: {  	s1 =	simm.s32 $0x2200  }
0x58a: {  	[tilespmem:s1], [sflag:$0x1] =	stream.indirect_vreg.gather [hbm4b:s23+s2], $0x80, v38, vm0, $0xb8;
	[tilespmem:$0x1E200] =	vst v63  }
0x58b: {  	v36 =	vperm.xlane v36, v34;
	s7 =	simm.s32 $0x2A00  }
0x58c: {  	[tilespmem:s7], [sflag:$0x1] =	stream.indirect_vreg.gather [hbm4b:s24+s2], $0x80, v38, vm0, $0xb8;
	[tilespmem:$0x1E200] =	vst v63  }
0x58d: {  	v36 =	vadd.s32 v33, v36;
	s1 =	simm.s32 $0x3200  }
0x58e: {  	[tilespmem:s1], [sflag:$0x1] =	stream.indirect_vreg.gather [hbm4b:s25+s2], $0x80, v38, vm0, $0xb8;
	[tilespmem:$0x1E200] =	vst v63  }
0x58f: {  	s7 =	simm.s32 $0x3A00  }
0x590: {  	[tilespmem:s7], [sflag:$0x1] =	stream.indirect_vreg.gather [hbm4b:s26+s2], $0x80, v38, vm0, $0xb8;
	[tilespmem:$0x1E200] =	vst v63  }
0x591: {  	s1 =	simm.s32 $0x4200  }
0x592: {  	[tilespmem:s1], [sflag:$0x1] =	stream.indirect_vreg.gather [hbm4b:s12+s2], $0x80, v36, vm0, $0xb8;
	[tilespmem:$0x1E200] =	vst v63  }
0x593: {  	s7 =	simm.s32 $0x4A00  }
0x594: {  	[tilespmem:s7], [sflag:$0x1] =	stream.indirect_vreg.gather [hbm4b:s20+s2], $0x80, v36, vm0, $0xb8;
	[tilespmem:$0x1E200] =	vst v63  }
0x595: {  	s1 =	simm.s32 $0x5200  }
0x596: {  	[tilespmem:s1], [sflag:$0x1] =	stream.indirect_vreg.gather [hbm4b:s21+s2], $0x80, v36, vm0, $0xb8;
	[tilespmem:$0x1E200] =	vst v63  }
0x597: {  	s7 =	simm.s32 $0x5A00  }
0x598: {  	[tilespmem:s7], [sflag:$0x1] =	stream.indirect_vreg.gather [hbm4b:s22+s2], $0x80, v36, vm0, $0xb8;
	[tilespmem:$0x1E200] =	vst v63  }
0x599: {  	s1 =	simm.s32 $0x6200  }
0x59a: {  	[tilespmem:s1], [sflag:$0x1] =	stream.indirect_vreg.gather [hbm4b:s23+s2], $0x80, v36, vm0, $0xb8;
	[tilespmem:$0x1E200] =	vst v63  }
0x59b: {  	s7 =	simm.s32 $0x6A00  }
0x59c: {  	[tilespmem:s7], [sflag:$0x1] =	stream.indirect_vreg.gather [hbm4b:s24+s2], $0x80, v36, vm0, $0xb8;
	[tilespmem:$0x1E200] =	vst v63  }
0x59d: {  	vm1 =	vlt.s32 v13, v35;
	s8 =	simm.s32 $0x7200  }
0x59e: {  	v55 =	vsel vm1, v13, v35;
	[tilespmem:s8], [sflag:$0x1] =	stream.indirect_vreg.gather [hbm4b:s25+s2], $0x80, v36, vm0, $0xb8;
	[tilespmem:$0x1E200] =	vst v63  }
0x59f: {  	v56 =	vshll.u32 v55, $0x4;
	s1 =	simm.s32 $0x7A00  }
0x5a0: {  	v57 =	vand.u32 $0x7, v55;
	v38 =	vand.u32 $0xFFFFFF80, v56;
	[tilespmem:s1], [sflag:$0x1] =	stream.indirect_vreg.gather [hbm4b:s26+s2], $0x80, v36, vm0, $0xb8;
	[tilespmem:$0x1E200] =	vst v63  }
0x5a1: {  	v36 =	vor.u32 v57, v38;
	_ =	swait.ge [sflag:s31], $0x8000  }
0x5a2: {  	v38 =	vperm.xlane v36, v32;
	[sflag:s31] =	ssyncset.done $0x0  }
0x5a3: {  	s10 =	simm.s32 $0x8200;
	s8 =	rddreg [dreg:$0x10];
	[sflag:s31] =	ssyncadd.s32 $0xFFFF8000  }
0x5a4: {  	v38 =	vadd.s32 v33, v38;
	[hbm4b:s8+s2] =	stream.linear.scatter [tilespmem:s10], [sflag:$0x5], $0x8000, $0x38;
	[tilespmem:$0x1E200] =	vst v63  }
0x5a5: {  	_ =	swait.ge [sflag:s0], $0x8000  }
0x5a6: {  	[sflag:s0] =	ssyncset.done $0x0  }
0x5a7: {  	[sflag:s0] =	ssyncadd.s32 $0xFFFF8000  }
0x5a8: {  	[tilespmem:$0x100] =	vst v55  }
0x5a9: {  	[tilespmem:s10], [sflag:$0x2] =	stream.indirect_vreg.gather [hbm4b:s12+s2], $0x80, v38, vm0, $0xb8;
	[tilespmem:$0x1E200] =	vst v63  }
0x5aa: {  	s8 =	simm.s32 $0x8A00  }
0x5ab: {  	[tilespmem:s8], [sflag:$0x2] =	stream.indirect_vreg.gather [hbm4b:s20+s2], $0x80, v38, vm0, $0xb8;
	[tilespmem:$0x1E200] =	vst v63  }
0x5ac: {  	s8 =	simm.s32 $0x9200  }
0x5ad: {  	[tilespmem:s8], [sflag:$0x2] =	stream.indirect_vreg.gather [hbm4b:s21+s2], $0x80, v38, vm0, $0xb8;
	[tilespmem:$0x1E200] =	vst v63  }
0x5ae: {  	s4 =	simm.s32 $0x9A00  }
0x5af: {  	[tilespmem:s4], [sflag:$0x2] =	stream.indirect_vreg.gather [hbm4b:s22+s2], $0x80, v38, vm0, $0xb8;
	[tilespmem:$0x1E200] =	vst v63  }
0x5b0: {  	s18 =	simm.s32 $0xA200  }
0x5b1: {  	[tilespmem:s18], [sflag:$0x2] =	stream.indirect_vreg.gather [hbm4b:s23+s2], $0x80, v38, vm0, $0xb8;
	[tilespmem:$0x1E200] =	vst v63  }
0x5b2: {  	s14 =	simm.s32 $0xAA00;
	v36 =	vperm.xlane v36, v34  }
0x5b3: {  	[tilespmem:s14], [sflag:$0x2] =	stream.indirect_vreg.gather [hbm4b:s24+s2], $0x80, v38, vm0, $0xb8;
	[tilespmem:$0x1E200] =	vst v63  }
0x5b4: {  	v36 =	vadd.s32 v33, v36;
	s18 =	simm.s32 $0xB200  }
0x5b5: {  	[tilespmem:s18], [sflag:$0x2] =	stream.indirect_vreg.gather [hbm4b:s25+s2], $0x80, v38, vm0, $0xb8;
	[tilespmem:$0x1E200] =	vst v63  }
0x5b6: {  	s8 =	simm.s32 $0xBA00  }
0x5b7: {  	[tilespmem:s8], [sflag:$0x2] =	stream.indirect_vreg.gather [hbm4b:s26+s2], $0x80, v38, vm0, $0xb8;
	[tilespmem:$0x1E200] =	vst v63  }
0x5b8: {  	s14 =	simm.s32 $0xC200  }
0x5b9: {  	[tilespmem:s14], [sflag:$0x2] =	stream.indirect_vreg.gather [hbm4b:s12+s2], $0x80, v36, vm0, $0xb8;
	[tilespmem:$0x1E200] =	vst v63  }
0x5ba: {  	s11 =	simm.s32 $0xCA00  }
0x5bb: {  	[tilespmem:s11], [sflag:$0x2] =	stream.indirect_vreg.gather [hbm4b:s20+s2], $0x80, v36, vm0, $0xb8;
	[tilespmem:$0x1E200] =	vst v63  }
0x5bc: {  	s15 =	simm.s32 $0xD200  }
0x5bd: {  	[tilespmem:s15], [sflag:$0x2] =	stream.indirect_vreg.gather [hbm4b:s21+s2], $0x80, v36, vm0, $0xb8;
	[tilespmem:$0x1E200] =	vst v63  }
0x5be: {  	s28 =	simm.s32 $0xDA00  }
0x5bf: {  	[tilespmem:s28], [sflag:$0x2] =	stream.indirect_vreg.gather [hbm4b:s22+s2], $0x80, v36, vm0, $0xb8;
	[tilespmem:$0x1E200] =	vst v63  }
0x5c0: {  	s15 =	simm.s32 $0xE200  }
0x5c1: {  	[tilespmem:s15], [sflag:$0x2] =	stream.indirect_vreg.gather [hbm4b:s23+s2], $0x80, v36, vm0, $0xb8;
	[tilespmem:$0x1E200] =	vst v63  }
0x5c2: {  	s18 =	simm.s32 $0xEA00  }
0x5c3: {  	[tilespmem:s18], [sflag:$0x2] =	stream.indirect_vreg.gather [hbm4b:s24+s2], $0x80, v36, vm0, $0xb8;
	[tilespmem:$0x1E200] =	vst v63  }
0x5c4: {  	vm1 =	vlt.s32 v14, v35;
	s8 =	simm.s32 $0xF200  }
0x5c5: {  	v58 =	vsel vm1, v14, v35;
	[tilespmem:s8], [sflag:$0x2] =	stream.indirect_vreg.gather [hbm4b:s25+s2], $0x80, v36, vm0, $0xb8;
	[tilespmem:$0x1E200] =	vst v63  }
0x5c6: {  	v59 =	vshll.u32 v58, $0x4;
	s11 =	simm.s32 $0xFA00  }
0x5c7: {  	v60 =	vand.u32 $0x7, v58;
	v38 =	vand.u32 $0xFFFFFF80, v59;
	[tilespmem:s11], [sflag:$0x2] =	stream.indirect_vreg.gather [hbm4b:s26+s2], $0x80, v36, vm0, $0xb8;
	[tilespmem:$0x1E200] =	vst v63  }
0x5c8: {  	v36 =	vor.u32 v60, v38;
	_ =	swait.ge [sflag:s5], $0x8000  }
0x5c9: {  	v38 =	vperm.xlane v36, v32;
	[sflag:s5] =	ssyncset.done $0x0  }
0x5ca: {  	s3 =	simm.s32 $0x10200;
	s14 =	rddreg [dreg:$0x11];
	[sflag:s5] =	ssyncadd.s32 $0xFFFF8000  }
0x5cb: {  	v38 =	vadd.s32 v33, v38;
	[hbm4b:s14+s2] =	stream.linear.scatter [tilespmem:s3], [sflag:$0x6], $0x8000, $0x38;
	[tilespmem:$0x1E200] =	vst v63  }
0x5cc: {  	_ =	swait.ge [sflag:s6], $0x8000  }
0x5cd: {  	[sflag:s6] =	ssyncset.done $0x0  }
0x5ce: {  	[sflag:s6] =	ssyncadd.s32 $0xFFFF8000  }
0x5cf: {  	[tilespmem:$0x180] =	vst v58  }
0x5d0: {  	[tilespmem:s3], [sflag:$0x3] =	stream.indirect_vreg.gather [hbm4b:s12+s2], $0x80, v38, vm0, $0xb8;
	[tilespmem:$0x1E200] =	vst v63  }
0x5d1: {  	s15 =	simm.s32 $0x10A00  }
0x5d2: {  	[tilespmem:s15], [sflag:$0x3] =	stream.indirect_vreg.gather [hbm4b:s20+s2], $0x80, v38, vm0, $0xb8;
	[tilespmem:$0x1E200] =	vst v63  }
0x5d3: {  	s18 =	simm.s32 $0x11200  }
0x5d4: {  	[tilespmem:s18], [sflag:$0x3] =	stream.indirect_vreg.gather [hbm4b:s21+s2], $0x80, v38, vm0, $0xb8;
	[tilespmem:$0x1E200] =	vst v63  }
0x5d5: {  	s8 =	simm.s32 $0x11A00  }
0x5d6: {  	[tilespmem:s8], [sflag:$0x3] =	stream.indirect_vreg.gather [hbm4b:s22+s2], $0x80, v38, vm0, $0xb8;
	[tilespmem:$0x1E200] =	vst v63  }
0x5d7: {  	s11 =	simm.s32 $0x12200  }
0x5d8: {  	[tilespmem:s11], [sflag:$0x3] =	stream.indirect_vreg.gather [hbm4b:s23+s2], $0x80, v38, vm0, $0xb8;
	[tilespmem:$0x1E200] =	vst v63  }
0x5d9: {  	v36 =	vperm.xlane v36, v34;
	s14 =	simm.s32 $0x12A00  }
0x5da: {  	[tilespmem:s14], [sflag:$0x3] =	stream.indirect_vreg.gather [hbm4b:s24+s2], $0x80, v38, vm0, $0xb8;
	[tilespmem:$0x1E200] =	vst v63  }
0x5db: {  	v36 =	vadd.s32 v33, v36;
	s15 =	simm.s32 $0x13200  }
0x5dc: {  	[tilespmem:s15], [sflag:$0x3] =	stream.indirect_vreg.gather [hbm4b:s25+s2], $0x80, v38, vm0, $0xb8;
	[tilespmem:$0x1E200] =	vst v63  }
0x5dd: {  	s18 =	simm.s32 $0x13A00  }
0x5de: {  	[tilespmem:s18], [sflag:$0x3] =	stream.indirect_vreg.gather [hbm4b:s26+s2], $0x80, v38, vm0, $0xb8;
	[tilespmem:$0x1E200] =	vst v63  }
0x5df: {  	s8 =	simm.s32 $0x14200  }
0x5e0: {  	[tilespmem:s8], [sflag:$0x3] =	stream.indirect_vreg.gather [hbm4b:s12+s2], $0x80, v36, vm0, $0xb8;
	[tilespmem:$0x1E200] =	vst v63  }
0x5e1: {  	s11 =	simm.s32 $0x14A00  }
0x5e2: {  	[tilespmem:s11], [sflag:$0x3] =	stream.indirect_vreg.gather [hbm4b:s20+s2], $0x80, v36, vm0, $0xb8;
	[tilespmem:$0x1E200] =	vst v63  }
0x5e3: {  	s14 =	simm.s32 $0x15200  }
0x5e4: {  	[tilespmem:s14], [sflag:$0x3] =	stream.indirect_vreg.gather [hbm4b:s21+s2], $0x80, v36, vm0, $0xb8;
	[tilespmem:$0x1E200] =	vst v63  }
0x5e5: {  	s15 =	simm.s32 $0x15A00  }
0x5e6: {  	[tilespmem:s15], [sflag:$0x3] =	stream.indirect_vreg.gather [hbm4b:s22+s2], $0x80, v36, vm0, $0xb8;
	[tilespmem:$0x1E200] =	vst v63  }
0x5e7: {  	s16 =	simm.s32 $0x16200  }
0x5e8: {  	[tilespmem:s16], [sflag:$0x3] =	stream.indirect_vreg.gather [hbm4b:s23+s2], $0x80, v36, vm0, $0xb8;
	[tilespmem:$0x1E200] =	vst v63  }
0x5e9: {  	s16 =	simm.s32 $0x16A00  }
0x5ea: {  	[tilespmem:s16], [sflag:$0x3] =	stream.indirect_vreg.gather [hbm4b:s24+s2], $0x80, v36, vm0, $0xb8;
	[tilespmem:$0x1E200] =	vst v63  }
0x5eb: {  	vm1 =	vlt.s32 v15, v35;
	s18 =	simm.s32 $0x17200  }
0x5ec: {  	v35 =	vsel vm1, v15, v35;
	[tilespmem:s18], [sflag:$0x3] =	stream.indirect_vreg.gather [hbm4b:s25+s2], $0x80, v36, vm0, $0xb8;
	[tilespmem:$0x1E200] =	vst v63  }
0x5ed: {  	v61 =	vshll.u32 v35, $0x4;
	s8 =	simm.s32 $0x17A00  }
0x5ee: {  	v62 =	vand.u32 $0x7, v35;
	v37 =	vand.u32 $0xFFFFFF80, v61;
	[tilespmem:s8], [sflag:$0x3] =	stream.indirect_vreg.gather [hbm4b:s26+s2], $0x80, v36, vm0, $0xb8;
	[tilespmem:$0x1E200] =	vst v63  }
0x5ef: {  	v36 =	vor.u32 v62, v37;
	_ =	swait.ge [sflag:s29], $0x8000  }
0x5f0: {  	v37 =	vperm.xlane v36, v32;
	[sflag:s29] =	ssyncset.done $0x0  }
0x5f1: {  	s11 =	rddreg [dreg:$0x12];
	[sflag:s29] =	ssyncadd.s32 $0xFFFF8000  }
0x5f2: {  	v37 =	vadd.s32 v33, v37;
	[hbm4b:s11+s2] =	stream.linear.scatter [tilespmem:s9], [sflag:$0x4], $0x8000, $0x38;
	[tilespmem:$0x1E200] =	vst v63  }
0x5f3: {  	_ =	swait.ge [sflag:s30], $0x8000  }
0x5f4: {  	[sflag:s30] =	ssyncset.done $0x0  }
0x5f5: {  	[sflag:s30] =	ssyncadd.s32 $0xFFFF8000  }
0x5f6: {  	[tilespmem:$0x80] =	vst v35  }
0x5f7: {  	[tilespmem:s9], [sflag:$0x1] =	stream.indirect_vreg.gather [hbm4b:s12+s2], $0x80, v37, vm0, $0xb8;
	[tilespmem:$0x1E200] =	vst v63  }
0x5f8: {  	s14 =	simm.s32 $0xA00  }
0x5f9: {  	[tilespmem:s14], [sflag:$0x1] =	stream.indirect_vreg.gather [hbm4b:s20+s2], $0x80, v37, vm0, $0xb8;
	[tilespmem:$0x1E200] =	vst v63  }
0x5fa: {  	s15 =	simm.s32 $0x1200  }
0x5fb: {  	[tilespmem:s15], [sflag:$0x1] =	stream.indirect_vreg.gather [hbm4b:s21+s2], $0x80, v37, vm0, $0xb8;
	[tilespmem:$0x1E200] =	vst v63  }
0x5fc: {  	s16 =	simm.s32 $0x1A00  }
0x5fd: {  	[tilespmem:s16], [sflag:$0x1] =	stream.indirect_vreg.gather [hbm4b:s22+s2], $0x80, v37, vm0, $0xb8;
	[tilespmem:$0x1E200] =	vst v63  }
0x5fe: {  	s18 =	simm.s32 $0x2200  }
0x5ff: {  	[tilespmem:s18], [sflag:$0x1] =	stream.indirect_vreg.gather [hbm4b:s23+s2], $0x80, v37, vm0, $0xb8;
	[tilespmem:$0x1E200] =	vst v63  }
0x600: {  	s8 =	simm.s32 $0x2A00;
	v63 =	vperm.xlane v36, v34  }
0x601: {  	[tilespmem:s8], [sflag:$0x1] =	stream.indirect_vreg.gather [hbm4b:s24+s2], $0x80, v37, vm0, $0xb8;
	[tilespmem:$0x1E200] =	vst v63  }
0x602: {  	s11 =	simm.s32 $0x3200;
	v35 =	vadd.s32 v33, v63  }
0x603: {  	[tilespmem:s11], [sflag:$0x1] =	stream.indirect_vreg.gather [hbm4b:s25+s2], $0x80, v37, vm0, $0xb8;
	[tilespmem:$0x1E200] =	vst v63  }
0x604: {  	s14 =	simm.s32 $0x3A00  }
0x605: {  	[tilespmem:s14], [sflag:$0x1] =	stream.indirect_vreg.gather [hbm4b:s26+s2], $0x80, v37, vm0, $0xb8;
	[tilespmem:$0x1E200] =	vst v63  }
0x606: {  	s15 =	simm.s32 $0x4200  }
0x607: {  	[tilespmem:s15], [sflag:$0x1] =	stream.indirect_vreg.gather [hbm4b:s12+s2], $0x80, v35, vm0, $0xb8;
	[tilespmem:$0x1E200] =	vst v63  }
0x608: {  	s16 =	simm.s32 $0x4A00  }
0x609: {  	[tilespmem:s16], [sflag:$0x1] =	stream.indirect_vreg.gather [hbm4b:s20+s2], $0x80, v35, vm0, $0xb8;
	[tilespmem:$0x1E200] =	vst v63  }
0x60a: {  	s18 =	simm.s32 $0x5200  }
0x60b: {  	[tilespmem:s18], [sflag:$0x1] =	stream.indirect_vreg.gather [hbm4b:s21+s2], $0x80, v35, vm0, $0xb8;
	[tilespmem:$0x1E200] =	vst v63  }
0x60c: {  	s11 =	simm.s32 $0x5A00  }
0x60d: {  	[tilespmem:s11], [sflag:$0x1] =	stream.indirect_vreg.gather [hbm4b:s22+s2], $0x80, v35, vm0, $0xb8;
	[tilespmem:$0x1E200] =	vst v63  }
0x60e: {  	s12 =	simm.s32 $0x6200  }
0x60f: {  	[tilespmem:s12], [sflag:$0x1] =	stream.indirect_vreg.gather [hbm4b:s23+s2], $0x80, v35, vm0, $0xb8;
	[tilespmem:$0x1E200] =	vst v63  }
0x610: {  	s14 =	simm.s32 $0x6A00  }
0x611: {  	[tilespmem:s14], [sflag:$0x1] =	stream.indirect_vreg.gather [hbm4b:s24+s2], $0x80, v35, vm0, $0xb8;
	[tilespmem:$0x1E200] =	vst v63  }
0x612: {  	s7 =	simm.s32 $0x7200  }
0x613: {  	[tilespmem:s7], [sflag:$0x1] =	stream.indirect_vreg.gather [hbm4b:s25+s2], $0x80, v35, vm0, $0xb8;
	[tilespmem:$0x1E200] =	vst v63  }
0x614: {  	_ = 	snop  }
0x615: {  	[tilespmem:s1], [sflag:$0x1] =	stream.indirect_vreg.gather [hbm4b:s26+s2], $0x80, v35, vm0, $0xb8;
	[tilespmem:$0x1E200] =	vst v63  }
0x616: {  	s4 =	sld [smem:$0x7FD];
	_ =	swait.ge [sflag:s31], $0x8000  }
0x617: {  	[sflag:s31] =	ssyncset.done $0x0  }
0x618: {  	s15 =	rddreg [dreg:$0x13];
	[sflag:s31] =	ssyncadd.s32 $0xFFFF8000  }
0x619: {  	[hbm4b:s15+s2] =	stream.linear.scatter [tilespmem:s10], [sflag:$0x5], $0x8000, $0x38;
	[tilespmem:$0x1E200] =	vst v63  }
0x61a: {  	_ =	swait.ge [sflag:s0], $0x8000  }
0x61b: {  	[sflag:s0] =	ssyncset.done $0x0  }
0x61c: {  	[sflag:s0] =	ssyncadd.s32 $0xFFFF8000  }
0x61d: {  	_ =	swait.ge [sflag:s5], $0x8000  }
0x61e: {  	[sflag:s5] =	ssyncset.done $0x0  }
0x61f: {  	s16 =	rddreg [dreg:$0x14];
	[sflag:s5] =	ssyncadd.s32 $0xFFFF8000  }
0x620: {  	[hbm4b:s16+s2] =	stream.linear.scatter [tilespmem:s3], [sflag:$0x6], $0x8000, $0x38;
	[tilespmem:$0x1E200] =	vst v63  }
0x621: {  	_ =	swait.ge [sflag:s6], $0x8000  }
0x622: {  	[sflag:s6] =	ssyncset.done $0x0  }
0x623: {  	[sflag:s6] =	ssyncadd.s32 $0xFFFF8000  }
0x624: {  	_ =	swait.ge [sflag:s29], $0x8000  }
0x625: {  	[sflag:s29] =	ssyncset.done $0x0  }
.Ltmp6:
0x626: {  	s18 =	rddreg [dreg:$0x15];
	[sflag:s29] =	ssyncadd.s32 $0xFFFF8000;
	(pc) =	sbr.rel .LBB2_7-.Ltmp6, $4  }
0x627: {  	[hbm4b:s18+s2] =	stream.linear.scatter [tilespmem:s9], [sflag:$0x4], $0x8000, $0x38;
	[tilespmem:$0x1E200] =	vst v63  }
0x628: {  	_ =	swait.ge [sflag:s30], $0x8000  }
0x629: {  	[sflag:s30] =	ssyncset.done $0x0  }
0x62a: {  	s28 =	simm.s32 $0x7;
	[sflag:s30] =	ssyncadd.s32 $0xFFFF8000  }
.LBB2_8:
0x62b: {  	_ =	sfence.sel $0x180000  }
0x62c: {  	[bflag:$0x0] =	sbarrier.arrive $0xFFFF  }
0x62d: {  	_ =	strace $0x90000047  }
0x62e: {  	s0 =	stileid.u32;
	[bflag:$0x2] =	sbarrier.arrive $0xFFFF  }
0x62f: {  	p0 =	sne.s32 s0, $0x0;
	s0 =	rddreg [dreg:$0x4]  }
0x630: {  	s0 =	sadd.s32 @!p0 $0x100000, s0  }
0x631: {  	[sflag:s0] =	ssyncadd.tile.s32 @!p0 $0x1;
	_ =	shalt  }
.Lfunc_end2:
_tile_overlayer_lowered:
.L_overlay_start_2:
0x632: {  	(tag) =	ssettag $0x2  }
0x633: {  	s0 =	rddreg [dreg:$0x0];
	s2 =	stileid.u32  }
0x634: {  	s1 =	rddreg [dreg:$0x1];
	p0 =	sne.s32 s2, $0x0  }
0x635: {  	s3 =	rddreg [dreg:$0x2];
	[bflag:$0x3] =	sbarrier.arrive $0xFFFF;
	s2 =	simm.s32 @!p0 $0x1C07  }
0x636: {  	[timem:s3], [sflag:s2] =	dma.local @!p0 [hbm:s0], s1  }
0x637: {  	s0 =	simm.s32 @!p0 $0x7  }
0x638: {  	_ =	swait.ge @!p0 [sflag:s0], s1  }
0x639: {  	s1 =	ssub.s32 @!p0 $0x0, s1;
	[sflag:s0] =	ssyncset.done @!p0 $0x0  }
0x63a: {  	[sflag:s0] =	ssyncadd.s32 @!p0 s1  }
0x63b: {  	[bflag:$0x3] =	sbarrier.arrive $0xFFFF  }
0x63c: {  	_ =	shalt  }

</sc_bundles>
